<compile_context>
chip_gen: v7x
topology: tpu7x:2x2x1
jax: 0.10.2.dev20260603
libtpu: 0.0.44.dev20260713+nightly
codegen_flags: <defaults>
</compile_context>

<pallas_src>
import functools

import jax
import jax.numpy as jnp
from jax import lax
from jax.experimental import pallas as pl
from jax.experimental.pallas import tpu as pltpu
from jax.experimental.pallas import tpu_sc as plsc

L = 100
N = L * L
B = 128
NW = 32
NG = B // 16
ROWW = L * B
UNROLL = 3


def _ising_body(x_hbm, out_hbm, x_ring, s_ring, g_ring, res_v, sems):
    cid = lax.axis_index("c")
    sid = lax.axis_index("s")
    wid = sid * 2 + cid

    r0 = (wid * L) // NW
    r1 = ((wid + 1) * L) // NW

    zf = jnp.zeros((16,), jnp.float32)
    onef = jnp.full((16,), 1.0, jnp.float32)
    negf = jnp.full((16,), -1.0, jnp.float32)

    def dma_row(q):
        phys = lax.select(q >= L, q - L, q)
        slot = q % 2
        return pltpu.async_copy(
            x_hbm.at[pl.ds(phys * L, L)], x_ring.at[slot], sems.at[slot]
        )

    def wait_row(q):
        slot = q % 2
        pltpu.make_async_copy(
            x_hbm.at[pl.ds(0, L)], x_ring.at[slot], sems.at[slot]
        ).wait()

    def sg_unit(xslot, n, g):
        x0 = x_ring[xslot, n, 0, pl.ds(g * 16, 16)]
        x1 = x_ring[xslot, n, 1, pl.ds(g * 16, 16)]
        u = x0 + x1
        d = x0 - x1
        sgn = jnp.where(d < 0.0, onef, negf)
        gv = sgn * u + d
        return u, sgn, gv

    def produce_row(q, acc_s, wsel):
        xslot = q % 2
        sgbase = (q % 2) * ROWW
        out = []
        for g in range(NG):
            def body(n, a, g=g):
                u, sgn, gv = sg_unit(xslot, n, g)
                s_ring[pl.ds(sgbase + n * B + g * 16, 16)] = sgn
                g_ring[pl.ds(sgbase + n * B + g * 16, 16)] = gv
                return a + u * wsel
            out.append(
                plsc.parallel_loop(0, L, unroll=4, carry=acc_s[g])(body)
            )
        return tuple(out)

    def fused_row(r, acc_s, acc_e, acc_t, wsel):
        xslot = (r + 1) % 2
        pbase = ((r + 1) % 2) * ROWW
        cbase = (r % 2) * ROWW
        outs = []
        oute = []
        outt = []
        for g in range(NG):
            go = g * 16
            sc0 = s_ring[pl.ds(cbase + go, 16)]
            gc0 = g_ring[pl.ds(cbase + go, 16)]

            def body(n, carry, g=g, go=go):
                a_s, a_e, a_t, s_c, g_c = carry
                u, s_d, g_d = sg_unit(xslot, n, g)
                s_ring[pl.ds(pbase + n * B + go, 16)] = s_d
                g_ring[pl.ds(pbase + n * B + go, 16)] = g_d
                s_r = s_ring[pl.ds(cbase + (n + 1) * B + go, 16)]
                g_r = g_ring[pl.ds(cbase + (n + 1) * B + go, 16)]
                sn = s_r + s_d
                gn = g_r + g_d
                a_e = a_e + s_c * sn
                a_t = a_t + g_c * sn + s_c * gn
                return a_s + u * wsel, a_e, a_t, s_r, g_r

            a_s, a_e, a_t, s_c, g_c = plsc.parallel_loop(
                0, L - 1, unroll=UNROLL,
                carry=(acc_s[g], acc_e[g], acc_t[g], sc0, gc0),
            )(body)

            u, s_d, g_d = sg_unit(xslot, L - 1, g)
            s_ring[pl.ds(pbase + (L - 1) * B + go, 16)] = s_d
            g_ring[pl.ds(pbase + (L - 1) * B + go, 16)] = g_d
            s_r = s_ring[pl.ds(cbase + go, 16)]
            g_r = g_ring[pl.ds(cbase + go, 16)]
            sn = s_r + s_d
            gn = g_r + g_d
            outs.append(a_s + u * wsel)
            oute.append(a_e + s_c * sn)
            outt.append(a_t + g_c * sn + s_c * gn)
        return tuple(outs), tuple(oute), tuple(outt)

    dma_row(r0)
    dma_row(r0 + 1)
    wait_row(r0)
    acc_s = produce_row(r0, (zf,) * NG, onef)

    def row_step(r, carry):
        acc_s = carry[:NG]
        acc_e = carry[NG : 2 * NG]
        acc_t = carry[2 * NG :]

        wait_row(r + 1)

        @pl.when(r + 2 <= r1)
        def _():
            dma_row(r + 2)

        wsel = lax.broadcast(lax.select(r + 1 < r1, 1.0, 0.0), (16,))
        acc_s, acc_e, acc_t = fused_row(r, acc_s, acc_e, acc_t, wsel)
        return acc_s + acc_e + acc_t

    fin = lax.fori_loop(r0, r1, row_step, acc_s + (zf,) * (2 * NG))
    acc_s, acc_e, acc_t = fin[:NG], fin[NG : 2 * NG], fin[2 * NG :]

    for g in range(NG):
        res_v[0, pl.ds(g * 16, 16)] = acc_s[g]
        res_v[1, pl.ds(g * 16, 16)] = acc_e[g]
        res_v[2, pl.ds(g * 16, 16)] = acc_t[g]
    pltpu.sync_copy(res_v, out_hbm.at[wid])


@jax.jit
def kernel(x):
    xt = jnp.transpose(x, (1, 2, 0))
    run = functools.partial(
        pl.kernel,
        mesh=plsc.VectorSubcoreMesh(core_axis_name="c", subcore_axis_name="s"),
        out_type=jax.ShapeDtypeStruct((NW, 3, B), jnp.float32),
        compiler_params=pltpu.CompilerParams(
            needs_layout_passes=False,
            disable_bounds_checks=True,
            disable_semaphore_checks=True,
            skip_device_barrier=True,
        ),
        scratch_types=[
            pltpu.VMEM((2, L, 2, B), jnp.float32),
            pltpu.VMEM((2 * ROWW,), jnp.float32),
            pltpu.VMEM((2 * ROWW,), jnp.float32),
            pltpu.VMEM((3, B), jnp.float32),
            pltpu.SemaphoreType.DMA((2,)),
        ],
    )(_ising_body)
    part = run(xt)
    psum = part.sum(axis=0)
    return (psum[2] - psum[1] * psum[0]) * (1.0 / N)

# --- scband reference (transcript-rebuilt; emitter-appended) ---
"""Pipeline reference for scband-ising-gnn-58591943852343 (READ-ONLY COPY).

The authoritative reference and input builder live on the scoring server;
editing this copy changes nothing except your own understanding.
"""

import jax, jax.numpy as jnp
import numpy as np

L = 100

def _generate_lattice_edges(L):
    ii, jj = np.meshgrid(np.arange(L), np.arange(L), indexing='ij')
    node = (ii * L + jj).ravel()
    right = (ii * L + (jj + 1) % L).ravel()
    down = (((ii + 1) % L) * L + jj).ravel()
    left = (ii * L + (jj - 1) % L).ravel()
    up = (((ii - 1) % L) * L + jj).ravel()
    # same interleaved order as the torch loop: per node [right, down, left, up]
    src = np.stack([node, node, node, node], axis=1).ravel()
    tgt = np.stack([right, down, left, up], axis=1).ravel()
    return np.stack([src, tgt], axis=0).astype(np.int64)

_EDGE_INDEX = jnp.asarray(_generate_lattice_edges(L))


def setup_inputs(seed: int = 0) -> dict:
    key = jax.random.key(seed)
    x = jax.random.uniform(key, (128, L * L, 2), dtype=jnp.float32)
    return {"x": x}


def reference(x):
    # Faithful (vectorized) translation of IsingGNN.forward_soft.
    # Torch loops over every site i, sets spin i to -1 then +1, and recomputes the
    # full edge-sum energy each time. Only edges touching site i change, so:
    #   E(v at i) = E_base + s_i * nsum_i - v * nsum_i
    # where nsum_i is the sum of the 4 neighbor spins (each undirected pair appears
    # twice in edge_index, and the torch code divides each edge term by 2).
    B, seq_len, K = x.shape
    src = _EDGE_INDEX[0]
    tgt = _EDGE_INDEX[1]
    s = (jnp.argmax(x, axis=-1) * 2 - 1).astype(jnp.float32)  # [B, N] in {-1, +1}
    # base energy: -sum_e s[src]*s[tgt] / 2
    E_base = -0.5 * jnp.sum(s[:, src] * s[:, tgt], axis=1)  # [B]
    # neighbor spin sum per node via segment-sum (scatter-add)
    nsum = jax.ops.segment_sum(s[:, tgt].T, src, num_segments=seq_len).T  # [B, N]
    E_neg1 = E_base[:, None] + (s + 1.0) * nsum  # energy with spin i forced to -1
    E_pos1 = E_base[:, None] + (s - 1.0) * nsum  # energy with spin i forced to +1
    spin_energy = x[..., 0] * E_neg1 + x[..., 1] * E_pos1  # [B, N]
    total_energy = jnp.sum(spin_energy, axis=1)
    return total_energy / seq_len

if __name__ == "__main__":
    import jax
    _d = setup_inputs()
    print(jax.jit(kernel)(*tuple(_d.values())))

</pallas_src>

<mosaic_0001>
#map = affine_map<(d0, d1) -> (0, 0, 0)>
module attributes {stable_mosaic.version = 14 : i64} {
  func.func @_ising_body(%arg0: i32, %arg1: i32, %arg2: memref<10000x2x128xf32, #tpu.memory_space<hbm>>, %arg3: memref<32x3x128xf32, #tpu.memory_space<hbm>>, %arg4: memref<2x100x2x128xf32, #tpu.memory_space<vmem>>, %arg5: memref<25600xf32, #tpu.memory_space<vmem>>, %arg6: memref<25600xf32, #tpu.memory_space<vmem>>, %arg7: memref<3x128xf32, #tpu.memory_space<vmem>>, %arg8: memref<2x!tpu.dma_semaphore, #tpu.memory_space<semaphore_mem>>) attributes {dimension_semantics = [#tpu.dimension_semantics<core_parallel>, #tpu.dimension_semantics<subcore_parallel>], iteration_bounds = array<i64: 2, 16>, scalar_prefetch = 0 : i64, scratch_operands = 5 : i64, tpu.core_type = #tpu.core_type<sc_vector_subcore>, window_params = [{transform_indices = #map}, {transform_indices = #map}]} {
    %mul3A = arith.constant 2 : i32
    %mul3A_0 = arith.muli %arg1, %mul3A : i32
    %add3A = arith.addi %mul3A_0, %arg0 : i32
    %mul3A_1 = arith.constant 100 : i32
    %mul3A_2 = arith.muli %add3A, %mul3A_1 : i32
    %jit3A = arith.constant 32 : i32
    %div3A = arith.divsi %mul3A_2, %jit3A : i32
    %sign3A = arith.constant 0 : i32
    %sign3A_3 = arith.cmpi sgt, %mul3A_2, %sign3A : i32
    %sign3A_4 = arith.extui %sign3A_3 : i1 to i32
    %sign3A_5 = arith.constant 0 : i32
    %sign3A_6 = arith.cmpi slt, %mul3A_2, %sign3A_5 : i32
    %sign3A_7 = arith.extui %sign3A_6 : i1 to i32
    %sign3A_8 = arith.subi %sign3A_4, %sign3A_7 : i32
    %sign3A_9 = arith.constant 0 : i32
    %sign3A_10 = arith.cmpi sgt, %jit3A, %sign3A_9 : i32
    %sign3A_11 = arith.extui %sign3A_10 : i1 to i32
    %sign3A_12 = arith.constant 0 : i32
    %sign3A_13 = arith.cmpi slt, %jit3A, %sign3A_12 : i32
    %sign3A_14 = arith.extui %sign3A_13 : i1 to i32
    %sign3A_15 = arith.subi %sign3A_11, %sign3A_14 : i32
    %ne3A = arith.cmpi ne, %sign3A_8, %sign3A_15 : i32
    %rem3A = arith.remsi %mul3A_2, %jit3A : i32
    %ne3A_16 = arith.constant 0 : i32
    %ne3A_17 = arith.cmpi ne, %rem3A, %ne3A_16 : i32
    %and3A = arith.andi %ne3A, %ne3A_17 : i1
    %sub3A = arith.constant 1 : i32
    %sub3A_18 = arith.subi %div3A, %sub3A : i32
    %select_n3A = arith.select %and3A, %sub3A_18, %div3A : i32
    %add3A_19 = arith.constant 1 : i32
    %add3A_20 = arith.addi %add3A, %add3A_19 : i32
    %mul3A_21 = arith.constant 100 : i32
    %mul3A_22 = arith.muli %add3A_20, %mul3A_21 : i32
    %jit3A_23 = arith.constant 32 : i32
    %div3A_24 = arith.divsi %mul3A_22, %jit3A_23 : i32
    %sign3A_25 = arith.constant 0 : i32
    %sign3A_26 = arith.cmpi sgt, %mul3A_22, %sign3A_25 : i32
    %sign3A_27 = arith.extui %sign3A_26 : i1 to i32
    %sign3A_28 = arith.constant 0 : i32
    %sign3A_29 = arith.cmpi slt, %mul3A_22, %sign3A_28 : i32
    %sign3A_30 = arith.extui %sign3A_29 : i1 to i32
    %sign3A_31 = arith.subi %sign3A_27, %sign3A_30 : i32
    %sign3A_32 = arith.constant 0 : i32
    %sign3A_33 = arith.cmpi sgt, %jit3A_23, %sign3A_32 : i32
    %sign3A_34 = arith.extui %sign3A_33 : i1 to i32
    %sign3A_35 = arith.constant 0 : i32
    %sign3A_36 = arith.cmpi slt, %jit3A_23, %sign3A_35 : i32
    %sign3A_37 = arith.extui %sign3A_36 : i1 to i32
    %sign3A_38 = arith.subi %sign3A_34, %sign3A_37 : i32
    %ne3A_39 = arith.cmpi ne, %sign3A_31, %sign3A_38 : i32
    %rem3A_40 = arith.remsi %mul3A_22, %jit3A_23 : i32
    %ne3A_41 = arith.constant 0 : i32
    %ne3A_42 = arith.cmpi ne, %rem3A_40, %ne3A_41 : i32
    %and3A_43 = arith.andi %ne3A_39, %ne3A_42 : i1
    %sub3A_44 = arith.constant 1 : i32
    %sub3A_45 = arith.subi %div3A_24, %sub3A_44 : i32
    %select_n3A_46 = arith.select %and3A_43, %sub3A_45, %div3A_24 : i32
    %broadcast_in_dim3A = arith.constant 0.000000e+00 : f32
    %broadcast_in_dim3A_47 = vector.broadcast %broadcast_in_dim3A : f32 to vector<16xf32>
    %broadcast_in_dim3A_48 = arith.constant 1.000000e+00 : f32
    %broadcast_in_dim3A_49 = vector.broadcast %broadcast_in_dim3A_48 : f32 to vector<16xf32>
    %broadcast_in_dim3A_50 = arith.constant -1.000000e+00 : f32
    %broadcast_in_dim3A_51 = vector.broadcast %broadcast_in_dim3A_50 : f32 to vector<16xf32>
    %ge3A = arith.constant 100 : i32
    %ge3A_52 = arith.cmpi sge, %select_n3A, %ge3A : i32
    %sub3A_53 = arith.constant 100 : i32
    %sub3A_54 = arith.subi %select_n3A, %sub3A_53 : i32
    %select_n3A_55 = arith.select %ge3A_52, %sub3A_54, %select_n3A : i32
    %jit3A_56 = arith.constant 2 : i32
    %eq3A = arith.constant 0 : i32
    %eq3A_57 = arith.cmpi eq, %jit3A_56, %eq3A : i32
    %jit3A_58 = arith.constant 1 : i32
    %select_n3A_59 = arith.select %eq3A_57, %jit3A_58, %jit3A_56 : i32
    %rem3A_60 = arith.remsi %select_n3A, %select_n3A_59 : i32
    %ne3A_61 = arith.constant 0 : i32
    %ne3A_62 = arith.cmpi ne, %rem3A_60, %ne3A_61 : i32
    %lt3A = arith.constant 0 : i32
    %lt3A_63 = arith.cmpi slt, %rem3A_60, %lt3A : i32
    %lt3A_64 = arith.constant 0 : i32
    %lt3A_65 = arith.cmpi slt, %select_n3A_59, %lt3A_64 : i32
    %ne3A_66 = arith.xori %lt3A_63, %lt3A_65 : i1
    %and3A_67 = arith.andi %ne3A_66, %ne3A_62 : i1
    %add3A_68 = arith.addi %rem3A_60, %select_n3A_59 : i32
    %select_n3A_69 = arith.select %and3A_67, %add3A_68, %rem3A_60 : i32
    %mul3A_70 = arith.constant 100 : i32
    %mul3A_71 = arith.muli %select_n3A_55, %mul3A_70 : i32
    %dma_start3A = arith.constant 0 : i32
    %dma_start3A_72 = arith.constant 0 : i32
    %dma_start3A_73 = arith.constant 0 : i32
    %dma_start3A_74 = tpu.memref_slice %arg4[%select_n3A_69, %dma_start3A, %dma_start3A_72, %dma_start3A_73] : memref<2x100x2x128xf32, #tpu.memory_space<vmem>> -> memref<1x100x2x128xf32, #tpu.memory_space<vmem>>
    %dma_start3A_75 = tpu.memref_squeeze %dma_start3A_74 : memref<1x100x2x128xf32, #tpu.memory_space<vmem>> -> memref<100x2x128xf32, #tpu.memory_space<vmem>>
    %dma_start3A_76 = arith.constant 0 : i32
    %dma_start3A_77 = arith.constant 0 : i32
    %dma_start3A_78 = tpu.memref_slice %arg2[%mul3A_71, %dma_start3A_76, %dma_start3A_77] : memref<10000x2x128xf32, #tpu.memory_space<hbm>> -> memref<100x2x128xf32, #tpu.memory_space<hbm>>
    %dma_start3A_79 = tpu.memref_slice %arg8[%select_n3A_69] : memref<2x!tpu.dma_semaphore, #tpu.memory_space<semaphore_mem>> -> memref<1x!tpu.dma_semaphore, #tpu.memory_space<semaphore_mem>>
    %dma_start3A_80 = tpu.memref_squeeze %dma_start3A_79 : memref<1x!tpu.dma_semaphore, #tpu.memory_space<semaphore_mem>> -> memref<!tpu.dma_semaphore, #tpu.memory_space<semaphore_mem>>
    %dma_start3A_81 = arith.constant 0 : i32
    %dma_start3A_82 = arith.constant 0 : i32
    %dma_start3A_83 = arith.constant 0 : i32
    %dma_start3A_84 = tpu.memref_slice %arg4[%select_n3A_69, %dma_start3A_81, %dma_start3A_82, %dma_start3A_83] : memref<2x100x2x128xf32, #tpu.memory_space<vmem>> -> memref<1x100x2x128xf32, #tpu.memory_space<vmem>>
    %dma_start3A_85 = tpu.memref_squeeze %dma_start3A_84 : memref<1x100x2x128xf32, #tpu.memory_space<vmem>> -> memref<100x2x128xf32, #tpu.memory_space<vmem>>
    %dma_start3A_86 = arith.constant 0 : i32
    %dma_start3A_87 = arith.constant 0 : i32
    %dma_start3A_88 = tpu.memref_slice %arg2[%mul3A_71, %dma_start3A_86, %dma_start3A_87] : memref<10000x2x128xf32, #tpu.memory_space<hbm>> -> memref<100x2x128xf32, #tpu.memory_space<hbm>>
    tpu.enqueue_dma source(%dma_start3A_88 : memref<100x2x128xf32, #tpu.memory_space<hbm>>) target(%dma_start3A_85 : memref<100x2x128xf32, #tpu.memory_space<vmem>>) target_semaphore(%dma_start3A_80 : memref<!tpu.dma_semaphore, #tpu.memory_space<semaphore_mem>>)
    %add3A_89 = arith.constant 1 : i32
    %add3A_90 = arith.addi %select_n3A, %add3A_89 : i32
    %ge3A_91 = arith.constant 100 : i32
    %ge3A_92 = arith.cmpi sge, %add3A_90, %ge3A_91 : i32
    %sub3A_93 = arith.constant 100 : i32
    %sub3A_94 = arith.subi %add3A_90, %sub3A_93 : i32
    %select_n3A_95 = arith.select %ge3A_92, %sub3A_94, %add3A_90 : i32
    %jit3A_96 = arith.constant 2 : i32
    %eq3A_97 = arith.constant 0 : i32
    %eq3A_98 = arith.cmpi eq, %jit3A_96, %eq3A_97 : i32
    %jit3A_99 = arith.constant 1 : i32
    %select_n3A_100 = arith.select %eq3A_98, %jit3A_99, %jit3A_96 : i32
    %rem3A_101 = arith.remsi %add3A_90, %select_n3A_100 : i32
    %ne3A_102 = arith.constant 0 : i32
    %ne3A_103 = arith.cmpi ne, %rem3A_101, %ne3A_102 : i32
    %lt3A_104 = arith.constant 0 : i32
    %lt3A_105 = arith.cmpi slt, %rem3A_101, %lt3A_104 : i32
    %lt3A_106 = arith.constant 0 : i32
    %lt3A_107 = arith.cmpi slt, %select_n3A_100, %lt3A_106 : i32
    %ne3A_108 = arith.xori %lt3A_105, %lt3A_107 : i1
    %and3A_109 = arith.andi %ne3A_108, %ne3A_103 : i1
    %add3A_110 = arith.addi %rem3A_101, %select_n3A_100 : i32
    %select_n3A_111 = arith.select %and3A_109, %add3A_110, %rem3A_101 : i32
    %mul3A_112 = arith.constant 100 : i32
    %mul3A_113 = arith.muli %select_n3A_95, %mul3A_112 : i32
    %dma_start3A_114 = arith.constant 0 : i32
    %dma_start3A_115 = arith.constant 0 : i32
    %dma_start3A_116 = arith.constant 0 : i32
    %dma_start3A_117 = tpu.memref_slice %arg4[%select_n3A_111, %dma_start3A_114, %dma_start3A_115, %dma_start3A_116] : memref<2x100x2x128xf32, #tpu.memory_space<vmem>> -> memref<1x100x2x128xf32, #tpu.memory_space<vmem>>
    %dma_start3A_118 = tpu.memref_squeeze %dma_start3A_117 : memref<1x100x2x128xf32, #tpu.memory_space<vmem>> -> memref<100x2x128xf32, #tpu.memory_space<vmem>>
    %dma_start3A_119 = arith.constant 0 : i32
    %dma_start3A_120 = arith.constant 0 : i32
    %dma_start3A_121 = tpu.memref_slice %arg2[%mul3A_113, %dma_start3A_119, %dma_start3A_120] : memref<10000x2x128xf32, #tpu.memory_space<hbm>> -> memref<100x2x128xf32, #tpu.memory_space<hbm>>
    %dma_start3A_122 = tpu.memref_slice %arg8[%select_n3A_111] : memref<2x!tpu.dma_semaphore, #tpu.memory_space<semaphore_mem>> -> memref<1x!tpu.dma_semaphore, #tpu.memory_space<semaphore_mem>>
    %dma_start3A_123 = tpu.memref_squeeze %dma_start3A_122 : memref<1x!tpu.dma_semaphore, #tpu.memory_space<semaphore_mem>> -> memref<!tpu.dma_semaphore, #tpu.memory_space<semaphore_mem>>
    %dma_start3A_124 = arith.constant 0 : i32
    %dma_start3A_125 = arith.constant 0 : i32
    %dma_start3A_126 = arith.constant 0 : i32
    %dma_start3A_127 = tpu.memref_slice %arg4[%select_n3A_111, %dma_start3A_124, %dma_start3A_125, %dma_start3A_126] : memref<2x100x2x128xf32, #tpu.memory_space<vmem>> -> memref<1x100x2x128xf32, #tpu.memory_space<vmem>>
    %dma_start3A_128 = tpu.memref_squeeze %dma_start3A_127 : memref<1x100x2x128xf32, #tpu.memory_space<vmem>> -> memref<100x2x128xf32, #tpu.memory_space<vmem>>
    %dma_start3A_129 = arith.constant 0 : i32
    %dma_start3A_130 = arith.constant 0 : i32
    %dma_start3A_131 = tpu.memref_slice %arg2[%mul3A_113, %dma_start3A_129, %dma_start3A_130] : memref<10000x2x128xf32, #tpu.memory_space<hbm>> -> memref<100x2x128xf32, #tpu.memory_space<hbm>>
    tpu.enqueue_dma source(%dma_start3A_131 : memref<100x2x128xf32, #tpu.memory_space<hbm>>) target(%dma_start3A_128 : memref<100x2x128xf32, #tpu.memory_space<vmem>>) target_semaphore(%dma_start3A_123 : memref<!tpu.dma_semaphore, #tpu.memory_space<semaphore_mem>>)
    %jit3A_132 = arith.constant 2 : i32
    %eq3A_133 = arith.constant 0 : i32
    %eq3A_134 = arith.cmpi eq, %jit3A_132, %eq3A_133 : i32
    %jit3A_135 = arith.constant 1 : i32
    %select_n3A_136 = arith.select %eq3A_134, %jit3A_135, %jit3A_132 : i32
    %rem3A_137 = arith.remsi %select_n3A, %select_n3A_136 : i32
    %ne3A_138 = arith.constant 0 : i32
    %ne3A_139 = arith.cmpi ne, %rem3A_137, %ne3A_138 : i32
    %lt3A_140 = arith.constant 0 : i32
    %lt3A_141 = arith.cmpi slt, %rem3A_137, %lt3A_140 : i32
    %lt3A_142 = arith.constant 0 : i32
    %lt3A_143 = arith.cmpi slt, %select_n3A_136, %lt3A_142 : i32
    %ne3A_144 = arith.xori %lt3A_141, %lt3A_143 : i1
    %and3A_145 = arith.andi %ne3A_144, %ne3A_139 : i1
    %add3A_146 = arith.addi %rem3A_137, %select_n3A_136 : i32
    %select_n3A_147 = arith.select %and3A_145, %add3A_146, %rem3A_137 : i32
    %dma_wait3A = arith.constant 0 : i32
    %dma_wait3A_148 = arith.constant 0 : i32
    %dma_wait3A_149 = arith.constant 0 : i32
    %dma_wait3A_150 = tpu.memref_slice %arg4[%select_n3A_147, %dma_wait3A, %dma_wait3A_148, %dma_wait3A_149] : memref<2x100x2x128xf32, #tpu.memory_space<vmem>> -> memref<1x100x2x128xf32, #tpu.memory_space<vmem>>
    %dma_wait3A_151 = tpu.memref_squeeze %dma_wait3A_150 : memref<1x100x2x128xf32, #tpu.memory_space<vmem>> -> memref<100x2x128xf32, #tpu.memory_space<vmem>>
    %dma_wait3A_152 = arith.constant 0 : i32
    %dma_wait3A_153 = arith.constant 0 : i32
    %dma_wait3A_154 = arith.constant 0 : i32
    %dma_wait3A_155 = tpu.memref_slice %arg2[%dma_wait3A_152, %dma_wait3A_153, %dma_wait3A_154] : memref<10000x2x128xf32, #tpu.memory_space<hbm>> -> memref<100x2x128xf32, #tpu.memory_space<hbm>>
    %dma_wait3A_156 = tpu.memref_slice %arg8[%select_n3A_147] : memref<2x!tpu.dma_semaphore, #tpu.memory_space<semaphore_mem>> -> memref<1x!tpu.dma_semaphore, #tpu.memory_space<semaphore_mem>>
    %dma_wait3A_157 = tpu.memref_squeeze %dma_wait3A_156 : memref<1x!tpu.dma_semaphore, #tpu.memory_space<semaphore_mem>> -> memref<!tpu.dma_semaphore, #tpu.memory_space<semaphore_mem>>
    %dma_wait3A_158 = arith.constant 0 : i32
    %dma_wait3A_159 = arith.constant 0 : i32
    %dma_wait3A_160 = arith.constant 0 : i32
    %dma_wait3A_161 = tpu.memref_slice %arg4[%select_n3A_147, %dma_wait3A_158, %dma_wait3A_159, %dma_wait3A_160] : memref<2x100x2x128xf32, #tpu.memory_space<vmem>> -> memref<1x100x2x128xf32, #tpu.memory_space<vmem>>
    %dma_wait3A_162 = tpu.memref_squeeze %dma_wait3A_161 : memref<1x100x2x128xf32, #tpu.memory_space<vmem>> -> memref<100x2x128xf32, #tpu.memory_space<vmem>>
    %dma_wait3A_163 = arith.constant 0 : i32
    %dma_wait3A_164 = arith.constant 0 : i32
    %dma_wait3A_165 = arith.constant 0 : i32
    %dma_wait3A_166 = tpu.memref_slice %arg2[%dma_wait3A_163, %dma_wait3A_164, %dma_wait3A_165] : memref<10000x2x128xf32, #tpu.memory_space<hbm>> -> memref<100x2x128xf32, #tpu.memory_space<hbm>>
    tpu.wait_dma2 semaphore(%dma_wait3A_157 : memref<!tpu.dma_semaphore, #tpu.memory_space<semaphore_mem>>) src(%dma_wait3A_166 : memref<100x2x128xf32, #tpu.memory_space<hbm>>) dst(%dma_wait3A_162 : memref<100x2x128xf32, #tpu.memory_space<vmem>>)
    %jit3A_167 = arith.constant 2 : i32
    %eq3A_168 = arith.constant 0 : i32
    %eq3A_169 = arith.cmpi eq, %jit3A_167, %eq3A_168 : i32
    %jit3A_170 = arith.constant 1 : i32
    %select_n3A_171 = arith.select %eq3A_169, %jit3A_170, %jit3A_167 : i32
    %rem3A_172 = arith.remsi %select_n3A, %select_n3A_171 : i32
    %ne3A_173 = arith.constant 0 : i32
    %ne3A_174 = arith.cmpi ne, %rem3A_172, %ne3A_173 : i32
    %lt3A_175 = arith.constant 0 : i32
    %lt3A_176 = arith.cmpi slt, %rem3A_172, %lt3A_175 : i32
    %lt3A_177 = arith.constant 0 : i32
    %lt3A_178 = arith.cmpi slt, %select_n3A_171, %lt3A_177 : i32
    %ne3A_179 = arith.xori %lt3A_176, %lt3A_178 : i1
    %and3A_180 = arith.andi %ne3A_179, %ne3A_174 : i1
    %add3A_181 = arith.addi %rem3A_172, %select_n3A_171 : i32
    %select_n3A_182 = arith.select %and3A_180, %add3A_181, %rem3A_172 : i32
    %jit3A_183 = arith.constant 2 : i32
    %eq3A_184 = arith.constant 0 : i32
    %eq3A_185 = arith.cmpi eq, %jit3A_183, %eq3A_184 : i32
    %jit3A_186 = arith.constant 1 : i32
    %select_n3A_187 = arith.select %eq3A_185, %jit3A_186, %jit3A_183 : i32
    %rem3A_188 = arith.remsi %select_n3A, %select_n3A_187 : i32
    %ne3A_189 = arith.constant 0 : i32
    %ne3A_190 = arith.cmpi ne, %rem3A_188, %ne3A_189 : i32
    %lt3A_191 = arith.constant 0 : i32
    %lt3A_192 = arith.cmpi slt, %rem3A_188, %lt3A_191 : i32
    %lt3A_193 = arith.constant 0 : i32
    %lt3A_194 = arith.cmpi slt, %select_n3A_187, %lt3A_193 : i32
    %ne3A_195 = arith.xori %lt3A_192, %lt3A_194 : i1
    %and3A_196 = arith.andi %ne3A_195, %ne3A_190 : i1
    %add3A_197 = arith.addi %rem3A_188, %select_n3A_187 : i32
    %select_n3A_198 = arith.select %and3A_196, %add3A_197, %rem3A_188 : i32
    %mul3A_199 = arith.constant 12800 : i32
    %mul3A_200 = arith.muli %select_n3A_198, %mul3A_199 : i32
    %parallel_loop3A = arith.constant 0 : i32
    %parallel_loop3A_201 = arith.constant 100 : i32
    %parallel_loop3A_202 = arith.constant 1 : i32
    %parallel_loop3A_203 = scf.for %parallel_loop3A_336 = %parallel_loop3A to %parallel_loop3A_201 step %parallel_loop3A_202 iter_args(%parallel_loop3A_337 = %broadcast_in_dim3A_47) -> (vector<16xf32>)  : i32 {
      %parallel_loop3A_338 = arith.constant 0 : i32
      %parallel_loop3A_339 = arith.index_cast %select_n3A_182 : i32 to index
      %parallel_loop3A_340 = arith.index_cast %parallel_loop3A_336 : i32 to index
      %parallel_loop3A_341 = arith.index_cast %parallel_loop3A_338 : i32 to index
      %parallel_loop3A_342 = arith.constant 0 : index
      %parallel_loop3A_343 = tpu.vector_load %arg4[%parallel_loop3A_339, %parallel_loop3A_340, %parallel_loop3A_341, %parallel_loop3A_342] {strides = array<i32>} : memref<2x100x2x128xf32, #tpu.memory_space<vmem>>, vector<16xf32>,
      %parallel_loop3A_344 = arith.constant 1 : i32
      %parallel_loop3A_345 = arith.index_cast %select_n3A_182 : i32 to index
      %parallel_loop3A_346 = arith.index_cast %parallel_loop3A_336 : i32 to index
      %parallel_loop3A_347 = arith.index_cast %parallel_loop3A_344 : i32 to index
      %parallel_loop3A_348 = arith.constant 0 : index
      %parallel_loop3A_349 = tpu.vector_load %arg4[%parallel_loop3A_345, %parallel_loop3A_346, %parallel_loop3A_347, %parallel_loop3A_348] {strides = array<i32>} : memref<2x100x2x128xf32, #tpu.memory_space<vmem>>, vector<16xf32>,
      %parallel_loop3A_350 = arith.addf %parallel_loop3A_343, %parallel_loop3A_349 : vector<16xf32>
      %parallel_loop3A_351 = arith.subf %parallel_loop3A_343, %parallel_loop3A_349 : vector<16xf32>
      %parallel_loop3A_352 = arith.constant 0.000000e+00 : f32
      %parallel_loop3A_353 = vector.broadcast %parallel_loop3A_352 : f32 to vector<16xf32>
      %parallel_loop3A_354 = arith.cmpf olt, %parallel_loop3A_351, %parallel_loop3A_353 : vector<16xf32>
      %parallel_loop3A_355 = arith.select %parallel_loop3A_354, %broadcast_in_dim3A_49, %broadcast_in_dim3A_51 : vector<16xi1>, vector<16xf32>
      %parallel_loop3A_356 = arith.mulf %parallel_loop3A_355, %parallel_loop3A_350 : vector<16xf32>
      %parallel_loop3A_357 = arith.addf %parallel_loop3A_356, %parallel_loop3A_351 : vector<16xf32>
      %parallel_loop3A_358 = arith.constant 128 : i32
      %parallel_loop3A_359 = arith.muli %parallel_loop3A_336, %parallel_loop3A_358 : i32
      %parallel_loop3A_360 = arith.addi %mul3A_200, %parallel_loop3A_359 : i32
      %parallel_loop3A_361 = arith.constant 0 : i32
      %parallel_loop3A_362 = arith.addi %parallel_loop3A_360, %parallel_loop3A_361 : i32
      %parallel_loop3A_363 = arith.index_cast %parallel_loop3A_362 : i32 to index
      %parallel_loop3A_364 = tpu.vector_load %arg5[%parallel_loop3A_363] {strides = array<i32>} : memref<25600xf32, #tpu.memory_space<vmem>>, vector<16xf32>,
      tpu.vector_store %arg5[%parallel_loop3A_363], %parallel_loop3A_355 {strides = array<i32>} : memref<25600xf32, #tpu.memory_space<vmem>>, vector<16xf32>,
      %parallel_loop3A_365 = arith.constant 128 : i32
      %parallel_loop3A_366 = arith.muli %parallel_loop3A_336, %parallel_loop3A_365 : i32
      %parallel_loop3A_367 = arith.addi %mul3A_200, %parallel_loop3A_366 : i32
      %parallel_loop3A_368 = arith.constant 0 : i32
      %parallel_loop3A_369 = arith.addi %parallel_loop3A_367, %parallel_loop3A_368 : i32
      %parallel_loop3A_370 = arith.index_cast %parallel_loop3A_369 : i32 to index
      %parallel_loop3A_371 = tpu.vector_load %arg6[%parallel_loop3A_370] {strides = array<i32>} : memref<25600xf32, #tpu.memory_space<vmem>>, vector<16xf32>,
      tpu.vector_store %arg6[%parallel_loop3A_370], %parallel_loop3A_357 {strides = array<i32>} : memref<25600xf32, #tpu.memory_space<vmem>>, vector<16xf32>,
      %parallel_loop3A_372 = arith.mulf %parallel_loop3A_350, %broadcast_in_dim3A_49 : vector<16xf32>
      %parallel_loop3A_373 = arith.addf %parallel_loop3A_337, %parallel_loop3A_372 : vector<16xf32>
      scf.yield %parallel_loop3A_373 : vector<16xf32>
    } {sc.loop_unroll_factor = 4 : i64, sc.parallel_access}
    %parallel_loop3A_204 = arith.constant 0 : i32
    %parallel_loop3A_205 = arith.constant 100 : i32
    %parallel_loop3A_206 = arith.constant 1 : i32
    %parallel_loop3A_207 = scf.for %parallel_loop3A_336 = %parallel_loop3A_204 to %parallel_loop3A_205 step %parallel_loop3A_206 iter_args(%parallel_loop3A_337 = %broadcast_in_dim3A_47) -> (vector<16xf32>)  : i32 {
      %parallel_loop3A_338 = arith.constant 0 : i32
      %parallel_loop3A_339 = arith.index_cast %select_n3A_182 : i32 to index
      %parallel_loop3A_340 = arith.index_cast %parallel_loop3A_336 : i32 to index
      %parallel_loop3A_341 = arith.index_cast %parallel_loop3A_338 : i32 to index
      %parallel_loop3A_342 = arith.constant 16 : index
      %parallel_loop3A_343 = tpu.vector_load %arg4[%parallel_loop3A_339, %parallel_loop3A_340, %parallel_loop3A_341, %parallel_loop3A_342] {strides = array<i32>} : memref<2x100x2x128xf32, #tpu.memory_space<vmem>>, vector<16xf32>,
      %parallel_loop3A_344 = arith.constant 1 : i32
      %parallel_loop3A_345 = arith.index_cast %select_n3A_182 : i32 to index
      %parallel_loop3A_346 = arith.index_cast %parallel_loop3A_336 : i32 to index
      %parallel_loop3A_347 = arith.index_cast %parallel_loop3A_344 : i32 to index
      %parallel_loop3A_348 = arith.constant 16 : index
      %parallel_loop3A_349 = tpu.vector_load %arg4[%parallel_loop3A_345, %parallel_loop3A_346, %parallel_loop3A_347, %parallel_loop3A_348] {strides = array<i32>} : memref<2x100x2x128xf32, #tpu.memory_space<vmem>>, vector<16xf32>,
      %parallel_loop3A_350 = arith.addf %parallel_loop3A_343, %parallel_loop3A_349 : vector<16xf32>
      %parallel_loop3A_351 = arith.subf %parallel_loop3A_343, %parallel_loop3A_349 : vector<16xf32>
      %parallel_loop3A_352 = arith.constant 0.000000e+00 : f32
      %parallel_loop3A_353 = vector.broadcast %parallel_loop3A_352 : f32 to vector<16xf32>
      %parallel_loop3A_354 = arith.cmpf olt, %parallel_loop3A_351, %parallel_loop3A_353 : vector<16xf32>
      %parallel_loop3A_355 = arith.select %parallel_loop3A_354, %broadcast_in_dim3A_49, %broadcast_in_dim3A_51 : vector<16xi1>, vector<16xf32>
      %parallel_loop3A_356 = arith.mulf %parallel_loop3A_355, %parallel_loop3A_350 : vector<16xf32>
      %parallel_loop3A_357 = arith.addf %parallel_loop3A_356, %parallel_loop3A_351 : vector<16xf32>
      %parallel_loop3A_358 = arith.constant 128 : i32
      %parallel_loop3A_359 = arith.muli %parallel_loop3A_336, %parallel_loop3A_358 : i32
      %parallel_loop3A_360 = arith.addi %mul3A_200, %parallel_loop3A_359 : i32
      %parallel_loop3A_361 = arith.constant 16 : i32
      %parallel_loop3A_362 = arith.addi %parallel_loop3A_360, %parallel_loop3A_361 : i32
      %parallel_loop3A_363 = arith.index_cast %parallel_loop3A_362 : i32 to index
      %parallel_loop3A_364 = tpu.vector_load %arg5[%parallel_loop3A_363] {strides = array<i32>} : memref<25600xf32, #tpu.memory_space<vmem>>, vector<16xf32>,
      tpu.vector_store %arg5[%parallel_loop3A_363], %parallel_loop3A_355 {strides = array<i32>} : memref<25600xf32, #tpu.memory_space<vmem>>, vector<16xf32>,
      %parallel_loop3A_365 = arith.constant 128 : i32
      %parallel_loop3A_366 = arith.muli %parallel_loop3A_336, %parallel_loop3A_365 : i32
      %parallel_loop3A_367 = arith.addi %mul3A_200, %parallel_loop3A_366 : i32
      %parallel_loop3A_368 = arith.constant 16 : i32
      %parallel_loop3A_369 = arith.addi %parallel_loop3A_367, %parallel_loop3A_368 : i32
      %parallel_loop3A_370 = arith.index_cast %parallel_loop3A_369 : i32 to index
      %parallel_loop3A_371 = tpu.vector_load %arg6[%parallel_loop3A_370] {strides = array<i32>} : memref<25600xf32, #tpu.memory_space<vmem>>, vector<16xf32>,
      tpu.vector_store %arg6[%parallel_loop3A_370], %parallel_loop3A_357 {strides = array<i32>} : memref<25600xf32, #tpu.memory_space<vmem>>, vector<16xf32>,
      %parallel_loop3A_372 = arith.mulf %parallel_loop3A_350, %broadcast_in_dim3A_49 : vector<16xf32>
      %parallel_loop3A_373 = arith.addf %parallel_loop3A_337, %parallel_loop3A_372 : vector<16xf32>
      scf.yield %parallel_loop3A_373 : vector<16xf32>
    } {sc.loop_unroll_factor = 4 : i64, sc.parallel_access}
    %parallel_loop3A_208 = arith.constant 0 : i32
    %parallel_loop3A_209 = arith.constant 100 : i32
    %parallel_loop3A_210 = arith.constant 1 : i32
    %parallel_loop3A_211 = scf.for %parallel_loop3A_336 = %parallel_loop3A_208 to %parallel_loop3A_209 step %parallel_loop3A_210 iter_args(%parallel_loop3A_337 = %broadcast_in_dim3A_47) -> (vector<16xf32>)  : i32 {
      %parallel_loop3A_338 = arith.constant 0 : i32
      %parallel_loop3A_339 = arith.index_cast %select_n3A_182 : i32 to index
      %parallel_loop3A_340 = arith.index_cast %parallel_loop3A_336 : i32 to index
      %parallel_loop3A_341 = arith.index_cast %parallel_loop3A_338 : i32 to index
      %parallel_loop3A_342 = arith.constant 32 : index
      %parallel_loop3A_343 = tpu.vector_load %arg4[%parallel_loop3A_339, %parallel_loop3A_340, %parallel_loop3A_341, %parallel_loop3A_342] {strides = array<i32>} : memref<2x100x2x128xf32, #tpu.memory_space<vmem>>, vector<16xf32>,
      %parallel_loop3A_344 = arith.constant 1 : i32
      %parallel_loop3A_345 = arith.index_cast %select_n3A_182 : i32 to index
      %parallel_loop3A_346 = arith.index_cast %parallel_loop3A_336 : i32 to index
      %parallel_loop3A_347 = arith.index_cast %parallel_loop3A_344 : i32 to index
      %parallel_loop3A_348 = arith.constant 32 : index
      %parallel_loop3A_349 = tpu.vector_load %arg4[%parallel_loop3A_345, %parallel_loop3A_346, %parallel_loop3A_347, %parallel_loop3A_348] {strides = array<i32>} : memref<2x100x2x128xf32, #tpu.memory_space<vmem>>, vector<16xf32>,
      %parallel_loop3A_350 = arith.addf %parallel_loop3A_343, %parallel_loop3A_349 : vector<16xf32>
      %parallel_loop3A_351 = arith.subf %parallel_loop3A_343, %parallel_loop3A_349 : vector<16xf32>
      %parallel_loop3A_352 = arith.constant 0.000000e+00 : f32
      %parallel_loop3A_353 = vector.broadcast %parallel_loop3A_352 : f32 to vector<16xf32>
      %parallel_loop3A_354 = arith.cmpf olt, %parallel_loop3A_351, %parallel_loop3A_353 : vector<16xf32>
      %parallel_loop3A_355 = arith.select %parallel_loop3A_354, %broadcast_in_dim3A_49, %broadcast_in_dim3A_51 : vector<16xi1>, vector<16xf32>
      %parallel_loop3A_356 = arith.mulf %parallel_loop3A_355, %parallel_loop3A_350 : vector<16xf32>
      %parallel_loop3A_357 = arith.addf %parallel_loop3A_356, %parallel_loop3A_351 : vector<16xf32>
      %parallel_loop3A_358 = arith.constant 128 : i32
      %parallel_loop3A_359 = arith.muli %parallel_loop3A_336, %parallel_loop3A_358 : i32
      %parallel_loop3A_360 = arith.addi %mul3A_200, %parallel_loop3A_359 : i32
      %parallel_loop3A_361 = arith.constant 32 : i32
      %parallel_loop3A_362 = arith.addi %parallel_loop3A_360, %parallel_loop3A_361 : i32
      %parallel_loop3A_363 = arith.index_cast %parallel_loop3A_362 : i32 to index
      %parallel_loop3A_364 = tpu.vector_load %arg5[%parallel_loop3A_363] {strides = array<i32>} : memref<25600xf32, #tpu.memory_space<vmem>>, vector<16xf32>,
      tpu.vector_store %arg5[%parallel_loop3A_363], %parallel_loop3A_355 {strides = array<i32>} : memref<25600xf32, #tpu.memory_space<vmem>>, vector<16xf32>,
      %parallel_loop3A_365 = arith.constant 128 : i32
      %parallel_loop3A_366 = arith.muli %parallel_loop3A_336, %parallel_loop3A_365 : i32
      %parallel_loop3A_367 = arith.addi %mul3A_200, %parallel_loop3A_366 : i32
      %parallel_loop3A_368 = arith.constant 32 : i32
      %parallel_loop3A_369 = arith.addi %parallel_loop3A_367, %parallel_loop3A_368 : i32
      %parallel_loop3A_370 = arith.index_cast %parallel_loop3A_369 : i32 to index
      %parallel_loop3A_371 = tpu.vector_load %arg6[%parallel_loop3A_370] {strides = array<i32>} : memref<25600xf32, #tpu.memory_space<vmem>>, vector<16xf32>,
      tpu.vector_store %arg6[%parallel_loop3A_370], %parallel_loop3A_357 {strides = array<i32>} : memref<25600xf32, #tpu.memory_space<vmem>>, vector<16xf32>,
      %parallel_loop3A_372 = arith.mulf %parallel_loop3A_350, %broadcast_in_dim3A_49 : vector<16xf32>
      %parallel_loop3A_373 = arith.addf %parallel_loop3A_337, %parallel_loop3A_372 : vector<16xf32>
      scf.yield %parallel_loop3A_373 : vector<16xf32>
    } {sc.loop_unroll_factor = 4 : i64, sc.parallel_access}
    %parallel_loop3A_212 = arith.constant 0 : i32
    %parallel_loop3A_213 = arith.constant 100 : i32
    %parallel_loop3A_214 = arith.constant 1 : i32
    %parallel_loop3A_215 = scf.for %parallel_loop3A_336 = %parallel_loop3A_212 to %parallel_loop3A_213 step %parallel_loop3A_214 iter_args(%parallel_loop3A_337 = %broadcast_in_dim3A_47) -> (vector<16xf32>)  : i32 {
      %parallel_loop3A_338 = arith.constant 0 : i32
      %parallel_loop3A_339 = arith.index_cast %select_n3A_182 : i32 to index
      %parallel_loop3A_340 = arith.index_cast %parallel_loop3A_336 : i32 to index
      %parallel_loop3A_341 = arith.index_cast %parallel_loop3A_338 : i32 to index
      %parallel_loop3A_342 = arith.constant 48 : index
      %parallel_loop3A_343 = tpu.vector_load %arg4[%parallel_loop3A_339, %parallel_loop3A_340, %parallel_loop3A_341, %parallel_loop3A_342] {strides = array<i32>} : memref<2x100x2x128xf32, #tpu.memory_space<vmem>>, vector<16xf32>,
      %parallel_loop3A_344 = arith.constant 1 : i32
      %parallel_loop3A_345 = arith.index_cast %select_n3A_182 : i32 to index
      %parallel_loop3A_346 = arith.index_cast %parallel_loop3A_336 : i32 to index
      %parallel_loop3A_347 = arith.index_cast %parallel_loop3A_344 : i32 to index
      %parallel_loop3A_348 = arith.constant 48 : index
      %parallel_loop3A_349 = tpu.vector_load %arg4[%parallel_loop3A_345, %parallel_loop3A_346, %parallel_loop3A_347, %parallel_loop3A_348] {strides = array<i32>} : memref<2x100x2x128xf32, #tpu.memory_space<vmem>>, vector<16xf32>,
      %parallel_loop3A_350 = arith.addf %parallel_loop3A_343, %parallel_loop3A_349 : vector<16xf32>
      %parallel_loop3A_351 = arith.subf %parallel_loop3A_343, %parallel_loop3A_349 : vector<16xf32>
      %parallel_loop3A_352 = arith.constant 0.000000e+00 : f32
      %parallel_loop3A_353 = vector.broadcast %parallel_loop3A_352 : f32 to vector<16xf32>
      %parallel_loop3A_354 = arith.cmpf olt, %parallel_loop3A_351, %parallel_loop3A_353 : vector<16xf32>
      %parallel_loop3A_355 = arith.select %parallel_loop3A_354, %broadcast_in_dim3A_49, %broadcast_in_dim3A_51 : vector<16xi1>, vector<16xf32>
      %parallel_loop3A_356 = arith.mulf %parallel_loop3A_355, %parallel_loop3A_350 : vector<16xf32>
      %parallel_loop3A_357 = arith.addf %parallel_loop3A_356, %parallel_loop3A_351 : vector<16xf32>
      %parallel_loop3A_358 = arith.constant 128 : i32
      %parallel_loop3A_359 = arith.muli %parallel_loop3A_336, %parallel_loop3A_358 : i32
      %parallel_loop3A_360 = arith.addi %mul3A_200, %parallel_loop3A_359 : i32
      %parallel_loop3A_361 = arith.constant 48 : i32
      %parallel_loop3A_362 = arith.addi %parallel_loop3A_360, %parallel_loop3A_361 : i32
      %parallel_loop3A_363 = arith.index_cast %parallel_loop3A_362 : i32 to index
      %parallel_loop3A_364 = tpu.vector_load %arg5[%parallel_loop3A_363] {strides = array<i32>} : memref<25600xf32, #tpu.memory_space<vmem>>, vector<16xf32>,
      tpu.vector_store %arg5[%parallel_loop3A_363], %parallel_loop3A_355 {strides = array<i32>} : memref<25600xf32, #tpu.memory_space<vmem>>, vector<16xf32>,
      %parallel_loop3A_365 = arith.constant 128 : i32
      %parallel_loop3A_366 = arith.muli %parallel_loop3A_336, %parallel_loop3A_365 : i32
      %parallel_loop3A_367 = arith.addi %mul3A_200, %parallel_loop3A_366 : i32
      %parallel_loop3A_368 = arith.constant 48 : i32
      %parallel_loop3A_369 = arith.addi %parallel_loop3A_367, %parallel_loop3A_368 : i32
      %parallel_loop3A_370 = arith.index_cast %parallel_loop3A_369 : i32 to index
      %parallel_loop3A_371 = tpu.vector_load %arg6[%parallel_loop3A_370] {strides = array<i32>} : memref<25600xf32, #tpu.memory_space<vmem>>, vector<16xf32>,
      tpu.vector_store %arg6[%parallel_loop3A_370], %parallel_loop3A_357 {strides = array<i32>} : memref<25600xf32, #tpu.memory_space<vmem>>, vector<16xf32>,
      %parallel_loop3A_372 = arith.mulf %parallel_loop3A_350, %broadcast_in_dim3A_49 : vector<16xf32>
      %parallel_loop3A_373 = arith.addf %parallel_loop3A_337, %parallel_loop3A_372 : vector<16xf32>
      scf.yield %parallel_loop3A_373 : vector<16xf32>
    } {sc.loop_unroll_factor = 4 : i64, sc.parallel_access}
    %parallel_loop3A_216 = arith.constant 0 : i32
    %parallel_loop3A_217 = arith.constant 100 : i32
    %parallel_loop3A_218 = arith.constant 1 : i32
    %parallel_loop3A_219 = scf.for %parallel_loop3A_336 = %parallel_loop3A_216 to %parallel_loop3A_217 step %parallel_loop3A_218 iter_args(%parallel_loop3A_337 = %broadcast_in_dim3A_47) -> (vector<16xf32>)  : i32 {
      %parallel_loop3A_338 = arith.constant 0 : i32
      %parallel_loop3A_339 = arith.index_cast %select_n3A_182 : i32 to index
      %parallel_loop3A_340 = arith.index_cast %parallel_loop3A_336 : i32 to index
      %parallel_loop3A_341 = arith.index_cast %parallel_loop3A_338 : i32 to index
      %parallel_loop3A_342 = arith.constant 64 : index
      %parallel_loop3A_343 = tpu.vector_load %arg4[%parallel_loop3A_339, %parallel_loop3A_340, %parallel_loop3A_341, %parallel_loop3A_342] {strides = array<i32>} : memref<2x100x2x128xf32, #tpu.memory_space<vmem>>, vector<16xf32>,
      %parallel_loop3A_344 = arith.constant 1 : i32
      %parallel_loop3A_345 = arith.index_cast %select_n3A_182 : i32 to index
      %parallel_loop3A_346 = arith.index_cast %parallel_loop3A_336 : i32 to index
      %parallel_loop3A_347 = arith.index_cast %parallel_loop3A_344 : i32 to index
      %parallel_loop3A_348 = arith.constant 64 : index
      %parallel_loop3A_349 = tpu.vector_load %arg4[%parallel_loop3A_345, %parallel_loop3A_346, %parallel_loop3A_347, %parallel_loop3A_348] {strides = array<i32>} : memref<2x100x2x128xf32, #tpu.memory_space<vmem>>, vector<16xf32>,
      %parallel_loop3A_350 = arith.addf %parallel_loop3A_343, %parallel_loop3A_349 : vector<16xf32>
      %parallel_loop3A_351 = arith.subf %parallel_loop3A_343, %parallel_loop3A_349 : vector<16xf32>
      %parallel_loop3A_352 = arith.constant 0.000000e+00 : f32
      %parallel_loop3A_353 = vector.broadcast %parallel_loop3A_352 : f32 to vector<16xf32>
      %parallel_loop3A_354 = arith.cmpf olt, %parallel_loop3A_351, %parallel_loop3A_353 : vector<16xf32>
      %parallel_loop3A_355 = arith.select %parallel_loop3A_354, %broadcast_in_dim3A_49, %broadcast_in_dim3A_51 : vector<16xi1>, vector<16xf32>
      %parallel_loop3A_356 = arith.mulf %parallel_loop3A_355, %parallel_loop3A_350 : vector<16xf32>
      %parallel_loop3A_357 = arith.addf %parallel_loop3A_356, %parallel_loop3A_351 : vector<16xf32>
      %parallel_loop3A_358 = arith.constant 128 : i32
      %parallel_loop3A_359 = arith.muli %parallel_loop3A_336, %parallel_loop3A_358 : i32
      %parallel_loop3A_360 = arith.addi %mul3A_200, %parallel_loop3A_359 : i32
      %parallel_loop3A_361 = arith.constant 64 : i32
      %parallel_loop3A_362 = arith.addi %parallel_loop3A_360, %parallel_loop3A_361 : i32
      %parallel_loop3A_363 = arith.index_cast %parallel_loop3A_362 : i32 to index
      %parallel_loop3A_364 = tpu.vector_load %arg5[%parallel_loop3A_363] {strides = array<i32>} : memref<25600xf32, #tpu.memory_space<vmem>>, vector<16xf32>,
      tpu.vector_store %arg5[%parallel_loop3A_363], %parallel_loop3A_355 {strides = array<i32>} : memref<25600xf32, #tpu.memory_space<vmem>>, vector<16xf32>,
      %parallel_loop3A_365 = arith.constant 128 : i32
      %parallel_loop3A_366 = arith.muli %parallel_loop3A_336, %parallel_loop3A_365 : i32
      %parallel_loop3A_367 = arith.addi %mul3A_200, %parallel_loop3A_366 : i32
      %parallel_loop3A_368 = arith.constant 64 : i32
      %parallel_loop3A_369 = arith.addi %parallel_loop3A_367, %parallel_loop3A_368 : i32
      %parallel_loop3A_370 = arith.index_cast %parallel_loop3A_369 : i32 to index
      %parallel_loop3A_371 = tpu.vector_load %arg6[%parallel_loop3A_370] {strides = array<i32>} : memref<25600xf32, #tpu.memory_space<vmem>>, vector<16xf32>,
      tpu.vector_store %arg6[%parallel_loop3A_370], %parallel_loop3A_357 {strides = array<i32>} : memref<25600xf32, #tpu.memory_space<vmem>>, vector<16xf32>,
      %parallel_loop3A_372 = arith.mulf %parallel_loop3A_350, %broadcast_in_dim3A_49 : vector<16xf32>
      %parallel_loop3A_373 = arith.addf %parallel_loop3A_337, %parallel_loop3A_372 : vector<16xf32>
      scf.yield %parallel_loop3A_373 : vector<16xf32>
    } {sc.loop_unroll_factor = 4 : i64, sc.parallel_access}
    %parallel_loop3A_220 = arith.constant 0 : i32
    %parallel_loop3A_221 = arith.constant 100 : i32
    %parallel_loop3A_222 = arith.constant 1 : i32
    %parallel_loop3A_223 = scf.for %parallel_loop3A_336 = %parallel_loop3A_220 to %parallel_loop3A_221 step %parallel_loop3A_222 iter_args(%parallel_loop3A_337 = %broadcast_in_dim3A_47) -> (vector<16xf32>)  : i32 {
      %parallel_loop3A_338 = arith.constant 0 : i32
      %parallel_loop3A_339 = arith.index_cast %select_n3A_182 : i32 to index
      %parallel_loop3A_340 = arith.index_cast %parallel_loop3A_336 : i32 to index
      %parallel_loop3A_341 = arith.index_cast %parallel_loop3A_338 : i32 to index
      %parallel_loop3A_342 = arith.constant 80 : index
      %parallel_loop3A_343 = tpu.vector_load %arg4[%parallel_loop3A_339, %parallel_loop3A_340, %parallel_loop3A_341, %parallel_loop3A_342] {strides = array<i32>} : memref<2x100x2x128xf32, #tpu.memory_space<vmem>>, vector<16xf32>,
      %parallel_loop3A_344 = arith.constant 1 : i32
      %parallel_loop3A_345 = arith.index_cast %select_n3A_182 : i32 to index
      %parallel_loop3A_346 = arith.index_cast %parallel_loop3A_336 : i32 to index
      %parallel_loop3A_347 = arith.index_cast %parallel_loop3A_344 : i32 to index
      %parallel_loop3A_348 = arith.constant 80 : index
      %parallel_loop3A_349 = tpu.vector_load %arg4[%parallel_loop3A_345, %parallel_loop3A_346, %parallel_loop3A_347, %parallel_loop3A_348] {strides = array<i32>} : memref<2x100x2x128xf32, #tpu.memory_space<vmem>>, vector<16xf32>,
      %parallel_loop3A_350 = arith.addf %parallel_loop3A_343, %parallel_loop3A_349 : vector<16xf32>
      %parallel_loop3A_351 = arith.subf %parallel_loop3A_343, %parallel_loop3A_349 : vector<16xf32>
      %parallel_loop3A_352 = arith.constant 0.000000e+00 : f32
      %parallel_loop3A_353 = vector.broadcast %parallel_loop3A_352 : f32 to vector<16xf32>
      %parallel_loop3A_354 = arith.cmpf olt, %parallel_loop3A_351, %parallel_loop3A_353 : vector<16xf32>
      %parallel_loop3A_355 = arith.select %parallel_loop3A_354, %broadcast_in_dim3A_49, %broadcast_in_dim3A_51 : vector<16xi1>, vector<16xf32>
      %parallel_loop3A_356 = arith.mulf %parallel_loop3A_355, %parallel_loop3A_350 : vector<16xf32>
      %parallel_loop3A_357 = arith.addf %parallel_loop3A_356, %parallel_loop3A_351 : vector<16xf32>
      %parallel_loop3A_358 = arith.constant 128 : i32
      %parallel_loop3A_359 = arith.muli %parallel_loop3A_336, %parallel_loop3A_358 : i32
      %parallel_loop3A_360 = arith.addi %mul3A_200, %parallel_loop3A_359 : i32
      %parallel_loop3A_361 = arith.constant 80 : i32
      %parallel_loop3A_362 = arith.addi %parallel_loop3A_360, %parallel_loop3A_361 : i32
      %parallel_loop3A_363 = arith.index_cast %parallel_loop3A_362 : i32 to index
      %parallel_loop3A_364 = tpu.vector_load %arg5[%parallel_loop3A_363] {strides = array<i32>} : memref<25600xf32, #tpu.memory_space<vmem>>, vector<16xf32>,
      tpu.vector_store %arg5[%parallel_loop3A_363], %parallel_loop3A_355 {strides = array<i32>} : memref<25600xf32, #tpu.memory_space<vmem>>, vector<16xf32>,
      %parallel_loop3A_365 = arith.constant 128 : i32
      %parallel_loop3A_366 = arith.muli %parallel_loop3A_336, %parallel_loop3A_365 : i32
      %parallel_loop3A_367 = arith.addi %mul3A_200, %parallel_loop3A_366 : i32
      %parallel_loop3A_368 = arith.constant 80 : i32
      %parallel_loop3A_369 = arith.addi %parallel_loop3A_367, %parallel_loop3A_368 : i32
      %parallel_loop3A_370 = arith.index_cast %parallel_loop3A_369 : i32 to index
      %parallel_loop3A_371 = tpu.vector_load %arg6[%parallel_loop3A_370] {strides = array<i32>} : memref<25600xf32, #tpu.memory_space<vmem>>, vector<16xf32>,
      tpu.vector_store %arg6[%parallel_loop3A_370], %parallel_loop3A_357 {strides = array<i32>} : memref<25600xf32, #tpu.memory_space<vmem>>, vector<16xf32>,
      %parallel_loop3A_372 = arith.mulf %parallel_loop3A_350, %broadcast_in_dim3A_49 : vector<16xf32>
      %parallel_loop3A_373 = arith.addf %parallel_loop3A_337, %parallel_loop3A_372 : vector<16xf32>
      scf.yield %parallel_loop3A_373 : vector<16xf32>
    } {sc.loop_unroll_factor = 4 : i64, sc.parallel_access}
    %parallel_loop3A_224 = arith.constant 0 : i32
    %parallel_loop3A_225 = arith.constant 100 : i32
    %parallel_loop3A_226 = arith.constant 1 : i32
    %parallel_loop3A_227 = scf.for %parallel_loop3A_336 = %parallel_loop3A_224 to %parallel_loop3A_225 step %parallel_loop3A_226 iter_args(%parallel_loop3A_337 = %broadcast_in_dim3A_47) -> (vector<16xf32>)  : i32 {
      %parallel_loop3A_338 = arith.constant 0 : i32
      %parallel_loop3A_339 = arith.index_cast %select_n3A_182 : i32 to index
      %parallel_loop3A_340 = arith.index_cast %parallel_loop3A_336 : i32 to index
      %parallel_loop3A_341 = arith.index_cast %parallel_loop3A_338 : i32 to index
      %parallel_loop3A_342 = arith.constant 96 : index
      %parallel_loop3A_343 = tpu.vector_load %arg4[%parallel_loop3A_339, %parallel_loop3A_340, %parallel_loop3A_341, %parallel_loop3A_342] {strides = array<i32>} : memref<2x100x2x128xf32, #tpu.memory_space<vmem>>, vector<16xf32>,
      %parallel_loop3A_344 = arith.constant 1 : i32
      %parallel_loop3A_345 = arith.index_cast %select_n3A_182 : i32 to index
      %parallel_loop3A_346 = arith.index_cast %parallel_loop3A_336 : i32 to index
      %parallel_loop3A_347 = arith.index_cast %parallel_loop3A_344 : i32 to index
      %parallel_loop3A_348 = arith.constant 96 : index
      %parallel_loop3A_349 = tpu.vector_load %arg4[%parallel_loop3A_345, %parallel_loop3A_346, %parallel_loop3A_347, %parallel_loop3A_348] {strides = array<i32>} : memref<2x100x2x128xf32, #tpu.memory_space<vmem>>, vector<16xf32>,
      %parallel_loop3A_350 = arith.addf %parallel_loop3A_343, %parallel_loop3A_349 : vector<16xf32>
      %parallel_loop3A_351 = arith.subf %parallel_loop3A_343, %parallel_loop3A_349 : vector<16xf32>
      %parallel_loop3A_352 = arith.constant 0.000000e+00 : f32
      %parallel_loop3A_353 = vector.broadcast %parallel_loop3A_352 : f32 to vector<16xf32>
      %parallel_loop3A_354 = arith.cmpf olt, %parallel_loop3A_351, %parallel_loop3A_353 : vector<16xf32>
      %parallel_loop3A_355 = arith.select %parallel_loop3A_354, %broadcast_in_dim3A_49, %broadcast_in_dim3A_51 : vector<16xi1>, vector<16xf32>
      %parallel_loop3A_356 = arith.mulf %parallel_loop3A_355, %parallel_loop3A_350 : vector<16xf32>
      %parallel_loop3A_357 = arith.addf %parallel_loop3A_356, %parallel_loop3A_351 : vector<16xf32>
      %parallel_loop3A_358 = arith.constant 128 : i32
      %parallel_loop3A_359 = arith.muli %parallel_loop3A_336, %parallel_loop3A_358 : i32
      %parallel_loop3A_360 = arith.addi %mul3A_200, %parallel_loop3A_359 : i32
      %parallel_loop3A_361 = arith.constant 96 : i32
      %parallel_loop3A_362 = arith.addi %parallel_loop3A_360, %parallel_loop3A_361 : i32
      %parallel_loop3A_363 = arith.index_cast %parallel_loop3A_362 : i32 to index
      %parallel_loop3A_364 = tpu.vector_load %arg5[%parallel_loop3A_363] {strides = array<i32>} : memref<25600xf32, #tpu.memory_space<vmem>>, vector<16xf32>,
      tpu.vector_store %arg5[%parallel_loop3A_363], %parallel_loop3A_355 {strides = array<i32>} : memref<25600xf32, #tpu.memory_space<vmem>>, vector<16xf32>,
      %parallel_loop3A_365 = arith.constant 128 : i32
      %parallel_loop3A_366 = arith.muli %parallel_loop3A_336, %parallel_loop3A_365 : i32
      %parallel_loop3A_367 = arith.addi %mul3A_200, %parallel_loop3A_366 : i32
      %parallel_loop3A_368 = arith.constant 96 : i32
      %parallel_loop3A_369 = arith.addi %parallel_loop3A_367, %parallel_loop3A_368 : i32
      %parallel_loop3A_370 = arith.index_cast %parallel_loop3A_369 : i32 to index
      %parallel_loop3A_371 = tpu.vector_load %arg6[%parallel_loop3A_370] {strides = array<i32>} : memref<25600xf32, #tpu.memory_space<vmem>>, vector<16xf32>,
      tpu.vector_store %arg6[%parallel_loop3A_370], %parallel_loop3A_357 {strides = array<i32>} : memref<25600xf32, #tpu.memory_space<vmem>>, vector<16xf32>,
      %parallel_loop3A_372 = arith.mulf %parallel_loop3A_350, %broadcast_in_dim3A_49 : vector<16xf32>
      %parallel_loop3A_373 = arith.addf %parallel_loop3A_337, %parallel_loop3A_372 : vector<16xf32>
      scf.yield %parallel_loop3A_373 : vector<16xf32>
    } {sc.loop_unroll_factor = 4 : i64, sc.parallel_access}
    %parallel_loop3A_228 = arith.constant 0 : i32
    %parallel_loop3A_229 = arith.constant 100 : i32
    %parallel_loop3A_230 = arith.constant 1 : i32
    %parallel_loop3A_231 = scf.for %parallel_loop3A_336 = %parallel_loop3A_228 to %parallel_loop3A_229 step %parallel_loop3A_230 iter_args(%parallel_loop3A_337 = %broadcast_in_dim3A_47) -> (vector<16xf32>)  : i32 {
      %parallel_loop3A_338 = arith.constant 0 : i32
      %parallel_loop3A_339 = arith.index_cast %select_n3A_182 : i32 to index
      %parallel_loop3A_340 = arith.index_cast %parallel_loop3A_336 : i32 to index
      %parallel_loop3A_341 = arith.index_cast %parallel_loop3A_338 : i32 to index
      %parallel_loop3A_342 = arith.constant 112 : index
      %parallel_loop3A_343 = tpu.vector_load %arg4[%parallel_loop3A_339, %parallel_loop3A_340, %parallel_loop3A_341, %parallel_loop3A_342] {strides = array<i32>} : memref<2x100x2x128xf32, #tpu.memory_space<vmem>>, vector<16xf32>,
      %parallel_loop3A_344 = arith.constant 1 : i32
      %parallel_loop3A_345 = arith.index_cast %select_n3A_182 : i32 to index
      %parallel_loop3A_346 = arith.index_cast %parallel_loop3A_336 : i32 to index
      %parallel_loop3A_347 = arith.index_cast %parallel_loop3A_344 : i32 to index
      %parallel_loop3A_348 = arith.constant 112 : index
      %parallel_loop3A_349 = tpu.vector_load %arg4[%parallel_loop3A_345, %parallel_loop3A_346, %parallel_loop3A_347, %parallel_loop3A_348] {strides = array<i32>} : memref<2x100x2x128xf32, #tpu.memory_space<vmem>>, vector<16xf32>,
      %parallel_loop3A_350 = arith.addf %parallel_loop3A_343, %parallel_loop3A_349 : vector<16xf32>
      %parallel_loop3A_351 = arith.subf %parallel_loop3A_343, %parallel_loop3A_349 : vector<16xf32>
      %parallel_loop3A_352 = arith.constant 0.000000e+00 : f32
      %parallel_loop3A_353 = vector.broadcast %parallel_loop3A_352 : f32 to vector<16xf32>
      %parallel_loop3A_354 = arith.cmpf olt, %parallel_loop3A_351, %parallel_loop3A_353 : vector<16xf32>
      %parallel_loop3A_355 = arith.select %parallel_loop3A_354, %broadcast_in_dim3A_49, %broadcast_in_dim3A_51 : vector<16xi1>, vector<16xf32>
      %parallel_loop3A_356 = arith.mulf %parallel_loop3A_355, %parallel_loop3A_350 : vector<16xf32>
      %parallel_loop3A_357 = arith.addf %parallel_loop3A_356, %parallel_loop3A_351 : vector<16xf32>
      %parallel_loop3A_358 = arith.constant 128 : i32
      %parallel_loop3A_359 = arith.muli %parallel_loop3A_336, %parallel_loop3A_358 : i32
      %parallel_loop3A_360 = arith.addi %mul3A_200, %parallel_loop3A_359 : i32
      %parallel_loop3A_361 = arith.constant 112 : i32
      %parallel_loop3A_362 = arith.addi %parallel_loop3A_360, %parallel_loop3A_361 : i32
      %parallel_loop3A_363 = arith.index_cast %parallel_loop3A_362 : i32 to index
      %parallel_loop3A_364 = tpu.vector_load %arg5[%parallel_loop3A_363] {strides = array<i32>} : memref<25600xf32, #tpu.memory_space<vmem>>, vector<16xf32>,
      tpu.vector_store %arg5[%parallel_loop3A_363], %parallel_loop3A_355 {strides = array<i32>} : memref<25600xf32, #tpu.memory_space<vmem>>, vector<16xf32>,
      %parallel_loop3A_365 = arith.constant 128 : i32
      %parallel_loop3A_366 = arith.muli %parallel_loop3A_336, %parallel_loop3A_365 : i32
      %parallel_loop3A_367 = arith.addi %mul3A_200, %parallel_loop3A_366 : i32
      %parallel_loop3A_368 = arith.constant 112 : i32
      %parallel_loop3A_369 = arith.addi %parallel_loop3A_367, %parallel_loop3A_368 : i32
      %parallel_loop3A_370 = arith.index_cast %parallel_loop3A_369 : i32 to index
      %parallel_loop3A_371 = tpu.vector_load %arg6[%parallel_loop3A_370] {strides = array<i32>} : memref<25600xf32, #tpu.memory_space<vmem>>, vector<16xf32>,
      tpu.vector_store %arg6[%parallel_loop3A_370], %parallel_loop3A_357 {strides = array<i32>} : memref<25600xf32, #tpu.memory_space<vmem>>, vector<16xf32>,
      %parallel_loop3A_372 = arith.mulf %parallel_loop3A_350, %broadcast_in_dim3A_49 : vector<16xf32>
      %parallel_loop3A_373 = arith.addf %parallel_loop3A_337, %parallel_loop3A_372 : vector<16xf32>
      scf.yield %parallel_loop3A_373 : vector<16xf32>
    } {sc.loop_unroll_factor = 4 : i64, sc.parallel_access}
    %while3A = arith.subi %select_n3A_46, %select_n3A : i32
    %while3A_232 = arith.addi %select_n3A, %while3A : i32
    %while3A_233 = arith.constant 1 : i32
    %while3A_234 = arith.divsi %while3A, %while3A_233 : i32
    %while3A_235 = arith.muli %while3A_234, %while3A_233 : i32
    %while3A_236 = arith.addi %select_n3A, %while3A_235 : i32
    %while3A_237 = arith.constant 1 : i32
    %while3A_238:24 = scf.for %while3A_336 = %select_n3A to %while3A_236 step %while3A_237 iter_args(%while3A_337 = %parallel_loop3A_203, %while3A_338 = %parallel_loop3A_207, %while3A_339 = %parallel_loop3A_211, %while3A_340 = %parallel_loop3A_215, %while3A_341 = %parallel_loop3A_219, %while3A_342 = %parallel_loop3A_223, %while3A_343 = %parallel_loop3A_227, %while3A_344 = %parallel_loop3A_231, %while3A_345 = %broadcast_in_dim3A_47, %while3A_346 = %broadcast_in_dim3A_47, %while3A_347 = %broadcast_in_dim3A_47, %while3A_348 = %broadcast_in_dim3A_47, %while3A_349 = %broadcast_in_dim3A_47, %while3A_350 = %broadcast_in_dim3A_47, %while3A_351 = %broadcast_in_dim3A_47, %while3A_352 = %broadcast_in_dim3A_47, %while3A_353 = %broadcast_in_dim3A_47, %while3A_354 = %broadcast_in_dim3A_47, %while3A_355 = %broadcast_in_dim3A_47, %while3A_356 = %broadcast_in_dim3A_47, %while3A_357 = %broadcast_in_dim3A_47, %while3A_358 = %broadcast_in_dim3A_47, %while3A_359 = %broadcast_in_dim3A_47, %while3A_360 = %broadcast_in_dim3A_47) -> (vector<16xf32>, vector<16xf32>, vector<16xf32>, vector<16xf32>, vector<16xf32>, vector<16xf32>, vector<16xf32>, vector<16xf32>, vector<16xf32>, vector<16xf32>, vector<16xf32>, vector<16xf32>, vector<16xf32>, vector<16xf32>, vector<16xf32>, vector<16xf32>, vector<16xf32>, vector<16xf32>, vector<16xf32>, vector<16xf32>, vector<16xf32>, vector<16xf32>, vector<16xf32>, vector<16xf32>)  : i32 {
      %add3A_361 = arith.constant 1 : i32
      %add3A_362 = arith.addi %while3A_336, %add3A_361 : i32
      %jit3A_363 = arith.constant 2 : i32
      %eq3A_364 = arith.constant 0 : i32
      %eq3A_365 = arith.cmpi eq, %jit3A_363, %eq3A_364 : i32
      %jit3A_366 = arith.constant 1 : i32
      %select_n3A_367 = arith.select %eq3A_365, %jit3A_366, %jit3A_363 : i32
      %rem3A_368 = arith.remsi %add3A_362, %select_n3A_367 : i32
      %ne3A_369 = arith.constant 0 : i32
      %ne3A_370 = arith.cmpi ne, %rem3A_368, %ne3A_369 : i32
      %lt3A_371 = arith.constant 0 : i32
      %lt3A_372 = arith.cmpi slt, %rem3A_368, %lt3A_371 : i32
      %lt3A_373 = arith.constant 0 : i32
      %lt3A_374 = arith.cmpi slt, %select_n3A_367, %lt3A_373 : i32
      %ne3A_375 = arith.xori %lt3A_372, %lt3A_374 : i1
      %and3A_376 = arith.andi %ne3A_375, %ne3A_370 : i1
      %add3A_377 = arith.addi %rem3A_368, %select_n3A_367 : i32
      %select_n3A_378 = arith.select %and3A_376, %add3A_377, %rem3A_368 : i32
      %dma_wait3A_379 = arith.constant 0 : i32
      %dma_wait3A_380 = arith.constant 0 : i32
      %dma_wait3A_381 = arith.constant 0 : i32
      %dma_wait3A_382 = tpu.memref_slice %arg4[%select_n3A_378, %dma_wait3A_379, %dma_wait3A_380, %dma_wait3A_381] : memref<2x100x2x128xf32, #tpu.memory_space<vmem>> -> memref<1x100x2x128xf32, #tpu.memory_space<vmem>>
      %dma_wait3A_383 = tpu.memref_squeeze %dma_wait3A_382 : memref<1x100x2x128xf32, #tpu.memory_space<vmem>> -> memref<100x2x128xf32, #tpu.memory_space<vmem>>
      %dma_wait3A_384 = arith.constant 0 : i32
      %dma_wait3A_385 = arith.constant 0 : i32
      %dma_wait3A_386 = arith.constant 0 : i32
      %dma_wait3A_387 = tpu.memref_slice %arg2[%dma_wait3A_384, %dma_wait3A_385, %dma_wait3A_386] : memref<10000x2x128xf32, #tpu.memory_space<hbm>> -> memref<100x2x128xf32, #tpu.memory_space<hbm>>
      %dma_wait3A_388 = tpu.memref_slice %arg8[%select_n3A_378] : memref<2x!tpu.dma_semaphore, #tpu.memory_space<semaphore_mem>> -> memref<1x!tpu.dma_semaphore, #tpu.memory_space<semaphore_mem>>
      %dma_wait3A_389 = tpu.memref_squeeze %dma_wait3A_388 : memref<1x!tpu.dma_semaphore, #tpu.memory_space<semaphore_mem>> -> memref<!tpu.dma_semaphore, #tpu.memory_space<semaphore_mem>>
      %dma_wait3A_390 = arith.constant 0 : i32
      %dma_wait3A_391 = arith.constant 0 : i32
      %dma_wait3A_392 = arith.constant 0 : i32
      %dma_wait3A_393 = tpu.memref_slice %arg4[%select_n3A_378, %dma_wait3A_390, %dma_wait3A_391, %dma_wait3A_392] : memref<2x100x2x128xf32, #tpu.memory_space<vmem>> -> memref<1x100x2x128xf32, #tpu.memory_space<vmem>>
      %dma_wait3A_394 = tpu.memref_squeeze %dma_wait3A_393 : memref<1x100x2x128xf32, #tpu.memory_space<vmem>> -> memref<100x2x128xf32, #tpu.memory_space<vmem>>
      %dma_wait3A_395 = arith.constant 0 : i32
      %dma_wait3A_396 = arith.constant 0 : i32
      %dma_wait3A_397 = arith.constant 0 : i32
      %dma_wait3A_398 = tpu.memref_slice %arg2[%dma_wait3A_395, %dma_wait3A_396, %dma_wait3A_397] : memref<10000x2x128xf32, #tpu.memory_space<hbm>> -> memref<100x2x128xf32, #tpu.memory_space<hbm>>
      tpu.wait_dma2 semaphore(%dma_wait3A_389 : memref<!tpu.dma_semaphore, #tpu.memory_space<semaphore_mem>>) src(%dma_wait3A_398 : memref<100x2x128xf32, #tpu.memory_space<hbm>>) dst(%dma_wait3A_394 : memref<100x2x128xf32, #tpu.memory_space<vmem>>)
      %add3A_399 = arith.constant 2 : i32
      %add3A_400 = arith.addi %while3A_336, %add3A_399 : i32
      %le3A = arith.cmpi sle, %add3A_400, %select_n3A_46 : i32
      %convert_element_type3A = arith.extui %le3A : i1 to i32
      %cond3A = arith.constant 0 : i32
      %cond3A_401 = arith.cmpi ne, %convert_element_type3A, %cond3A : i32
      scf.if %cond3A_401 {
        %add3A_976 = arith.constant 2 : i32
        %add3A_977 = arith.addi %while3A_336, %add3A_976 : i32
        %ge3A_978 = arith.constant 100 : i32
        %ge3A_979 = arith.cmpi sge, %add3A_977, %ge3A_978 : i32
        %sub3A_980 = arith.constant 100 : i32
        %sub3A_981 = arith.subi %add3A_977, %sub3A_980 : i32
        %select_n3A_982 = arith.select %ge3A_979, %sub3A_981, %add3A_977 : i32
        %jit3A_983 = arith.constant 2 : i32
        %eq3A_984 = arith.constant 0 : i32
        %eq3A_985 = arith.cmpi eq, %jit3A_983, %eq3A_984 : i32
        %jit3A_986 = arith.constant 1 : i32
        %select_n3A_987 = arith.select %eq3A_985, %jit3A_986, %jit3A_983 : i32
        %rem3A_988 = arith.remsi %add3A_977, %select_n3A_987 : i32
        %ne3A_989 = arith.constant 0 : i32
        %ne3A_990 = arith.cmpi ne, %rem3A_988, %ne3A_989 : i32
        %lt3A_991 = arith.constant 0 : i32
        %lt3A_992 = arith.cmpi slt, %rem3A_988, %lt3A_991 : i32
        %lt3A_993 = arith.constant 0 : i32
        %lt3A_994 = arith.cmpi slt, %select_n3A_987, %lt3A_993 : i32
        %ne3A_995 = arith.xori %lt3A_992, %lt3A_994 : i1
        %and3A_996 = arith.andi %ne3A_995, %ne3A_990 : i1
        %add3A_997 = arith.addi %rem3A_988, %select_n3A_987 : i32
        %select_n3A_998 = arith.select %and3A_996, %add3A_997, %rem3A_988 : i32
        %mul3A_999 = arith.constant 100 : i32
        %mul3A_1000 = arith.muli %select_n3A_982, %mul3A_999 : i32
        %dma_start3A_1001 = arith.constant 0 : i32
        %dma_start3A_1002 = arith.constant 0 : i32
        %dma_start3A_1003 = arith.constant 0 : i32
        %dma_start3A_1004 = tpu.memref_slice %arg4[%select_n3A_998, %dma_start3A_1001, %dma_start3A_1002, %dma_start3A_1003] : memref<2x100x2x128xf32, #tpu.memory_space<vmem>> -> memref<1x100x2x128xf32, #tpu.memory_space<vmem>>
        %dma_start3A_1005 = tpu.memref_squeeze %dma_start3A_1004 : memref<1x100x2x128xf32, #tpu.memory_space<vmem>> -> memref<100x2x128xf32, #tpu.memory_space<vmem>>
        %dma_start3A_1006 = arith.constant 0 : i32
        %dma_start3A_1007 = arith.constant 0 : i32
        %dma_start3A_1008 = tpu.memref_slice %arg2[%mul3A_1000, %dma_start3A_1006, %dma_start3A_1007] : memref<10000x2x128xf32, #tpu.memory_space<hbm>> -> memref<100x2x128xf32, #tpu.memory_space<hbm>>
        %dma_start3A_1009 = tpu.memref_slice %arg8[%select_n3A_998] : memref<2x!tpu.dma_semaphore, #tpu.memory_space<semaphore_mem>> -> memref<1x!tpu.dma_semaphore, #tpu.memory_space<semaphore_mem>>
        %dma_start3A_1010 = tpu.memref_squeeze %dma_start3A_1009 : memref<1x!tpu.dma_semaphore, #tpu.memory_space<semaphore_mem>> -> memref<!tpu.dma_semaphore, #tpu.memory_space<semaphore_mem>>
        %dma_start3A_1011 = arith.constant 0 : i32
        %dma_start3A_1012 = arith.constant 0 : i32
        %dma_start3A_1013 = arith.constant 0 : i32
        %dma_start3A_1014 = tpu.memref_slice %arg4[%select_n3A_998, %dma_start3A_1011, %dma_start3A_1012, %dma_start3A_1013] : memref<2x100x2x128xf32, #tpu.memory_space<vmem>> -> memref<1x100x2x128xf32, #tpu.memory_space<vmem>>
        %dma_start3A_1015 = tpu.memref_squeeze %dma_start3A_1014 : memref<1x100x2x128xf32, #tpu.memory_space<vmem>> -> memref<100x2x128xf32, #tpu.memory_space<vmem>>
        %dma_start3A_1016 = arith.constant 0 : i32
        %dma_start3A_1017 = arith.constant 0 : i32
        %dma_start3A_1018 = tpu.memref_slice %arg2[%mul3A_1000, %dma_start3A_1016, %dma_start3A_1017] : memref<10000x2x128xf32, #tpu.memory_space<hbm>> -> memref<100x2x128xf32, #tpu.memory_space<hbm>>
        tpu.enqueue_dma source(%dma_start3A_1018 : memref<100x2x128xf32, #tpu.memory_space<hbm>>) target(%dma_start3A_1015 : memref<100x2x128xf32, #tpu.memory_space<vmem>>) target_semaphore(%dma_start3A_1010 : memref<!tpu.dma_semaphore, #tpu.memory_space<semaphore_mem>>)
      } else {
      }
      %add3A_402 = arith.constant 1 : i32
      %add3A_403 = arith.addi %while3A_336, %add3A_402 : i32
      %lt3A_404 = arith.cmpi slt, %add3A_403, %select_n3A_46 : i32
      %select_n3A_405 = arith.constant 0.000000e+00 : f32
      %select_n3A_406 = arith.constant 1.000000e+00 : f32
      %select_n3A_407 = arith.select %lt3A_404, %select_n3A_406, %select_n3A_405 : f32
      %broadcast_in_dim3A_408 = vector.broadcast %select_n3A_407 : f32 to vector<16xf32>
      %add3A_409 = arith.constant 1 : i32
      %add3A_410 = arith.addi %while3A_336, %add3A_409 : i32
      %jit3A_411 = arith.constant 2 : i32
      %eq3A_412 = arith.constant 0 : i32
      %eq3A_413 = arith.cmpi eq, %jit3A_411, %eq3A_412 : i32
      %jit3A_414 = arith.constant 1 : i32
      %select_n3A_415 = arith.select %eq3A_413, %jit3A_414, %jit3A_411 : i32
      %rem3A_416 = arith.remsi %add3A_410, %select_n3A_415 : i32
      %ne3A_417 = arith.constant 0 : i32
      %ne3A_418 = arith.cmpi ne, %rem3A_416, %ne3A_417 : i32
      %lt3A_419 = arith.constant 0 : i32
      %lt3A_420 = arith.cmpi slt, %rem3A_416, %lt3A_419 : i32
      %lt3A_421 = arith.constant 0 : i32
      %lt3A_422 = arith.cmpi slt, %select_n3A_415, %lt3A_421 : i32
      %ne3A_423 = arith.xori %lt3A_420, %lt3A_422 : i1
      %and3A_424 = arith.andi %ne3A_423, %ne3A_418 : i1
      %add3A_425 = arith.addi %rem3A_416, %select_n3A_415 : i32
      %select_n3A_426 = arith.select %and3A_424, %add3A_425, %rem3A_416 : i32
      %add3A_427 = arith.constant 1 : i32
      %add3A_428 = arith.addi %while3A_336, %add3A_427 : i32
      %jit3A_429 = arith.constant 2 : i32
      %eq3A_430 = arith.constant 0 : i32
      %eq3A_431 = arith.cmpi eq, %jit3A_429, %eq3A_430 : i32
      %jit3A_432 = arith.constant 1 : i32
      %select_n3A_433 = arith.select %eq3A_431, %jit3A_432, %jit3A_429 : i32
      %rem3A_434 = arith.remsi %add3A_428, %select_n3A_433 : i32
      %ne3A_435 = arith.constant 0 : i32
      %ne3A_436 = arith.cmpi ne, %rem3A_434, %ne3A_435 : i32
      %lt3A_437 = arith.constant 0 : i32
      %lt3A_438 = arith.cmpi slt, %rem3A_434, %lt3A_437 : i32
      %lt3A_439 = arith.constant 0 : i32
      %lt3A_440 = arith.cmpi slt, %select_n3A_433, %lt3A_439 : i32
      %ne3A_441 = arith.xori %lt3A_438, %lt3A_440 : i1
      %and3A_442 = arith.andi %ne3A_441, %ne3A_436 : i1
      %add3A_443 = arith.addi %rem3A_434, %select_n3A_433 : i32
      %select_n3A_444 = arith.select %and3A_442, %add3A_443, %rem3A_434 : i32
      %mul3A_445 = arith.constant 12800 : i32
      %mul3A_446 = arith.muli %select_n3A_444, %mul3A_445 : i32
      %jit3A_447 = arith.constant 2 : i32
      %eq3A_448 = arith.constant 0 : i32
      %eq3A_449 = arith.cmpi eq, %jit3A_447, %eq3A_448 : i32
      %jit3A_450 = arith.constant 1 : i32
      %select_n3A_451 = arith.select %eq3A_449, %jit3A_450, %jit3A_447 : i32
      %rem3A_452 = arith.remsi %while3A_336, %select_n3A_451 : i32
      %ne3A_453 = arith.constant 0 : i32
      %ne3A_454 = arith.cmpi ne, %rem3A_452, %ne3A_453 : i32
      %lt3A_455 = arith.constant 0 : i32
      %lt3A_456 = arith.cmpi slt, %rem3A_452, %lt3A_455 : i32
      %lt3A_457 = arith.constant 0 : i32
      %lt3A_458 = arith.cmpi slt, %select_n3A_451, %lt3A_457 : i32
      %ne3A_459 = arith.xori %lt3A_456, %lt3A_458 : i1
      %and3A_460 = arith.andi %ne3A_459, %ne3A_454 : i1
      %add3A_461 = arith.addi %rem3A_452, %select_n3A_451 : i32
      %select_n3A_462 = arith.select %and3A_460, %add3A_461, %rem3A_452 : i32
      %mul3A_463 = arith.constant 12800 : i32
      %mul3A_464 = arith.muli %select_n3A_462, %mul3A_463 : i32
      %add3A_465 = arith.constant 0 : i32
      %add3A_466 = arith.addi %mul3A_464, %add3A_465 : i32
      %get3A = arith.index_cast %add3A_466 : i32 to index
      %get3A_467 = tpu.vector_load %arg5[%get3A] {strides = array<i32>} : memref<25600xf32, #tpu.memory_space<vmem>>, vector<16xf32>,
      %add3A_468 = arith.constant 0 : i32
      %add3A_469 = arith.addi %mul3A_464, %add3A_468 : i32
      %get3A_470 = arith.index_cast %add3A_469 : i32 to index
      %get3A_471 = tpu.vector_load %arg6[%get3A_470] {strides = array<i32>} : memref<25600xf32, #tpu.memory_space<vmem>>, vector<16xf32>,
      %parallel_loop3A_472 = arith.constant 0 : i32
      %parallel_loop3A_473 = arith.constant 99 : i32
      %parallel_loop3A_474 = arith.constant 1 : i32
      %parallel_loop3A_475:5 = scf.for %parallel_loop3A_976 = %parallel_loop3A_472 to %parallel_loop3A_473 step %parallel_loop3A_474 iter_args(%parallel_loop3A_977 = %while3A_337, %parallel_loop3A_978 = %while3A_345, %parallel_loop3A_979 = %while3A_353, %parallel_loop3A_980 = %get3A_467, %parallel_loop3A_981 = %get3A_471) -> (vector<16xf32>, vector<16xf32>, vector<16xf32>, vector<16xf32>, vector<16xf32>)  : i32 {
        %parallel_loop3A_982 = arith.constant 0 : i32
        %parallel_loop3A_983 = arith.index_cast %select_n3A_426 : i32 to index
        %parallel_loop3A_984 = arith.index_cast %parallel_loop3A_976 : i32 to index
        %parallel_loop3A_985 = arith.index_cast %parallel_loop3A_982 : i32 to index
        %parallel_loop3A_986 = arith.constant 0 : index
        %parallel_loop3A_987 = tpu.vector_load %arg4[%parallel_loop3A_983, %parallel_loop3A_984, %parallel_loop3A_985, %parallel_loop3A_986] {strides = array<i32>} : memref<2x100x2x128xf32, #tpu.memory_space<vmem>>, vector<16xf32>,
        %parallel_loop3A_988 = arith.constant 1 : i32
        %parallel_loop3A_989 = arith.index_cast %select_n3A_426 : i32 to index
        %parallel_loop3A_990 = arith.index_cast %parallel_loop3A_976 : i32 to index
        %parallel_loop3A_991 = arith.index_cast %parallel_loop3A_988 : i32 to index
        %parallel_loop3A_992 = arith.constant 0 : index
        %parallel_loop3A_993 = tpu.vector_load %arg4[%parallel_loop3A_989, %parallel_loop3A_990, %parallel_loop3A_991, %parallel_loop3A_992] {strides = array<i32>} : memref<2x100x2x128xf32, #tpu.memory_space<vmem>>, vector<16xf32>,
        %parallel_loop3A_994 = arith.addf %parallel_loop3A_987, %parallel_loop3A_993 : vector<16xf32>
        %parallel_loop3A_995 = arith.subf %parallel_loop3A_987, %parallel_loop3A_993 : vector<16xf32>
        %parallel_loop3A_996 = arith.constant 0.000000e+00 : f32
        %parallel_loop3A_997 = vector.broadcast %parallel_loop3A_996 : f32 to vector<16xf32>
        %parallel_loop3A_998 = arith.cmpf olt, %parallel_loop3A_995, %parallel_loop3A_997 : vector<16xf32>
        %parallel_loop3A_999 = arith.select %parallel_loop3A_998, %broadcast_in_dim3A_49, %broadcast_in_dim3A_51 : vector<16xi1>, vector<16xf32>
        %parallel_loop3A_1000 = arith.mulf %parallel_loop3A_999, %parallel_loop3A_994 : vector<16xf32>
        %parallel_loop3A_1001 = arith.addf %parallel_loop3A_1000, %parallel_loop3A_995 : vector<16xf32>
        %parallel_loop3A_1002 = arith.constant 128 : i32
        %parallel_loop3A_1003 = arith.muli %parallel_loop3A_976, %parallel_loop3A_1002 : i32
        %parallel_loop3A_1004 = arith.addi %mul3A_446, %parallel_loop3A_1003 : i32
        %parallel_loop3A_1005 = arith.constant 0 : i32
        %parallel_loop3A_1006 = arith.addi %parallel_loop3A_1004, %parallel_loop3A_1005 : i32
        %parallel_loop3A_1007 = arith.index_cast %parallel_loop3A_1006 : i32 to index
        %parallel_loop3A_1008 = tpu.vector_load %arg5[%parallel_loop3A_1007] {strides = array<i32>} : memref<25600xf32, #tpu.memory_space<vmem>>, vector<16xf32>,
        tpu.vector_store %arg5[%parallel_loop3A_1007], %parallel_loop3A_999 {strides = array<i32>} : memref<25600xf32, #tpu.memory_space<vmem>>, vector<16xf32>,
        %parallel_loop3A_1009 = arith.constant 128 : i32
        %parallel_loop3A_1010 = arith.muli %parallel_loop3A_976, %parallel_loop3A_1009 : i32
        %parallel_loop3A_1011 = arith.addi %mul3A_446, %parallel_loop3A_1010 : i32
        %parallel_loop3A_1012 = arith.constant 0 : i32
        %parallel_loop3A_1013 = arith.addi %parallel_loop3A_1011, %parallel_loop3A_1012 : i32
        %parallel_loop3A_1014 = arith.index_cast %parallel_loop3A_1013 : i32 to index
        %parallel_loop3A_1015 = tpu.vector_load %arg6[%parallel_loop3A_1014] {strides = array<i32>} : memref<25600xf32, #tpu.memory_space<vmem>>, vector<16xf32>,
        tpu.vector_store %arg6[%parallel_loop3A_1014], %parallel_loop3A_1001 {strides = array<i32>} : memref<25600xf32, #tpu.memory_space<vmem>>, vector<16xf32>,
        %parallel_loop3A_1016 = arith.constant 1 : i32
        %parallel_loop3A_1017 = arith.addi %parallel_loop3A_976, %parallel_loop3A_1016 : i32
        %parallel_loop3A_1018 = arith.constant 128 : i32
        %parallel_loop3A_1019 = arith.muli %parallel_loop3A_1017, %parallel_loop3A_1018 : i32
        %parallel_loop3A_1020 = arith.addi %mul3A_464, %parallel_loop3A_1019 : i32
        %parallel_loop3A_1021 = arith.constant 0 : i32
        %parallel_loop3A_1022 = arith.addi %parallel_loop3A_1020, %parallel_loop3A_1021 : i32
        %parallel_loop3A_1023 = arith.index_cast %parallel_loop3A_1022 : i32 to index
        %parallel_loop3A_1024 = tpu.vector_load %arg5[%parallel_loop3A_1023] {strides = array<i32>} : memref<25600xf32, #tpu.memory_space<vmem>>, vector<16xf32>,
        %parallel_loop3A_1025 = arith.constant 1 : i32
        %parallel_loop3A_1026 = arith.addi %parallel_loop3A_976, %parallel_loop3A_1025 : i32
        %parallel_loop3A_1027 = arith.constant 128 : i32
        %parallel_loop3A_1028 = arith.muli %parallel_loop3A_1026, %parallel_loop3A_1027 : i32
        %parallel_loop3A_1029 = arith.addi %mul3A_464, %parallel_loop3A_1028 : i32
        %parallel_loop3A_1030 = arith.constant 0 : i32
        %parallel_loop3A_1031 = arith.addi %parallel_loop3A_1029, %parallel_loop3A_1030 : i32
        %parallel_loop3A_1032 = arith.index_cast %parallel_loop3A_1031 : i32 to index
        %parallel_loop3A_1033 = tpu.vector_load %arg6[%parallel_loop3A_1032] {strides = array<i32>} : memref<25600xf32, #tpu.memory_space<vmem>>, vector<16xf32>,
        %parallel_loop3A_1034 = arith.addf %parallel_loop3A_1024, %parallel_loop3A_999 : vector<16xf32>
        %parallel_loop3A_1035 = arith.addf %parallel_loop3A_1033, %parallel_loop3A_1001 : vector<16xf32>
        %parallel_loop3A_1036 = arith.mulf %parallel_loop3A_980, %parallel_loop3A_1034 : vector<16xf32>
        %parallel_loop3A_1037 = arith.addf %parallel_loop3A_978, %parallel_loop3A_1036 : vector<16xf32>
        %parallel_loop3A_1038 = arith.mulf %parallel_loop3A_981, %parallel_loop3A_1034 : vector<16xf32>
        %parallel_loop3A_1039 = arith.addf %parallel_loop3A_979, %parallel_loop3A_1038 : vector<16xf32>
        %parallel_loop3A_1040 = arith.mulf %parallel_loop3A_980, %parallel_loop3A_1035 : vector<16xf32>
        %parallel_loop3A_1041 = arith.addf %parallel_loop3A_1039, %parallel_loop3A_1040 : vector<16xf32>
        %parallel_loop3A_1042 = arith.mulf %parallel_loop3A_994, %broadcast_in_dim3A_408 : vector<16xf32>
        %parallel_loop3A_1043 = arith.addf %parallel_loop3A_977, %parallel_loop3A_1042 : vector<16xf32>
        scf.yield %parallel_loop3A_1043, %parallel_loop3A_1037, %parallel_loop3A_1041, %parallel_loop3A_1024, %parallel_loop3A_1033 : vector<16xf32>, vector<16xf32>, vector<16xf32>, vector<16xf32>, vector<16xf32>
      } {sc.loop_unroll_factor = 3 : i64, sc.parallel_access}
      %get3A_476 = arith.constant 99 : i32
      %get3A_477 = arith.constant 0 : i32
      %get3A_478 = arith.index_cast %select_n3A_426 : i32 to index
      %get3A_479 = arith.index_cast %get3A_476 : i32 to index
      %get3A_480 = arith.index_cast %get3A_477 : i32 to index
      %get3A_481 = arith.constant 0 : index
      %get3A_482 = tpu.vector_load %arg4[%get3A_478, %get3A_479, %get3A_480, %get3A_481] {strides = array<i32>} : memref<2x100x2x128xf32, #tpu.memory_space<vmem>>, vector<16xf32>,
      %get3A_483 = arith.constant 99 : i32
      %get3A_484 = arith.constant 1 : i32
      %get3A_485 = arith.index_cast %select_n3A_426 : i32 to index
      %get3A_486 = arith.index_cast %get3A_483 : i32 to index
      %get3A_487 = arith.index_cast %get3A_484 : i32 to index
      %get3A_488 = arith.constant 0 : index
      %get3A_489 = tpu.vector_load %arg4[%get3A_485, %get3A_486, %get3A_487, %get3A_488] {strides = array<i32>} : memref<2x100x2x128xf32, #tpu.memory_space<vmem>>, vector<16xf32>,
      %add3A_490 = arith.addf %get3A_482, %get3A_489 : vector<16xf32>
      %sub3A_491 = arith.subf %get3A_482, %get3A_489 : vector<16xf32>
      %lt3A_492 = arith.constant 0.000000e+00 : f32
      %lt3A_493 = vector.broadcast %lt3A_492 : f32 to vector<16xf32>
      %lt3A_494 = arith.cmpf olt, %sub3A_491, %lt3A_493 : vector<16xf32>
      %select_n3A_495 = arith.select %lt3A_494, %broadcast_in_dim3A_49, %broadcast_in_dim3A_51 : vector<16xi1>, vector<16xf32>
      %mul3A_496 = arith.mulf %select_n3A_495, %add3A_490 : vector<16xf32>
      %add3A_497 = arith.addf %mul3A_496, %sub3A_491 : vector<16xf32>
      %add3A_498 = arith.constant 12672 : i32
      %add3A_499 = arith.addi %mul3A_446, %add3A_498 : i32
      %add3A_500 = arith.constant 0 : i32
      %add3A_501 = arith.addi %add3A_499, %add3A_500 : i32
      %swap3A_502 = arith.index_cast %add3A_501 : i32 to index
      %swap3A_503 = tpu.vector_load %arg5[%swap3A_502] {strides = array<i32>} : memref<25600xf32, #tpu.memory_space<vmem>>, vector<16xf32>,
      tpu.vector_store %arg5[%swap3A_502], %select_n3A_495 {strides = array<i32>} : memref<25600xf32, #tpu.memory_space<vmem>>, vector<16xf32>,
      %add3A_504 = arith.constant 12672 : i32
      %add3A_505 = arith.addi %mul3A_446, %add3A_504 : i32
      %add3A_506 = arith.constant 0 : i32
      %add3A_507 = arith.addi %add3A_505, %add3A_506 : i32
      %swap3A_508 = arith.index_cast %add3A_507 : i32 to index
      %swap3A_509 = tpu.vector_load %arg6[%swap3A_508] {strides = array<i32>} : memref<25600xf32, #tpu.memory_space<vmem>>, vector<16xf32>,
      tpu.vector_store %arg6[%swap3A_508], %add3A_497 {strides = array<i32>} : memref<25600xf32, #tpu.memory_space<vmem>>, vector<16xf32>,
      %add3A_510 = arith.constant 0 : i32
      %add3A_511 = arith.addi %mul3A_464, %add3A_510 : i32
      %get3A_512 = arith.index_cast %add3A_511 : i32 to index
      %get3A_513 = tpu.vector_load %arg5[%get3A_512] {strides = array<i32>} : memref<25600xf32, #tpu.memory_space<vmem>>, vector<16xf32>,
      %add3A_514 = arith.constant 0 : i32
      %add3A_515 = arith.addi %mul3A_464, %add3A_514 : i32
      %get3A_516 = arith.index_cast %add3A_515 : i32 to index
      %get3A_517 = tpu.vector_load %arg6[%get3A_516] {strides = array<i32>} : memref<25600xf32, #tpu.memory_space<vmem>>, vector<16xf32>,
      %add3A_518 = arith.addf %get3A_513, %select_n3A_495 : vector<16xf32>
      %add3A_519 = arith.addf %get3A_517, %add3A_497 : vector<16xf32>
      %mul3A_520 = arith.mulf %add3A_490, %broadcast_in_dim3A_408 : vector<16xf32>
      %add3A_521 = arith.addf %parallel_loop3A_475#0, %mul3A_520 : vector<16xf32>
      %mul3A_522 = arith.mulf %parallel_loop3A_475#3, %add3A_518 : vector<16xf32>
      %add3A_523 = arith.addf %parallel_loop3A_475#1, %mul3A_522 : vector<16xf32>
      %mul3A_524 = arith.mulf %parallel_loop3A_475#4, %add3A_518 : vector<16xf32>
      %add3A_525 = arith.addf %parallel_loop3A_475#2, %mul3A_524 : vector<16xf32>
      %mul3A_526 = arith.mulf %parallel_loop3A_475#3, %add3A_519 : vector<16xf32>
      %add3A_527 = arith.addf %add3A_525, %mul3A_526 : vector<16xf32>
      %add3A_528 = arith.constant 16 : i32
      %add3A_529 = arith.addi %mul3A_464, %add3A_528 : i32
      %get3A_530 = arith.index_cast %add3A_529 : i32 to index
      %get3A_531 = tpu.vector_load %arg5[%get3A_530] {strides = array<i32>} : memref<25600xf32, #tpu.memory_space<vmem>>, vector<16xf32>,
      %add3A_532 = arith.constant 16 : i32
      %add3A_533 = arith.addi %mul3A_464, %add3A_532 : i32
      %get3A_534 = arith.index_cast %add3A_533 : i32 to index
      %get3A_535 = tpu.vector_load %arg6[%get3A_534] {strides = array<i32>} : memref<25600xf32, #tpu.memory_space<vmem>>, vector<16xf32>,
      %parallel_loop3A_536 = arith.constant 0 : i32
      %parallel_loop3A_537 = arith.constant 99 : i32
      %parallel_loop3A_538 = arith.constant 1 : i32
      %parallel_loop3A_539:5 = scf.for %parallel_loop3A_976 = %parallel_loop3A_536 to %parallel_loop3A_537 step %parallel_loop3A_538 iter_args(%parallel_loop3A_977 = %while3A_338, %parallel_loop3A_978 = %while3A_346, %parallel_loop3A_979 = %while3A_354, %parallel_loop3A_980 = %get3A_531, %parallel_loop3A_981 = %get3A_535) -> (vector<16xf32>, vector<16xf32>, vector<16xf32>, vector<16xf32>, vector<16xf32>)  : i32 {
        %parallel_loop3A_982 = arith.constant 0 : i32
        %parallel_loop3A_983 = arith.index_cast %select_n3A_426 : i32 to index
        %parallel_loop3A_984 = arith.index_cast %parallel_loop3A_976 : i32 to index
        %parallel_loop3A_985 = arith.index_cast %parallel_loop3A_982 : i32 to index
        %parallel_loop3A_986 = arith.constant 16 : index
        %parallel_loop3A_987 = tpu.vector_load %arg4[%parallel_loop3A_983, %parallel_loop3A_984, %parallel_loop3A_985, %parallel_loop3A_986] {strides = array<i32>} : memref<2x100x2x128xf32, #tpu.memory_space<vmem>>, vector<16xf32>,
        %parallel_loop3A_988 = arith.constant 1 : i32
        %parallel_loop3A_989 = arith.index_cast %select_n3A_426 : i32 to index
        %parallel_loop3A_990 = arith.index_cast %parallel_loop3A_976 : i32 to index
        %parallel_loop3A_991 = arith.index_cast %parallel_loop3A_988 : i32 to index
        %parallel_loop3A_992 = arith.constant 16 : index
        %parallel_loop3A_993 = tpu.vector_load %arg4[%parallel_loop3A_989, %parallel_loop3A_990, %parallel_loop3A_991, %parallel_loop3A_992] {strides = array<i32>} : memref<2x100x2x128xf32, #tpu.memory_space<vmem>>, vector<16xf32>,
        %parallel_loop3A_994 = arith.addf %parallel_loop3A_987, %parallel_loop3A_993 : vector<16xf32>
        %parallel_loop3A_995 = arith.subf %parallel_loop3A_987, %parallel_loop3A_993 : vector<16xf32>
        %parallel_loop3A_996 = arith.constant 0.000000e+00 : f32
        %parallel_loop3A_997 = vector.broadcast %parallel_loop3A_996 : f32 to vector<16xf32>
        %parallel_loop3A_998 = arith.cmpf olt, %parallel_loop3A_995, %parallel_loop3A_997 : vector<16xf32>
        %parallel_loop3A_999 = arith.select %parallel_loop3A_998, %broadcast_in_dim3A_49, %broadcast_in_dim3A_51 : vector<16xi1>, vector<16xf32>
        %parallel_loop3A_1000 = arith.mulf %parallel_loop3A_999, %parallel_loop3A_994 : vector<16xf32>
        %parallel_loop3A_1001 = arith.addf %parallel_loop3A_1000, %parallel_loop3A_995 : vector<16xf32>
        %parallel_loop3A_1002 = arith.constant 128 : i32
        %parallel_loop3A_1003 = arith.muli %parallel_loop3A_976, %parallel_loop3A_1002 : i32
        %parallel_loop3A_1004 = arith.addi %mul3A_446, %parallel_loop3A_1003 : i32
        %parallel_loop3A_1005 = arith.constant 16 : i32
        %parallel_loop3A_1006 = arith.addi %parallel_loop3A_1004, %parallel_loop3A_1005 : i32
        %parallel_loop3A_1007 = arith.index_cast %parallel_loop3A_1006 : i32 to index
        %parallel_loop3A_1008 = tpu.vector_load %arg5[%parallel_loop3A_1007] {strides = array<i32>} : memref<25600xf32, #tpu.memory_space<vmem>>, vector<16xf32>,
        tpu.vector_store %arg5[%parallel_loop3A_1007], %parallel_loop3A_999 {strides = array<i32>} : memref<25600xf32, #tpu.memory_space<vmem>>, vector<16xf32>,
        %parallel_loop3A_1009 = arith.constant 128 : i32
        %parallel_loop3A_1010 = arith.muli %parallel_loop3A_976, %parallel_loop3A_1009 : i32
        %parallel_loop3A_1011 = arith.addi %mul3A_446, %parallel_loop3A_1010 : i32
        %parallel_loop3A_1012 = arith.constant 16 : i32
        %parallel_loop3A_1013 = arith.addi %parallel_loop3A_1011, %parallel_loop3A_1012 : i32
        %parallel_loop3A_1014 = arith.index_cast %parallel_loop3A_1013 : i32 to index
        %parallel_loop3A_1015 = tpu.vector_load %arg6[%parallel_loop3A_1014] {strides = array<i32>} : memref<25600xf32, #tpu.memory_space<vmem>>, vector<16xf32>,
        tpu.vector_store %arg6[%parallel_loop3A_1014], %parallel_loop3A_1001 {strides = array<i32>} : memref<25600xf32, #tpu.memory_space<vmem>>, vector<16xf32>,
        %parallel_loop3A_1016 = arith.constant 1 : i32
        %parallel_loop3A_1017 = arith.addi %parallel_loop3A_976, %parallel_loop3A_1016 : i32
        %parallel_loop3A_1018 = arith.constant 128 : i32
        %parallel_loop3A_1019 = arith.muli %parallel_loop3A_1017, %parallel_loop3A_1018 : i32
        %parallel_loop3A_1020 = arith.addi %mul3A_464, %parallel_loop3A_1019 : i32
        %parallel_loop3A_1021 = arith.constant 16 : i32
        %parallel_loop3A_1022 = arith.addi %parallel_loop3A_1020, %parallel_loop3A_1021 : i32
        %parallel_loop3A_1023 = arith.index_cast %parallel_loop3A_1022 : i32 to index
        %parallel_loop3A_1024 = tpu.vector_load %arg5[%parallel_loop3A_1023] {strides = array<i32>} : memref<25600xf32, #tpu.memory_space<vmem>>, vector<16xf32>,
        %parallel_loop3A_1025 = arith.constant 1 : i32
        %parallel_loop3A_1026 = arith.addi %parallel_loop3A_976, %parallel_loop3A_1025 : i32
        %parallel_loop3A_1027 = arith.constant 128 : i32
        %parallel_loop3A_1028 = arith.muli %parallel_loop3A_1026, %parallel_loop3A_1027 : i32
        %parallel_loop3A_1029 = arith.addi %mul3A_464, %parallel_loop3A_1028 : i32
        %parallel_loop3A_1030 = arith.constant 16 : i32
        %parallel_loop3A_1031 = arith.addi %parallel_loop3A_1029, %parallel_loop3A_1030 : i32
        %parallel_loop3A_1032 = arith.index_cast %parallel_loop3A_1031 : i32 to index
        %parallel_loop3A_1033 = tpu.vector_load %arg6[%parallel_loop3A_1032] {strides = array<i32>} : memref<25600xf32, #tpu.memory_space<vmem>>, vector<16xf32>,
        %parallel_loop3A_1034 = arith.addf %parallel_loop3A_1024, %parallel_loop3A_999 : vector<16xf32>
        %parallel_loop3A_1035 = arith.addf %parallel_loop3A_1033, %parallel_loop3A_1001 : vector<16xf32>
        %parallel_loop3A_1036 = arith.mulf %parallel_loop3A_980, %parallel_loop3A_1034 : vector<16xf32>
        %parallel_loop3A_1037 = arith.addf %parallel_loop3A_978, %parallel_loop3A_1036 : vector<16xf32>
        %parallel_loop3A_1038 = arith.mulf %parallel_loop3A_981, %parallel_loop3A_1034 : vector<16xf32>
        %parallel_loop3A_1039 = arith.addf %parallel_loop3A_979, %parallel_loop3A_1038 : vector<16xf32>
        %parallel_loop3A_1040 = arith.mulf %parallel_loop3A_980, %parallel_loop3A_1035 : vector<16xf32>
        %parallel_loop3A_1041 = arith.addf %parallel_loop3A_1039, %parallel_loop3A_1040 : vector<16xf32>
        %parallel_loop3A_1042 = arith.mulf %parallel_loop3A_994, %broadcast_in_dim3A_408 : vector<16xf32>
        %parallel_loop3A_1043 = arith.addf %parallel_loop3A_977, %parallel_loop3A_1042 : vector<16xf32>
        scf.yield %parallel_loop3A_1043, %parallel_loop3A_1037, %parallel_loop3A_1041, %parallel_loop3A_1024, %parallel_loop3A_1033 : vector<16xf32>, vector<16xf32>, vector<16xf32>, vector<16xf32>, vector<16xf32>
      } {sc.loop_unroll_factor = 3 : i64, sc.parallel_access}
      %get3A_540 = arith.constant 99 : i32
      %get3A_541 = arith.constant 0 : i32
      %get3A_542 = arith.index_cast %select_n3A_426 : i32 to index
      %get3A_543 = arith.index_cast %get3A_540 : i32 to index
      %get3A_544 = arith.index_cast %get3A_541 : i32 to index
      %get3A_545 = arith.constant 16 : index
      %get3A_546 = tpu.vector_load %arg4[%get3A_542, %get3A_543, %get3A_544, %get3A_545] {strides = array<i32>} : memref<2x100x2x128xf32, #tpu.memory_space<vmem>>, vector<16xf32>,
      %get3A_547 = arith.constant 99 : i32
      %get3A_548 = arith.constant 1 : i32
      %get3A_549 = arith.index_cast %select_n3A_426 : i32 to index
      %get3A_550 = arith.index_cast %get3A_547 : i32 to index
      %get3A_551 = arith.index_cast %get3A_548 : i32 to index
      %get3A_552 = arith.constant 16 : index
      %get3A_553 = tpu.vector_load %arg4[%get3A_549, %get3A_550, %get3A_551, %get3A_552] {strides = array<i32>} : memref<2x100x2x128xf32, #tpu.memory_space<vmem>>, vector<16xf32>,
      %add3A_554 = arith.addf %get3A_546, %get3A_553 : vector<16xf32>
      %sub3A_555 = arith.subf %get3A_546, %get3A_553 : vector<16xf32>
      %lt3A_556 = arith.constant 0.000000e+00 : f32
      %lt3A_557 = vector.broadcast %lt3A_556 : f32 to vector<16xf32>
      %lt3A_558 = arith.cmpf olt, %sub3A_555, %lt3A_557 : vector<16xf32>
      %select_n3A_559 = arith.select %lt3A_558, %broadcast_in_dim3A_49, %broadcast_in_dim3A_51 : vector<16xi1>, vector<16xf32>
      %mul3A_560 = arith.mulf %select_n3A_559, %add3A_554 : vector<16xf32>
      %add3A_561 = arith.addf %mul3A_560, %sub3A_555 : vector<16xf32>
      %add3A_562 = arith.constant 12672 : i32
      %add3A_563 = arith.addi %mul3A_446, %add3A_562 : i32
      %add3A_564 = arith.constant 16 : i32
      %add3A_565 = arith.addi %add3A_563, %add3A_564 : i32
      %swap3A_566 = arith.index_cast %add3A_565 : i32 to index
      %swap3A_567 = tpu.vector_load %arg5[%swap3A_566] {strides = array<i32>} : memref<25600xf32, #tpu.memory_space<vmem>>, vector<16xf32>,
      tpu.vector_store %arg5[%swap3A_566], %select_n3A_559 {strides = array<i32>} : memref<25600xf32, #tpu.memory_space<vmem>>, vector<16xf32>,
      %add3A_568 = arith.constant 12672 : i32
      %add3A_569 = arith.addi %mul3A_446, %add3A_568 : i32
      %add3A_570 = arith.constant 16 : i32
      %add3A_571 = arith.addi %add3A_569, %add3A_570 : i32
      %swap3A_572 = arith.index_cast %add3A_571 : i32 to index
      %swap3A_573 = tpu.vector_load %arg6[%swap3A_572] {strides = array<i32>} : memref<25600xf32, #tpu.memory_space<vmem>>, vector<16xf32>,
      tpu.vector_store %arg6[%swap3A_572], %add3A_561 {strides = array<i32>} : memref<25600xf32, #tpu.memory_space<vmem>>, vector<16xf32>,
      %add3A_574 = arith.constant 16 : i32
      %add3A_575 = arith.addi %mul3A_464, %add3A_574 : i32
      %get3A_576 = arith.index_cast %add3A_575 : i32 to index
      %get3A_577 = tpu.vector_load %arg5[%get3A_576] {strides = array<i32>} : memref<25600xf32, #tpu.memory_space<vmem>>, vector<16xf32>,
      %add3A_578 = arith.constant 16 : i32
      %add3A_579 = arith.addi %mul3A_464, %add3A_578 : i32
      %get3A_580 = arith.index_cast %add3A_579 : i32 to index
      %get3A_581 = tpu.vector_load %arg6[%get3A_580] {strides = array<i32>} : memref<25600xf32, #tpu.memory_space<vmem>>, vector<16xf32>,
      %add3A_582 = arith.addf %get3A_577, %select_n3A_559 : vector<16xf32>
      %add3A_583 = arith.addf %get3A_581, %add3A_561 : vector<16xf32>
      %mul3A_584 = arith.mulf %add3A_554, %broadcast_in_dim3A_408 : vector<16xf32>
      %add3A_585 = arith.addf %parallel_loop3A_539#0, %mul3A_584 : vector<16xf32>
      %mul3A_586 = arith.mulf %parallel_loop3A_539#3, %add3A_582 : vector<16xf32>
      %add3A_587 = arith.addf %parallel_loop3A_539#1, %mul3A_586 : vector<16xf32>
      %mul3A_588 = arith.mulf %parallel_loop3A_539#4, %add3A_582 : vector<16xf32>
      %add3A_589 = arith.addf %parallel_loop3A_539#2, %mul3A_588 : vector<16xf32>
      %mul3A_590 = arith.mulf %parallel_loop3A_539#3, %add3A_583 : vector<16xf32>
      %add3A_591 = arith.addf %add3A_589, %mul3A_590 : vector<16xf32>
      %add3A_592 = arith.constant 32 : i32
      %add3A_593 = arith.addi %mul3A_464, %add3A_592 : i32
      %get3A_594 = arith.index_cast %add3A_593 : i32 to index
      %get3A_595 = tpu.vector_load %arg5[%get3A_594] {strides = array<i32>} : memref<25600xf32, #tpu.memory_space<vmem>>, vector<16xf32>,
      %add3A_596 = arith.constant 32 : i32
      %add3A_597 = arith.addi %mul3A_464, %add3A_596 : i32
      %get3A_598 = arith.index_cast %add3A_597 : i32 to index
      %get3A_599 = tpu.vector_load %arg6[%get3A_598] {strides = array<i32>} : memref<25600xf32, #tpu.memory_space<vmem>>, vector<16xf32>,
      %parallel_loop3A_600 = arith.constant 0 : i32
      %parallel_loop3A_601 = arith.constant 99 : i32
      %parallel_loop3A_602 = arith.constant 1 : i32
      %parallel_loop3A_603:5 = scf.for %parallel_loop3A_976 = %parallel_loop3A_600 to %parallel_loop3A_601 step %parallel_loop3A_602 iter_args(%parallel_loop3A_977 = %while3A_339, %parallel_loop3A_978 = %while3A_347, %parallel_loop3A_979 = %while3A_355, %parallel_loop3A_980 = %get3A_595, %parallel_loop3A_981 = %get3A_599) -> (vector<16xf32>, vector<16xf32>, vector<16xf32>, vector<16xf32>, vector<16xf32>)  : i32 {
        %parallel_loop3A_982 = arith.constant 0 : i32
        %parallel_loop3A_983 = arith.index_cast %select_n3A_426 : i32 to index
        %parallel_loop3A_984 = arith.index_cast %parallel_loop3A_976 : i32 to index
        %parallel_loop3A_985 = arith.index_cast %parallel_loop3A_982 : i32 to index
        %parallel_loop3A_986 = arith.constant 32 : index
        %parallel_loop3A_987 = tpu.vector_load %arg4[%parallel_loop3A_983, %parallel_loop3A_984, %parallel_loop3A_985, %parallel_loop3A_986] {strides = array<i32>} : memref<2x100x2x128xf32, #tpu.memory_space<vmem>>, vector<16xf32>,
        %parallel_loop3A_988 = arith.constant 1 : i32
        %parallel_loop3A_989 = arith.index_cast %select_n3A_426 : i32 to index
        %parallel_loop3A_990 = arith.index_cast %parallel_loop3A_976 : i32 to index
        %parallel_loop3A_991 = arith.index_cast %parallel_loop3A_988 : i32 to index
        %parallel_loop3A_992 = arith.constant 32 : index
        %parallel_loop3A_993 = tpu.vector_load %arg4[%parallel_loop3A_989, %parallel_loop3A_990, %parallel_loop3A_991, %parallel_loop3A_992] {strides = array<i32>} : memref<2x100x2x128xf32, #tpu.memory_space<vmem>>, vector<16xf32>,
        %parallel_loop3A_994 = arith.addf %parallel_loop3A_987, %parallel_loop3A_993 : vector<16xf32>
        %parallel_loop3A_995 = arith.subf %parallel_loop3A_987, %parallel_loop3A_993 : vector<16xf32>
        %parallel_loop3A_996 = arith.constant 0.000000e+00 : f32
        %parallel_loop3A_997 = vector.broadcast %parallel_loop3A_996 : f32 to vector<16xf32>
        %parallel_loop3A_998 = arith.cmpf olt, %parallel_loop3A_995, %parallel_loop3A_997 : vector<16xf32>
        %parallel_loop3A_999 = arith.select %parallel_loop3A_998, %broadcast_in_dim3A_49, %broadcast_in_dim3A_51 : vector<16xi1>, vector<16xf32>
        %parallel_loop3A_1000 = arith.mulf %parallel_loop3A_999, %parallel_loop3A_994 : vector<16xf32>
        %parallel_loop3A_1001 = arith.addf %parallel_loop3A_1000, %parallel_loop3A_995 : vector<16xf32>
        %parallel_loop3A_1002 = arith.constant 128 : i32
        %parallel_loop3A_1003 = arith.muli %parallel_loop3A_976, %parallel_loop3A_1002 : i32
        %parallel_loop3A_1004 = arith.addi %mul3A_446, %parallel_loop3A_1003 : i32
        %parallel_loop3A_1005 = arith.constant 32 : i32
        %parallel_loop3A_1006 = arith.addi %parallel_loop3A_1004, %parallel_loop3A_1005 : i32
        %parallel_loop3A_1007 = arith.index_cast %parallel_loop3A_1006 : i32 to index
        %parallel_loop3A_1008 = tpu.vector_load %arg5[%parallel_loop3A_1007] {strides = array<i32>} : memref<25600xf32, #tpu.memory_space<vmem>>, vector<16xf32>,
        tpu.vector_store %arg5[%parallel_loop3A_1007], %parallel_loop3A_999 {strides = array<i32>} : memref<25600xf32, #tpu.memory_space<vmem>>, vector<16xf32>,
        %parallel_loop3A_1009 = arith.constant 128 : i32
        %parallel_loop3A_1010 = arith.muli %parallel_loop3A_976, %parallel_loop3A_1009 : i32
        %parallel_loop3A_1011 = arith.addi %mul3A_446, %parallel_loop3A_1010 : i32
        %parallel_loop3A_1012 = arith.constant 32 : i32
        %parallel_loop3A_1013 = arith.addi %parallel_loop3A_1011, %parallel_loop3A_1012 : i32
        %parallel_loop3A_1014 = arith.index_cast %parallel_loop3A_1013 : i32 to index
        %parallel_loop3A_1015 = tpu.vector_load %arg6[%parallel_loop3A_1014] {strides = array<i32>} : memref<25600xf32, #tpu.memory_space<vmem>>, vector<16xf32>,
        tpu.vector_store %arg6[%parallel_loop3A_1014], %parallel_loop3A_1001 {strides = array<i32>} : memref<25600xf32, #tpu.memory_space<vmem>>, vector<16xf32>,
        %parallel_loop3A_1016 = arith.constant 1 : i32
        %parallel_loop3A_1017 = arith.addi %parallel_loop3A_976, %parallel_loop3A_1016 : i32
        %parallel_loop3A_1018 = arith.constant 128 : i32
        %parallel_loop3A_1019 = arith.muli %parallel_loop3A_1017, %parallel_loop3A_1018 : i32
        %parallel_loop3A_1020 = arith.addi %mul3A_464, %parallel_loop3A_1019 : i32
        %parallel_loop3A_1021 = arith.constant 32 : i32
        %parallel_loop3A_1022 = arith.addi %parallel_loop3A_1020, %parallel_loop3A_1021 : i32
        %parallel_loop3A_1023 = arith.index_cast %parallel_loop3A_1022 : i32 to index
        %parallel_loop3A_1024 = tpu.vector_load %arg5[%parallel_loop3A_1023] {strides = array<i32>} : memref<25600xf32, #tpu.memory_space<vmem>>, vector<16xf32>,
        %parallel_loop3A_1025 = arith.constant 1 : i32
        %parallel_loop3A_1026 = arith.addi %parallel_loop3A_976, %parallel_loop3A_1025 : i32
        %parallel_loop3A_1027 = arith.constant 128 : i32
        %parallel_loop3A_1028 = arith.muli %parallel_loop3A_1026, %parallel_loop3A_1027 : i32
        %parallel_loop3A_1029 = arith.addi %mul3A_464, %parallel_loop3A_1028 : i32
        %parallel_loop3A_1030 = arith.constant 32 : i32
        %parallel_loop3A_1031 = arith.addi %parallel_loop3A_1029, %parallel_loop3A_1030 : i32
        %parallel_loop3A_1032 = arith.index_cast %parallel_loop3A_1031 : i32 to index
        %parallel_loop3A_1033 = tpu.vector_load %arg6[%parallel_loop3A_1032] {strides = array<i32>} : memref<25600xf32, #tpu.memory_space<vmem>>, vector<16xf32>,
        %parallel_loop3A_1034 = arith.addf %parallel_loop3A_1024, %parallel_loop3A_999 : vector<16xf32>
        %parallel_loop3A_1035 = arith.addf %parallel_loop3A_1033, %parallel_loop3A_1001 : vector<16xf32>
        %parallel_loop3A_1036 = arith.mulf %parallel_loop3A_980, %parallel_loop3A_1034 : vector<16xf32>
        %parallel_loop3A_1037 = arith.addf %parallel_loop3A_978, %parallel_loop3A_1036 : vector<16xf32>
        %parallel_loop3A_1038 = arith.mulf %parallel_loop3A_981, %parallel_loop3A_1034 : vector<16xf32>
        %parallel_loop3A_1039 = arith.addf %parallel_loop3A_979, %parallel_loop3A_1038 : vector<16xf32>
        %parallel_loop3A_1040 = arith.mulf %parallel_loop3A_980, %parallel_loop3A_1035 : vector<16xf32>
        %parallel_loop3A_1041 = arith.addf %parallel_loop3A_1039, %parallel_loop3A_1040 : vector<16xf32>
        %parallel_loop3A_1042 = arith.mulf %parallel_loop3A_994, %broadcast_in_dim3A_408 : vector<16xf32>
        %parallel_loop3A_1043 = arith.addf %parallel_loop3A_977, %parallel_loop3A_1042 : vector<16xf32>
        scf.yield %parallel_loop3A_1043, %parallel_loop3A_1037, %parallel_loop3A_1041, %parallel_loop3A_1024, %parallel_loop3A_1033 : vector<16xf32>, vector<16xf32>, vector<16xf32>, vector<16xf32>, vector<16xf32>
      } {sc.loop_unroll_factor = 3 : i64, sc.parallel_access}
      %get3A_604 = arith.constant 99 : i32
      %get3A_605 = arith.constant 0 : i32
      %get3A_606 = arith.index_cast %select_n3A_426 : i32 to index
      %get3A_607 = arith.index_cast %get3A_604 : i32 to index
      %get3A_608 = arith.index_cast %get3A_605 : i32 to index
      %get3A_609 = arith.constant 32 : index
      %get3A_610 = tpu.vector_load %arg4[%get3A_606, %get3A_607, %get3A_608, %get3A_609] {strides = array<i32>} : memref<2x100x2x128xf32, #tpu.memory_space<vmem>>, vector<16xf32>,
      %get3A_611 = arith.constant 99 : i32
      %get3A_612 = arith.constant 1 : i32
      %get3A_613 = arith.index_cast %select_n3A_426 : i32 to index
      %get3A_614 = arith.index_cast %get3A_611 : i32 to index
      %get3A_615 = arith.index_cast %get3A_612 : i32 to index
      %get3A_616 = arith.constant 32 : index
      %get3A_617 = tpu.vector_load %arg4[%get3A_613, %get3A_614, %get3A_615, %get3A_616] {strides = array<i32>} : memref<2x100x2x128xf32, #tpu.memory_space<vmem>>, vector<16xf32>,
      %add3A_618 = arith.addf %get3A_610, %get3A_617 : vector<16xf32>
      %sub3A_619 = arith.subf %get3A_610, %get3A_617 : vector<16xf32>
      %lt3A_620 = arith.constant 0.000000e+00 : f32
      %lt3A_621 = vector.broadcast %lt3A_620 : f32 to vector<16xf32>
      %lt3A_622 = arith.cmpf olt, %sub3A_619, %lt3A_621 : vector<16xf32>
      %select_n3A_623 = arith.select %lt3A_622, %broadcast_in_dim3A_49, %broadcast_in_dim3A_51 : vector<16xi1>, vector<16xf32>
      %mul3A_624 = arith.mulf %select_n3A_623, %add3A_618 : vector<16xf32>
      %add3A_625 = arith.addf %mul3A_624, %sub3A_619 : vector<16xf32>
      %add3A_626 = arith.constant 12672 : i32
      %add3A_627 = arith.addi %mul3A_446, %add3A_626 : i32
      %add3A_628 = arith.constant 32 : i32
      %add3A_629 = arith.addi %add3A_627, %add3A_628 : i32
      %swap3A_630 = arith.index_cast %add3A_629 : i32 to index
      %swap3A_631 = tpu.vector_load %arg5[%swap3A_630] {strides = array<i32>} : memref<25600xf32, #tpu.memory_space<vmem>>, vector<16xf32>,
      tpu.vector_store %arg5[%swap3A_630], %select_n3A_623 {strides = array<i32>} : memref<25600xf32, #tpu.memory_space<vmem>>, vector<16xf32>,
      %add3A_632 = arith.constant 12672 : i32
      %add3A_633 = arith.addi %mul3A_446, %add3A_632 : i32
      %add3A_634 = arith.constant 32 : i32
      %add3A_635 = arith.addi %add3A_633, %add3A_634 : i32
      %swap3A_636 = arith.index_cast %add3A_635 : i32 to index
      %swap3A_637 = tpu.vector_load %arg6[%swap3A_636] {strides = array<i32>} : memref<25600xf32, #tpu.memory_space<vmem>>, vector<16xf32>,
      tpu.vector_store %arg6[%swap3A_636], %add3A_625 {strides = array<i32>} : memref<25600xf32, #tpu.memory_space<vmem>>, vector<16xf32>,
      %add3A_638 = arith.constant 32 : i32
      %add3A_639 = arith.addi %mul3A_464, %add3A_638 : i32
      %get3A_640 = arith.index_cast %add3A_639 : i32 to index
      %get3A_641 = tpu.vector_load %arg5[%get3A_640] {strides = array<i32>} : memref<25600xf32, #tpu.memory_space<vmem>>, vector<16xf32>,
      %add3A_642 = arith.constant 32 : i32
      %add3A_643 = arith.addi %mul3A_464, %add3A_642 : i32
      %get3A_644 = arith.index_cast %add3A_643 : i32 to index
      %get3A_645 = tpu.vector_load %arg6[%get3A_644] {strides = array<i32>} : memref<25600xf32, #tpu.memory_space<vmem>>, vector<16xf32>,
      %add3A_646 = arith.addf %get3A_641, %select_n3A_623 : vector<16xf32>
      %add3A_647 = arith.addf %get3A_645, %add3A_625 : vector<16xf32>
      %mul3A_648 = arith.mulf %add3A_618, %broadcast_in_dim3A_408 : vector<16xf32>
      %add3A_649 = arith.addf %parallel_loop3A_603#0, %mul3A_648 : vector<16xf32>
      %mul3A_650 = arith.mulf %parallel_loop3A_603#3, %add3A_646 : vector<16xf32>
      %add3A_651 = arith.addf %parallel_loop3A_603#1, %mul3A_650 : vector<16xf32>
      %mul3A_652 = arith.mulf %parallel_loop3A_603#4, %add3A_646 : vector<16xf32>
      %add3A_653 = arith.addf %parallel_loop3A_603#2, %mul3A_652 : vector<16xf32>
      %mul3A_654 = arith.mulf %parallel_loop3A_603#3, %add3A_647 : vector<16xf32>
      %add3A_655 = arith.addf %add3A_653, %mul3A_654 : vector<16xf32>
      %add3A_656 = arith.constant 48 : i32
      %add3A_657 = arith.addi %mul3A_464, %add3A_656 : i32
      %get3A_658 = arith.index_cast %add3A_657 : i32 to index
      %get3A_659 = tpu.vector_load %arg5[%get3A_658] {strides = array<i32>} : memref<25600xf32, #tpu.memory_space<vmem>>, vector<16xf32>,
      %add3A_660 = arith.constant 48 : i32
      %add3A_661 = arith.addi %mul3A_464, %add3A_660 : i32
      %get3A_662 = arith.index_cast %add3A_661 : i32 to index
      %get3A_663 = tpu.vector_load %arg6[%get3A_662] {strides = array<i32>} : memref<25600xf32, #tpu.memory_space<vmem>>, vector<16xf32>,
      %parallel_loop3A_664 = arith.constant 0 : i32
      %parallel_loop3A_665 = arith.constant 99 : i32
      %parallel_loop3A_666 = arith.constant 1 : i32
      %parallel_loop3A_667:5 = scf.for %parallel_loop3A_976 = %parallel_loop3A_664 to %parallel_loop3A_665 step %parallel_loop3A_666 iter_args(%parallel_loop3A_977 = %while3A_340, %parallel_loop3A_978 = %while3A_348, %parallel_loop3A_979 = %while3A_356, %parallel_loop3A_980 = %get3A_659, %parallel_loop3A_981 = %get3A_663) -> (vector<16xf32>, vector<16xf32>, vector<16xf32>, vector<16xf32>, vector<16xf32>)  : i32 {
        %parallel_loop3A_982 = arith.constant 0 : i32
        %parallel_loop3A_983 = arith.index_cast %select_n3A_426 : i32 to index
        %parallel_loop3A_984 = arith.index_cast %parallel_loop3A_976 : i32 to index
        %parallel_loop3A_985 = arith.index_cast %parallel_loop3A_982 : i32 to index
        %parallel_loop3A_986 = arith.constant 48 : index
        %parallel_loop3A_987 = tpu.vector_load %arg4[%parallel_loop3A_983, %parallel_loop3A_984, %parallel_loop3A_985, %parallel_loop3A_986] {strides = array<i32>} : memref<2x100x2x128xf32, #tpu.memory_space<vmem>>, vector<16xf32>,
        %parallel_loop3A_988 = arith.constant 1 : i32
        %parallel_loop3A_989 = arith.index_cast %select_n3A_426 : i32 to index
        %parallel_loop3A_990 = arith.index_cast %parallel_loop3A_976 : i32 to index
        %parallel_loop3A_991 = arith.index_cast %parallel_loop3A_988 : i32 to index
        %parallel_loop3A_992 = arith.constant 48 : index
        %parallel_loop3A_993 = tpu.vector_load %arg4[%parallel_loop3A_989, %parallel_loop3A_990, %parallel_loop3A_991, %parallel_loop3A_992] {strides = array<i32>} : memref<2x100x2x128xf32, #tpu.memory_space<vmem>>, vector<16xf32>,
        %parallel_loop3A_994 = arith.addf %parallel_loop3A_987, %parallel_loop3A_993 : vector<16xf32>
        %parallel_loop3A_995 = arith.subf %parallel_loop3A_987, %parallel_loop3A_993 : vector<16xf32>
        %parallel_loop3A_996 = arith.constant 0.000000e+00 : f32
        %parallel_loop3A_997 = vector.broadcast %parallel_loop3A_996 : f32 to vector<16xf32>
        %parallel_loop3A_998 = arith.cmpf olt, %parallel_loop3A_995, %parallel_loop3A_997 : vector<16xf32>
        %parallel_loop3A_999 = arith.select %parallel_loop3A_998, %broadcast_in_dim3A_49, %broadcast_in_dim3A_51 : vector<16xi1>, vector<16xf32>
        %parallel_loop3A_1000 = arith.mulf %parallel_loop3A_999, %parallel_loop3A_994 : vector<16xf32>
        %parallel_loop3A_1001 = arith.addf %parallel_loop3A_1000, %parallel_loop3A_995 : vector<16xf32>
        %parallel_loop3A_1002 = arith.constant 128 : i32
        %parallel_loop3A_1003 = arith.muli %parallel_loop3A_976, %parallel_loop3A_1002 : i32
        %parallel_loop3A_1004 = arith.addi %mul3A_446, %parallel_loop3A_1003 : i32
        %parallel_loop3A_1005 = arith.constant 48 : i32
        %parallel_loop3A_1006 = arith.addi %parallel_loop3A_1004, %parallel_loop3A_1005 : i32
        %parallel_loop3A_1007 = arith.index_cast %parallel_loop3A_1006 : i32 to index
        %parallel_loop3A_1008 = tpu.vector_load %arg5[%parallel_loop3A_1007] {strides = array<i32>} : memref<25600xf32, #tpu.memory_space<vmem>>, vector<16xf32>,
        tpu.vector_store %arg5[%parallel_loop3A_1007], %parallel_loop3A_999 {strides = array<i32>} : memref<25600xf32, #tpu.memory_space<vmem>>, vector<16xf32>,
        %parallel_loop3A_1009 = arith.constant 128 : i32
        %parallel_loop3A_1010 = arith.muli %parallel_loop3A_976, %parallel_loop3A_1009 : i32
        %parallel_loop3A_1011 = arith.addi %mul3A_446, %parallel_loop3A_1010 : i32
        %parallel_loop3A_1012 = arith.constant 48 : i32
        %parallel_loop3A_1013 = arith.addi %parallel_loop3A_1011, %parallel_loop3A_1012 : i32
        %parallel_loop3A_1014 = arith.index_cast %parallel_loop3A_1013 : i32 to index
        %parallel_loop3A_1015 = tpu.vector_load %arg6[%parallel_loop3A_1014] {strides = array<i32>} : memref<25600xf32, #tpu.memory_space<vmem>>, vector<16xf32>,
        tpu.vector_store %arg6[%parallel_loop3A_1014], %parallel_loop3A_1001 {strides = array<i32>} : memref<25600xf32, #tpu.memory_space<vmem>>, vector<16xf32>,
        %parallel_loop3A_1016 = arith.constant 1 : i32
        %parallel_loop3A_1017 = arith.addi %parallel_loop3A_976, %parallel_loop3A_1016 : i32
        %parallel_loop3A_1018 = arith.constant 128 : i32
        %parallel_loop3A_1019 = arith.muli %parallel_loop3A_1017, %parallel_loop3A_1018 : i32
        %parallel_loop3A_1020 = arith.addi %mul3A_464, %parallel_loop3A_1019 : i32
        %parallel_loop3A_1021 = arith.constant 48 : i32
        %parallel_loop3A_1022 = arith.addi %parallel_loop3A_1020, %parallel_loop3A_1021 : i32
        %parallel_loop3A_1023 = arith.index_cast %parallel_loop3A_1022 : i32 to index
        %parallel_loop3A_1024 = tpu.vector_load %arg5[%parallel_loop3A_1023] {strides = array<i32>} : memref<25600xf32, #tpu.memory_space<vmem>>, vector<16xf32>,
        %parallel_loop3A_1025 = arith.constant 1 : i32
        %parallel_loop3A_1026 = arith.addi %parallel_loop3A_976, %parallel_loop3A_1025 : i32
        %parallel_loop3A_1027 = arith.constant 128 : i32
        %parallel_loop3A_1028 = arith.muli %parallel_loop3A_1026, %parallel_loop3A_1027 : i32
        %parallel_loop3A_1029 = arith.addi %mul3A_464, %parallel_loop3A_1028 : i32
        %parallel_loop3A_1030 = arith.constant 48 : i32
        %parallel_loop3A_1031 = arith.addi %parallel_loop3A_1029, %parallel_loop3A_1030 : i32
        %parallel_loop3A_1032 = arith.index_cast %parallel_loop3A_1031 : i32 to index
        %parallel_loop3A_1033 = tpu.vector_load %arg6[%parallel_loop3A_1032] {strides = array<i32>} : memref<25600xf32, #tpu.memory_space<vmem>>, vector<16xf32>,
        %parallel_loop3A_1034 = arith.addf %parallel_loop3A_1024, %parallel_loop3A_999 : vector<16xf32>
        %parallel_loop3A_1035 = arith.addf %parallel_loop3A_1033, %parallel_loop3A_1001 : vector<16xf32>
        %parallel_loop3A_1036 = arith.mulf %parallel_loop3A_980, %parallel_loop3A_1034 : vector<16xf32>
        %parallel_loop3A_1037 = arith.addf %parallel_loop3A_978, %parallel_loop3A_1036 : vector<16xf32>
        %parallel_loop3A_1038 = arith.mulf %parallel_loop3A_981, %parallel_loop3A_1034 : vector<16xf32>
        %parallel_loop3A_1039 = arith.addf %parallel_loop3A_979, %parallel_loop3A_1038 : vector<16xf32>
        %parallel_loop3A_1040 = arith.mulf %parallel_loop3A_980, %parallel_loop3A_1035 : vector<16xf32>
        %parallel_loop3A_1041 = arith.addf %parallel_loop3A_1039, %parallel_loop3A_1040 : vector<16xf32>
        %parallel_loop3A_1042 = arith.mulf %parallel_loop3A_994, %broadcast_in_dim3A_408 : vector<16xf32>
        %parallel_loop3A_1043 = arith.addf %parallel_loop3A_977, %parallel_loop3A_1042 : vector<16xf32>
        scf.yield %parallel_loop3A_1043, %parallel_loop3A_1037, %parallel_loop3A_1041, %parallel_loop3A_1024, %parallel_loop3A_1033 : vector<16xf32>, vector<16xf32>, vector<16xf32>, vector<16xf32>, vector<16xf32>
      } {sc.loop_unroll_factor = 3 : i64, sc.parallel_access}
      %get3A_668 = arith.constant 99 : i32
      %get3A_669 = arith.constant 0 : i32
      %get3A_670 = arith.index_cast %select_n3A_426 : i32 to index
      %get3A_671 = arith.index_cast %get3A_668 : i32 to index
      %get3A_672 = arith.index_cast %get3A_669 : i32 to index
      %get3A_673 = arith.constant 48 : index
      %get3A_674 = tpu.vector_load %arg4[%get3A_670, %get3A_671, %get3A_672, %get3A_673] {strides = array<i32>} : memref<2x100x2x128xf32, #tpu.memory_space<vmem>>, vector<16xf32>,
      %get3A_675 = arith.constant 99 : i32
      %get3A_676 = arith.constant 1 : i32
      %get3A_677 = arith.index_cast %select_n3A_426 : i32 to index
      %get3A_678 = arith.index_cast %get3A_675 : i32 to index
      %get3A_679 = arith.index_cast %get3A_676 : i32 to index
      %get3A_680 = arith.constant 48 : index
      %get3A_681 = tpu.vector_load %arg4[%get3A_677, %get3A_678, %get3A_679, %get3A_680] {strides = array<i32>} : memref<2x100x2x128xf32, #tpu.memory_space<vmem>>, vector<16xf32>,
      %add3A_682 = arith.addf %get3A_674, %get3A_681 : vector<16xf32>
      %sub3A_683 = arith.subf %get3A_674, %get3A_681 : vector<16xf32>
      %lt3A_684 = arith.constant 0.000000e+00 : f32
      %lt3A_685 = vector.broadcast %lt3A_684 : f32 to vector<16xf32>
      %lt3A_686 = arith.cmpf olt, %sub3A_683, %lt3A_685 : vector<16xf32>
      %select_n3A_687 = arith.select %lt3A_686, %broadcast_in_dim3A_49, %broadcast_in_dim3A_51 : vector<16xi1>, vector<16xf32>
      %mul3A_688 = arith.mulf %select_n3A_687, %add3A_682 : vector<16xf32>
      %add3A_689 = arith.addf %mul3A_688, %sub3A_683 : vector<16xf32>
      %add3A_690 = arith.constant 12672 : i32
      %add3A_691 = arith.addi %mul3A_446, %add3A_690 : i32
      %add3A_692 = arith.constant 48 : i32
      %add3A_693 = arith.addi %add3A_691, %add3A_692 : i32
      %swap3A_694 = arith.index_cast %add3A_693 : i32 to index
      %swap3A_695 = tpu.vector_load %arg5[%swap3A_694] {strides = array<i32>} : memref<25600xf32, #tpu.memory_space<vmem>>, vector<16xf32>,
      tpu.vector_store %arg5[%swap3A_694], %select_n3A_687 {strides = array<i32>} : memref<25600xf32, #tpu.memory_space<vmem>>, vector<16xf32>,
      %add3A_696 = arith.constant 12672 : i32
      %add3A_697 = arith.addi %mul3A_446, %add3A_696 : i32
      %add3A_698 = arith.constant 48 : i32
      %add3A_699 = arith.addi %add3A_697, %add3A_698 : i32
      %swap3A_700 = arith.index_cast %add3A_699 : i32 to index
      %swap3A_701 = tpu.vector_load %arg6[%swap3A_700] {strides = array<i32>} : memref<25600xf32, #tpu.memory_space<vmem>>, vector<16xf32>,
      tpu.vector_store %arg6[%swap3A_700], %add3A_689 {strides = array<i32>} : memref<25600xf32, #tpu.memory_space<vmem>>, vector<16xf32>,
      %add3A_702 = arith.constant 48 : i32
      %add3A_703 = arith.addi %mul3A_464, %add3A_702 : i32
      %get3A_704 = arith.index_cast %add3A_703 : i32 to index
      %get3A_705 = tpu.vector_load %arg5[%get3A_704] {strides = array<i32>} : memref<25600xf32, #tpu.memory_space<vmem>>, vector<16xf32>,
      %add3A_706 = arith.constant 48 : i32
      %add3A_707 = arith.addi %mul3A_464, %add3A_706 : i32
      %get3A_708 = arith.index_cast %add3A_707 : i32 to index
      %get3A_709 = tpu.vector_load %arg6[%get3A_708] {strides = array<i32>} : memref<25600xf32, #tpu.memory_space<vmem>>, vector<16xf32>,
      %add3A_710 = arith.addf %get3A_705, %select_n3A_687 : vector<16xf32>
      %add3A_711 = arith.addf %get3A_709, %add3A_689 : vector<16xf32>
      %mul3A_712 = arith.mulf %add3A_682, %broadcast_in_dim3A_408 : vector<16xf32>
      %add3A_713 = arith.addf %parallel_loop3A_667#0, %mul3A_712 : vector<16xf32>
      %mul3A_714 = arith.mulf %parallel_loop3A_667#3, %add3A_710 : vector<16xf32>
      %add3A_715 = arith.addf %parallel_loop3A_667#1, %mul3A_714 : vector<16xf32>
      %mul3A_716 = arith.mulf %parallel_loop3A_667#4, %add3A_710 : vector<16xf32>
      %add3A_717 = arith.addf %parallel_loop3A_667#2, %mul3A_716 : vector<16xf32>
      %mul3A_718 = arith.mulf %parallel_loop3A_667#3, %add3A_711 : vector<16xf32>
      %add3A_719 = arith.addf %add3A_717, %mul3A_718 : vector<16xf32>
      %add3A_720 = arith.constant 64 : i32
      %add3A_721 = arith.addi %mul3A_464, %add3A_720 : i32
      %get3A_722 = arith.index_cast %add3A_721 : i32 to index
      %get3A_723 = tpu.vector_load %arg5[%get3A_722] {strides = array<i32>} : memref<25600xf32, #tpu.memory_space<vmem>>, vector<16xf32>,
      %add3A_724 = arith.constant 64 : i32
      %add3A_725 = arith.addi %mul3A_464, %add3A_724 : i32
      %get3A_726 = arith.index_cast %add3A_725 : i32 to index
      %get3A_727 = tpu.vector_load %arg6[%get3A_726] {strides = array<i32>} : memref<25600xf32, #tpu.memory_space<vmem>>, vector<16xf32>,
      %parallel_loop3A_728 = arith.constant 0 : i32
      %parallel_loop3A_729 = arith.constant 99 : i32
      %parallel_loop3A_730 = arith.constant 1 : i32
      %parallel_loop3A_731:5 = scf.for %parallel_loop3A_976 = %parallel_loop3A_728 to %parallel_loop3A_729 step %parallel_loop3A_730 iter_args(%parallel_loop3A_977 = %while3A_341, %parallel_loop3A_978 = %while3A_349, %parallel_loop3A_979 = %while3A_357, %parallel_loop3A_980 = %get3A_723, %parallel_loop3A_981 = %get3A_727) -> (vector<16xf32>, vector<16xf32>, vector<16xf32>, vector<16xf32>, vector<16xf32>)  : i32 {
        %parallel_loop3A_982 = arith.constant 0 : i32
        %parallel_loop3A_983 = arith.index_cast %select_n3A_426 : i32 to index
        %parallel_loop3A_984 = arith.index_cast %parallel_loop3A_976 : i32 to index
        %parallel_loop3A_985 = arith.index_cast %parallel_loop3A_982 : i32 to index
        %parallel_loop3A_986 = arith.constant 64 : index
        %parallel_loop3A_987 = tpu.vector_load %arg4[%parallel_loop3A_983, %parallel_loop3A_984, %parallel_loop3A_985, %parallel_loop3A_986] {strides = array<i32>} : memref<2x100x2x128xf32, #tpu.memory_space<vmem>>, vector<16xf32>,
        %parallel_loop3A_988 = arith.constant 1 : i32
        %parallel_loop3A_989 = arith.index_cast %select_n3A_426 : i32 to index
        %parallel_loop3A_990 = arith.index_cast %parallel_loop3A_976 : i32 to index
        %parallel_loop3A_991 = arith.index_cast %parallel_loop3A_988 : i32 to index
        %parallel_loop3A_992 = arith.constant 64 : index
        %parallel_loop3A_993 = tpu.vector_load %arg4[%parallel_loop3A_989, %parallel_loop3A_990, %parallel_loop3A_991, %parallel_loop3A_992] {strides = array<i32>} : memref<2x100x2x128xf32, #tpu.memory_space<vmem>>, vector<16xf32>,
        %parallel_loop3A_994 = arith.addf %parallel_loop3A_987, %parallel_loop3A_993 : vector<16xf32>
        %parallel_loop3A_995 = arith.subf %parallel_loop3A_987, %parallel_loop3A_993 : vector<16xf32>
        %parallel_loop3A_996 = arith.constant 0.000000e+00 : f32
        %parallel_loop3A_997 = vector.broadcast %parallel_loop3A_996 : f32 to vector<16xf32>
        %parallel_loop3A_998 = arith.cmpf olt, %parallel_loop3A_995, %parallel_loop3A_997 : vector<16xf32>
        %parallel_loop3A_999 = arith.select %parallel_loop3A_998, %broadcast_in_dim3A_49, %broadcast_in_dim3A_51 : vector<16xi1>, vector<16xf32>
        %parallel_loop3A_1000 = arith.mulf %parallel_loop3A_999, %parallel_loop3A_994 : vector<16xf32>
        %parallel_loop3A_1001 = arith.addf %parallel_loop3A_1000, %parallel_loop3A_995 : vector<16xf32>
        %parallel_loop3A_1002 = arith.constant 128 : i32
        %parallel_loop3A_1003 = arith.muli %parallel_loop3A_976, %parallel_loop3A_1002 : i32
        %parallel_loop3A_1004 = arith.addi %mul3A_446, %parallel_loop3A_1003 : i32
        %parallel_loop3A_1005 = arith.constant 64 : i32
        %parallel_loop3A_1006 = arith.addi %parallel_loop3A_1004, %parallel_loop3A_1005 : i32
        %parallel_loop3A_1007 = arith.index_cast %parallel_loop3A_1006 : i32 to index
        %parallel_loop3A_1008 = tpu.vector_load %arg5[%parallel_loop3A_1007] {strides = array<i32>} : memref<25600xf32, #tpu.memory_space<vmem>>, vector<16xf32>,
        tpu.vector_store %arg5[%parallel_loop3A_1007], %parallel_loop3A_999 {strides = array<i32>} : memref<25600xf32, #tpu.memory_space<vmem>>, vector<16xf32>,
        %parallel_loop3A_1009 = arith.constant 128 : i32
        %parallel_loop3A_1010 = arith.muli %parallel_loop3A_976, %parallel_loop3A_1009 : i32
        %parallel_loop3A_1011 = arith.addi %mul3A_446, %parallel_loop3A_1010 : i32
        %parallel_loop3A_1012 = arith.constant 64 : i32
        %parallel_loop3A_1013 = arith.addi %parallel_loop3A_1011, %parallel_loop3A_1012 : i32
        %parallel_loop3A_1014 = arith.index_cast %parallel_loop3A_1013 : i32 to index
        %parallel_loop3A_1015 = tpu.vector_load %arg6[%parallel_loop3A_1014] {strides = array<i32>} : memref<25600xf32, #tpu.memory_space<vmem>>, vector<16xf32>,
        tpu.vector_store %arg6[%parallel_loop3A_1014], %parallel_loop3A_1001 {strides = array<i32>} : memref<25600xf32, #tpu.memory_space<vmem>>, vector<16xf32>,
        %parallel_loop3A_1016 = arith.constant 1 : i32
        %parallel_loop3A_1017 = arith.addi %parallel_loop3A_976, %parallel_loop3A_1016 : i32
        %parallel_loop3A_1018 = arith.constant 128 : i32
        %parallel_loop3A_1019 = arith.muli %parallel_loop3A_1017, %parallel_loop3A_1018 : i32
        %parallel_loop3A_1020 = arith.addi %mul3A_464, %parallel_loop3A_1019 : i32
        %parallel_loop3A_1021 = arith.constant 64 : i32
        %parallel_loop3A_1022 = arith.addi %parallel_loop3A_1020, %parallel_loop3A_1021 : i32
        %parallel_loop3A_1023 = arith.index_cast %parallel_loop3A_1022 : i32 to index
        %parallel_loop3A_1024 = tpu.vector_load %arg5[%parallel_loop3A_1023] {strides = array<i32>} : memref<25600xf32, #tpu.memory_space<vmem>>, vector<16xf32>,
        %parallel_loop3A_1025 = arith.constant 1 : i32
        %parallel_loop3A_1026 = arith.addi %parallel_loop3A_976, %parallel_loop3A_1025 : i32
        %parallel_loop3A_1027 = arith.constant 128 : i32
        %parallel_loop3A_1028 = arith.muli %parallel_loop3A_1026, %parallel_loop3A_1027 : i32
        %parallel_loop3A_1029 = arith.addi %mul3A_464, %parallel_loop3A_1028 : i32
        %parallel_loop3A_1030 = arith.constant 64 : i32
        %parallel_loop3A_1031 = arith.addi %parallel_loop3A_1029, %parallel_loop3A_1030 : i32
        %parallel_loop3A_1032 = arith.index_cast %parallel_loop3A_1031 : i32 to index
        %parallel_loop3A_1033 = tpu.vector_load %arg6[%parallel_loop3A_1032] {strides = array<i32>} : memref<25600xf32, #tpu.memory_space<vmem>>, vector<16xf32>,
        %parallel_loop3A_1034 = arith.addf %parallel_loop3A_1024, %parallel_loop3A_999 : vector<16xf32>
        %parallel_loop3A_1035 = arith.addf %parallel_loop3A_1033, %parallel_loop3A_1001 : vector<16xf32>
        %parallel_loop3A_1036 = arith.mulf %parallel_loop3A_980, %parallel_loop3A_1034 : vector<16xf32>
        %parallel_loop3A_1037 = arith.addf %parallel_loop3A_978, %parallel_loop3A_1036 : vector<16xf32>
        %parallel_loop3A_1038 = arith.mulf %parallel_loop3A_981, %parallel_loop3A_1034 : vector<16xf32>
        %parallel_loop3A_1039 = arith.addf %parallel_loop3A_979, %parallel_loop3A_1038 : vector<16xf32>
        %parallel_loop3A_1040 = arith.mulf %parallel_loop3A_980, %parallel_loop3A_1035 : vector<16xf32>
        %parallel_loop3A_1041 = arith.addf %parallel_loop3A_1039, %parallel_loop3A_1040 : vector<16xf32>
        %parallel_loop3A_1042 = arith.mulf %parallel_loop3A_994, %broadcast_in_dim3A_408 : vector<16xf32>
        %parallel_loop3A_1043 = arith.addf %parallel_loop3A_977, %parallel_loop3A_1042 : vector<16xf32>
        scf.yield %parallel_loop3A_1043, %parallel_loop3A_1037, %parallel_loop3A_1041, %parallel_loop3A_1024, %parallel_loop3A_1033 : vector<16xf32>, vector<16xf32>, vector<16xf32>, vector<16xf32>, vector<16xf32>
      } {sc.loop_unroll_factor = 3 : i64, sc.parallel_access}
      %get3A_732 = arith.constant 99 : i32
      %get3A_733 = arith.constant 0 : i32
      %get3A_734 = arith.index_cast %select_n3A_426 : i32 to index
      %get3A_735 = arith.index_cast %get3A_732 : i32 to index
      %get3A_736 = arith.index_cast %get3A_733 : i32 to index
      %get3A_737 = arith.constant 64 : index
      %get3A_738 = tpu.vector_load %arg4[%get3A_734, %get3A_735, %get3A_736, %get3A_737] {strides = array<i32>} : memref<2x100x2x128xf32, #tpu.memory_space<vmem>>, vector<16xf32>,
      %get3A_739 = arith.constant 99 : i32
      %get3A_740 = arith.constant 1 : i32
      %get3A_741 = arith.index_cast %select_n3A_426 : i32 to index
      %get3A_742 = arith.index_cast %get3A_739 : i32 to index
      %get3A_743 = arith.index_cast %get3A_740 : i32 to index
      %get3A_744 = arith.constant 64 : index
      %get3A_745 = tpu.vector_load %arg4[%get3A_741, %get3A_742, %get3A_743, %get3A_744] {strides = array<i32>} : memref<2x100x2x128xf32, #tpu.memory_space<vmem>>, vector<16xf32>,
      %add3A_746 = arith.addf %get3A_738, %get3A_745 : vector<16xf32>
      %sub3A_747 = arith.subf %get3A_738, %get3A_745 : vector<16xf32>
      %lt3A_748 = arith.constant 0.000000e+00 : f32
      %lt3A_749 = vector.broadcast %lt3A_748 : f32 to vector<16xf32>
      %lt3A_750 = arith.cmpf olt, %sub3A_747, %lt3A_749 : vector<16xf32>
      %select_n3A_751 = arith.select %lt3A_750, %broadcast_in_dim3A_49, %broadcast_in_dim3A_51 : vector<16xi1>, vector<16xf32>
      %mul3A_752 = arith.mulf %select_n3A_751, %add3A_746 : vector<16xf32>
      %add3A_753 = arith.addf %mul3A_752, %sub3A_747 : vector<16xf32>
      %add3A_754 = arith.constant 12672 : i32
      %add3A_755 = arith.addi %mul3A_446, %add3A_754 : i32
      %add3A_756 = arith.constant 64 : i32
      %add3A_757 = arith.addi %add3A_755, %add3A_756 : i32
      %swap3A_758 = arith.index_cast %add3A_757 : i32 to index
      %swap3A_759 = tpu.vector_load %arg5[%swap3A_758] {strides = array<i32>} : memref<25600xf32, #tpu.memory_space<vmem>>, vector<16xf32>,
      tpu.vector_store %arg5[%swap3A_758], %select_n3A_751 {strides = array<i32>} : memref<25600xf32, #tpu.memory_space<vmem>>, vector<16xf32>,
      %add3A_760 = arith.constant 12672 : i32
      %add3A_761 = arith.addi %mul3A_446, %add3A_760 : i32
      %add3A_762 = arith.constant 64 : i32
      %add3A_763 = arith.addi %add3A_761, %add3A_762 : i32
      %swap3A_764 = arith.index_cast %add3A_763 : i32 to index
      %swap3A_765 = tpu.vector_load %arg6[%swap3A_764] {strides = array<i32>} : memref<25600xf32, #tpu.memory_space<vmem>>, vector<16xf32>,
      tpu.vector_store %arg6[%swap3A_764], %add3A_753 {strides = array<i32>} : memref<25600xf32, #tpu.memory_space<vmem>>, vector<16xf32>,
      %add3A_766 = arith.constant 64 : i32
      %add3A_767 = arith.addi %mul3A_464, %add3A_766 : i32
      %get3A_768 = arith.index_cast %add3A_767 : i32 to index
      %get3A_769 = tpu.vector_load %arg5[%get3A_768] {strides = array<i32>} : memref<25600xf32, #tpu.memory_space<vmem>>, vector<16xf32>,
      %add3A_770 = arith.constant 64 : i32
      %add3A_771 = arith.addi %mul3A_464, %add3A_770 : i32
      %get3A_772 = arith.index_cast %add3A_771 : i32 to index
      %get3A_773 = tpu.vector_load %arg6[%get3A_772] {strides = array<i32>} : memref<25600xf32, #tpu.memory_space<vmem>>, vector<16xf32>,
      %add3A_774 = arith.addf %get3A_769, %select_n3A_751 : vector<16xf32>
      %add3A_775 = arith.addf %get3A_773, %add3A_753 : vector<16xf32>
      %mul3A_776 = arith.mulf %add3A_746, %broadcast_in_dim3A_408 : vector<16xf32>
      %add3A_777 = arith.addf %parallel_loop3A_731#0, %mul3A_776 : vector<16xf32>
      %mul3A_778 = arith.mulf %parallel_loop3A_731#3, %add3A_774 : vector<16xf32>
      %add3A_779 = arith.addf %parallel_loop3A_731#1, %mul3A_778 : vector<16xf32>
      %mul3A_780 = arith.mulf %parallel_loop3A_731#4, %add3A_774 : vector<16xf32>
      %add3A_781 = arith.addf %parallel_loop3A_731#2, %mul3A_780 : vector<16xf32>
      %mul3A_782 = arith.mulf %parallel_loop3A_731#3, %add3A_775 : vector<16xf32>
      %add3A_783 = arith.addf %add3A_781, %mul3A_782 : vector<16xf32>
      %add3A_784 = arith.constant 80 : i32
      %add3A_785 = arith.addi %mul3A_464, %add3A_784 : i32
      %get3A_786 = arith.index_cast %add3A_785 : i32 to index
      %get3A_787 = tpu.vector_load %arg5[%get3A_786] {strides = array<i32>} : memref<25600xf32, #tpu.memory_space<vmem>>, vector<16xf32>,
      %add3A_788 = arith.constant 80 : i32
      %add3A_789 = arith.addi %mul3A_464, %add3A_788 : i32
      %get3A_790 = arith.index_cast %add3A_789 : i32 to index
      %get3A_791 = tpu.vector_load %arg6[%get3A_790] {strides = array<i32>} : memref<25600xf32, #tpu.memory_space<vmem>>, vector<16xf32>,
      %parallel_loop3A_792 = arith.constant 0 : i32
      %parallel_loop3A_793 = arith.constant 99 : i32
      %parallel_loop3A_794 = arith.constant 1 : i32
      %parallel_loop3A_795:5 = scf.for %parallel_loop3A_976 = %parallel_loop3A_792 to %parallel_loop3A_793 step %parallel_loop3A_794 iter_args(%parallel_loop3A_977 = %while3A_342, %parallel_loop3A_978 = %while3A_350, %parallel_loop3A_979 = %while3A_358, %parallel_loop3A_980 = %get3A_787, %parallel_loop3A_981 = %get3A_791) -> (vector<16xf32>, vector<16xf32>, vector<16xf32>, vector<16xf32>, vector<16xf32>)  : i32 {
        %parallel_loop3A_982 = arith.constant 0 : i32
        %parallel_loop3A_983 = arith.index_cast %select_n3A_426 : i32 to index
        %parallel_loop3A_984 = arith.index_cast %parallel_loop3A_976 : i32 to index
        %parallel_loop3A_985 = arith.index_cast %parallel_loop3A_982 : i32 to index
        %parallel_loop3A_986 = arith.constant 80 : index
        %parallel_loop3A_987 = tpu.vector_load %arg4[%parallel_loop3A_983, %parallel_loop3A_984, %parallel_loop3A_985, %parallel_loop3A_986] {strides = array<i32>} : memref<2x100x2x128xf32, #tpu.memory_space<vmem>>, vector<16xf32>,
        %parallel_loop3A_988 = arith.constant 1 : i32
        %parallel_loop3A_989 = arith.index_cast %select_n3A_426 : i32 to index
        %parallel_loop3A_990 = arith.index_cast %parallel_loop3A_976 : i32 to index
        %parallel_loop3A_991 = arith.index_cast %parallel_loop3A_988 : i32 to index
        %parallel_loop3A_992 = arith.constant 80 : index
        %parallel_loop3A_993 = tpu.vector_load %arg4[%parallel_loop3A_989, %parallel_loop3A_990, %parallel_loop3A_991, %parallel_loop3A_992] {strides = array<i32>} : memref<2x100x2x128xf32, #tpu.memory_space<vmem>>, vector<16xf32>,
        %parallel_loop3A_994 = arith.addf %parallel_loop3A_987, %parallel_loop3A_993 : vector<16xf32>
        %parallel_loop3A_995 = arith.subf %parallel_loop3A_987, %parallel_loop3A_993 : vector<16xf32>
        %parallel_loop3A_996 = arith.constant 0.000000e+00 : f32
        %parallel_loop3A_997 = vector.broadcast %parallel_loop3A_996 : f32 to vector<16xf32>
        %parallel_loop3A_998 = arith.cmpf olt, %parallel_loop3A_995, %parallel_loop3A_997 : vector<16xf32>
        %parallel_loop3A_999 = arith.select %parallel_loop3A_998, %broadcast_in_dim3A_49, %broadcast_in_dim3A_51 : vector<16xi1>, vector<16xf32>
        %parallel_loop3A_1000 = arith.mulf %parallel_loop3A_999, %parallel_loop3A_994 : vector<16xf32>
        %parallel_loop3A_1001 = arith.addf %parallel_loop3A_1000, %parallel_loop3A_995 : vector<16xf32>
        %parallel_loop3A_1002 = arith.constant 128 : i32
        %parallel_loop3A_1003 = arith.muli %parallel_loop3A_976, %parallel_loop3A_1002 : i32
        %parallel_loop3A_1004 = arith.addi %mul3A_446, %parallel_loop3A_1003 : i32
        %parallel_loop3A_1005 = arith.constant 80 : i32
        %parallel_loop3A_1006 = arith.addi %parallel_loop3A_1004, %parallel_loop3A_1005 : i32
        %parallel_loop3A_1007 = arith.index_cast %parallel_loop3A_1006 : i32 to index
        %parallel_loop3A_1008 = tpu.vector_load %arg5[%parallel_loop3A_1007] {strides = array<i32>} : memref<25600xf32, #tpu.memory_space<vmem>>, vector<16xf32>,
        tpu.vector_store %arg5[%parallel_loop3A_1007], %parallel_loop3A_999 {strides = array<i32>} : memref<25600xf32, #tpu.memory_space<vmem>>, vector<16xf32>,
        %parallel_loop3A_1009 = arith.constant 128 : i32
        %parallel_loop3A_1010 = arith.muli %parallel_loop3A_976, %parallel_loop3A_1009 : i32
        %parallel_loop3A_1011 = arith.addi %mul3A_446, %parallel_loop3A_1010 : i32
        %parallel_loop3A_1012 = arith.constant 80 : i32
        %parallel_loop3A_1013 = arith.addi %parallel_loop3A_1011, %parallel_loop3A_1012 : i32
        %parallel_loop3A_1014 = arith.index_cast %parallel_loop3A_1013 : i32 to index
        %parallel_loop3A_1015 = tpu.vector_load %arg6[%parallel_loop3A_1014] {strides = array<i32>} : memref<25600xf32, #tpu.memory_space<vmem>>, vector<16xf32>,
        tpu.vector_store %arg6[%parallel_loop3A_1014], %parallel_loop3A_1001 {strides = array<i32>} : memref<25600xf32, #tpu.memory_space<vmem>>, vector<16xf32>,
        %parallel_loop3A_1016 = arith.constant 1 : i32
        %parallel_loop3A_1017 = arith.addi %parallel_loop3A_976, %parallel_loop3A_1016 : i32
        %parallel_loop3A_1018 = arith.constant 128 : i32
        %parallel_loop3A_1019 = arith.muli %parallel_loop3A_1017, %parallel_loop3A_1018 : i32
        %parallel_loop3A_1020 = arith.addi %mul3A_464, %parallel_loop3A_1019 : i32
        %parallel_loop3A_1021 = arith.constant 80 : i32
        %parallel_loop3A_1022 = arith.addi %parallel_loop3A_1020, %parallel_loop3A_1021 : i32
        %parallel_loop3A_1023 = arith.index_cast %parallel_loop3A_1022 : i32 to index
        %parallel_loop3A_1024 = tpu.vector_load %arg5[%parallel_loop3A_1023] {strides = array<i32>} : memref<25600xf32, #tpu.memory_space<vmem>>, vector<16xf32>,
        %parallel_loop3A_1025 = arith.constant 1 : i32
        %parallel_loop3A_1026 = arith.addi %parallel_loop3A_976, %parallel_loop3A_1025 : i32
        %parallel_loop3A_1027 = arith.constant 128 : i32
        %parallel_loop3A_1028 = arith.muli %parallel_loop3A_1026, %parallel_loop3A_1027 : i32
        %parallel_loop3A_1029 = arith.addi %mul3A_464, %parallel_loop3A_1028 : i32
        %parallel_loop3A_1030 = arith.constant 80 : i32
        %parallel_loop3A_1031 = arith.addi %parallel_loop3A_1029, %parallel_loop3A_1030 : i32
        %parallel_loop3A_1032 = arith.index_cast %parallel_loop3A_1031 : i32 to index
        %parallel_loop3A_1033 = tpu.vector_load %arg6[%parallel_loop3A_1032] {strides = array<i32>} : memref<25600xf32, #tpu.memory_space<vmem>>, vector<16xf32>,
        %parallel_loop3A_1034 = arith.addf %parallel_loop3A_1024, %parallel_loop3A_999 : vector<16xf32>
        %parallel_loop3A_1035 = arith.addf %parallel_loop3A_1033, %parallel_loop3A_1001 : vector<16xf32>
        %parallel_loop3A_1036 = arith.mulf %parallel_loop3A_980, %parallel_loop3A_1034 : vector<16xf32>
        %parallel_loop3A_1037 = arith.addf %parallel_loop3A_978, %parallel_loop3A_1036 : vector<16xf32>
        %parallel_loop3A_1038 = arith.mulf %parallel_loop3A_981, %parallel_loop3A_1034 : vector<16xf32>
        %parallel_loop3A_1039 = arith.addf %parallel_loop3A_979, %parallel_loop3A_1038 : vector<16xf32>
        %parallel_loop3A_1040 = arith.mulf %parallel_loop3A_980, %parallel_loop3A_1035 : vector<16xf32>
        %parallel_loop3A_1041 = arith.addf %parallel_loop3A_1039, %parallel_loop3A_1040 : vector<16xf32>
        %parallel_loop3A_1042 = arith.mulf %parallel_loop3A_994, %broadcast_in_dim3A_408 : vector<16xf32>
        %parallel_loop3A_1043 = arith.addf %parallel_loop3A_977, %parallel_loop3A_1042 : vector<16xf32>
        scf.yield %parallel_loop3A_1043, %parallel_loop3A_1037, %parallel_loop3A_1041, %parallel_loop3A_1024, %parallel_loop3A_1033 : vector<16xf32>, vector<16xf32>, vector<16xf32>, vector<16xf32>, vector<16xf32>
      } {sc.loop_unroll_factor = 3 : i64, sc.parallel_access}
      %get3A_796 = arith.constant 99 : i32
      %get3A_797 = arith.constant 0 : i32
      %get3A_798 = arith.index_cast %select_n3A_426 : i32 to index
      %get3A_799 = arith.index_cast %get3A_796 : i32 to index
      %get3A_800 = arith.index_cast %get3A_797 : i32 to index
      %get3A_801 = arith.constant 80 : index
      %get3A_802 = tpu.vector_load %arg4[%get3A_798, %get3A_799, %get3A_800, %get3A_801] {strides = array<i32>} : memref<2x100x2x128xf32, #tpu.memory_space<vmem>>, vector<16xf32>,
      %get3A_803 = arith.constant 99 : i32
      %get3A_804 = arith.constant 1 : i32
      %get3A_805 = arith.index_cast %select_n3A_426 : i32 to index
      %get3A_806 = arith.index_cast %get3A_803 : i32 to index
      %get3A_807 = arith.index_cast %get3A_804 : i32 to index
      %get3A_808 = arith.constant 80 : index
      %get3A_809 = tpu.vector_load %arg4[%get3A_805, %get3A_806, %get3A_807, %get3A_808] {strides = array<i32>} : memref<2x100x2x128xf32, #tpu.memory_space<vmem>>, vector<16xf32>,
      %add3A_810 = arith.addf %get3A_802, %get3A_809 : vector<16xf32>
      %sub3A_811 = arith.subf %get3A_802, %get3A_809 : vector<16xf32>
      %lt3A_812 = arith.constant 0.000000e+00 : f32
      %lt3A_813 = vector.broadcast %lt3A_812 : f32 to vector<16xf32>
      %lt3A_814 = arith.cmpf olt, %sub3A_811, %lt3A_813 : vector<16xf32>
      %select_n3A_815 = arith.select %lt3A_814, %broadcast_in_dim3A_49, %broadcast_in_dim3A_51 : vector<16xi1>, vector<16xf32>
      %mul3A_816 = arith.mulf %select_n3A_815, %add3A_810 : vector<16xf32>
      %add3A_817 = arith.addf %mul3A_816, %sub3A_811 : vector<16xf32>
      %add3A_818 = arith.constant 12672 : i32
      %add3A_819 = arith.addi %mul3A_446, %add3A_818 : i32
      %add3A_820 = arith.constant 80 : i32
      %add3A_821 = arith.addi %add3A_819, %add3A_820 : i32
      %swap3A_822 = arith.index_cast %add3A_821 : i32 to index
      %swap3A_823 = tpu.vector_load %arg5[%swap3A_822] {strides = array<i32>} : memref<25600xf32, #tpu.memory_space<vmem>>, vector<16xf32>,
      tpu.vector_store %arg5[%swap3A_822], %select_n3A_815 {strides = array<i32>} : memref<25600xf32, #tpu.memory_space<vmem>>, vector<16xf32>,
      %add3A_824 = arith.constant 12672 : i32
      %add3A_825 = arith.addi %mul3A_446, %add3A_824 : i32
      %add3A_826 = arith.constant 80 : i32
      %add3A_827 = arith.addi %add3A_825, %add3A_826 : i32
      %swap3A_828 = arith.index_cast %add3A_827 : i32 to index
      %swap3A_829 = tpu.vector_load %arg6[%swap3A_828] {strides = array<i32>} : memref<25600xf32, #tpu.memory_space<vmem>>, vector<16xf32>,
      tpu.vector_store %arg6[%swap3A_828], %add3A_817 {strides = array<i32>} : memref<25600xf32, #tpu.memory_space<vmem>>, vector<16xf32>,
      %add3A_830 = arith.constant 80 : i32
      %add3A_831 = arith.addi %mul3A_464, %add3A_830 : i32
      %get3A_832 = arith.index_cast %add3A_831 : i32 to index
      %get3A_833 = tpu.vector_load %arg5[%get3A_832] {strides = array<i32>} : memref<25600xf32, #tpu.memory_space<vmem>>, vector<16xf32>,
      %add3A_834 = arith.constant 80 : i32
      %add3A_835 = arith.addi %mul3A_464, %add3A_834 : i32
      %get3A_836 = arith.index_cast %add3A_835 : i32 to index
      %get3A_837 = tpu.vector_load %arg6[%get3A_836] {strides = array<i32>} : memref<25600xf32, #tpu.memory_space<vmem>>, vector<16xf32>,
      %add3A_838 = arith.addf %get3A_833, %select_n3A_815 : vector<16xf32>
      %add3A_839 = arith.addf %get3A_837, %add3A_817 : vector<16xf32>
      %mul3A_840 = arith.mulf %add3A_810, %broadcast_in_dim3A_408 : vector<16xf32>
      %add3A_841 = arith.addf %parallel_loop3A_795#0, %mul3A_840 : vector<16xf32>
      %mul3A_842 = arith.mulf %parallel_loop3A_795#3, %add3A_838 : vector<16xf32>
      %add3A_843 = arith.addf %parallel_loop3A_795#1, %mul3A_842 : vector<16xf32>
      %mul3A_844 = arith.mulf %parallel_loop3A_795#4, %add3A_838 : vector<16xf32>
      %add3A_845 = arith.addf %parallel_loop3A_795#2, %mul3A_844 : vector<16xf32>
      %mul3A_846 = arith.mulf %parallel_loop3A_795#3, %add3A_839 : vector<16xf32>
      %add3A_847 = arith.addf %add3A_845, %mul3A_846 : vector<16xf32>
      %add3A_848 = arith.constant 96 : i32
      %add3A_849 = arith.addi %mul3A_464, %add3A_848 : i32
      %get3A_850 = arith.index_cast %add3A_849 : i32 to index
      %get3A_851 = tpu.vector_load %arg5[%get3A_850] {strides = array<i32>} : memref<25600xf32, #tpu.memory_space<vmem>>, vector<16xf32>,
      %add3A_852 = arith.constant 96 : i32
      %add3A_853 = arith.addi %mul3A_464, %add3A_852 : i32
      %get3A_854 = arith.index_cast %add3A_853 : i32 to index
      %get3A_855 = tpu.vector_load %arg6[%get3A_854] {strides = array<i32>} : memref<25600xf32, #tpu.memory_space<vmem>>, vector<16xf32>,
      %parallel_loop3A_856 = arith.constant 0 : i32
      %parallel_loop3A_857 = arith.constant 99 : i32
      %parallel_loop3A_858 = arith.constant 1 : i32
      %parallel_loop3A_859:5 = scf.for %parallel_loop3A_976 = %parallel_loop3A_856 to %parallel_loop3A_857 step %parallel_loop3A_858 iter_args(%parallel_loop3A_977 = %while3A_343, %parallel_loop3A_978 = %while3A_351, %parallel_loop3A_979 = %while3A_359, %parallel_loop3A_980 = %get3A_851, %parallel_loop3A_981 = %get3A_855) -> (vector<16xf32>, vector<16xf32>, vector<16xf32>, vector<16xf32>, vector<16xf32>)  : i32 {
        %parallel_loop3A_982 = arith.constant 0 : i32
        %parallel_loop3A_983 = arith.index_cast %select_n3A_426 : i32 to index
        %parallel_loop3A_984 = arith.index_cast %parallel_loop3A_976 : i32 to index
        %parallel_loop3A_985 = arith.index_cast %parallel_loop3A_982 : i32 to index
        %parallel_loop3A_986 = arith.constant 96 : index
        %parallel_loop3A_987 = tpu.vector_load %arg4[%parallel_loop3A_983, %parallel_loop3A_984, %parallel_loop3A_985, %parallel_loop3A_986] {strides = array<i32>} : memref<2x100x2x128xf32, #tpu.memory_space<vmem>>, vector<16xf32>,
        %parallel_loop3A_988 = arith.constant 1 : i32
        %parallel_loop3A_989 = arith.index_cast %select_n3A_426 : i32 to index
        %parallel_loop3A_990 = arith.index_cast %parallel_loop3A_976 : i32 to index
        %parallel_loop3A_991 = arith.index_cast %parallel_loop3A_988 : i32 to index
        %parallel_loop3A_992 = arith.constant 96 : index
        %parallel_loop3A_993 = tpu.vector_load %arg4[%parallel_loop3A_989, %parallel_loop3A_990, %parallel_loop3A_991, %parallel_loop3A_992] {strides = array<i32>} : memref<2x100x2x128xf32, #tpu.memory_space<vmem>>, vector<16xf32>,
        %parallel_loop3A_994 = arith.addf %parallel_loop3A_987, %parallel_loop3A_993 : vector<16xf32>
        %parallel_loop3A_995 = arith.subf %parallel_loop3A_987, %parallel_loop3A_993 : vector<16xf32>
        %parallel_loop3A_996 = arith.constant 0.000000e+00 : f32
        %parallel_loop3A_997 = vector.broadcast %parallel_loop3A_996 : f32 to vector<16xf32>
        %parallel_loop3A_998 = arith.cmpf olt, %parallel_loop3A_995, %parallel_loop3A_997 : vector<16xf32>
        %parallel_loop3A_999 = arith.select %parallel_loop3A_998, %broadcast_in_dim3A_49, %broadcast_in_dim3A_51 : vector<16xi1>, vector<16xf32>
        %parallel_loop3A_1000 = arith.mulf %parallel_loop3A_999, %parallel_loop3A_994 : vector<16xf32>
        %parallel_loop3A_1001 = arith.addf %parallel_loop3A_1000, %parallel_loop3A_995 : vector<16xf32>
        %parallel_loop3A_1002 = arith.constant 128 : i32
        %parallel_loop3A_1003 = arith.muli %parallel_loop3A_976, %parallel_loop3A_1002 : i32
        %parallel_loop3A_1004 = arith.addi %mul3A_446, %parallel_loop3A_1003 : i32
        %parallel_loop3A_1005 = arith.constant 96 : i32
        %parallel_loop3A_1006 = arith.addi %parallel_loop3A_1004, %parallel_loop3A_1005 : i32
        %parallel_loop3A_1007 = arith.index_cast %parallel_loop3A_1006 : i32 to index
        %parallel_loop3A_1008 = tpu.vector_load %arg5[%parallel_loop3A_1007] {strides = array<i32>} : memref<25600xf32, #tpu.memory_space<vmem>>, vector<16xf32>,
        tpu.vector_store %arg5[%parallel_loop3A_1007], %parallel_loop3A_999 {strides = array<i32>} : memref<25600xf32, #tpu.memory_space<vmem>>, vector<16xf32>,
        %parallel_loop3A_1009 = arith.constant 128 : i32
        %parallel_loop3A_1010 = arith.muli %parallel_loop3A_976, %parallel_loop3A_1009 : i32
        %parallel_loop3A_1011 = arith.addi %mul3A_446, %parallel_loop3A_1010 : i32
        %parallel_loop3A_1012 = arith.constant 96 : i32
        %parallel_loop3A_1013 = arith.addi %parallel_loop3A_1011, %parallel_loop3A_1012 : i32
        %parallel_loop3A_1014 = arith.index_cast %parallel_loop3A_1013 : i32 to index
        %parallel_loop3A_1015 = tpu.vector_load %arg6[%parallel_loop3A_1014] {strides = array<i32>} : memref<25600xf32, #tpu.memory_space<vmem>>, vector<16xf32>,
        tpu.vector_store %arg6[%parallel_loop3A_1014], %parallel_loop3A_1001 {strides = array<i32>} : memref<25600xf32, #tpu.memory_space<vmem>>, vector<16xf32>,
        %parallel_loop3A_1016 = arith.constant 1 : i32
        %parallel_loop3A_1017 = arith.addi %parallel_loop3A_976, %parallel_loop3A_1016 : i32
        %parallel_loop3A_1018 = arith.constant 128 : i32
        %parallel_loop3A_1019 = arith.muli %parallel_loop3A_1017, %parallel_loop3A_1018 : i32
        %parallel_loop3A_1020 = arith.addi %mul3A_464, %parallel_loop3A_1019 : i32
        %parallel_loop3A_1021 = arith.constant 96 : i32
        %parallel_loop3A_1022 = arith.addi %parallel_loop3A_1020, %parallel_loop3A_1021 : i32
        %parallel_loop3A_1023 = arith.index_cast %parallel_loop3A_1022 : i32 to index
        %parallel_loop3A_1024 = tpu.vector_load %arg5[%parallel_loop3A_1023] {strides = array<i32>} : memref<25600xf32, #tpu.memory_space<vmem>>, vector<16xf32>,
        %parallel_loop3A_1025 = arith.constant 1 : i32
        %parallel_loop3A_1026 = arith.addi %parallel_loop3A_976, %parallel_loop3A_1025 : i32
        %parallel_loop3A_1027 = arith.constant 128 : i32
        %parallel_loop3A_1028 = arith.muli %parallel_loop3A_1026, %parallel_loop3A_1027 : i32
        %parallel_loop3A_1029 = arith.addi %mul3A_464, %parallel_loop3A_1028 : i32
        %parallel_loop3A_1030 = arith.constant 96 : i32
        %parallel_loop3A_1031 = arith.addi %parallel_loop3A_1029, %parallel_loop3A_1030 : i32
        %parallel_loop3A_1032 = arith.index_cast %parallel_loop3A_1031 : i32 to index
        %parallel_loop3A_1033 = tpu.vector_load %arg6[%parallel_loop3A_1032] {strides = array<i32>} : memref<25600xf32, #tpu.memory_space<vmem>>, vector<16xf32>,
        %parallel_loop3A_1034 = arith.addf %parallel_loop3A_1024, %parallel_loop3A_999 : vector<16xf32>
        %parallel_loop3A_1035 = arith.addf %parallel_loop3A_1033, %parallel_loop3A_1001 : vector<16xf32>
        %parallel_loop3A_1036 = arith.mulf %parallel_loop3A_980, %parallel_loop3A_1034 : vector<16xf32>
        %parallel_loop3A_1037 = arith.addf %parallel_loop3A_978, %parallel_loop3A_1036 : vector<16xf32>
        %parallel_loop3A_1038 = arith.mulf %parallel_loop3A_981, %parallel_loop3A_1034 : vector<16xf32>
        %parallel_loop3A_1039 = arith.addf %parallel_loop3A_979, %parallel_loop3A_1038 : vector<16xf32>
        %parallel_loop3A_1040 = arith.mulf %parallel_loop3A_980, %parallel_loop3A_1035 : vector<16xf32>
        %parallel_loop3A_1041 = arith.addf %parallel_loop3A_1039, %parallel_loop3A_1040 : vector<16xf32>
        %parallel_loop3A_1042 = arith.mulf %parallel_loop3A_994, %broadcast_in_dim3A_408 : vector<16xf32>
        %parallel_loop3A_1043 = arith.addf %parallel_loop3A_977, %parallel_loop3A_1042 : vector<16xf32>
        scf.yield %parallel_loop3A_1043, %parallel_loop3A_1037, %parallel_loop3A_1041, %parallel_loop3A_1024, %parallel_loop3A_1033 : vector<16xf32>, vector<16xf32>, vector<16xf32>, vector<16xf32>, vector<16xf32>
      } {sc.loop_unroll_factor = 3 : i64, sc.parallel_access}
      %get3A_860 = arith.constant 99 : i32
      %get3A_861 = arith.constant 0 : i32
      %get3A_862 = arith.index_cast %select_n3A_426 : i32 to index
      %get3A_863 = arith.index_cast %get3A_860 : i32 to index
      %get3A_864 = arith.index_cast %get3A_861 : i32 to index
      %get3A_865 = arith.constant 96 : index
      %get3A_866 = tpu.vector_load %arg4[%get3A_862, %get3A_863, %get3A_864, %get3A_865] {strides = array<i32>} : memref<2x100x2x128xf32, #tpu.memory_space<vmem>>, vector<16xf32>,
      %get3A_867 = arith.constant 99 : i32
      %get3A_868 = arith.constant 1 : i32
      %get3A_869 = arith.index_cast %select_n3A_426 : i32 to index
      %get3A_870 = arith.index_cast %get3A_867 : i32 to index
      %get3A_871 = arith.index_cast %get3A_868 : i32 to index
      %get3A_872 = arith.constant 96 : index
      %get3A_873 = tpu.vector_load %arg4[%get3A_869, %get3A_870, %get3A_871, %get3A_872] {strides = array<i32>} : memref<2x100x2x128xf32, #tpu.memory_space<vmem>>, vector<16xf32>,
      %add3A_874 = arith.addf %get3A_866, %get3A_873 : vector<16xf32>
      %sub3A_875 = arith.subf %get3A_866, %get3A_873 : vector<16xf32>
      %lt3A_876 = arith.constant 0.000000e+00 : f32
      %lt3A_877 = vector.broadcast %lt3A_876 : f32 to vector<16xf32>
      %lt3A_878 = arith.cmpf olt, %sub3A_875, %lt3A_877 : vector<16xf32>
      %select_n3A_879 = arith.select %lt3A_878, %broadcast_in_dim3A_49, %broadcast_in_dim3A_51 : vector<16xi1>, vector<16xf32>
      %mul3A_880 = arith.mulf %select_n3A_879, %add3A_874 : vector<16xf32>
      %add3A_881 = arith.addf %mul3A_880, %sub3A_875 : vector<16xf32>
      %add3A_882 = arith.constant 12672 : i32
      %add3A_883 = arith.addi %mul3A_446, %add3A_882 : i32
      %add3A_884 = arith.constant 96 : i32
      %add3A_885 = arith.addi %add3A_883, %add3A_884 : i32
      %swap3A_886 = arith.index_cast %add3A_885 : i32 to index
      %swap3A_887 = tpu.vector_load %arg5[%swap3A_886] {strides = array<i32>} : memref<25600xf32, #tpu.memory_space<vmem>>, vector<16xf32>,
      tpu.vector_store %arg5[%swap3A_886], %select_n3A_879 {strides = array<i32>} : memref<25600xf32, #tpu.memory_space<vmem>>, vector<16xf32>,
      %add3A_888 = arith.constant 12672 : i32
      %add3A_889 = arith.addi %mul3A_446, %add3A_888 : i32
      %add3A_890 = arith.constant 96 : i32
      %add3A_891 = arith.addi %add3A_889, %add3A_890 : i32
      %swap3A_892 = arith.index_cast %add3A_891 : i32 to index
      %swap3A_893 = tpu.vector_load %arg6[%swap3A_892] {strides = array<i32>} : memref<25600xf32, #tpu.memory_space<vmem>>, vector<16xf32>,
      tpu.vector_store %arg6[%swap3A_892], %add3A_881 {strides = array<i32>} : memref<25600xf32, #tpu.memory_space<vmem>>, vector<16xf32>,
      %add3A_894 = arith.constant 96 : i32
      %add3A_895 = arith.addi %mul3A_464, %add3A_894 : i32
      %get3A_896 = arith.index_cast %add3A_895 : i32 to index
      %get3A_897 = tpu.vector_load %arg5[%get3A_896] {strides = array<i32>} : memref<25600xf32, #tpu.memory_space<vmem>>, vector<16xf32>,
      %add3A_898 = arith.constant 96 : i32
      %add3A_899 = arith.addi %mul3A_464, %add3A_898 : i32
      %get3A_900 = arith.index_cast %add3A_899 : i32 to index
      %get3A_901 = tpu.vector_load %arg6[%get3A_900] {strides = array<i32>} : memref<25600xf32, #tpu.memory_space<vmem>>, vector<16xf32>,
      %add3A_902 = arith.addf %get3A_897, %select_n3A_879 : vector<16xf32>
      %add3A_903 = arith.addf %get3A_901, %add3A_881 : vector<16xf32>
      %mul3A_904 = arith.mulf %add3A_874, %broadcast_in_dim3A_408 : vector<16xf32>
      %add3A_905 = arith.addf %parallel_loop3A_859#0, %mul3A_904 : vector<16xf32>
      %mul3A_906 = arith.mulf %parallel_loop3A_859#3, %add3A_902 : vector<16xf32>
      %add3A_907 = arith.addf %parallel_loop3A_859#1, %mul3A_906 : vector<16xf32>
      %mul3A_908 = arith.mulf %parallel_loop3A_859#4, %add3A_902 : vector<16xf32>
      %add3A_909 = arith.addf %parallel_loop3A_859#2, %mul3A_908 : vector<16xf32>
      %mul3A_910 = arith.mulf %parallel_loop3A_859#3, %add3A_903 : vector<16xf32>
      %add3A_911 = arith.addf %add3A_909, %mul3A_910 : vector<16xf32>
      %add3A_912 = arith.constant 112 : i32
      %add3A_913 = arith.addi %mul3A_464, %add3A_912 : i32
      %get3A_914 = arith.index_cast %add3A_913 : i32 to index
      %get3A_915 = tpu.vector_load %arg5[%get3A_914] {strides = array<i32>} : memref<25600xf32, #tpu.memory_space<vmem>>, vector<16xf32>,
      %add3A_916 = arith.constant 112 : i32
      %add3A_917 = arith.addi %mul3A_464, %add3A_916 : i32
      %get3A_918 = arith.index_cast %add3A_917 : i32 to index
      %get3A_919 = tpu.vector_load %arg6[%get3A_918] {strides = array<i32>} : memref<25600xf32, #tpu.memory_space<vmem>>, vector<16xf32>,
      %parallel_loop3A_920 = arith.constant 0 : i32
      %parallel_loop3A_921 = arith.constant 99 : i32
      %parallel_loop3A_922 = arith.constant 1 : i32
      %parallel_loop3A_923:5 = scf.for %parallel_loop3A_976 = %parallel_loop3A_920 to %parallel_loop3A_921 step %parallel_loop3A_922 iter_args(%parallel_loop3A_977 = %while3A_344, %parallel_loop3A_978 = %while3A_352, %parallel_loop3A_979 = %while3A_360, %parallel_loop3A_980 = %get3A_915, %parallel_loop3A_981 = %get3A_919) -> (vector<16xf32>, vector<16xf32>, vector<16xf32>, vector<16xf32>, vector<16xf32>)  : i32 {
        %parallel_loop3A_982 = arith.constant 0 : i32
        %parallel_loop3A_983 = arith.index_cast %select_n3A_426 : i32 to index
        %parallel_loop3A_984 = arith.index_cast %parallel_loop3A_976 : i32 to index
        %parallel_loop3A_985 = arith.index_cast %parallel_loop3A_982 : i32 to index
        %parallel_loop3A_986 = arith.constant 112 : index
        %parallel_loop3A_987 = tpu.vector_load %arg4[%parallel_loop3A_983, %parallel_loop3A_984, %parallel_loop3A_985, %parallel_loop3A_986] {strides = array<i32>} : memref<2x100x2x128xf32, #tpu.memory_space<vmem>>, vector<16xf32>,
        %parallel_loop3A_988 = arith.constant 1 : i32
        %parallel_loop3A_989 = arith.index_cast %select_n3A_426 : i32 to index
        %parallel_loop3A_990 = arith.index_cast %parallel_loop3A_976 : i32 to index
        %parallel_loop3A_991 = arith.index_cast %parallel_loop3A_988 : i32 to index
        %parallel_loop3A_992 = arith.constant 112 : index
        %parallel_loop3A_993 = tpu.vector_load %arg4[%parallel_loop3A_989, %parallel_loop3A_990, %parallel_loop3A_991, %parallel_loop3A_992] {strides = array<i32>} : memref<2x100x2x128xf32, #tpu.memory_space<vmem>>, vector<16xf32>,
        %parallel_loop3A_994 = arith.addf %parallel_loop3A_987, %parallel_loop3A_993 : vector<16xf32>
        %parallel_loop3A_995 = arith.subf %parallel_loop3A_987, %parallel_loop3A_993 : vector<16xf32>
        %parallel_loop3A_996 = arith.constant 0.000000e+00 : f32
        %parallel_loop3A_997 = vector.broadcast %parallel_loop3A_996 : f32 to vector<16xf32>
        %parallel_loop3A_998 = arith.cmpf olt, %parallel_loop3A_995, %parallel_loop3A_997 : vector<16xf32>
        %parallel_loop3A_999 = arith.select %parallel_loop3A_998, %broadcast_in_dim3A_49, %broadcast_in_dim3A_51 : vector<16xi1>, vector<16xf32>
        %parallel_loop3A_1000 = arith.mulf %parallel_loop3A_999, %parallel_loop3A_994 : vector<16xf32>
        %parallel_loop3A_1001 = arith.addf %parallel_loop3A_1000, %parallel_loop3A_995 : vector<16xf32>
        %parallel_loop3A_1002 = arith.constant 128 : i32
        %parallel_loop3A_1003 = arith.muli %parallel_loop3A_976, %parallel_loop3A_1002 : i32
        %parallel_loop3A_1004 = arith.addi %mul3A_446, %parallel_loop3A_1003 : i32
        %parallel_loop3A_1005 = arith.constant 112 : i32
        %parallel_loop3A_1006 = arith.addi %parallel_loop3A_1004, %parallel_loop3A_1005 : i32
        %parallel_loop3A_1007 = arith.index_cast %parallel_loop3A_1006 : i32 to index
        %parallel_loop3A_1008 = tpu.vector_load %arg5[%parallel_loop3A_1007] {strides = array<i32>} : memref<25600xf32, #tpu.memory_space<vmem>>, vector<16xf32>,
        tpu.vector_store %arg5[%parallel_loop3A_1007], %parallel_loop3A_999 {strides = array<i32>} : memref<25600xf32, #tpu.memory_space<vmem>>, vector<16xf32>,
        %parallel_loop3A_1009 = arith.constant 128 : i32
        %parallel_loop3A_1010 = arith.muli %parallel_loop3A_976, %parallel_loop3A_1009 : i32
        %parallel_loop3A_1011 = arith.addi %mul3A_446, %parallel_loop3A_1010 : i32
        %parallel_loop3A_1012 = arith.constant 112 : i32
        %parallel_loop3A_1013 = arith.addi %parallel_loop3A_1011, %parallel_loop3A_1012 : i32
        %parallel_loop3A_1014 = arith.index_cast %parallel_loop3A_1013 : i32 to index
        %parallel_loop3A_1015 = tpu.vector_load %arg6[%parallel_loop3A_1014] {strides = array<i32>} : memref<25600xf32, #tpu.memory_space<vmem>>, vector<16xf32>,
        tpu.vector_store %arg6[%parallel_loop3A_1014], %parallel_loop3A_1001 {strides = array<i32>} : memref<25600xf32, #tpu.memory_space<vmem>>, vector<16xf32>,
        %parallel_loop3A_1016 = arith.constant 1 : i32
        %parallel_loop3A_1017 = arith.addi %parallel_loop3A_976, %parallel_loop3A_1016 : i32
        %parallel_loop3A_1018 = arith.constant 128 : i32
        %parallel_loop3A_1019 = arith.muli %parallel_loop3A_1017, %parallel_loop3A_1018 : i32
        %parallel_loop3A_1020 = arith.addi %mul3A_464, %parallel_loop3A_1019 : i32
        %parallel_loop3A_1021 = arith.constant 112 : i32
        %parallel_loop3A_1022 = arith.addi %parallel_loop3A_1020, %parallel_loop3A_1021 : i32
        %parallel_loop3A_1023 = arith.index_cast %parallel_loop3A_1022 : i32 to index
        %parallel_loop3A_1024 = tpu.vector_load %arg5[%parallel_loop3A_1023] {strides = array<i32>} : memref<25600xf32, #tpu.memory_space<vmem>>, vector<16xf32>,
        %parallel_loop3A_1025 = arith.constant 1 : i32
        %parallel_loop3A_1026 = arith.addi %parallel_loop3A_976, %parallel_loop3A_1025 : i32
        %parallel_loop3A_1027 = arith.constant 128 : i32
        %parallel_loop3A_1028 = arith.muli %parallel_loop3A_1026, %parallel_loop3A_1027 : i32
        %parallel_loop3A_1029 = arith.addi %mul3A_464, %parallel_loop3A_1028 : i32
        %parallel_loop3A_1030 = arith.constant 112 : i32
        %parallel_loop3A_1031 = arith.addi %parallel_loop3A_1029, %parallel_loop3A_1030 : i32
        %parallel_loop3A_1032 = arith.index_cast %parallel_loop3A_1031 : i32 to index
        %parallel_loop3A_1033 = tpu.vector_load %arg6[%parallel_loop3A_1032] {strides = array<i32>} : memref<25600xf32, #tpu.memory_space<vmem>>, vector<16xf32>,
        %parallel_loop3A_1034 = arith.addf %parallel_loop3A_1024, %parallel_loop3A_999 : vector<16xf32>
        %parallel_loop3A_1035 = arith.addf %parallel_loop3A_1033, %parallel_loop3A_1001 : vector<16xf32>
        %parallel_loop3A_1036 = arith.mulf %parallel_loop3A_980, %parallel_loop3A_1034 : vector<16xf32>
        %parallel_loop3A_1037 = arith.addf %parallel_loop3A_978, %parallel_loop3A_1036 : vector<16xf32>
        %parallel_loop3A_1038 = arith.mulf %parallel_loop3A_981, %parallel_loop3A_1034 : vector<16xf32>
        %parallel_loop3A_1039 = arith.addf %parallel_loop3A_979, %parallel_loop3A_1038 : vector<16xf32>
        %parallel_loop3A_1040 = arith.mulf %parallel_loop3A_980, %parallel_loop3A_1035 : vector<16xf32>
        %parallel_loop3A_1041 = arith.addf %parallel_loop3A_1039, %parallel_loop3A_1040 : vector<16xf32>
        %parallel_loop3A_1042 = arith.mulf %parallel_loop3A_994, %broadcast_in_dim3A_408 : vector<16xf32>
        %parallel_loop3A_1043 = arith.addf %parallel_loop3A_977, %parallel_loop3A_1042 : vector<16xf32>
        scf.yield %parallel_loop3A_1043, %parallel_loop3A_1037, %parallel_loop3A_1041, %parallel_loop3A_1024, %parallel_loop3A_1033 : vector<16xf32>, vector<16xf32>, vector<16xf32>, vector<16xf32>, vector<16xf32>
      } {sc.loop_unroll_factor = 3 : i64, sc.parallel_access}
      %get3A_924 = arith.constant 99 : i32
      %get3A_925 = arith.constant 0 : i32
      %get3A_926 = arith.index_cast %select_n3A_426 : i32 to index
      %get3A_927 = arith.index_cast %get3A_924 : i32 to index
      %get3A_928 = arith.index_cast %get3A_925 : i32 to index
      %get3A_929 = arith.constant 112 : index
      %get3A_930 = tpu.vector_load %arg4[%get3A_926, %get3A_927, %get3A_928, %get3A_929] {strides = array<i32>} : memref<2x100x2x128xf32, #tpu.memory_space<vmem>>, vector<16xf32>,
      %get3A_931 = arith.constant 99 : i32
      %get3A_932 = arith.constant 1 : i32
      %get3A_933 = arith.index_cast %select_n3A_426 : i32 to index
      %get3A_934 = arith.index_cast %get3A_931 : i32 to index
      %get3A_935 = arith.index_cast %get3A_932 : i32 to index
      %get3A_936 = arith.constant 112 : index
      %get3A_937 = tpu.vector_load %arg4[%get3A_933, %get3A_934, %get3A_935, %get3A_936] {strides = array<i32>} : memref<2x100x2x128xf32, #tpu.memory_space<vmem>>, vector<16xf32>,
      %add3A_938 = arith.addf %get3A_930, %get3A_937 : vector<16xf32>
      %sub3A_939 = arith.subf %get3A_930, %get3A_937 : vector<16xf32>
      %lt3A_940 = arith.constant 0.000000e+00 : f32
      %lt3A_941 = vector.broadcast %lt3A_940 : f32 to vector<16xf32>
      %lt3A_942 = arith.cmpf olt, %sub3A_939, %lt3A_941 : vector<16xf32>
      %select_n3A_943 = arith.select %lt3A_942, %broadcast_in_dim3A_49, %broadcast_in_dim3A_51 : vector<16xi1>, vector<16xf32>
      %mul3A_944 = arith.mulf %select_n3A_943, %add3A_938 : vector<16xf32>
      %add3A_945 = arith.addf %mul3A_944, %sub3A_939 : vector<16xf32>
      %add3A_946 = arith.constant 12672 : i32
      %add3A_947 = arith.addi %mul3A_446, %add3A_946 : i32
      %add3A_948 = arith.constant 112 : i32
      %add3A_949 = arith.addi %add3A_947, %add3A_948 : i32
      %swap3A_950 = arith.index_cast %add3A_949 : i32 to index
      %swap3A_951 = tpu.vector_load %arg5[%swap3A_950] {strides = array<i32>} : memref<25600xf32, #tpu.memory_space<vmem>>, vector<16xf32>,
      tpu.vector_store %arg5[%swap3A_950], %select_n3A_943 {strides = array<i32>} : memref<25600xf32, #tpu.memory_space<vmem>>, vector<16xf32>,
      %add3A_952 = arith.constant 12672 : i32
      %add3A_953 = arith.addi %mul3A_446, %add3A_952 : i32
      %add3A_954 = arith.constant 112 : i32
      %add3A_955 = arith.addi %add3A_953, %add3A_954 : i32
      %swap3A_956 = arith.index_cast %add3A_955 : i32 to index
      %swap3A_957 = tpu.vector_load %arg6[%swap3A_956] {strides = array<i32>} : memref<25600xf32, #tpu.memory_space<vmem>>, vector<16xf32>,
      tpu.vector_store %arg6[%swap3A_956], %add3A_945 {strides = array<i32>} : memref<25600xf32, #tpu.memory_space<vmem>>, vector<16xf32>,
      %add3A_958 = arith.constant 112 : i32
      %add3A_959 = arith.addi %mul3A_464, %add3A_958 : i32
      %get3A_960 = arith.index_cast %add3A_959 : i32 to index
      %get3A_961 = tpu.vector_load %arg5[%get3A_960] {strides = array<i32>} : memref<25600xf32, #tpu.memory_space<vmem>>, vector<16xf32>,
      %add3A_962 = arith.constant 112 : i32
      %add3A_963 = arith.addi %mul3A_464, %add3A_962 : i32
      %get3A_964 = arith.index_cast %add3A_963 : i32 to index
      %get3A_965 = tpu.vector_load %arg6[%get3A_964] {strides = array<i32>} : memref<25600xf32, #tpu.memory_space<vmem>>, vector<16xf32>,
      %add3A_966 = arith.addf %get3A_961, %select_n3A_943 : vector<16xf32>
      %add3A_967 = arith.addf %get3A_965, %add3A_945 : vector<16xf32>
      %mul3A_968 = arith.mulf %add3A_938, %broadcast_in_dim3A_408 : vector<16xf32>
      %add3A_969 = arith.addf %parallel_loop3A_923#0, %mul3A_968 : vector<16xf32>
      %mul3A_970 = arith.mulf %parallel_loop3A_923#3, %add3A_966 : vector<16xf32>
      %add3A_971 = arith.addf %parallel_loop3A_923#1, %mul3A_970 : vector<16xf32>
      %mul3A_972 = arith.mulf %parallel_loop3A_923#4, %add3A_966 : vector<16xf32>
      %add3A_973 = arith.addf %parallel_loop3A_923#2, %mul3A_972 : vector<16xf32>
      %mul3A_974 = arith.mulf %parallel_loop3A_923#3, %add3A_967 : vector<16xf32>
      %add3A_975 = arith.addf %add3A_973, %mul3A_974 : vector<16xf32>
      scf.yield %add3A_521, %add3A_585, %add3A_649, %add3A_713, %add3A_777, %add3A_841, %add3A_905, %add3A_969, %add3A_523, %add3A_587, %add3A_651, %add3A_715, %add3A_779, %add3A_843, %add3A_907, %add3A_971, %add3A_527, %add3A_591, %add3A_655, %add3A_719, %add3A_783, %add3A_847, %add3A_911, %add3A_975 : vector<16xf32>, vector<16xf32>, vector<16xf32>, vector<16xf32>, vector<16xf32>, vector<16xf32>, vector<16xf32>, vector<16xf32>, vector<16xf32>, vector<16xf32>, vector<16xf32>, vector<16xf32>, vector<16xf32>, vector<16xf32>, vector<16xf32>, vector<16xf32>, vector<16xf32>, vector<16xf32>, vector<16xf32>, vector<16xf32>, vector<16xf32>, vector<16xf32>, vector<16xf32>, vector<16xf32>
    }
    %while3A_239 = arith.constant 1 : i32
    %while3A_240:24 = scf.for %while3A_336 = %while3A_236 to %while3A_232 step %while3A_239 iter_args(%while3A_337 = %while3A_238#0, %while3A_338 = %while3A_238#1, %while3A_339 = %while3A_238#2, %while3A_340 = %while3A_238#3, %while3A_341 = %while3A_238#4, %while3A_342 = %while3A_238#5, %while3A_343 = %while3A_238#6, %while3A_344 = %while3A_238#7, %while3A_345 = %while3A_238#8, %while3A_346 = %while3A_238#9, %while3A_347 = %while3A_238#10, %while3A_348 = %while3A_238#11, %while3A_349 = %while3A_238#12, %while3A_350 = %while3A_238#13, %while3A_351 = %while3A_238#14, %while3A_352 = %while3A_238#15, %while3A_353 = %while3A_238#16, %while3A_354 = %while3A_238#17, %while3A_355 = %while3A_238#18, %while3A_356 = %while3A_238#19, %while3A_357 = %while3A_238#20, %while3A_358 = %while3A_238#21, %while3A_359 = %while3A_238#22, %while3A_360 = %while3A_238#23) -> (vector<16xf32>, vector<16xf32>, vector<16xf32>, vector<16xf32>, vector<16xf32>, vector<16xf32>, vector<16xf32>, vector<16xf32>, vector<16xf32>, vector<16xf32>, vector<16xf32>, vector<16xf32>, vector<16xf32>, vector<16xf32>, vector<16xf32>, vector<16xf32>, vector<16xf32>, vector<16xf32>, vector<16xf32>, vector<16xf32>, vector<16xf32>, vector<16xf32>, vector<16xf32>, vector<16xf32>)  : i32 {
      %add3A_361 = arith.constant 1 : i32
      %add3A_362 = arith.addi %while3A_336, %add3A_361 : i32
      %jit3A_363 = arith.constant 2 : i32
      %eq3A_364 = arith.constant 0 : i32
      %eq3A_365 = arith.cmpi eq, %jit3A_363, %eq3A_364 : i32
      %jit3A_366 = arith.constant 1 : i32
      %select_n3A_367 = arith.select %eq3A_365, %jit3A_366, %jit3A_363 : i32
      %rem3A_368 = arith.remsi %add3A_362, %select_n3A_367 : i32
      %ne3A_369 = arith.constant 0 : i32
      %ne3A_370 = arith.cmpi ne, %rem3A_368, %ne3A_369 : i32
      %lt3A_371 = arith.constant 0 : i32
      %lt3A_372 = arith.cmpi slt, %rem3A_368, %lt3A_371 : i32
      %lt3A_373 = arith.constant 0 : i32
      %lt3A_374 = arith.cmpi slt, %select_n3A_367, %lt3A_373 : i32
      %ne3A_375 = arith.xori %lt3A_372, %lt3A_374 : i1
      %and3A_376 = arith.andi %ne3A_375, %ne3A_370 : i1
      %add3A_377 = arith.addi %rem3A_368, %select_n3A_367 : i32
      %select_n3A_378 = arith.select %and3A_376, %add3A_377, %rem3A_368 : i32
      %dma_wait3A_379 = arith.constant 0 : i32
      %dma_wait3A_380 = arith.constant 0 : i32
      %dma_wait3A_381 = arith.constant 0 : i32
      %dma_wait3A_382 = tpu.memref_slice %arg4[%select_n3A_378, %dma_wait3A_379, %dma_wait3A_380, %dma_wait3A_381] : memref<2x100x2x128xf32, #tpu.memory_space<vmem>> -> memref<1x100x2x128xf32, #tpu.memory_space<vmem>>
      %dma_wait3A_383 = tpu.memref_squeeze %dma_wait3A_382 : memref<1x100x2x128xf32, #tpu.memory_space<vmem>> -> memref<100x2x128xf32, #tpu.memory_space<vmem>>
      %dma_wait3A_384 = arith.constant 0 : i32
      %dma_wait3A_385 = arith.constant 0 : i32
      %dma_wait3A_386 = arith.constant 0 : i32
      %dma_wait3A_387 = tpu.memref_slice %arg2[%dma_wait3A_384, %dma_wait3A_385, %dma_wait3A_386] : memref<10000x2x128xf32, #tpu.memory_space<hbm>> -> memref<100x2x128xf32, #tpu.memory_space<hbm>>
      %dma_wait3A_388 = tpu.memref_slice %arg8[%select_n3A_378] : memref<2x!tpu.dma_semaphore, #tpu.memory_space<semaphore_mem>> -> memref<1x!tpu.dma_semaphore, #tpu.memory_space<semaphore_mem>>
      %dma_wait3A_389 = tpu.memref_squeeze %dma_wait3A_388 : memref<1x!tpu.dma_semaphore, #tpu.memory_space<semaphore_mem>> -> memref<!tpu.dma_semaphore, #tpu.memory_space<semaphore_mem>>
      %dma_wait3A_390 = arith.constant 0 : i32
      %dma_wait3A_391 = arith.constant 0 : i32
      %dma_wait3A_392 = arith.constant 0 : i32
      %dma_wait3A_393 = tpu.memref_slice %arg4[%select_n3A_378, %dma_wait3A_390, %dma_wait3A_391, %dma_wait3A_392] : memref<2x100x2x128xf32, #tpu.memory_space<vmem>> -> memref<1x100x2x128xf32, #tpu.memory_space<vmem>>
      %dma_wait3A_394 = tpu.memref_squeeze %dma_wait3A_393 : memref<1x100x2x128xf32, #tpu.memory_space<vmem>> -> memref<100x2x128xf32, #tpu.memory_space<vmem>>
      %dma_wait3A_395 = arith.constant 0 : i32
      %dma_wait3A_396 = arith.constant 0 : i32
      %dma_wait3A_397 = arith.constant 0 : i32
      %dma_wait3A_398 = tpu.memref_slice %arg2[%dma_wait3A_395, %dma_wait3A_396, %dma_wait3A_397] : memref<10000x2x128xf32, #tpu.memory_space<hbm>> -> memref<100x2x128xf32, #tpu.memory_space<hbm>>
      tpu.wait_dma2 semaphore(%dma_wait3A_389 : memref<!tpu.dma_semaphore, #tpu.memory_space<semaphore_mem>>) src(%dma_wait3A_398 : memref<100x2x128xf32, #tpu.memory_space<hbm>>) dst(%dma_wait3A_394 : memref<100x2x128xf32, #tpu.memory_space<vmem>>)
      %add3A_399 = arith.constant 2 : i32
      %add3A_400 = arith.addi %while3A_336, %add3A_399 : i32
      %le3A = arith.cmpi sle, %add3A_400, %select_n3A_46 : i32
      %convert_element_type3A = arith.extui %le3A : i1 to i32
      %cond3A = arith.constant 0 : i32
      %cond3A_401 = arith.cmpi ne, %convert_element_type3A, %cond3A : i32
      scf.if %cond3A_401 {
        %add3A_976 = arith.constant 2 : i32
        %add3A_977 = arith.addi %while3A_336, %add3A_976 : i32
        %ge3A_978 = arith.constant 100 : i32
        %ge3A_979 = arith.cmpi sge, %add3A_977, %ge3A_978 : i32
        %sub3A_980 = arith.constant 100 : i32
        %sub3A_981 = arith.subi %add3A_977, %sub3A_980 : i32
        %select_n3A_982 = arith.select %ge3A_979, %sub3A_981, %add3A_977 : i32
        %jit3A_983 = arith.constant 2 : i32
        %eq3A_984 = arith.constant 0 : i32
        %eq3A_985 = arith.cmpi eq, %jit3A_983, %eq3A_984 : i32
        %jit3A_986 = arith.constant 1 : i32
        %select_n3A_987 = arith.select %eq3A_985, %jit3A_986, %jit3A_983 : i32
        %rem3A_988 = arith.remsi %add3A_977, %select_n3A_987 : i32
        %ne3A_989 = arith.constant 0 : i32
        %ne3A_990 = arith.cmpi ne, %rem3A_988, %ne3A_989 : i32
        %lt3A_991 = arith.constant 0 : i32
        %lt3A_992 = arith.cmpi slt, %rem3A_988, %lt3A_991 : i32
        %lt3A_993 = arith.constant 0 : i32
        %lt3A_994 = arith.cmpi slt, %select_n3A_987, %lt3A_993 : i32
        %ne3A_995 = arith.xori %lt3A_992, %lt3A_994 : i1
        %and3A_996 = arith.andi %ne3A_995, %ne3A_990 : i1
        %add3A_997 = arith.addi %rem3A_988, %select_n3A_987 : i32
        %select_n3A_998 = arith.select %and3A_996, %add3A_997, %rem3A_988 : i32
        %mul3A_999 = arith.constant 100 : i32
        %mul3A_1000 = arith.muli %select_n3A_982, %mul3A_999 : i32
        %dma_start3A_1001 = arith.constant 0 : i32
        %dma_start3A_1002 = arith.constant 0 : i32
        %dma_start3A_1003 = arith.constant 0 : i32
        %dma_start3A_1004 = tpu.memref_slice %arg4[%select_n3A_998, %dma_start3A_1001, %dma_start3A_1002, %dma_start3A_1003] : memref<2x100x2x128xf32, #tpu.memory_space<vmem>> -> memref<1x100x2x128xf32, #tpu.memory_space<vmem>>
        %dma_start3A_1005 = tpu.memref_squeeze %dma_start3A_1004 : memref<1x100x2x128xf32, #tpu.memory_space<vmem>> -> memref<100x2x128xf32, #tpu.memory_space<vmem>>
        %dma_start3A_1006 = arith.constant 0 : i32
        %dma_start3A_1007 = arith.constant 0 : i32
        %dma_start3A_1008 = tpu.memref_slice %arg2[%mul3A_1000, %dma_start3A_1006, %dma_start3A_1007] : memref<10000x2x128xf32, #tpu.memory_space<hbm>> -> memref<100x2x128xf32, #tpu.memory_space<hbm>>
        %dma_start3A_1009 = tpu.memref_slice %arg8[%select_n3A_998] : memref<2x!tpu.dma_semaphore, #tpu.memory_space<semaphore_mem>> -> memref<1x!tpu.dma_semaphore, #tpu.memory_space<semaphore_mem>>
        %dma_start3A_1010 = tpu.memref_squeeze %dma_start3A_1009 : memref<1x!tpu.dma_semaphore, #tpu.memory_space<semaphore_mem>> -> memref<!tpu.dma_semaphore, #tpu.memory_space<semaphore_mem>>
        %dma_start3A_1011 = arith.constant 0 : i32
        %dma_start3A_1012 = arith.constant 0 : i32
        %dma_start3A_1013 = arith.constant 0 : i32
        %dma_start3A_1014 = tpu.memref_slice %arg4[%select_n3A_998, %dma_start3A_1011, %dma_start3A_1012, %dma_start3A_1013] : memref<2x100x2x128xf32, #tpu.memory_space<vmem>> -> memref<1x100x2x128xf32, #tpu.memory_space<vmem>>
        %dma_start3A_1015 = tpu.memref_squeeze %dma_start3A_1014 : memref<1x100x2x128xf32, #tpu.memory_space<vmem>> -> memref<100x2x128xf32, #tpu.memory_space<vmem>>
        %dma_start3A_1016 = arith.constant 0 : i32
        %dma_start3A_1017 = arith.constant 0 : i32
        %dma_start3A_1018 = tpu.memref_slice %arg2[%mul3A_1000, %dma_start3A_1016, %dma_start3A_1017] : memref<10000x2x128xf32, #tpu.memory_space<hbm>> -> memref<100x2x128xf32, #tpu.memory_space<hbm>>
        tpu.enqueue_dma source(%dma_start3A_1018 : memref<100x2x128xf32, #tpu.memory_space<hbm>>) target(%dma_start3A_1015 : memref<100x2x128xf32, #tpu.memory_space<vmem>>) target_semaphore(%dma_start3A_1010 : memref<!tpu.dma_semaphore, #tpu.memory_space<semaphore_mem>>)
      } else {
      }
      %add3A_402 = arith.constant 1 : i32
      %add3A_403 = arith.addi %while3A_336, %add3A_402 : i32
      %lt3A_404 = arith.cmpi slt, %add3A_403, %select_n3A_46 : i32
      %select_n3A_405 = arith.constant 0.000000e+00 : f32
      %select_n3A_406 = arith.constant 1.000000e+00 : f32
      %select_n3A_407 = arith.select %lt3A_404, %select_n3A_406, %select_n3A_405 : f32
      %broadcast_in_dim3A_408 = vector.broadcast %select_n3A_407 : f32 to vector<16xf32>
      %add3A_409 = arith.constant 1 : i32
      %add3A_410 = arith.addi %while3A_336, %add3A_409 : i32
      %jit3A_411 = arith.constant 2 : i32
      %eq3A_412 = arith.constant 0 : i32
      %eq3A_413 = arith.cmpi eq, %jit3A_411, %eq3A_412 : i32
      %jit3A_414 = arith.constant 1 : i32
      %select_n3A_415 = arith.select %eq3A_413, %jit3A_414, %jit3A_411 : i32
      %rem3A_416 = arith.remsi %add3A_410, %select_n3A_415 : i32
      %ne3A_417 = arith.constant 0 : i32
      %ne3A_418 = arith.cmpi ne, %rem3A_416, %ne3A_417 : i32
      %lt3A_419 = arith.constant 0 : i32
      %lt3A_420 = arith.cmpi slt, %rem3A_416, %lt3A_419 : i32
      %lt3A_421 = arith.constant 0 : i32
      %lt3A_422 = arith.cmpi slt, %select_n3A_415, %lt3A_421 : i32
      %ne3A_423 = arith.xori %lt3A_420, %lt3A_422 : i1
      %and3A_424 = arith.andi %ne3A_423, %ne3A_418 : i1
      %add3A_425 = arith.addi %rem3A_416, %select_n3A_415 : i32
      %select_n3A_426 = arith.select %and3A_424, %add3A_425, %rem3A_416 : i32
      %add3A_427 = arith.constant 1 : i32
      %add3A_428 = arith.addi %while3A_336, %add3A_427 : i32
      %jit3A_429 = arith.constant 2 : i32
      %eq3A_430 = arith.constant 0 : i32
      %eq3A_431 = arith.cmpi eq, %jit3A_429, %eq3A_430 : i32
      %jit3A_432 = arith.constant 1 : i32
      %select_n3A_433 = arith.select %eq3A_431, %jit3A_432, %jit3A_429 : i32
      %rem3A_434 = arith.remsi %add3A_428, %select_n3A_433 : i32
      %ne3A_435 = arith.constant 0 : i32
      %ne3A_436 = arith.cmpi ne, %rem3A_434, %ne3A_435 : i32
      %lt3A_437 = arith.constant 0 : i32
      %lt3A_438 = arith.cmpi slt, %rem3A_434, %lt3A_437 : i32
      %lt3A_439 = arith.constant 0 : i32
      %lt3A_440 = arith.cmpi slt, %select_n3A_433, %lt3A_439 : i32
      %ne3A_441 = arith.xori %lt3A_438, %lt3A_440 : i1
      %and3A_442 = arith.andi %ne3A_441, %ne3A_436 : i1
      %add3A_443 = arith.addi %rem3A_434, %select_n3A_433 : i32
      %select_n3A_444 = arith.select %and3A_442, %add3A_443, %rem3A_434 : i32
      %mul3A_445 = arith.constant 12800 : i32
      %mul3A_446 = arith.muli %select_n3A_444, %mul3A_445 : i32
      %jit3A_447 = arith.constant 2 : i32
      %eq3A_448 = arith.constant 0 : i32
      %eq3A_449 = arith.cmpi eq, %jit3A_447, %eq3A_448 : i32
      %jit3A_450 = arith.constant 1 : i32
      %select_n3A_451 = arith.select %eq3A_449, %jit3A_450, %jit3A_447 : i32
      %rem3A_452 = arith.remsi %while3A_336, %select_n3A_451 : i32
      %ne3A_453 = arith.constant 0 : i32
      %ne3A_454 = arith.cmpi ne, %rem3A_452, %ne3A_453 : i32
      %lt3A_455 = arith.constant 0 : i32
      %lt3A_456 = arith.cmpi slt, %rem3A_452, %lt3A_455 : i32
      %lt3A_457 = arith.constant 0 : i32
      %lt3A_458 = arith.cmpi slt, %select_n3A_451, %lt3A_457 : i32
      %ne3A_459 = arith.xori %lt3A_456, %lt3A_458 : i1
      %and3A_460 = arith.andi %ne3A_459, %ne3A_454 : i1
      %add3A_461 = arith.addi %rem3A_452, %select_n3A_451 : i32
      %select_n3A_462 = arith.select %and3A_460, %add3A_461, %rem3A_452 : i32
      %mul3A_463 = arith.constant 12800 : i32
      %mul3A_464 = arith.muli %select_n3A_462, %mul3A_463 : i32
      %add3A_465 = arith.constant 0 : i32
      %add3A_466 = arith.addi %mul3A_464, %add3A_465 : i32
      %get3A = arith.index_cast %add3A_466 : i32 to index
      %get3A_467 = tpu.vector_load %arg5[%get3A] {strides = array<i32>} : memref<25600xf32, #tpu.memory_space<vmem>>, vector<16xf32>,
      %add3A_468 = arith.constant 0 : i32
      %add3A_469 = arith.addi %mul3A_464, %add3A_468 : i32
      %get3A_470 = arith.index_cast %add3A_469 : i32 to index
      %get3A_471 = tpu.vector_load %arg6[%get3A_470] {strides = array<i32>} : memref<25600xf32, #tpu.memory_space<vmem>>, vector<16xf32>,
      %parallel_loop3A_472 = arith.constant 0 : i32
      %parallel_loop3A_473 = arith.constant 99 : i32
      %parallel_loop3A_474 = arith.constant 1 : i32
      %parallel_loop3A_475:5 = scf.for %parallel_loop3A_976 = %parallel_loop3A_472 to %parallel_loop3A_473 step %parallel_loop3A_474 iter_args(%parallel_loop3A_977 = %while3A_337, %parallel_loop3A_978 = %while3A_345, %parallel_loop3A_979 = %while3A_353, %parallel_loop3A_980 = %get3A_467, %parallel_loop3A_981 = %get3A_471) -> (vector<16xf32>, vector<16xf32>, vector<16xf32>, vector<16xf32>, vector<16xf32>)  : i32 {
        %parallel_loop3A_982 = arith.constant 0 : i32
        %parallel_loop3A_983 = arith.index_cast %select_n3A_426 : i32 to index
        %parallel_loop3A_984 = arith.index_cast %parallel_loop3A_976 : i32 to index
        %parallel_loop3A_985 = arith.index_cast %parallel_loop3A_982 : i32 to index
        %parallel_loop3A_986 = arith.constant 0 : index
        %parallel_loop3A_987 = tpu.vector_load %arg4[%parallel_loop3A_983, %parallel_loop3A_984, %parallel_loop3A_985, %parallel_loop3A_986] {strides = array<i32>} : memref<2x100x2x128xf32, #tpu.memory_space<vmem>>, vector<16xf32>,
        %parallel_loop3A_988 = arith.constant 1 : i32
        %parallel_loop3A_989 = arith.index_cast %select_n3A_426 : i32 to index
        %parallel_loop3A_990 = arith.index_cast %parallel_loop3A_976 : i32 to index
        %parallel_loop3A_991 = arith.index_cast %parallel_loop3A_988 : i32 to index
        %parallel_loop3A_992 = arith.constant 0 : index
        %parallel_loop3A_993 = tpu.vector_load %arg4[%parallel_loop3A_989, %parallel_loop3A_990, %parallel_loop3A_991, %parallel_loop3A_992] {strides = array<i32>} : memref<2x100x2x128xf32, #tpu.memory_space<vmem>>, vector<16xf32>,
        %parallel_loop3A_994 = arith.addf %parallel_loop3A_987, %parallel_loop3A_993 : vector<16xf32>
        %parallel_loop3A_995 = arith.subf %parallel_loop3A_987, %parallel_loop3A_993 : vector<16xf32>
        %parallel_loop3A_996 = arith.constant 0.000000e+00 : f32
        %parallel_loop3A_997 = vector.broadcast %parallel_loop3A_996 : f32 to vector<16xf32>
        %parallel_loop3A_998 = arith.cmpf olt, %parallel_loop3A_995, %parallel_loop3A_997 : vector<16xf32>
        %parallel_loop3A_999 = arith.select %parallel_loop3A_998, %broadcast_in_dim3A_49, %broadcast_in_dim3A_51 : vector<16xi1>, vector<16xf32>
        %parallel_loop3A_1000 = arith.mulf %parallel_loop3A_999, %parallel_loop3A_994 : vector<16xf32>
        %parallel_loop3A_1001 = arith.addf %parallel_loop3A_1000, %parallel_loop3A_995 : vector<16xf32>
        %parallel_loop3A_1002 = arith.constant 128 : i32
        %parallel_loop3A_1003 = arith.muli %parallel_loop3A_976, %parallel_loop3A_1002 : i32
        %parallel_loop3A_1004 = arith.addi %mul3A_446, %parallel_loop3A_1003 : i32
        %parallel_loop3A_1005 = arith.constant 0 : i32
        %parallel_loop3A_1006 = arith.addi %parallel_loop3A_1004, %parallel_loop3A_1005 : i32
        %parallel_loop3A_1007 = arith.index_cast %parallel_loop3A_1006 : i32 to index
        %parallel_loop3A_1008 = tpu.vector_load %arg5[%parallel_loop3A_1007] {strides = array<i32>} : memref<25600xf32, #tpu.memory_space<vmem>>, vector<16xf32>,
        tpu.vector_store %arg5[%parallel_loop3A_1007], %parallel_loop3A_999 {strides = array<i32>} : memref<25600xf32, #tpu.memory_space<vmem>>, vector<16xf32>,
        %parallel_loop3A_1009 = arith.constant 128 : i32
        %parallel_loop3A_1010 = arith.muli %parallel_loop3A_976, %parallel_loop3A_1009 : i32
        %parallel_loop3A_1011 = arith.addi %mul3A_446, %parallel_loop3A_1010 : i32
        %parallel_loop3A_1012 = arith.constant 0 : i32
        %parallel_loop3A_1013 = arith.addi %parallel_loop3A_1011, %parallel_loop3A_1012 : i32
        %parallel_loop3A_1014 = arith.index_cast %parallel_loop3A_1013 : i32 to index
        %parallel_loop3A_1015 = tpu.vector_load %arg6[%parallel_loop3A_1014] {strides = array<i32>} : memref<25600xf32, #tpu.memory_space<vmem>>, vector<16xf32>,
        tpu.vector_store %arg6[%parallel_loop3A_1014], %parallel_loop3A_1001 {strides = array<i32>} : memref<25600xf32, #tpu.memory_space<vmem>>, vector<16xf32>,
        %parallel_loop3A_1016 = arith.constant 1 : i32
        %parallel_loop3A_1017 = arith.addi %parallel_loop3A_976, %parallel_loop3A_1016 : i32
        %parallel_loop3A_1018 = arith.constant 128 : i32
        %parallel_loop3A_1019 = arith.muli %parallel_loop3A_1017, %parallel_loop3A_1018 : i32
        %parallel_loop3A_1020 = arith.addi %mul3A_464, %parallel_loop3A_1019 : i32
        %parallel_loop3A_1021 = arith.constant 0 : i32
        %parallel_loop3A_1022 = arith.addi %parallel_loop3A_1020, %parallel_loop3A_1021 : i32
        %parallel_loop3A_1023 = arith.index_cast %parallel_loop3A_1022 : i32 to index
        %parallel_loop3A_1024 = tpu.vector_load %arg5[%parallel_loop3A_1023] {strides = array<i32>} : memref<25600xf32, #tpu.memory_space<vmem>>, vector<16xf32>,
        %parallel_loop3A_1025 = arith.constant 1 : i32
        %parallel_loop3A_1026 = arith.addi %parallel_loop3A_976, %parallel_loop3A_1025 : i32
        %parallel_loop3A_1027 = arith.constant 128 : i32
        %parallel_loop3A_1028 = arith.muli %parallel_loop3A_1026, %parallel_loop3A_1027 : i32
        %parallel_loop3A_1029 = arith.addi %mul3A_464, %parallel_loop3A_1028 : i32
        %parallel_loop3A_1030 = arith.constant 0 : i32
        %parallel_loop3A_1031 = arith.addi %parallel_loop3A_1029, %parallel_loop3A_1030 : i32
        %parallel_loop3A_1032 = arith.index_cast %parallel_loop3A_1031 : i32 to index
        %parallel_loop3A_1033 = tpu.vector_load %arg6[%parallel_loop3A_1032] {strides = array<i32>} : memref<25600xf32, #tpu.memory_space<vmem>>, vector<16xf32>,
        %parallel_loop3A_1034 = arith.addf %parallel_loop3A_1024, %parallel_loop3A_999 : vector<16xf32>
        %parallel_loop3A_1035 = arith.addf %parallel_loop3A_1033, %parallel_loop3A_1001 : vector<16xf32>
        %parallel_loop3A_1036 = arith.mulf %parallel_loop3A_980, %parallel_loop3A_1034 : vector<16xf32>
        %parallel_loop3A_1037 = arith.addf %parallel_loop3A_978, %parallel_loop3A_1036 : vector<16xf32>
        %parallel_loop3A_1038 = arith.mulf %parallel_loop3A_981, %parallel_loop3A_1034 : vector<16xf32>
        %parallel_loop3A_1039 = arith.addf %parallel_loop3A_979, %parallel_loop3A_1038 : vector<16xf32>
        %parallel_loop3A_1040 = arith.mulf %parallel_loop3A_980, %parallel_loop3A_1035 : vector<16xf32>
        %parallel_loop3A_1041 = arith.addf %parallel_loop3A_1039, %parallel_loop3A_1040 : vector<16xf32>
        %parallel_loop3A_1042 = arith.mulf %parallel_loop3A_994, %broadcast_in_dim3A_408 : vector<16xf32>
        %parallel_loop3A_1043 = arith.addf %parallel_loop3A_977, %parallel_loop3A_1042 : vector<16xf32>
        scf.yield %parallel_loop3A_1043, %parallel_loop3A_1037, %parallel_loop3A_1041, %parallel_loop3A_1024, %parallel_loop3A_1033 : vector<16xf32>, vector<16xf32>, vector<16xf32>, vector<16xf32>, vector<16xf32>
      } {sc.loop_unroll_factor = 3 : i64, sc.parallel_access}
      %get3A_476 = arith.constant 99 : i32
      %get3A_477 = arith.constant 0 : i32
      %get3A_478 = arith.index_cast %select_n3A_426 : i32 to index
      %get3A_479 = arith.index_cast %get3A_476 : i32 to index
      %get3A_480 = arith.index_cast %get3A_477 : i32 to index
      %get3A_481 = arith.constant 0 : index
      %get3A_482 = tpu.vector_load %arg4[%get3A_478, %get3A_479, %get3A_480, %get3A_481] {strides = array<i32>} : memref<2x100x2x128xf32, #tpu.memory_space<vmem>>, vector<16xf32>,
      %get3A_483 = arith.constant 99 : i32
      %get3A_484 = arith.constant 1 : i32
      %get3A_485 = arith.index_cast %select_n3A_426 : i32 to index
      %get3A_486 = arith.index_cast %get3A_483 : i32 to index
      %get3A_487 = arith.index_cast %get3A_484 : i32 to index
      %get3A_488 = arith.constant 0 : index
      %get3A_489 = tpu.vector_load %arg4[%get3A_485, %get3A_486, %get3A_487, %get3A_488] {strides = array<i32>} : memref<2x100x2x128xf32, #tpu.memory_space<vmem>>, vector<16xf32>,
      %add3A_490 = arith.addf %get3A_482, %get3A_489 : vector<16xf32>
      %sub3A_491 = arith.subf %get3A_482, %get3A_489 : vector<16xf32>
      %lt3A_492 = arith.constant 0.000000e+00 : f32
      %lt3A_493 = vector.broadcast %lt3A_492 : f32 to vector<16xf32>
      %lt3A_494 = arith.cmpf olt, %sub3A_491, %lt3A_493 : vector<16xf32>
      %select_n3A_495 = arith.select %lt3A_494, %broadcast_in_dim3A_49, %broadcast_in_dim3A_51 : vector<16xi1>, vector<16xf32>
      %mul3A_496 = arith.mulf %select_n3A_495, %add3A_490 : vector<16xf32>
      %add3A_497 = arith.addf %mul3A_496, %sub3A_491 : vector<16xf32>
      %add3A_498 = arith.constant 12672 : i32
      %add3A_499 = arith.addi %mul3A_446, %add3A_498 : i32
      %add3A_500 = arith.constant 0 : i32
      %add3A_501 = arith.addi %add3A_499, %add3A_500 : i32
      %swap3A_502 = arith.index_cast %add3A_501 : i32 to index
      %swap3A_503 = tpu.vector_load %arg5[%swap3A_502] {strides = array<i32>} : memref<25600xf32, #tpu.memory_space<vmem>>, vector<16xf32>,
      tpu.vector_store %arg5[%swap3A_502], %select_n3A_495 {strides = array<i32>} : memref<25600xf32, #tpu.memory_space<vmem>>, vector<16xf32>,
      %add3A_504 = arith.constant 12672 : i32
      %add3A_505 = arith.addi %mul3A_446, %add3A_504 : i32
      %add3A_506 = arith.constant 0 : i32
      %add3A_507 = arith.addi %add3A_505, %add3A_506 : i32
      %swap3A_508 = arith.index_cast %add3A_507 : i32 to index
      %swap3A_509 = tpu.vector_load %arg6[%swap3A_508] {strides = array<i32>} : memref<25600xf32, #tpu.memory_space<vmem>>, vector<16xf32>,
      tpu.vector_store %arg6[%swap3A_508], %add3A_497 {strides = array<i32>} : memref<25600xf32, #tpu.memory_space<vmem>>, vector<16xf32>,
      %add3A_510 = arith.constant 0 : i32
      %add3A_511 = arith.addi %mul3A_464, %add3A_510 : i32
      %get3A_512 = arith.index_cast %add3A_511 : i32 to index
      %get3A_513 = tpu.vector_load %arg5[%get3A_512] {strides = array<i32>} : memref<25600xf32, #tpu.memory_space<vmem>>, vector<16xf32>,
      %add3A_514 = arith.constant 0 : i32
      %add3A_515 = arith.addi %mul3A_464, %add3A_514 : i32
      %get3A_516 = arith.index_cast %add3A_515 : i32 to index
      %get3A_517 = tpu.vector_load %arg6[%get3A_516] {strides = array<i32>} : memref<25600xf32, #tpu.memory_space<vmem>>, vector<16xf32>,
      %add3A_518 = arith.addf %get3A_513, %select_n3A_495 : vector<16xf32>
      %add3A_519 = arith.addf %get3A_517, %add3A_497 : vector<16xf32>
      %mul3A_520 = arith.mulf %add3A_490, %broadcast_in_dim3A_408 : vector<16xf32>
      %add3A_521 = arith.addf %parallel_loop3A_475#0, %mul3A_520 : vector<16xf32>
      %mul3A_522 = arith.mulf %parallel_loop3A_475#3, %add3A_518 : vector<16xf32>
      %add3A_523 = arith.addf %parallel_loop3A_475#1, %mul3A_522 : vector<16xf32>
      %mul3A_524 = arith.mulf %parallel_loop3A_475#4, %add3A_518 : vector<16xf32>
      %add3A_525 = arith.addf %parallel_loop3A_475#2, %mul3A_524 : vector<16xf32>
      %mul3A_526 = arith.mulf %parallel_loop3A_475#3, %add3A_519 : vector<16xf32>
      %add3A_527 = arith.addf %add3A_525, %mul3A_526 : vector<16xf32>
      %add3A_528 = arith.constant 16 : i32
      %add3A_529 = arith.addi %mul3A_464, %add3A_528 : i32
      %get3A_530 = arith.index_cast %add3A_529 : i32 to index
      %get3A_531 = tpu.vector_load %arg5[%get3A_530] {strides = array<i32>} : memref<25600xf32, #tpu.memory_space<vmem>>, vector<16xf32>,
      %add3A_532 = arith.constant 16 : i32
      %add3A_533 = arith.addi %mul3A_464, %add3A_532 : i32
      %get3A_534 = arith.index_cast %add3A_533 : i32 to index
      %get3A_535 = tpu.vector_load %arg6[%get3A_534] {strides = array<i32>} : memref<25600xf32, #tpu.memory_space<vmem>>, vector<16xf32>,
      %parallel_loop3A_536 = arith.constant 0 : i32
      %parallel_loop3A_537 = arith.constant 99 : i32
      %parallel_loop3A_538 = arith.constant 1 : i32
      %parallel_loop3A_539:5 = scf.for %parallel_loop3A_976 = %parallel_loop3A_536 to %parallel_loop3A_537 step %parallel_loop3A_538 iter_args(%parallel_loop3A_977 = %while3A_338, %parallel_loop3A_978 = %while3A_346, %parallel_loop3A_979 = %while3A_354, %parallel_loop3A_980 = %get3A_531, %parallel_loop3A_981 = %get3A_535) -> (vector<16xf32>, vector<16xf32>, vector<16xf32>, vector<16xf32>, vector<16xf32>)  : i32 {
        %parallel_loop3A_982 = arith.constant 0 : i32
        %parallel_loop3A_983 = arith.index_cast %select_n3A_426 : i32 to index
        %parallel_loop3A_984 = arith.index_cast %parallel_loop3A_976 : i32 to index
        %parallel_loop3A_985 = arith.index_cast %parallel_loop3A_982 : i32 to index
        %parallel_loop3A_986 = arith.constant 16 : index
        %parallel_loop3A_987 = tpu.vector_load %arg4[%parallel_loop3A_983, %parallel_loop3A_984, %parallel_loop3A_985, %parallel_loop3A_986] {strides = array<i32>} : memref<2x100x2x128xf32, #tpu.memory_space<vmem>>, vector<16xf32>,
        %parallel_loop3A_988 = arith.constant 1 : i32
        %parallel_loop3A_989 = arith.index_cast %select_n3A_426 : i32 to index
        %parallel_loop3A_990 = arith.index_cast %parallel_loop3A_976 : i32 to index
        %parallel_loop3A_991 = arith.index_cast %parallel_loop3A_988 : i32 to index
        %parallel_loop3A_992 = arith.constant 16 : index
        %parallel_loop3A_993 = tpu.vector_load %arg4[%parallel_loop3A_989, %parallel_loop3A_990, %parallel_loop3A_991, %parallel_loop3A_992] {strides = array<i32>} : memref<2x100x2x128xf32, #tpu.memory_space<vmem>>, vector<16xf32>,
        %parallel_loop3A_994 = arith.addf %parallel_loop3A_987, %parallel_loop3A_993 : vector<16xf32>
        %parallel_loop3A_995 = arith.subf %parallel_loop3A_987, %parallel_loop3A_993 : vector<16xf32>
        %parallel_loop3A_996 = arith.constant 0.000000e+00 : f32
        %parallel_loop3A_997 = vector.broadcast %parallel_loop3A_996 : f32 to vector<16xf32>
        %parallel_loop3A_998 = arith.cmpf olt, %parallel_loop3A_995, %parallel_loop3A_997 : vector<16xf32>
        %parallel_loop3A_999 = arith.select %parallel_loop3A_998, %broadcast_in_dim3A_49, %broadcast_in_dim3A_51 : vector<16xi1>, vector<16xf32>
        %parallel_loop3A_1000 = arith.mulf %parallel_loop3A_999, %parallel_loop3A_994 : vector<16xf32>
        %parallel_loop3A_1001 = arith.addf %parallel_loop3A_1000, %parallel_loop3A_995 : vector<16xf32>
        %parallel_loop3A_1002 = arith.constant 128 : i32
        %parallel_loop3A_1003 = arith.muli %parallel_loop3A_976, %parallel_loop3A_1002 : i32
        %parallel_loop3A_1004 = arith.addi %mul3A_446, %parallel_loop3A_1003 : i32
        %parallel_loop3A_1005 = arith.constant 16 : i32
        %parallel_loop3A_1006 = arith.addi %parallel_loop3A_1004, %parallel_loop3A_1005 : i32
        %parallel_loop3A_1007 = arith.index_cast %parallel_loop3A_1006 : i32 to index
        %parallel_loop3A_1008 = tpu.vector_load %arg5[%parallel_loop3A_1007] {strides = array<i32>} : memref<25600xf32, #tpu.memory_space<vmem>>, vector<16xf32>,
        tpu.vector_store %arg5[%parallel_loop3A_1007], %parallel_loop3A_999 {strides = array<i32>} : memref<25600xf32, #tpu.memory_space<vmem>>, vector<16xf32>,
        %parallel_loop3A_1009 = arith.constant 128 : i32
        %parallel_loop3A_1010 = arith.muli %parallel_loop3A_976, %parallel_loop3A_1009 : i32
        %parallel_loop3A_1011 = arith.addi %mul3A_446, %parallel_loop3A_1010 : i32
        %parallel_loop3A_1012 = arith.constant 16 : i32
        %parallel_loop3A_1013 = arith.addi %parallel_loop3A_1011, %parallel_loop3A_1012 : i32
        %parallel_loop3A_1014 = arith.index_cast %parallel_loop3A_1013 : i32 to index
        %parallel_loop3A_1015 = tpu.vector_load %arg6[%parallel_loop3A_1014] {strides = array<i32>} : memref<25600xf32, #tpu.memory_space<vmem>>, vector<16xf32>,
        tpu.vector_store %arg6[%parallel_loop3A_1014], %parallel_loop3A_1001 {strides = array<i32>} : memref<25600xf32, #tpu.memory_space<vmem>>, vector<16xf32>,
        %parallel_loop3A_1016 = arith.constant 1 : i32
        %parallel_loop3A_1017 = arith.addi %parallel_loop3A_976, %parallel_loop3A_1016 : i32
        %parallel_loop3A_1018 = arith.constant 128 : i32
        %parallel_loop3A_1019 = arith.muli %parallel_loop3A_1017, %parallel_loop3A_1018 : i32
        %parallel_loop3A_1020 = arith.addi %mul3A_464, %parallel_loop3A_1019 : i32
        %parallel_loop3A_1021 = arith.constant 16 : i32
        %parallel_loop3A_1022 = arith.addi %parallel_loop3A_1020, %parallel_loop3A_1021 : i32
        %parallel_loop3A_1023 = arith.index_cast %parallel_loop3A_1022 : i32 to index
        %parallel_loop3A_1024 = tpu.vector_load %arg5[%parallel_loop3A_1023] {strides = array<i32>} : memref<25600xf32, #tpu.memory_space<vmem>>, vector<16xf32>,
        %parallel_loop3A_1025 = arith.constant 1 : i32
        %parallel_loop3A_1026 = arith.addi %parallel_loop3A_976, %parallel_loop3A_1025 : i32
        %parallel_loop3A_1027 = arith.constant 128 : i32
        %parallel_loop3A_1028 = arith.muli %parallel_loop3A_1026, %parallel_loop3A_1027 : i32
        %parallel_loop3A_1029 = arith.addi %mul3A_464, %parallel_loop3A_1028 : i32
        %parallel_loop3A_1030 = arith.constant 16 : i32
        %parallel_loop3A_1031 = arith.addi %parallel_loop3A_1029, %parallel_loop3A_1030 : i32
        %parallel_loop3A_1032 = arith.index_cast %parallel_loop3A_1031 : i32 to index
        %parallel_loop3A_1033 = tpu.vector_load %arg6[%parallel_loop3A_1032] {strides = array<i32>} : memref<25600xf32, #tpu.memory_space<vmem>>, vector<16xf32>,
        %parallel_loop3A_1034 = arith.addf %parallel_loop3A_1024, %parallel_loop3A_999 : vector<16xf32>
        %parallel_loop3A_1035 = arith.addf %parallel_loop3A_1033, %parallel_loop3A_1001 : vector<16xf32>
        %parallel_loop3A_1036 = arith.mulf %parallel_loop3A_980, %parallel_loop3A_1034 : vector<16xf32>
        %parallel_loop3A_1037 = arith.addf %parallel_loop3A_978, %parallel_loop3A_1036 : vector<16xf32>
        %parallel_loop3A_1038 = arith.mulf %parallel_loop3A_981, %parallel_loop3A_1034 : vector<16xf32>
        %parallel_loop3A_1039 = arith.addf %parallel_loop3A_979, %parallel_loop3A_1038 : vector<16xf32>
        %parallel_loop3A_1040 = arith.mulf %parallel_loop3A_980, %parallel_loop3A_1035 : vector<16xf32>
        %parallel_loop3A_1041 = arith.addf %parallel_loop3A_1039, %parallel_loop3A_1040 : vector<16xf32>
        %parallel_loop3A_1042 = arith.mulf %parallel_loop3A_994, %broadcast_in_dim3A_408 : vector<16xf32>
        %parallel_loop3A_1043 = arith.addf %parallel_loop3A_977, %parallel_loop3A_1042 : vector<16xf32>
        scf.yield %parallel_loop3A_1043, %parallel_loop3A_1037, %parallel_loop3A_1041, %parallel_loop3A_1024, %parallel_loop3A_1033 : vector<16xf32>, vector<16xf32>, vector<16xf32>, vector<16xf32>, vector<16xf32>
      } {sc.loop_unroll_factor = 3 : i64, sc.parallel_access}
      %get3A_540 = arith.constant 99 : i32
      %get3A_541 = arith.constant 0 : i32
      %get3A_542 = arith.index_cast %select_n3A_426 : i32 to index
      %get3A_543 = arith.index_cast %get3A_540 : i32 to index
      %get3A_544 = arith.index_cast %get3A_541 : i32 to index
      %get3A_545 = arith.constant 16 : index
      %get3A_546 = tpu.vector_load %arg4[%get3A_542, %get3A_543, %get3A_544, %get3A_545] {strides = array<i32>} : memref<2x100x2x128xf32, #tpu.memory_space<vmem>>, vector<16xf32>,
      %get3A_547 = arith.constant 99 : i32
      %get3A_548 = arith.constant 1 : i32
      %get3A_549 = arith.index_cast %select_n3A_426 : i32 to index
      %get3A_550 = arith.index_cast %get3A_547 : i32 to index
      %get3A_551 = arith.index_cast %get3A_548 : i32 to index
      %get3A_552 = arith.constant 16 : index
      %get3A_553 = tpu.vector_load %arg4[%get3A_549, %get3A_550, %get3A_551, %get3A_552] {strides = array<i32>} : memref<2x100x2x128xf32, #tpu.memory_space<vmem>>, vector<16xf32>,
      %add3A_554 = arith.addf %get3A_546, %get3A_553 : vector<16xf32>
      %sub3A_555 = arith.subf %get3A_546, %get3A_553 : vector<16xf32>
      %lt3A_556 = arith.constant 0.000000e+00 : f32
      %lt3A_557 = vector.broadcast %lt3A_556 : f32 to vector<16xf32>
      %lt3A_558 = arith.cmpf olt, %sub3A_555, %lt3A_557 : vector<16xf32>
      %select_n3A_559 = arith.select %lt3A_558, %broadcast_in_dim3A_49, %broadcast_in_dim3A_51 : vector<16xi1>, vector<16xf32>
      %mul3A_560 = arith.mulf %select_n3A_559, %add3A_554 : vector<16xf32>
      %add3A_561 = arith.addf %mul3A_560, %sub3A_555 : vector<16xf32>
      %add3A_562 = arith.constant 12672 : i32
      %add3A_563 = arith.addi %mul3A_446, %add3A_562 : i32
      %add3A_564 = arith.constant 16 : i32
      %add3A_565 = arith.addi %add3A_563, %add3A_564 : i32
      %swap3A_566 = arith.index_cast %add3A_565 : i32 to index
      %swap3A_567 = tpu.vector_load %arg5[%swap3A_566] {strides = array<i32>} : memref<25600xf32, #tpu.memory_space<vmem>>, vector<16xf32>,
      tpu.vector_store %arg5[%swap3A_566], %select_n3A_559 {strides = array<i32>} : memref<25600xf32, #tpu.memory_space<vmem>>, vector<16xf32>,
      %add3A_568 = arith.constant 12672 : i32
      %add3A_569 = arith.addi %mul3A_446, %add3A_568 : i32
      %add3A_570 = arith.constant 16 : i32
      %add3A_571 = arith.addi %add3A_569, %add3A_570 : i32
      %swap3A_572 = arith.index_cast %add3A_571 : i32 to index
      %swap3A_573 = tpu.vector_load %arg6[%swap3A_572] {strides = array<i32>} : memref<25600xf32, #tpu.memory_space<vmem>>, vector<16xf32>,
      tpu.vector_store %arg6[%swap3A_572], %add3A_561 {strides = array<i32>} : memref<25600xf32, #tpu.memory_space<vmem>>, vector<16xf32>,
      %add3A_574 = arith.constant 16 : i32
      %add3A_575 = arith.addi %mul3A_464, %add3A_574 : i32
      %get3A_576 = arith.index_cast %add3A_575 : i32 to index
      %get3A_577 = tpu.vector_load %arg5[%get3A_576] {strides = array<i32>} : memref<25600xf32, #tpu.memory_space<vmem>>, vector<16xf32>,
      %add3A_578 = arith.constant 16 : i32
      %add3A_579 = arith.addi %mul3A_464, %add3A_578 : i32
      %get3A_580 = arith.index_cast %add3A_579 : i32 to index
      %get3A_581 = tpu.vector_load %arg6[%get3A_580] {strides = array<i32>} : memref<25600xf32, #tpu.memory_space<vmem>>, vector<16xf32>,
      %add3A_582 = arith.addf %get3A_577, %select_n3A_559 : vector<16xf32>
      %add3A_583 = arith.addf %get3A_581, %add3A_561 : vector<16xf32>
      %mul3A_584 = arith.mulf %add3A_554, %broadcast_in_dim3A_408 : vector<16xf32>
      %add3A_585 = arith.addf %parallel_loop3A_539#0, %mul3A_584 : vector<16xf32>
      %mul3A_586 = arith.mulf %parallel_loop3A_539#3, %add3A_582 : vector<16xf32>
      %add3A_587 = arith.addf %parallel_loop3A_539#1, %mul3A_586 : vector<16xf32>
      %mul3A_588 = arith.mulf %parallel_loop3A_539#4, %add3A_582 : vector<16xf32>
      %add3A_589 = arith.addf %parallel_loop3A_539#2, %mul3A_588 : vector<16xf32>
      %mul3A_590 = arith.mulf %parallel_loop3A_539#3, %add3A_583 : vector<16xf32>
      %add3A_591 = arith.addf %add3A_589, %mul3A_590 : vector<16xf32>
      %add3A_592 = arith.constant 32 : i32
      %add3A_593 = arith.addi %mul3A_464, %add3A_592 : i32
      %get3A_594 = arith.index_cast %add3A_593 : i32 to index
      %get3A_595 = tpu.vector_load %arg5[%get3A_594] {strides = array<i32>} : memref<25600xf32, #tpu.memory_space<vmem>>, vector<16xf32>,
      %add3A_596 = arith.constant 32 : i32
      %add3A_597 = arith.addi %mul3A_464, %add3A_596 : i32
      %get3A_598 = arith.index_cast %add3A_597 : i32 to index
      %get3A_599 = tpu.vector_load %arg6[%get3A_598] {strides = array<i32>} : memref<25600xf32, #tpu.memory_space<vmem>>, vector<16xf32>,
      %parallel_loop3A_600 = arith.constant 0 : i32
      %parallel_loop3A_601 = arith.constant 99 : i32
      %parallel_loop3A_602 = arith.constant 1 : i32
      %parallel_loop3A_603:5 = scf.for %parallel_loop3A_976 = %parallel_loop3A_600 to %parallel_loop3A_601 step %parallel_loop3A_602 iter_args(%parallel_loop3A_977 = %while3A_339, %parallel_loop3A_978 = %while3A_347, %parallel_loop3A_979 = %while3A_355, %parallel_loop3A_980 = %get3A_595, %parallel_loop3A_981 = %get3A_599) -> (vector<16xf32>, vector<16xf32>, vector<16xf32>, vector<16xf32>, vector<16xf32>)  : i32 {
        %parallel_loop3A_982 = arith.constant 0 : i32
        %parallel_loop3A_983 = arith.index_cast %select_n3A_426 : i32 to index
        %parallel_loop3A_984 = arith.index_cast %parallel_loop3A_976 : i32 to index
        %parallel_loop3A_985 = arith.index_cast %parallel_loop3A_982 : i32 to index
        %parallel_loop3A_986 = arith.constant 32 : index
        %parallel_loop3A_987 = tpu.vector_load %arg4[%parallel_loop3A_983, %parallel_loop3A_984, %parallel_loop3A_985, %parallel_loop3A_986] {strides = array<i32>} : memref<2x100x2x128xf32, #tpu.memory_space<vmem>>, vector<16xf32>,
        %parallel_loop3A_988 = arith.constant 1 : i32
        %parallel_loop3A_989 = arith.index_cast %select_n3A_426 : i32 to index
        %parallel_loop3A_990 = arith.index_cast %parallel_loop3A_976 : i32 to index
        %parallel_loop3A_991 = arith.index_cast %parallel_loop3A_988 : i32 to index
        %parallel_loop3A_992 = arith.constant 32 : index
        %parallel_loop3A_993 = tpu.vector_load %arg4[%parallel_loop3A_989, %parallel_loop3A_990, %parallel_loop3A_991, %parallel_loop3A_992] {strides = array<i32>} : memref<2x100x2x128xf32, #tpu.memory_space<vmem>>, vector<16xf32>,
        %parallel_loop3A_994 = arith.addf %parallel_loop3A_987, %parallel_loop3A_993 : vector<16xf32>
        %parallel_loop3A_995 = arith.subf %parallel_loop3A_987, %parallel_loop3A_993 : vector<16xf32>
        %parallel_loop3A_996 = arith.constant 0.000000e+00 : f32
        %parallel_loop3A_997 = vector.broadcast %parallel_loop3A_996 : f32 to vector<16xf32>
        %parallel_loop3A_998 = arith.cmpf olt, %parallel_loop3A_995, %parallel_loop3A_997 : vector<16xf32>
        %parallel_loop3A_999 = arith.select %parallel_loop3A_998, %broadcast_in_dim3A_49, %broadcast_in_dim3A_51 : vector<16xi1>, vector<16xf32>
        %parallel_loop3A_1000 = arith.mulf %parallel_loop3A_999, %parallel_loop3A_994 : vector<16xf32>
        %parallel_loop3A_1001 = arith.addf %parallel_loop3A_1000, %parallel_loop3A_995 : vector<16xf32>
        %parallel_loop3A_1002 = arith.constant 128 : i32
        %parallel_loop3A_1003 = arith.muli %parallel_loop3A_976, %parallel_loop3A_1002 : i32
        %parallel_loop3A_1004 = arith.addi %mul3A_446, %parallel_loop3A_1003 : i32
        %parallel_loop3A_1005 = arith.constant 32 : i32
        %parallel_loop3A_1006 = arith.addi %parallel_loop3A_1004, %parallel_loop3A_1005 : i32
        %parallel_loop3A_1007 = arith.index_cast %parallel_loop3A_1006 : i32 to index
        %parallel_loop3A_1008 = tpu.vector_load %arg5[%parallel_loop3A_1007] {strides = array<i32>} : memref<25600xf32, #tpu.memory_space<vmem>>, vector<16xf32>,
        tpu.vector_store %arg5[%parallel_loop3A_1007], %parallel_loop3A_999 {strides = array<i32>} : memref<25600xf32, #tpu.memory_space<vmem>>, vector<16xf32>,
        %parallel_loop3A_1009 = arith.constant 128 : i32
        %parallel_loop3A_1010 = arith.muli %parallel_loop3A_976, %parallel_loop3A_1009 : i32
        %parallel_loop3A_1011 = arith.addi %mul3A_446, %parallel_loop3A_1010 : i32
        %parallel_loop3A_1012 = arith.constant 32 : i32
        %parallel_loop3A_1013 = arith.addi %parallel_loop3A_1011, %parallel_loop3A_1012 : i32
        %parallel_loop3A_1014 = arith.index_cast %parallel_loop3A_1013 : i32 to index
        %parallel_loop3A_1015 = tpu.vector_load %arg6[%parallel_loop3A_1014] {strides = array<i32>} : memref<25600xf32, #tpu.memory_space<vmem>>, vector<16xf32>,
        tpu.vector_store %arg6[%parallel_loop3A_1014], %parallel_loop3A_1001 {strides = array<i32>} : memref<25600xf32, #tpu.memory_space<vmem>>, vector<16xf32>,
        %parallel_loop3A_1016 = arith.constant 1 : i32
        %parallel_loop3A_1017 = arith.addi %parallel_loop3A_976, %parallel_loop3A_1016 : i32
        %parallel_loop3A_1018 = arith.constant 128 : i32
        %parallel_loop3A_1019 = arith.muli %parallel_loop3A_1017, %parallel_loop3A_1018 : i32
        %parallel_loop3A_1020 = arith.addi %mul3A_464, %parallel_loop3A_1019 : i32
        %parallel_loop3A_1021 = arith.constant 32 : i32
        %parallel_loop3A_1022 = arith.addi %parallel_loop3A_1020, %parallel_loop3A_1021 : i32
        %parallel_loop3A_1023 = arith.index_cast %parallel_loop3A_1022 : i32 to index
        %parallel_loop3A_1024 = tpu.vector_load %arg5[%parallel_loop3A_1023] {strides = array<i32>} : memref<25600xf32, #tpu.memory_space<vmem>>, vector<16xf32>,
        %parallel_loop3A_1025 = arith.constant 1 : i32
        %parallel_loop3A_1026 = arith.addi %parallel_loop3A_976, %parallel_loop3A_1025 : i32
        %parallel_loop3A_1027 = arith.constant 128 : i32
        %parallel_loop3A_1028 = arith.muli %parallel_loop3A_1026, %parallel_loop3A_1027 : i32
        %parallel_loop3A_1029 = arith.addi %mul3A_464, %parallel_loop3A_1028 : i32
        %parallel_loop3A_1030 = arith.constant 32 : i32
        %parallel_loop3A_1031 = arith.addi %parallel_loop3A_1029, %parallel_loop3A_1030 : i32
        %parallel_loop3A_1032 = arith.index_cast %parallel_loop3A_1031 : i32 to index
        %parallel_loop3A_1033 = tpu.vector_load %arg6[%parallel_loop3A_1032] {strides = array<i32>} : memref<25600xf32, #tpu.memory_space<vmem>>, vector<16xf32>,
        %parallel_loop3A_1034 = arith.addf %parallel_loop3A_1024, %parallel_loop3A_999 : vector<16xf32>
        %parallel_loop3A_1035 = arith.addf %parallel_loop3A_1033, %parallel_loop3A_1001 : vector<16xf32>
        %parallel_loop3A_1036 = arith.mulf %parallel_loop3A_980, %parallel_loop3A_1034 : vector<16xf32>
        %parallel_loop3A_1037 = arith.addf %parallel_loop3A_978, %parallel_loop3A_1036 : vector<16xf32>
        %parallel_loop3A_1038 = arith.mulf %parallel_loop3A_981, %parallel_loop3A_1034 : vector<16xf32>
        %parallel_loop3A_1039 = arith.addf %parallel_loop3A_979, %parallel_loop3A_1038 : vector<16xf32>
        %parallel_loop3A_1040 = arith.mulf %parallel_loop3A_980, %parallel_loop3A_1035 : vector<16xf32>
        %parallel_loop3A_1041 = arith.addf %parallel_loop3A_1039, %parallel_loop3A_1040 : vector<16xf32>
        %parallel_loop3A_1042 = arith.mulf %parallel_loop3A_994, %broadcast_in_dim3A_408 : vector<16xf32>
        %parallel_loop3A_1043 = arith.addf %parallel_loop3A_977, %parallel_loop3A_1042 : vector<16xf32>
        scf.yield %parallel_loop3A_1043, %parallel_loop3A_1037, %parallel_loop3A_1041, %parallel_loop3A_1024, %parallel_loop3A_1033 : vector<16xf32>, vector<16xf32>, vector<16xf32>, vector<16xf32>, vector<16xf32>
      } {sc.loop_unroll_factor = 3 : i64, sc.parallel_access}
      %get3A_604 = arith.constant 99 : i32
      %get3A_605 = arith.constant 0 : i32
      %get3A_606 = arith.index_cast %select_n3A_426 : i32 to index
      %get3A_607 = arith.index_cast %get3A_604 : i32 to index
      %get3A_608 = arith.index_cast %get3A_605 : i32 to index
      %get3A_609 = arith.constant 32 : index
      %get3A_610 = tpu.vector_load %arg4[%get3A_606, %get3A_607, %get3A_608, %get3A_609] {strides = array<i32>} : memref<2x100x2x128xf32, #tpu.memory_space<vmem>>, vector<16xf32>,
      %get3A_611 = arith.constant 99 : i32
      %get3A_612 = arith.constant 1 : i32
      %get3A_613 = arith.index_cast %select_n3A_426 : i32 to index
      %get3A_614 = arith.index_cast %get3A_611 : i32 to index
      %get3A_615 = arith.index_cast %get3A_612 : i32 to index
      %get3A_616 = arith.constant 32 : index
      %get3A_617 = tpu.vector_load %arg4[%get3A_613, %get3A_614, %get3A_615, %get3A_616] {strides = array<i32>} : memref<2x100x2x128xf32, #tpu.memory_space<vmem>>, vector<16xf32>,
      %add3A_618 = arith.addf %get3A_610, %get3A_617 : vector<16xf32>
      %sub3A_619 = arith.subf %get3A_610, %get3A_617 : vector<16xf32>
      %lt3A_620 = arith.constant 0.000000e+00 : f32
      %lt3A_621 = vector.broadcast %lt3A_620 : f32 to vector<16xf32>
      %lt3A_622 = arith.cmpf olt, %sub3A_619, %lt3A_621 : vector<16xf32>
      %select_n3A_623 = arith.select %lt3A_622, %broadcast_in_dim3A_49, %broadcast_in_dim3A_51 : vector<16xi1>, vector<16xf32>
      %mul3A_624 = arith.mulf %select_n3A_623, %add3A_618 : vector<16xf32>
      %add3A_625 = arith.addf %mul3A_624, %sub3A_619 : vector<16xf32>
      %add3A_626 = arith.constant 12672 : i32
      %add3A_627 = arith.addi %mul3A_446, %add3A_626 : i32
      %add3A_628 = arith.constant 32 : i32
      %add3A_629 = arith.addi %add3A_627, %add3A_628 : i32
      %swap3A_630 = arith.index_cast %add3A_629 : i32 to index
      %swap3A_631 = tpu.vector_load %arg5[%swap3A_630] {strides = array<i32>} : memref<25600xf32, #tpu.memory_space<vmem>>, vector<16xf32>,
      tpu.vector_store %arg5[%swap3A_630], %select_n3A_623 {strides = array<i32>} : memref<25600xf32, #tpu.memory_space<vmem>>, vector<16xf32>,
      %add3A_632 = arith.constant 12672 : i32
      %add3A_633 = arith.addi %mul3A_446, %add3A_632 : i32
      %add3A_634 = arith.constant 32 : i32
      %add3A_635 = arith.addi %add3A_633, %add3A_634 : i32
      %swap3A_636 = arith.index_cast %add3A_635 : i32 to index
      %swap3A_637 = tpu.vector_load %arg6[%swap3A_636] {strides = array<i32>} : memref<25600xf32, #tpu.memory_space<vmem>>, vector<16xf32>,
      tpu.vector_store %arg6[%swap3A_636], %add3A_625 {strides = array<i32>} : memref<25600xf32, #tpu.memory_space<vmem>>, vector<16xf32>,
      %add3A_638 = arith.constant 32 : i32
      %add3A_639 = arith.addi %mul3A_464, %add3A_638 : i32
      %get3A_640 = arith.index_cast %add3A_639 : i32 to index
      %get3A_641 = tpu.vector_load %arg5[%get3A_640] {strides = array<i32>} : memref<25600xf32, #tpu.memory_space<vmem>>, vector<16xf32>,
      %add3A_642 = arith.constant 32 : i32
      %add3A_643 = arith.addi %mul3A_464, %add3A_642 : i32
      %get3A_644 = arith.index_cast %add3A_643 : i32 to index
      %get3A_645 = tpu.vector_load %arg6[%get3A_644] {strides = array<i32>} : memref<25600xf32, #tpu.memory_space<vmem>>, vector<16xf32>,
      %add3A_646 = arith.addf %get3A_641, %select_n3A_623 : vector<16xf32>
      %add3A_647 = arith.addf %get3A_645, %add3A_625 : vector<16xf32>
      %mul3A_648 = arith.mulf %add3A_618, %broadcast_in_dim3A_408 : vector<16xf32>
      %add3A_649 = arith.addf %parallel_loop3A_603#0, %mul3A_648 : vector<16xf32>
      %mul3A_650 = arith.mulf %parallel_loop3A_603#3, %add3A_646 : vector<16xf32>
      %add3A_651 = arith.addf %parallel_loop3A_603#1, %mul3A_650 : vector<16xf32>
      %mul3A_652 = arith.mulf %parallel_loop3A_603#4, %add3A_646 : vector<16xf32>
      %add3A_653 = arith.addf %parallel_loop3A_603#2, %mul3A_652 : vector<16xf32>
      %mul3A_654 = arith.mulf %parallel_loop3A_603#3, %add3A_647 : vector<16xf32>
      %add3A_655 = arith.addf %add3A_653, %mul3A_654 : vector<16xf32>
      %add3A_656 = arith.constant 48 : i32
      %add3A_657 = arith.addi %mul3A_464, %add3A_656 : i32
      %get3A_658 = arith.index_cast %add3A_657 : i32 to index
      %get3A_659 = tpu.vector_load %arg5[%get3A_658] {strides = array<i32>} : memref<25600xf32, #tpu.memory_space<vmem>>, vector<16xf32>,
      %add3A_660 = arith.constant 48 : i32
      %add3A_661 = arith.addi %mul3A_464, %add3A_660 : i32
      %get3A_662 = arith.index_cast %add3A_661 : i32 to index
      %get3A_663 = tpu.vector_load %arg6[%get3A_662] {strides = array<i32>} : memref<25600xf32, #tpu.memory_space<vmem>>, vector<16xf32>,
      %parallel_loop3A_664 = arith.constant 0 : i32
      %parallel_loop3A_665 = arith.constant 99 : i32
      %parallel_loop3A_666 = arith.constant 1 : i32
      %parallel_loop3A_667:5 = scf.for %parallel_loop3A_976 = %parallel_loop3A_664 to %parallel_loop3A_665 step %parallel_loop3A_666 iter_args(%parallel_loop3A_977 = %while3A_340, %parallel_loop3A_978 = %while3A_348, %parallel_loop3A_979 = %while3A_356, %parallel_loop3A_980 = %get3A_659, %parallel_loop3A_981 = %get3A_663) -> (vector<16xf32>, vector<16xf32>, vector<16xf32>, vector<16xf32>, vector<16xf32>)  : i32 {
        %parallel_loop3A_982 = arith.constant 0 : i32
        %parallel_loop3A_983 = arith.index_cast %select_n3A_426 : i32 to index
        %parallel_loop3A_984 = arith.index_cast %parallel_loop3A_976 : i32 to index
        %parallel_loop3A_985 = arith.index_cast %parallel_loop3A_982 : i32 to index
        %parallel_loop3A_986 = arith.constant 48 : index
        %parallel_loop3A_987 = tpu.vector_load %arg4[%parallel_loop3A_983, %parallel_loop3A_984, %parallel_loop3A_985, %parallel_loop3A_986] {strides = array<i32>} : memref<2x100x2x128xf32, #tpu.memory_space<vmem>>, vector<16xf32>,
        %parallel_loop3A_988 = arith.constant 1 : i32
        %parallel_loop3A_989 = arith.index_cast %select_n3A_426 : i32 to index
        %parallel_loop3A_990 = arith.index_cast %parallel_loop3A_976 : i32 to index
        %parallel_loop3A_991 = arith.index_cast %parallel_loop3A_988 : i32 to index
        %parallel_loop3A_992 = arith.constant 48 : index
        %parallel_loop3A_993 = tpu.vector_load %arg4[%parallel_loop3A_989, %parallel_loop3A_990, %parallel_loop3A_991, %parallel_loop3A_992] {strides = array<i32>} : memref<2x100x2x128xf32, #tpu.memory_space<vmem>>, vector<16xf32>,
        %parallel_loop3A_994 = arith.addf %parallel_loop3A_987, %parallel_loop3A_993 : vector<16xf32>
        %parallel_loop3A_995 = arith.subf %parallel_loop3A_987, %parallel_loop3A_993 : vector<16xf32>
        %parallel_loop3A_996 = arith.constant 0.000000e+00 : f32
        %parallel_loop3A_997 = vector.broadcast %parallel_loop3A_996 : f32 to vector<16xf32>
        %parallel_loop3A_998 = arith.cmpf olt, %parallel_loop3A_995, %parallel_loop3A_997 : vector<16xf32>
        %parallel_loop3A_999 = arith.select %parallel_loop3A_998, %broadcast_in_dim3A_49, %broadcast_in_dim3A_51 : vector<16xi1>, vector<16xf32>
        %parallel_loop3A_1000 = arith.mulf %parallel_loop3A_999, %parallel_loop3A_994 : vector<16xf32>
        %parallel_loop3A_1001 = arith.addf %parallel_loop3A_1000, %parallel_loop3A_995 : vector<16xf32>
        %parallel_loop3A_1002 = arith.constant 128 : i32
        %parallel_loop3A_1003 = arith.muli %parallel_loop3A_976, %parallel_loop3A_1002 : i32
        %parallel_loop3A_1004 = arith.addi %mul3A_446, %parallel_loop3A_1003 : i32
        %parallel_loop3A_1005 = arith.constant 48 : i32
        %parallel_loop3A_1006 = arith.addi %parallel_loop3A_1004, %parallel_loop3A_1005 : i32
        %parallel_loop3A_1007 = arith.index_cast %parallel_loop3A_1006 : i32 to index
        %parallel_loop3A_1008 = tpu.vector_load %arg5[%parallel_loop3A_1007] {strides = array<i32>} : memref<25600xf32, #tpu.memory_space<vmem>>, vector<16xf32>,
        tpu.vector_store %arg5[%parallel_loop3A_1007], %parallel_loop3A_999 {strides = array<i32>} : memref<25600xf32, #tpu.memory_space<vmem>>, vector<16xf32>,
        %parallel_loop3A_1009 = arith.constant 128 : i32
        %parallel_loop3A_1010 = arith.muli %parallel_loop3A_976, %parallel_loop3A_1009 : i32
        %parallel_loop3A_1011 = arith.addi %mul3A_446, %parallel_loop3A_1010 : i32
        %parallel_loop3A_1012 = arith.constant 48 : i32
        %parallel_loop3A_1013 = arith.addi %parallel_loop3A_1011, %parallel_loop3A_1012 : i32
        %parallel_loop3A_1014 = arith.index_cast %parallel_loop3A_1013 : i32 to index
        %parallel_loop3A_1015 = tpu.vector_load %arg6[%parallel_loop3A_1014] {strides = array<i32>} : memref<25600xf32, #tpu.memory_space<vmem>>, vector<16xf32>,
        tpu.vector_store %arg6[%parallel_loop3A_1014], %parallel_loop3A_1001 {strides = array<i32>} : memref<25600xf32, #tpu.memory_space<vmem>>, vector<16xf32>,
        %parallel_loop3A_1016 = arith.constant 1 : i32
        %parallel_loop3A_1017 = arith.addi %parallel_loop3A_976, %parallel_loop3A_1016 : i32
        %parallel_loop3A_1018 = arith.constant 128 : i32
        %parallel_loop3A_1019 = arith.muli %parallel_loop3A_1017, %parallel_loop3A_1018 : i32
        %parallel_loop3A_1020 = arith.addi %mul3A_464, %parallel_loop3A_1019 : i32
        %parallel_loop3A_1021 = arith.constant 48 : i32
        %parallel_loop3A_1022 = arith.addi %parallel_loop3A_1020, %parallel_loop3A_1021 : i32
        %parallel_loop3A_1023 = arith.index_cast %parallel_loop3A_1022 : i32 to index
        %parallel_loop3A_1024 = tpu.vector_load %arg5[%parallel_loop3A_1023] {strides = array<i32>} : memref<25600xf32, #tpu.memory_space<vmem>>, vector<16xf32>,
        %parallel_loop3A_1025 = arith.constant 1 : i32
        %parallel_loop3A_1026 = arith.addi %parallel_loop3A_976, %parallel_loop3A_1025 : i32
        %parallel_loop3A_1027 = arith.constant 128 : i32
        %parallel_loop3A_1028 = arith.muli %parallel_loop3A_1026, %parallel_loop3A_1027 : i32
        %parallel_loop3A_1029 = arith.addi %mul3A_464, %parallel_loop3A_1028 : i32
        %parallel_loop3A_1030 = arith.constant 48 : i32
        %parallel_loop3A_1031 = arith.addi %parallel_loop3A_1029, %parallel_loop3A_1030 : i32
        %parallel_loop3A_1032 = arith.index_cast %parallel_loop3A_1031 : i32 to index
        %parallel_loop3A_1033 = tpu.vector_load %arg6[%parallel_loop3A_1032] {strides = array<i32>} : memref<25600xf32, #tpu.memory_space<vmem>>, vector<16xf32>,
        %parallel_loop3A_1034 = arith.addf %parallel_loop3A_1024, %parallel_loop3A_999 : vector<16xf32>
        %parallel_loop3A_1035 = arith.addf %parallel_loop3A_1033, %parallel_loop3A_1001 : vector<16xf32>
        %parallel_loop3A_1036 = arith.mulf %parallel_loop3A_980, %parallel_loop3A_1034 : vector<16xf32>
        %parallel_loop3A_1037 = arith.addf %parallel_loop3A_978, %parallel_loop3A_1036 : vector<16xf32>
        %parallel_loop3A_1038 = arith.mulf %parallel_loop3A_981, %parallel_loop3A_1034 : vector<16xf32>
        %parallel_loop3A_1039 = arith.addf %parallel_loop3A_979, %parallel_loop3A_1038 : vector<16xf32>
        %parallel_loop3A_1040 = arith.mulf %parallel_loop3A_980, %parallel_loop3A_1035 : vector<16xf32>
        %parallel_loop3A_1041 = arith.addf %parallel_loop3A_1039, %parallel_loop3A_1040 : vector<16xf32>
        %parallel_loop3A_1042 = arith.mulf %parallel_loop3A_994, %broadcast_in_dim3A_408 : vector<16xf32>
        %parallel_loop3A_1043 = arith.addf %parallel_loop3A_977, %parallel_loop3A_1042 : vector<16xf32>
        scf.yield %parallel_loop3A_1043, %parallel_loop3A_1037, %parallel_loop3A_1041, %parallel_loop3A_1024, %parallel_loop3A_1033 : vector<16xf32>, vector<16xf32>, vector<16xf32>, vector<16xf32>, vector<16xf32>
      } {sc.loop_unroll_factor = 3 : i64, sc.parallel_access}
      %get3A_668 = arith.constant 99 : i32
      %get3A_669 = arith.constant 0 : i32
      %get3A_670 = arith.index_cast %select_n3A_426 : i32 to index
      %get3A_671 = arith.index_cast %get3A_668 : i32 to index
      %get3A_672 = arith.index_cast %get3A_669 : i32 to index
      %get3A_673 = arith.constant 48 : index
      %get3A_674 = tpu.vector_load %arg4[%get3A_670, %get3A_671, %get3A_672, %get3A_673] {strides = array<i32>} : memref<2x100x2x128xf32, #tpu.memory_space<vmem>>, vector<16xf32>,
      %get3A_675 = arith.constant 99 : i32
      %get3A_676 = arith.constant 1 : i32
      %get3A_677 = arith.index_cast %select_n3A_426 : i32 to index
      %get3A_678 = arith.index_cast %get3A_675 : i32 to index
      %get3A_679 = arith.index_cast %get3A_676 : i32 to index
      %get3A_680 = arith.constant 48 : index
      %get3A_681 = tpu.vector_load %arg4[%get3A_677, %get3A_678, %get3A_679, %get3A_680] {strides = array<i32>} : memref<2x100x2x128xf32, #tpu.memory_space<vmem>>, vector<16xf32>,
      %add3A_682 = arith.addf %get3A_674, %get3A_681 : vector<16xf32>
      %sub3A_683 = arith.subf %get3A_674, %get3A_681 : vector<16xf32>
      %lt3A_684 = arith.constant 0.000000e+00 : f32
      %lt3A_685 = vector.broadcast %lt3A_684 : f32 to vector<16xf32>
      %lt3A_686 = arith.cmpf olt, %sub3A_683, %lt3A_685 : vector<16xf32>
      %select_n3A_687 = arith.select %lt3A_686, %broadcast_in_dim3A_49, %broadcast_in_dim3A_51 : vector<16xi1>, vector<16xf32>
      %mul3A_688 = arith.mulf %select_n3A_687, %add3A_682 : vector<16xf32>
      %add3A_689 = arith.addf %mul3A_688, %sub3A_683 : vector<16xf32>
      %add3A_690 = arith.constant 12672 : i32
      %add3A_691 = arith.addi %mul3A_446, %add3A_690 : i32
      %add3A_692 = arith.constant 48 : i32
      %add3A_693 = arith.addi %add3A_691, %add3A_692 : i32
      %swap3A_694 = arith.index_cast %add3A_693 : i32 to index
      %swap3A_695 = tpu.vector_load %arg5[%swap3A_694] {strides = array<i32>} : memref<25600xf32, #tpu.memory_space<vmem>>, vector<16xf32>,
      tpu.vector_store %arg5[%swap3A_694], %select_n3A_687 {strides = array<i32>} : memref<25600xf32, #tpu.memory_space<vmem>>, vector<16xf32>,
      %add3A_696 = arith.constant 12672 : i32
      %add3A_697 = arith.addi %mul3A_446, %add3A_696 : i32
      %add3A_698 = arith.constant 48 : i32
      %add3A_699 = arith.addi %add3A_697, %add3A_698 : i32
      %swap3A_700 = arith.index_cast %add3A_699 : i32 to index
      %swap3A_701 = tpu.vector_load %arg6[%swap3A_700] {strides = array<i32>} : memref<25600xf32, #tpu.memory_space<vmem>>, vector<16xf32>,
      tpu.vector_store %arg6[%swap3A_700], %add3A_689 {strides = array<i32>} : memref<25600xf32, #tpu.memory_space<vmem>>, vector<16xf32>,
      %add3A_702 = arith.constant 48 : i32
      %add3A_703 = arith.addi %mul3A_464, %add3A_702 : i32
      %get3A_704 = arith.index_cast %add3A_703 : i32 to index
      %get3A_705 = tpu.vector_load %arg5[%get3A_704] {strides = array<i32>} : memref<25600xf32, #tpu.memory_space<vmem>>, vector<16xf32>,
      %add3A_706 = arith.constant 48 : i32
      %add3A_707 = arith.addi %mul3A_464, %add3A_706 : i32
      %get3A_708 = arith.index_cast %add3A_707 : i32 to index
      %get3A_709 = tpu.vector_load %arg6[%get3A_708] {strides = array<i32>} : memref<25600xf32, #tpu.memory_space<vmem>>, vector<16xf32>,
      %add3A_710 = arith.addf %get3A_705, %select_n3A_687 : vector<16xf32>
      %add3A_711 = arith.addf %get3A_709, %add3A_689 : vector<16xf32>
      %mul3A_712 = arith.mulf %add3A_682, %broadcast_in_dim3A_408 : vector<16xf32>
      %add3A_713 = arith.addf %parallel_loop3A_667#0, %mul3A_712 : vector<16xf32>
      %mul3A_714 = arith.mulf %parallel_loop3A_667#3, %add3A_710 : vector<16xf32>
      %add3A_715 = arith.addf %parallel_loop3A_667#1, %mul3A_714 : vector<16xf32>
      %mul3A_716 = arith.mulf %parallel_loop3A_667#4, %add3A_710 : vector<16xf32>
      %add3A_717 = arith.addf %parallel_loop3A_667#2, %mul3A_716 : vector<16xf32>
      %mul3A_718 = arith.mulf %parallel_loop3A_667#3, %add3A_711 : vector<16xf32>
      %add3A_719 = arith.addf %add3A_717, %mul3A_718 : vector<16xf32>
      %add3A_720 = arith.constant 64 : i32
      %add3A_721 = arith.addi %mul3A_464, %add3A_720 : i32
      %get3A_722 = arith.index_cast %add3A_721 : i32 to index
      %get3A_723 = tpu.vector_load %arg5[%get3A_722] {strides = array<i32>} : memref<25600xf32, #tpu.memory_space<vmem>>, vector<16xf32>,
      %add3A_724 = arith.constant 64 : i32
      %add3A_725 = arith.addi %mul3A_464, %add3A_724 : i32
      %get3A_726 = arith.index_cast %add3A_725 : i32 to index
      %get3A_727 = tpu.vector_load %arg6[%get3A_726] {strides = array<i32>} : memref<25600xf32, #tpu.memory_space<vmem>>, vector<16xf32>,
      %parallel_loop3A_728 = arith.constant 0 : i32
      %parallel_loop3A_729 = arith.constant 99 : i32
      %parallel_loop3A_730 = arith.constant 1 : i32
      %parallel_loop3A_731:5 = scf.for %parallel_loop3A_976 = %parallel_loop3A_728 to %parallel_loop3A_729 step %parallel_loop3A_730 iter_args(%parallel_loop3A_977 = %while3A_341, %parallel_loop3A_978 = %while3A_349, %parallel_loop3A_979 = %while3A_357, %parallel_loop3A_980 = %get3A_723, %parallel_loop3A_981 = %get3A_727) -> (vector<16xf32>, vector<16xf32>, vector<16xf32>, vector<16xf32>, vector<16xf32>)  : i32 {
        %parallel_loop3A_982 = arith.constant 0 : i32
        %parallel_loop3A_983 = arith.index_cast %select_n3A_426 : i32 to index
        %parallel_loop3A_984 = arith.index_cast %parallel_loop3A_976 : i32 to index
        %parallel_loop3A_985 = arith.index_cast %parallel_loop3A_982 : i32 to index
        %parallel_loop3A_986 = arith.constant 64 : index
        %parallel_loop3A_987 = tpu.vector_load %arg4[%parallel_loop3A_983, %parallel_loop3A_984, %parallel_loop3A_985, %parallel_loop3A_986] {strides = array<i32>} : memref<2x100x2x128xf32, #tpu.memory_space<vmem>>, vector<16xf32>,
        %parallel_loop3A_988 = arith.constant 1 : i32
        %parallel_loop3A_989 = arith.index_cast %select_n3A_426 : i32 to index
        %parallel_loop3A_990 = arith.index_cast %parallel_loop3A_976 : i32 to index
        %parallel_loop3A_991 = arith.index_cast %parallel_loop3A_988 : i32 to index
        %parallel_loop3A_992 = arith.constant 64 : index
        %parallel_loop3A_993 = tpu.vector_load %arg4[%parallel_loop3A_989, %parallel_loop3A_990, %parallel_loop3A_991, %parallel_loop3A_992] {strides = array<i32>} : memref<2x100x2x128xf32, #tpu.memory_space<vmem>>, vector<16xf32>,
        %parallel_loop3A_994 = arith.addf %parallel_loop3A_987, %parallel_loop3A_993 : vector<16xf32>
        %parallel_loop3A_995 = arith.subf %parallel_loop3A_987, %parallel_loop3A_993 : vector<16xf32>
        %parallel_loop3A_996 = arith.constant 0.000000e+00 : f32
        %parallel_loop3A_997 = vector.broadcast %parallel_loop3A_996 : f32 to vector<16xf32>
        %parallel_loop3A_998 = arith.cmpf olt, %parallel_loop3A_995, %parallel_loop3A_997 : vector<16xf32>
        %parallel_loop3A_999 = arith.select %parallel_loop3A_998, %broadcast_in_dim3A_49, %broadcast_in_dim3A_51 : vector<16xi1>, vector<16xf32>
        %parallel_loop3A_1000 = arith.mulf %parallel_loop3A_999, %parallel_loop3A_994 : vector<16xf32>
        %parallel_loop3A_1001 = arith.addf %parallel_loop3A_1000, %parallel_loop3A_995 : vector<16xf32>
        %parallel_loop3A_1002 = arith.constant 128 : i32
        %parallel_loop3A_1003 = arith.muli %parallel_loop3A_976, %parallel_loop3A_1002 : i32
        %parallel_loop3A_1004 = arith.addi %mul3A_446, %parallel_loop3A_1003 : i32
        %parallel_loop3A_1005 = arith.constant 64 : i32
        %parallel_loop3A_1006 = arith.addi %parallel_loop3A_1004, %parallel_loop3A_1005 : i32
        %parallel_loop3A_1007 = arith.index_cast %parallel_loop3A_1006 : i32 to index
        %parallel_loop3A_1008 = tpu.vector_load %arg5[%parallel_loop3A_1007] {strides = array<i32>} : memref<25600xf32, #tpu.memory_space<vmem>>, vector<16xf32>,
        tpu.vector_store %arg5[%parallel_loop3A_1007], %parallel_loop3A_999 {strides = array<i32>} : memref<25600xf32, #tpu.memory_space<vmem>>, vector<16xf32>,
        %parallel_loop3A_1009 = arith.constant 128 : i32
        %parallel_loop3A_1010 = arith.muli %parallel_loop3A_976, %parallel_loop3A_1009 : i32
        %parallel_loop3A_1011 = arith.addi %mul3A_446, %parallel_loop3A_1010 : i32
        %parallel_loop3A_1012 = arith.constant 64 : i32
        %parallel_loop3A_1013 = arith.addi %parallel_loop3A_1011, %parallel_loop3A_1012 : i32
        %parallel_loop3A_1014 = arith.index_cast %parallel_loop3A_1013 : i32 to index
        %parallel_loop3A_1015 = tpu.vector_load %arg6[%parallel_loop3A_1014] {strides = array<i32>} : memref<25600xf32, #tpu.memory_space<vmem>>, vector<16xf32>,
        tpu.vector_store %arg6[%parallel_loop3A_1014], %parallel_loop3A_1001 {strides = array<i32>} : memref<25600xf32, #tpu.memory_space<vmem>>, vector<16xf32>,
        %parallel_loop3A_1016 = arith.constant 1 : i32
        %parallel_loop3A_1017 = arith.addi %parallel_loop3A_976, %parallel_loop3A_1016 : i32
        %parallel_loop3A_1018 = arith.constant 128 : i32
        %parallel_loop3A_1019 = arith.muli %parallel_loop3A_1017, %parallel_loop3A_1018 : i32
        %parallel_loop3A_1020 = arith.addi %mul3A_464, %parallel_loop3A_1019 : i32
        %parallel_loop3A_1021 = arith.constant 64 : i32
        %parallel_loop3A_1022 = arith.addi %parallel_loop3A_1020, %parallel_loop3A_1021 : i32
        %parallel_loop3A_1023 = arith.index_cast %parallel_loop3A_1022 : i32 to index
        %parallel_loop3A_1024 = tpu.vector_load %arg5[%parallel_loop3A_1023] {strides = array<i32>} : memref<25600xf32, #tpu.memory_space<vmem>>, vector<16xf32>,
        %parallel_loop3A_1025 = arith.constant 1 : i32
        %parallel_loop3A_1026 = arith.addi %parallel_loop3A_976, %parallel_loop3A_1025 : i32
        %parallel_loop3A_1027 = arith.constant 128 : i32
        %parallel_loop3A_1028 = arith.muli %parallel_loop3A_1026, %parallel_loop3A_1027 : i32
        %parallel_loop3A_1029 = arith.addi %mul3A_464, %parallel_loop3A_1028 : i32
        %parallel_loop3A_1030 = arith.constant 64 : i32
        %parallel_loop3A_1031 = arith.addi %parallel_loop3A_1029, %parallel_loop3A_1030 : i32
        %parallel_loop3A_1032 = arith.index_cast %parallel_loop3A_1031 : i32 to index
        %parallel_loop3A_1033 = tpu.vector_load %arg6[%parallel_loop3A_1032] {strides = array<i32>} : memref<25600xf32, #tpu.memory_space<vmem>>, vector<16xf32>,
        %parallel_loop3A_1034 = arith.addf %parallel_loop3A_1024, %parallel_loop3A_999 : vector<16xf32>
        %parallel_loop3A_1035 = arith.addf %parallel_loop3A_1033, %parallel_loop3A_1001 : vector<16xf32>
        %parallel_loop3A_1036 = arith.mulf %parallel_loop3A_980, %parallel_loop3A_1034 : vector<16xf32>
        %parallel_loop3A_1037 = arith.addf %parallel_loop3A_978, %parallel_loop3A_1036 : vector<16xf32>
        %parallel_loop3A_1038 = arith.mulf %parallel_loop3A_981, %parallel_loop3A_1034 : vector<16xf32>
        %parallel_loop3A_1039 = arith.addf %parallel_loop3A_979, %parallel_loop3A_1038 : vector<16xf32>
        %parallel_loop3A_1040 = arith.mulf %parallel_loop3A_980, %parallel_loop3A_1035 : vector<16xf32>
        %parallel_loop3A_1041 = arith.addf %parallel_loop3A_1039, %parallel_loop3A_1040 : vector<16xf32>
        %parallel_loop3A_1042 = arith.mulf %parallel_loop3A_994, %broadcast_in_dim3A_408 : vector<16xf32>
        %parallel_loop3A_1043 = arith.addf %parallel_loop3A_977, %parallel_loop3A_1042 : vector<16xf32>
        scf.yield %parallel_loop3A_1043, %parallel_loop3A_1037, %parallel_loop3A_1041, %parallel_loop3A_1024, %parallel_loop3A_1033 : vector<16xf32>, vector<16xf32>, vector<16xf32>, vector<16xf32>, vector<16xf32>
      } {sc.loop_unroll_factor = 3 : i64, sc.parallel_access}
      %get3A_732 = arith.constant 99 : i32
      %get3A_733 = arith.constant 0 : i32
      %get3A_734 = arith.index_cast %select_n3A_426 : i32 to index
      %get3A_735 = arith.index_cast %get3A_732 : i32 to index
      %get3A_736 = arith.index_cast %get3A_733 : i32 to index
      %get3A_737 = arith.constant 64 : index
      %get3A_738 = tpu.vector_load %arg4[%get3A_734, %get3A_735, %get3A_736, %get3A_737] {strides = array<i32>} : memref<2x100x2x128xf32, #tpu.memory_space<vmem>>, vector<16xf32>,
      %get3A_739 = arith.constant 99 : i32
      %get3A_740 = arith.constant 1 : i32
      %get3A_741 = arith.index_cast %select_n3A_426 : i32 to index
      %get3A_742 = arith.index_cast %get3A_739 : i32 to index
      %get3A_743 = arith.index_cast %get3A_740 : i32 to index
      %get3A_744 = arith.constant 64 : index
      %get3A_745 = tpu.vector_load %arg4[%get3A_741, %get3A_742, %get3A_743, %get3A_744] {strides = array<i32>} : memref<2x100x2x128xf32, #tpu.memory_space<vmem>>, vector<16xf32>,
      %add3A_746 = arith.addf %get3A_738, %get3A_745 : vector<16xf32>
      %sub3A_747 = arith.subf %get3A_738, %get3A_745 : vector<16xf32>
      %lt3A_748 = arith.constant 0.000000e+00 : f32
      %lt3A_749 = vector.broadcast %lt3A_748 : f32 to vector<16xf32>
      %lt3A_750 = arith.cmpf olt, %sub3A_747, %lt3A_749 : vector<16xf32>
      %select_n3A_751 = arith.select %lt3A_750, %broadcast_in_dim3A_49, %broadcast_in_dim3A_51 : vector<16xi1>, vector<16xf32>
      %mul3A_752 = arith.mulf %select_n3A_751, %add3A_746 : vector<16xf32>
      %add3A_753 = arith.addf %mul3A_752, %sub3A_747 : vector<16xf32>
      %add3A_754 = arith.constant 12672 : i32
      %add3A_755 = arith.addi %mul3A_446, %add3A_754 : i32
      %add3A_756 = arith.constant 64 : i32
      %add3A_757 = arith.addi %add3A_755, %add3A_756 : i32
      %swap3A_758 = arith.index_cast %add3A_757 : i32 to index
      %swap3A_759 = tpu.vector_load %arg5[%swap3A_758] {strides = array<i32>} : memref<25600xf32, #tpu.memory_space<vmem>>, vector<16xf32>,
      tpu.vector_store %arg5[%swap3A_758], %select_n3A_751 {strides = array<i32>} : memref<25600xf32, #tpu.memory_space<vmem>>, vector<16xf32>,
      %add3A_760 = arith.constant 12672 : i32
      %add3A_761 = arith.addi %mul3A_446, %add3A_760 : i32
      %add3A_762 = arith.constant 64 : i32
      %add3A_763 = arith.addi %add3A_761, %add3A_762 : i32
      %swap3A_764 = arith.index_cast %add3A_763 : i32 to index
      %swap3A_765 = tpu.vector_load %arg6[%swap3A_764] {strides = array<i32>} : memref<25600xf32, #tpu.memory_space<vmem>>, vector<16xf32>,
      tpu.vector_store %arg6[%swap3A_764], %add3A_753 {strides = array<i32>} : memref<25600xf32, #tpu.memory_space<vmem>>, vector<16xf32>,
      %add3A_766 = arith.constant 64 : i32
      %add3A_767 = arith.addi %mul3A_464, %add3A_766 : i32
      %get3A_768 = arith.index_cast %add3A_767 : i32 to index
      %get3A_769 = tpu.vector_load %arg5[%get3A_768] {strides = array<i32>} : memref<25600xf32, #tpu.memory_space<vmem>>, vector<16xf32>,
      %add3A_770 = arith.constant 64 : i32
      %add3A_771 = arith.addi %mul3A_464, %add3A_770 : i32
      %get3A_772 = arith.index_cast %add3A_771 : i32 to index
      %get3A_773 = tpu.vector_load %arg6[%get3A_772] {strides = array<i32>} : memref<25600xf32, #tpu.memory_space<vmem>>, vector<16xf32>,
      %add3A_774 = arith.addf %get3A_769, %select_n3A_751 : vector<16xf32>
      %add3A_775 = arith.addf %get3A_773, %add3A_753 : vector<16xf32>
      %mul3A_776 = arith.mulf %add3A_746, %broadcast_in_dim3A_408 : vector<16xf32>
      %add3A_777 = arith.addf %parallel_loop3A_731#0, %mul3A_776 : vector<16xf32>
      %mul3A_778 = arith.mulf %parallel_loop3A_731#3, %add3A_774 : vector<16xf32>
      %add3A_779 = arith.addf %parallel_loop3A_731#1, %mul3A_778 : vector<16xf32>
      %mul3A_780 = arith.mulf %parallel_loop3A_731#4, %add3A_774 : vector<16xf32>
      %add3A_781 = arith.addf %parallel_loop3A_731#2, %mul3A_780 : vector<16xf32>
      %mul3A_782 = arith.mulf %parallel_loop3A_731#3, %add3A_775 : vector<16xf32>
      %add3A_783 = arith.addf %add3A_781, %mul3A_782 : vector<16xf32>
      %add3A_784 = arith.constant 80 : i32
      %add3A_785 = arith.addi %mul3A_464, %add3A_784 : i32
      %get3A_786 = arith.index_cast %add3A_785 : i32 to index
      %get3A_787 = tpu.vector_load %arg5[%get3A_786] {strides = array<i32>} : memref<25600xf32, #tpu.memory_space<vmem>>, vector<16xf32>,
      %add3A_788 = arith.constant 80 : i32
      %add3A_789 = arith.addi %mul3A_464, %add3A_788 : i32
      %get3A_790 = arith.index_cast %add3A_789 : i32 to index
      %get3A_791 = tpu.vector_load %arg6[%get3A_790] {strides = array<i32>} : memref<25600xf32, #tpu.memory_space<vmem>>, vector<16xf32>,
      %parallel_loop3A_792 = arith.constant 0 : i32
      %parallel_loop3A_793 = arith.constant 99 : i32
      %parallel_loop3A_794 = arith.constant 1 : i32
      %parallel_loop3A_795:5 = scf.for %parallel_loop3A_976 = %parallel_loop3A_792 to %parallel_loop3A_793 step %parallel_loop3A_794 iter_args(%parallel_loop3A_977 = %while3A_342, %parallel_loop3A_978 = %while3A_350, %parallel_loop3A_979 = %while3A_358, %parallel_loop3A_980 = %get3A_787, %parallel_loop3A_981 = %get3A_791) -> (vector<16xf32>, vector<16xf32>, vector<16xf32>, vector<16xf32>, vector<16xf32>)  : i32 {
        %parallel_loop3A_982 = arith.constant 0 : i32
        %parallel_loop3A_983 = arith.index_cast %select_n3A_426 : i32 to index
        %parallel_loop3A_984 = arith.index_cast %parallel_loop3A_976 : i32 to index
        %parallel_loop3A_985 = arith.index_cast %parallel_loop3A_982 : i32 to index
        %parallel_loop3A_986 = arith.constant 80 : index
        %parallel_loop3A_987 = tpu.vector_load %arg4[%parallel_loop3A_983, %parallel_loop3A_984, %parallel_loop3A_985, %parallel_loop3A_986] {strides = array<i32>} : memref<2x100x2x128xf32, #tpu.memory_space<vmem>>, vector<16xf32>,
        %parallel_loop3A_988 = arith.constant 1 : i32
        %parallel_loop3A_989 = arith.index_cast %select_n3A_426 : i32 to index
        %parallel_loop3A_990 = arith.index_cast %parallel_loop3A_976 : i32 to index
        %parallel_loop3A_991 = arith.index_cast %parallel_loop3A_988 : i32 to index
        %parallel_loop3A_992 = arith.constant 80 : index
        %parallel_loop3A_993 = tpu.vector_load %arg4[%parallel_loop3A_989, %parallel_loop3A_990, %parallel_loop3A_991, %parallel_loop3A_992] {strides = array<i32>} : memref<2x100x2x128xf32, #tpu.memory_space<vmem>>, vector<16xf32>,
        %parallel_loop3A_994 = arith.addf %parallel_loop3A_987, %parallel_loop3A_993 : vector<16xf32>
        %parallel_loop3A_995 = arith.subf %parallel_loop3A_987, %parallel_loop3A_993 : vector<16xf32>
        %parallel_loop3A_996 = arith.constant 0.000000e+00 : f32
        %parallel_loop3A_997 = vector.broadcast %parallel_loop3A_996 : f32 to vector<16xf32>
        %parallel_loop3A_998 = arith.cmpf olt, %parallel_loop3A_995, %parallel_loop3A_997 : vector<16xf32>
        %parallel_loop3A_999 = arith.select %parallel_loop3A_998, %broadcast_in_dim3A_49, %broadcast_in_dim3A_51 : vector<16xi1>, vector<16xf32>
        %parallel_loop3A_1000 = arith.mulf %parallel_loop3A_999, %parallel_loop3A_994 : vector<16xf32>
        %parallel_loop3A_1001 = arith.addf %parallel_loop3A_1000, %parallel_loop3A_995 : vector<16xf32>
        %parallel_loop3A_1002 = arith.constant 128 : i32
        %parallel_loop3A_1003 = arith.muli %parallel_loop3A_976, %parallel_loop3A_1002 : i32
        %parallel_loop3A_1004 = arith.addi %mul3A_446, %parallel_loop3A_1003 : i32
        %parallel_loop3A_1005 = arith.constant 80 : i32
        %parallel_loop3A_1006 = arith.addi %parallel_loop3A_1004, %parallel_loop3A_1005 : i32
        %parallel_loop3A_1007 = arith.index_cast %parallel_loop3A_1006 : i32 to index
        %parallel_loop3A_1008 = tpu.vector_load %arg5[%parallel_loop3A_1007] {strides = array<i32>} : memref<25600xf32, #tpu.memory_space<vmem>>, vector<16xf32>,
        tpu.vector_store %arg5[%parallel_loop3A_1007], %parallel_loop3A_999 {strides = array<i32>} : memref<25600xf32, #tpu.memory_space<vmem>>, vector<16xf32>,
        %parallel_loop3A_1009 = arith.constant 128 : i32
        %parallel_loop3A_1010 = arith.muli %parallel_loop3A_976, %parallel_loop3A_1009 : i32
        %parallel_loop3A_1011 = arith.addi %mul3A_446, %parallel_loop3A_1010 : i32
        %parallel_loop3A_1012 = arith.constant 80 : i32
        %parallel_loop3A_1013 = arith.addi %parallel_loop3A_1011, %parallel_loop3A_1012 : i32
        %parallel_loop3A_1014 = arith.index_cast %parallel_loop3A_1013 : i32 to index
        %parallel_loop3A_1015 = tpu.vector_load %arg6[%parallel_loop3A_1014] {strides = array<i32>} : memref<25600xf32, #tpu.memory_space<vmem>>, vector<16xf32>,
        tpu.vector_store %arg6[%parallel_loop3A_1014], %parallel_loop3A_1001 {strides = array<i32>} : memref<25600xf32, #tpu.memory_space<vmem>>, vector<16xf32>,
        %parallel_loop3A_1016 = arith.constant 1 : i32
        %parallel_loop3A_1017 = arith.addi %parallel_loop3A_976, %parallel_loop3A_1016 : i32
        %parallel_loop3A_1018 = arith.constant 128 : i32
        %parallel_loop3A_1019 = arith.muli %parallel_loop3A_1017, %parallel_loop3A_1018 : i32
        %parallel_loop3A_1020 = arith.addi %mul3A_464, %parallel_loop3A_1019 : i32
        %parallel_loop3A_1021 = arith.constant 80 : i32
        %parallel_loop3A_1022 = arith.addi %parallel_loop3A_1020, %parallel_loop3A_1021 : i32
        %parallel_loop3A_1023 = arith.index_cast %parallel_loop3A_1022 : i32 to index
        %parallel_loop3A_1024 = tpu.vector_load %arg5[%parallel_loop3A_1023] {strides = array<i32>} : memref<25600xf32, #tpu.memory_space<vmem>>, vector<16xf32>,
        %parallel_loop3A_1025 = arith.constant 1 : i32
        %parallel_loop3A_1026 = arith.addi %parallel_loop3A_976, %parallel_loop3A_1025 : i32
        %parallel_loop3A_1027 = arith.constant 128 : i32
        %parallel_loop3A_1028 = arith.muli %parallel_loop3A_1026, %parallel_loop3A_1027 : i32
        %parallel_loop3A_1029 = arith.addi %mul3A_464, %parallel_loop3A_1028 : i32
        %parallel_loop3A_1030 = arith.constant 80 : i32
        %parallel_loop3A_1031 = arith.addi %parallel_loop3A_1029, %parallel_loop3A_1030 : i32
        %parallel_loop3A_1032 = arith.index_cast %parallel_loop3A_1031 : i32 to index
        %parallel_loop3A_1033 = tpu.vector_load %arg6[%parallel_loop3A_1032] {strides = array<i32>} : memref<25600xf32, #tpu.memory_space<vmem>>, vector<16xf32>,
        %parallel_loop3A_1034 = arith.addf %parallel_loop3A_1024, %parallel_loop3A_999 : vector<16xf32>
        %parallel_loop3A_1035 = arith.addf %parallel_loop3A_1033, %parallel_loop3A_1001 : vector<16xf32>
        %parallel_loop3A_1036 = arith.mulf %parallel_loop3A_980, %parallel_loop3A_1034 : vector<16xf32>
        %parallel_loop3A_1037 = arith.addf %parallel_loop3A_978, %parallel_loop3A_1036 : vector<16xf32>
        %parallel_loop3A_1038 = arith.mulf %parallel_loop3A_981, %parallel_loop3A_1034 : vector<16xf32>
        %parallel_loop3A_1039 = arith.addf %parallel_loop3A_979, %parallel_loop3A_1038 : vector<16xf32>
        %parallel_loop3A_1040 = arith.mulf %parallel_loop3A_980, %parallel_loop3A_1035 : vector<16xf32>
        %parallel_loop3A_1041 = arith.addf %parallel_loop3A_1039, %parallel_loop3A_1040 : vector<16xf32>
        %parallel_loop3A_1042 = arith.mulf %parallel_loop3A_994, %broadcast_in_dim3A_408 : vector<16xf32>
        %parallel_loop3A_1043 = arith.addf %parallel_loop3A_977, %parallel_loop3A_1042 : vector<16xf32>
        scf.yield %parallel_loop3A_1043, %parallel_loop3A_1037, %parallel_loop3A_1041, %parallel_loop3A_1024, %parallel_loop3A_1033 : vector<16xf32>, vector<16xf32>, vector<16xf32>, vector<16xf32>, vector<16xf32>
      } {sc.loop_unroll_factor = 3 : i64, sc.parallel_access}
      %get3A_796 = arith.constant 99 : i32
      %get3A_797 = arith.constant 0 : i32
      %get3A_798 = arith.index_cast %select_n3A_426 : i32 to index
      %get3A_799 = arith.index_cast %get3A_796 : i32 to index
      %get3A_800 = arith.index_cast %get3A_797 : i32 to index
      %get3A_801 = arith.constant 80 : index
      %get3A_802 = tpu.vector_load %arg4[%get3A_798, %get3A_799, %get3A_800, %get3A_801] {strides = array<i32>} : memref<2x100x2x128xf32, #tpu.memory_space<vmem>>, vector<16xf32>,
      %get3A_803 = arith.constant 99 : i32
      %get3A_804 = arith.constant 1 : i32
      %get3A_805 = arith.index_cast %select_n3A_426 : i32 to index
      %get3A_806 = arith.index_cast %get3A_803 : i32 to index
      %get3A_807 = arith.index_cast %get3A_804 : i32 to index
      %get3A_808 = arith.constant 80 : index
      %get3A_809 = tpu.vector_load %arg4[%get3A_805, %get3A_806, %get3A_807, %get3A_808] {strides = array<i32>} : memref<2x100x2x128xf32, #tpu.memory_space<vmem>>, vector<16xf32>,
      %add3A_810 = arith.addf %get3A_802, %get3A_809 : vector<16xf32>
      %sub3A_811 = arith.subf %get3A_802, %get3A_809 : vector<16xf32>
      %lt3A_812 = arith.constant 0.000000e+00 : f32
      %lt3A_813 = vector.broadcast %lt3A_812 : f32 to vector<16xf32>
      %lt3A_814 = arith.cmpf olt, %sub3A_811, %lt3A_813 : vector<16xf32>
      %select_n3A_815 = arith.select %lt3A_814, %broadcast_in_dim3A_49, %broadcast_in_dim3A_51 : vector<16xi1>, vector<16xf32>
      %mul3A_816 = arith.mulf %select_n3A_815, %add3A_810 : vector<16xf32>
      %add3A_817 = arith.addf %mul3A_816, %sub3A_811 : vector<16xf32>
      %add3A_818 = arith.constant 12672 : i32
      %add3A_819 = arith.addi %mul3A_446, %add3A_818 : i32
      %add3A_820 = arith.constant 80 : i32
      %add3A_821 = arith.addi %add3A_819, %add3A_820 : i32
      %swap3A_822 = arith.index_cast %add3A_821 : i32 to index
      %swap3A_823 = tpu.vector_load %arg5[%swap3A_822] {strides = array<i32>} : memref<25600xf32, #tpu.memory_space<vmem>>, vector<16xf32>,
      tpu.vector_store %arg5[%swap3A_822], %select_n3A_815 {strides = array<i32>} : memref<25600xf32, #tpu.memory_space<vmem>>, vector<16xf32>,
      %add3A_824 = arith.constant 12672 : i32
      %add3A_825 = arith.addi %mul3A_446, %add3A_824 : i32
      %add3A_826 = arith.constant 80 : i32
      %add3A_827 = arith.addi %add3A_825, %add3A_826 : i32
      %swap3A_828 = arith.index_cast %add3A_827 : i32 to index
      %swap3A_829 = tpu.vector_load %arg6[%swap3A_828] {strides = array<i32>} : memref<25600xf32, #tpu.memory_space<vmem>>, vector<16xf32>,
      tpu.vector_store %arg6[%swap3A_828], %add3A_817 {strides = array<i32>} : memref<25600xf32, #tpu.memory_space<vmem>>, vector<16xf32>,
      %add3A_830 = arith.constant 80 : i32
      %add3A_831 = arith.addi %mul3A_464, %add3A_830 : i32
      %get3A_832 = arith.index_cast %add3A_831 : i32 to index
      %get3A_833 = tpu.vector_load %arg5[%get3A_832] {strides = array<i32>} : memref<25600xf32, #tpu.memory_space<vmem>>, vector<16xf32>,
      %add3A_834 = arith.constant 80 : i32
      %add3A_835 = arith.addi %mul3A_464, %add3A_834 : i32
      %get3A_836 = arith.index_cast %add3A_835 : i32 to index
      %get3A_837 = tpu.vector_load %arg6[%get3A_836] {strides = array<i32>} : memref<25600xf32, #tpu.memory_space<vmem>>, vector<16xf32>,
      %add3A_838 = arith.addf %get3A_833, %select_n3A_815 : vector<16xf32>
      %add3A_839 = arith.addf %get3A_837, %add3A_817 : vector<16xf32>
      %mul3A_840 = arith.mulf %add3A_810, %broadcast_in_dim3A_408 : vector<16xf32>
      %add3A_841 = arith.addf %parallel_loop3A_795#0, %mul3A_840 : vector<16xf32>
      %mul3A_842 = arith.mulf %parallel_loop3A_795#3, %add3A_838 : vector<16xf32>
      %add3A_843 = arith.addf %parallel_loop3A_795#1, %mul3A_842 : vector<16xf32>
      %mul3A_844 = arith.mulf %parallel_loop3A_795#4, %add3A_838 : vector<16xf32>
      %add3A_845 = arith.addf %parallel_loop3A_795#2, %mul3A_844 : vector<16xf32>
      %mul3A_846 = arith.mulf %parallel_loop3A_795#3, %add3A_839 : vector<16xf32>
      %add3A_847 = arith.addf %add3A_845, %mul3A_846 : vector<16xf32>
      %add3A_848 = arith.constant 96 : i32
      %add3A_849 = arith.addi %mul3A_464, %add3A_848 : i32
      %get3A_850 = arith.index_cast %add3A_849 : i32 to index
      %get3A_851 = tpu.vector_load %arg5[%get3A_850] {strides = array<i32>} : memref<25600xf32, #tpu.memory_space<vmem>>, vector<16xf32>,
      %add3A_852 = arith.constant 96 : i32
      %add3A_853 = arith.addi %mul3A_464, %add3A_852 : i32
      %get3A_854 = arith.index_cast %add3A_853 : i32 to index
      %get3A_855 = tpu.vector_load %arg6[%get3A_854] {strides = array<i32>} : memref<25600xf32, #tpu.memory_space<vmem>>, vector<16xf32>,
      %parallel_loop3A_856 = arith.constant 0 : i32
      %parallel_loop3A_857 = arith.constant 99 : i32
      %parallel_loop3A_858 = arith.constant 1 : i32
      %parallel_loop3A_859:5 = scf.for %parallel_loop3A_976 = %parallel_loop3A_856 to %parallel_loop3A_857 step %parallel_loop3A_858 iter_args(%parallel_loop3A_977 = %while3A_343, %parallel_loop3A_978 = %while3A_351, %parallel_loop3A_979 = %while3A_359, %parallel_loop3A_980 = %get3A_851, %parallel_loop3A_981 = %get3A_855) -> (vector<16xf32>, vector<16xf32>, vector<16xf32>, vector<16xf32>, vector<16xf32>)  : i32 {
        %parallel_loop3A_982 = arith.constant 0 : i32
        %parallel_loop3A_983 = arith.index_cast %select_n3A_426 : i32 to index
        %parallel_loop3A_984 = arith.index_cast %parallel_loop3A_976 : i32 to index
        %parallel_loop3A_985 = arith.index_cast %parallel_loop3A_982 : i32 to index
        %parallel_loop3A_986 = arith.constant 96 : index
        %parallel_loop3A_987 = tpu.vector_load %arg4[%parallel_loop3A_983, %parallel_loop3A_984, %parallel_loop3A_985, %parallel_loop3A_986] {strides = array<i32>} : memref<2x100x2x128xf32, #tpu.memory_space<vmem>>, vector<16xf32>,
        %parallel_loop3A_988 = arith.constant 1 : i32
        %parallel_loop3A_989 = arith.index_cast %select_n3A_426 : i32 to index
        %parallel_loop3A_990 = arith.index_cast %parallel_loop3A_976 : i32 to index
        %parallel_loop3A_991 = arith.index_cast %parallel_loop3A_988 : i32 to index
        %parallel_loop3A_992 = arith.constant 96 : index
        %parallel_loop3A_993 = tpu.vector_load %arg4[%parallel_loop3A_989, %parallel_loop3A_990, %parallel_loop3A_991, %parallel_loop3A_992] {strides = array<i32>} : memref<2x100x2x128xf32, #tpu.memory_space<vmem>>, vector<16xf32>,
        %parallel_loop3A_994 = arith.addf %parallel_loop3A_987, %parallel_loop3A_993 : vector<16xf32>
        %parallel_loop3A_995 = arith.subf %parallel_loop3A_987, %parallel_loop3A_993 : vector<16xf32>
        %parallel_loop3A_996 = arith.constant 0.000000e+00 : f32
        %parallel_loop3A_997 = vector.broadcast %parallel_loop3A_996 : f32 to vector<16xf32>
        %parallel_loop3A_998 = arith.cmpf olt, %parallel_loop3A_995, %parallel_loop3A_997 : vector<16xf32>
        %parallel_loop3A_999 = arith.select %parallel_loop3A_998, %broadcast_in_dim3A_49, %broadcast_in_dim3A_51 : vector<16xi1>, vector<16xf32>
        %parallel_loop3A_1000 = arith.mulf %parallel_loop3A_999, %parallel_loop3A_994 : vector<16xf32>
        %parallel_loop3A_1001 = arith.addf %parallel_loop3A_1000, %parallel_loop3A_995 : vector<16xf32>
        %parallel_loop3A_1002 = arith.constant 128 : i32
        %parallel_loop3A_1003 = arith.muli %parallel_loop3A_976, %parallel_loop3A_1002 : i32
        %parallel_loop3A_1004 = arith.addi %mul3A_446, %parallel_loop3A_1003 : i32
        %parallel_loop3A_1005 = arith.constant 96 : i32
        %parallel_loop3A_1006 = arith.addi %parallel_loop3A_1004, %parallel_loop3A_1005 : i32
        %parallel_loop3A_1007 = arith.index_cast %parallel_loop3A_1006 : i32 to index
        %parallel_loop3A_1008 = tpu.vector_load %arg5[%parallel_loop3A_1007] {strides = array<i32>} : memref<25600xf32, #tpu.memory_space<vmem>>, vector<16xf32>,
        tpu.vector_store %arg5[%parallel_loop3A_1007], %parallel_loop3A_999 {strides = array<i32>} : memref<25600xf32, #tpu.memory_space<vmem>>, vector<16xf32>,
        %parallel_loop3A_1009 = arith.constant 128 : i32
        %parallel_loop3A_1010 = arith.muli %parallel_loop3A_976, %parallel_loop3A_1009 : i32
        %parallel_loop3A_1011 = arith.addi %mul3A_446, %parallel_loop3A_1010 : i32
        %parallel_loop3A_1012 = arith.constant 96 : i32
        %parallel_loop3A_1013 = arith.addi %parallel_loop3A_1011, %parallel_loop3A_1012 : i32
        %parallel_loop3A_1014 = arith.index_cast %parallel_loop3A_1013 : i32 to index
        %parallel_loop3A_1015 = tpu.vector_load %arg6[%parallel_loop3A_1014] {strides = array<i32>} : memref<25600xf32, #tpu.memory_space<vmem>>, vector<16xf32>,
        tpu.vector_store %arg6[%parallel_loop3A_1014], %parallel_loop3A_1001 {strides = array<i32>} : memref<25600xf32, #tpu.memory_space<vmem>>, vector<16xf32>,
        %parallel_loop3A_1016 = arith.constant 1 : i32
        %parallel_loop3A_1017 = arith.addi %parallel_loop3A_976, %parallel_loop3A_1016 : i32
        %parallel_loop3A_1018 = arith.constant 128 : i32
        %parallel_loop3A_1019 = arith.muli %parallel_loop3A_1017, %parallel_loop3A_1018 : i32
        %parallel_loop3A_1020 = arith.addi %mul3A_464, %parallel_loop3A_1019 : i32
        %parallel_loop3A_1021 = arith.constant 96 : i32
        %parallel_loop3A_1022 = arith.addi %parallel_loop3A_1020, %parallel_loop3A_1021 : i32
        %parallel_loop3A_1023 = arith.index_cast %parallel_loop3A_1022 : i32 to index
        %parallel_loop3A_1024 = tpu.vector_load %arg5[%parallel_loop3A_1023] {strides = array<i32>} : memref<25600xf32, #tpu.memory_space<vmem>>, vector<16xf32>,
        %parallel_loop3A_1025 = arith.constant 1 : i32
        %parallel_loop3A_1026 = arith.addi %parallel_loop3A_976, %parallel_loop3A_1025 : i32
        %parallel_loop3A_1027 = arith.constant 128 : i32
        %parallel_loop3A_1028 = arith.muli %parallel_loop3A_1026, %parallel_loop3A_1027 : i32
        %parallel_loop3A_1029 = arith.addi %mul3A_464, %parallel_loop3A_1028 : i32
        %parallel_loop3A_1030 = arith.constant 96 : i32
        %parallel_loop3A_1031 = arith.addi %parallel_loop3A_1029, %parallel_loop3A_1030 : i32
        %parallel_loop3A_1032 = arith.index_cast %parallel_loop3A_1031 : i32 to index
        %parallel_loop3A_1033 = tpu.vector_load %arg6[%parallel_loop3A_1032] {strides = array<i32>} : memref<25600xf32, #tpu.memory_space<vmem>>, vector<16xf32>,
        %parallel_loop3A_1034 = arith.addf %parallel_loop3A_1024, %parallel_loop3A_999 : vector<16xf32>
        %parallel_loop3A_1035 = arith.addf %parallel_loop3A_1033, %parallel_loop3A_1001 : vector<16xf32>
        %parallel_loop3A_1036 = arith.mulf %parallel_loop3A_980, %parallel_loop3A_1034 : vector<16xf32>
        %parallel_loop3A_1037 = arith.addf %parallel_loop3A_978, %parallel_loop3A_1036 : vector<16xf32>
        %parallel_loop3A_1038 = arith.mulf %parallel_loop3A_981, %parallel_loop3A_1034 : vector<16xf32>
        %parallel_loop3A_1039 = arith.addf %parallel_loop3A_979, %parallel_loop3A_1038 : vector<16xf32>
        %parallel_loop3A_1040 = arith.mulf %parallel_loop3A_980, %parallel_loop3A_1035 : vector<16xf32>
        %parallel_loop3A_1041 = arith.addf %parallel_loop3A_1039, %parallel_loop3A_1040 : vector<16xf32>
        %parallel_loop3A_1042 = arith.mulf %parallel_loop3A_994, %broadcast_in_dim3A_408 : vector<16xf32>
        %parallel_loop3A_1043 = arith.addf %parallel_loop3A_977, %parallel_loop3A_1042 : vector<16xf32>
        scf.yield %parallel_loop3A_1043, %parallel_loop3A_1037, %parallel_loop3A_1041, %parallel_loop3A_1024, %parallel_loop3A_1033 : vector<16xf32>, vector<16xf32>, vector<16xf32>, vector<16xf32>, vector<16xf32>
      } {sc.loop_unroll_factor = 3 : i64, sc.parallel_access}
      %get3A_860 = arith.constant 99 : i32
      %get3A_861 = arith.constant 0 : i32
      %get3A_862 = arith.index_cast %select_n3A_426 : i32 to index
      %get3A_863 = arith.index_cast %get3A_860 : i32 to index
      %get3A_864 = arith.index_cast %get3A_861 : i32 to index
      %get3A_865 = arith.constant 96 : index
      %get3A_866 = tpu.vector_load %arg4[%get3A_862, %get3A_863, %get3A_864, %get3A_865] {strides = array<i32>} : memref<2x100x2x128xf32, #tpu.memory_space<vmem>>, vector<16xf32>,
      %get3A_867 = arith.constant 99 : i32
      %get3A_868 = arith.constant 1 : i32
      %get3A_869 = arith.index_cast %select_n3A_426 : i32 to index
      %get3A_870 = arith.index_cast %get3A_867 : i32 to index
      %get3A_871 = arith.index_cast %get3A_868 : i32 to index
      %get3A_872 = arith.constant 96 : index
      %get3A_873 = tpu.vector_load %arg4[%get3A_869, %get3A_870, %get3A_871, %get3A_872] {strides = array<i32>} : memref<2x100x2x128xf32, #tpu.memory_space<vmem>>, vector<16xf32>,
      %add3A_874 = arith.addf %get3A_866, %get3A_873 : vector<16xf32>
      %sub3A_875 = arith.subf %get3A_866, %get3A_873 : vector<16xf32>
      %lt3A_876 = arith.constant 0.000000e+00 : f32
      %lt3A_877 = vector.broadcast %lt3A_876 : f32 to vector<16xf32>
      %lt3A_878 = arith.cmpf olt, %sub3A_875, %lt3A_877 : vector<16xf32>
      %select_n3A_879 = arith.select %lt3A_878, %broadcast_in_dim3A_49, %broadcast_in_dim3A_51 : vector<16xi1>, vector<16xf32>
      %mul3A_880 = arith.mulf %select_n3A_879, %add3A_874 : vector<16xf32>
      %add3A_881 = arith.addf %mul3A_880, %sub3A_875 : vector<16xf32>
      %add3A_882 = arith.constant 12672 : i32
      %add3A_883 = arith.addi %mul3A_446, %add3A_882 : i32
      %add3A_884 = arith.constant 96 : i32
      %add3A_885 = arith.addi %add3A_883, %add3A_884 : i32
      %swap3A_886 = arith.index_cast %add3A_885 : i32 to index
      %swap3A_887 = tpu.vector_load %arg5[%swap3A_886] {strides = array<i32>} : memref<25600xf32, #tpu.memory_space<vmem>>, vector<16xf32>,
      tpu.vector_store %arg5[%swap3A_886], %select_n3A_879 {strides = array<i32>} : memref<25600xf32, #tpu.memory_space<vmem>>, vector<16xf32>,
      %add3A_888 = arith.constant 12672 : i32
      %add3A_889 = arith.addi %mul3A_446, %add3A_888 : i32
      %add3A_890 = arith.constant 96 : i32
      %add3A_891 = arith.addi %add3A_889, %add3A_890 : i32
      %swap3A_892 = arith.index_cast %add3A_891 : i32 to index
      %swap3A_893 = tpu.vector_load %arg6[%swap3A_892] {strides = array<i32>} : memref<25600xf32, #tpu.memory_space<vmem>>, vector<16xf32>,
      tpu.vector_store %arg6[%swap3A_892], %add3A_881 {strides = array<i32>} : memref<25600xf32, #tpu.memory_space<vmem>>, vector<16xf32>,
      %add3A_894 = arith.constant 96 : i32
      %add3A_895 = arith.addi %mul3A_464, %add3A_894 : i32
      %get3A_896 = arith.index_cast %add3A_895 : i32 to index
      %get3A_897 = tpu.vector_load %arg5[%get3A_896] {strides = array<i32>} : memref<25600xf32, #tpu.memory_space<vmem>>, vector<16xf32>,
      %add3A_898 = arith.constant 96 : i32
      %add3A_899 = arith.addi %mul3A_464, %add3A_898 : i32
      %get3A_900 = arith.index_cast %add3A_899 : i32 to index
      %get3A_901 = tpu.vector_load %arg6[%get3A_900] {strides = array<i32>} : memref<25600xf32, #tpu.memory_space<vmem>>, vector<16xf32>,
      %add3A_902 = arith.addf %get3A_897, %select_n3A_879 : vector<16xf32>
      %add3A_903 = arith.addf %get3A_901, %add3A_881 : vector<16xf32>
      %mul3A_904 = arith.mulf %add3A_874, %broadcast_in_dim3A_408 : vector<16xf32>
      %add3A_905 = arith.addf %parallel_loop3A_859#0, %mul3A_904 : vector<16xf32>
      %mul3A_906 = arith.mulf %parallel_loop3A_859#3, %add3A_902 : vector<16xf32>
      %add3A_907 = arith.addf %parallel_loop3A_859#1, %mul3A_906 : vector<16xf32>
      %mul3A_908 = arith.mulf %parallel_loop3A_859#4, %add3A_902 : vector<16xf32>
      %add3A_909 = arith.addf %parallel_loop3A_859#2, %mul3A_908 : vector<16xf32>
      %mul3A_910 = arith.mulf %parallel_loop3A_859#3, %add3A_903 : vector<16xf32>
      %add3A_911 = arith.addf %add3A_909, %mul3A_910 : vector<16xf32>
      %add3A_912 = arith.constant 112 : i32
      %add3A_913 = arith.addi %mul3A_464, %add3A_912 : i32
      %get3A_914 = arith.index_cast %add3A_913 : i32 to index
      %get3A_915 = tpu.vector_load %arg5[%get3A_914] {strides = array<i32>} : memref<25600xf32, #tpu.memory_space<vmem>>, vector<16xf32>,
      %add3A_916 = arith.constant 112 : i32
      %add3A_917 = arith.addi %mul3A_464, %add3A_916 : i32
      %get3A_918 = arith.index_cast %add3A_917 : i32 to index
      %get3A_919 = tpu.vector_load %arg6[%get3A_918] {strides = array<i32>} : memref<25600xf32, #tpu.memory_space<vmem>>, vector<16xf32>,
      %parallel_loop3A_920 = arith.constant 0 : i32
      %parallel_loop3A_921 = arith.constant 99 : i32
      %parallel_loop3A_922 = arith.constant 1 : i32
      %parallel_loop3A_923:5 = scf.for %parallel_loop3A_976 = %parallel_loop3A_920 to %parallel_loop3A_921 step %parallel_loop3A_922 iter_args(%parallel_loop3A_977 = %while3A_344, %parallel_loop3A_978 = %while3A_352, %parallel_loop3A_979 = %while3A_360, %parallel_loop3A_980 = %get3A_915, %parallel_loop3A_981 = %get3A_919) -> (vector<16xf32>, vector<16xf32>, vector<16xf32>, vector<16xf32>, vector<16xf32>)  : i32 {
        %parallel_loop3A_982 = arith.constant 0 : i32
        %parallel_loop3A_983 = arith.index_cast %select_n3A_426 : i32 to index
        %parallel_loop3A_984 = arith.index_cast %parallel_loop3A_976 : i32 to index
        %parallel_loop3A_985 = arith.index_cast %parallel_loop3A_982 : i32 to index
        %parallel_loop3A_986 = arith.constant 112 : index
        %parallel_loop3A_987 = tpu.vector_load %arg4[%parallel_loop3A_983, %parallel_loop3A_984, %parallel_loop3A_985, %parallel_loop3A_986] {strides = array<i32>} : memref<2x100x2x128xf32, #tpu.memory_space<vmem>>, vector<16xf32>,
        %parallel_loop3A_988 = arith.constant 1 : i32
        %parallel_loop3A_989 = arith.index_cast %select_n3A_426 : i32 to index
        %parallel_loop3A_990 = arith.index_cast %parallel_loop3A_976 : i32 to index
        %parallel_loop3A_991 = arith.index_cast %parallel_loop3A_988 : i32 to index
        %parallel_loop3A_992 = arith.constant 112 : index
        %parallel_loop3A_993 = tpu.vector_load %arg4[%parallel_loop3A_989, %parallel_loop3A_990, %parallel_loop3A_991, %parallel_loop3A_992] {strides = array<i32>} : memref<2x100x2x128xf32, #tpu.memory_space<vmem>>, vector<16xf32>,
        %parallel_loop3A_994 = arith.addf %parallel_loop3A_987, %parallel_loop3A_993 : vector<16xf32>
        %parallel_loop3A_995 = arith.subf %parallel_loop3A_987, %parallel_loop3A_993 : vector<16xf32>
        %parallel_loop3A_996 = arith.constant 0.000000e+00 : f32
        %parallel_loop3A_997 = vector.broadcast %parallel_loop3A_996 : f32 to vector<16xf32>
        %parallel_loop3A_998 = arith.cmpf olt, %parallel_loop3A_995, %parallel_loop3A_997 : vector<16xf32>
        %parallel_loop3A_999 = arith.select %parallel_loop3A_998, %broadcast_in_dim3A_49, %broadcast_in_dim3A_51 : vector<16xi1>, vector<16xf32>
        %parallel_loop3A_1000 = arith.mulf %parallel_loop3A_999, %parallel_loop3A_994 : vector<16xf32>
        %parallel_loop3A_1001 = arith.addf %parallel_loop3A_1000, %parallel_loop3A_995 : vector<16xf32>
        %parallel_loop3A_1002 = arith.constant 128 : i32
        %parallel_loop3A_1003 = arith.muli %parallel_loop3A_976, %parallel_loop3A_1002 : i32
        %parallel_loop3A_1004 = arith.addi %mul3A_446, %parallel_loop3A_1003 : i32
        %parallel_loop3A_1005 = arith.constant 112 : i32
        %parallel_loop3A_1006 = arith.addi %parallel_loop3A_1004, %parallel_loop3A_1005 : i32
        %parallel_loop3A_1007 = arith.index_cast %parallel_loop3A_1006 : i32 to index
        %parallel_loop3A_1008 = tpu.vector_load %arg5[%parallel_loop3A_1007] {strides = array<i32>} : memref<25600xf32, #tpu.memory_space<vmem>>, vector<16xf32>,
        tpu.vector_store %arg5[%parallel_loop3A_1007], %parallel_loop3A_999 {strides = array<i32>} : memref<25600xf32, #tpu.memory_space<vmem>>, vector<16xf32>,
        %parallel_loop3A_1009 = arith.constant 128 : i32
        %parallel_loop3A_1010 = arith.muli %parallel_loop3A_976, %parallel_loop3A_1009 : i32
        %parallel_loop3A_1011 = arith.addi %mul3A_446, %parallel_loop3A_1010 : i32
        %parallel_loop3A_1012 = arith.constant 112 : i32
        %parallel_loop3A_1013 = arith.addi %parallel_loop3A_1011, %parallel_loop3A_1012 : i32
        %parallel_loop3A_1014 = arith.index_cast %parallel_loop3A_1013 : i32 to index
        %parallel_loop3A_1015 = tpu.vector_load %arg6[%parallel_loop3A_1014] {strides = array<i32>} : memref<25600xf32, #tpu.memory_space<vmem>>, vector<16xf32>,
        tpu.vector_store %arg6[%parallel_loop3A_1014], %parallel_loop3A_1001 {strides = array<i32>} : memref<25600xf32, #tpu.memory_space<vmem>>, vector<16xf32>,
        %parallel_loop3A_1016 = arith.constant 1 : i32
        %parallel_loop3A_1017 = arith.addi %parallel_loop3A_976, %parallel_loop3A_1016 : i32
        %parallel_loop3A_1018 = arith.constant 128 : i32
        %parallel_loop3A_1019 = arith.muli %parallel_loop3A_1017, %parallel_loop3A_1018 : i32
        %parallel_loop3A_1020 = arith.addi %mul3A_464, %parallel_loop3A_1019 : i32
        %parallel_loop3A_1021 = arith.constant 112 : i32
        %parallel_loop3A_1022 = arith.addi %parallel_loop3A_1020, %parallel_loop3A_1021 : i32
        %parallel_loop3A_1023 = arith.index_cast %parallel_loop3A_1022 : i32 to index
        %parallel_loop3A_1024 = tpu.vector_load %arg5[%parallel_loop3A_1023] {strides = array<i32>} : memref<25600xf32, #tpu.memory_space<vmem>>, vector<16xf32>,
        %parallel_loop3A_1025 = arith.constant 1 : i32
        %parallel_loop3A_1026 = arith.addi %parallel_loop3A_976, %parallel_loop3A_1025 : i32
        %parallel_loop3A_1027 = arith.constant 128 : i32
        %parallel_loop3A_1028 = arith.muli %parallel_loop3A_1026, %parallel_loop3A_1027 : i32
        %parallel_loop3A_1029 = arith.addi %mul3A_464, %parallel_loop3A_1028 : i32
        %parallel_loop3A_1030 = arith.constant 112 : i32
        %parallel_loop3A_1031 = arith.addi %parallel_loop3A_1029, %parallel_loop3A_1030 : i32
        %parallel_loop3A_1032 = arith.index_cast %parallel_loop3A_1031 : i32 to index
        %parallel_loop3A_1033 = tpu.vector_load %arg6[%parallel_loop3A_1032] {strides = array<i32>} : memref<25600xf32, #tpu.memory_space<vmem>>, vector<16xf32>,
        %parallel_loop3A_1034 = arith.addf %parallel_loop3A_1024, %parallel_loop3A_999 : vector<16xf32>
        %parallel_loop3A_1035 = arith.addf %parallel_loop3A_1033, %parallel_loop3A_1001 : vector<16xf32>
        %parallel_loop3A_1036 = arith.mulf %parallel_loop3A_980, %parallel_loop3A_1034 : vector<16xf32>
        %parallel_loop3A_1037 = arith.addf %parallel_loop3A_978, %parallel_loop3A_1036 : vector<16xf32>
        %parallel_loop3A_1038 = arith.mulf %parallel_loop3A_981, %parallel_loop3A_1034 : vector<16xf32>
        %parallel_loop3A_1039 = arith.addf %parallel_loop3A_979, %parallel_loop3A_1038 : vector<16xf32>
        %parallel_loop3A_1040 = arith.mulf %parallel_loop3A_980, %parallel_loop3A_1035 : vector<16xf32>
        %parallel_loop3A_1041 = arith.addf %parallel_loop3A_1039, %parallel_loop3A_1040 : vector<16xf32>
        %parallel_loop3A_1042 = arith.mulf %parallel_loop3A_994, %broadcast_in_dim3A_408 : vector<16xf32>
        %parallel_loop3A_1043 = arith.addf %parallel_loop3A_977, %parallel_loop3A_1042 : vector<16xf32>
        scf.yield %parallel_loop3A_1043, %parallel_loop3A_1037, %parallel_loop3A_1041, %parallel_loop3A_1024, %parallel_loop3A_1033 : vector<16xf32>, vector<16xf32>, vector<16xf32>, vector<16xf32>, vector<16xf32>
      } {sc.loop_unroll_factor = 3 : i64, sc.parallel_access}
      %get3A_924 = arith.constant 99 : i32
      %get3A_925 = arith.constant 0 : i32
      %get3A_926 = arith.index_cast %select_n3A_426 : i32 to index
      %get3A_927 = arith.index_cast %get3A_924 : i32 to index
      %get3A_928 = arith.index_cast %get3A_925 : i32 to index
      %get3A_929 = arith.constant 112 : index
      %get3A_930 = tpu.vector_load %arg4[%get3A_926, %get3A_927, %get3A_928, %get3A_929] {strides = array<i32>} : memref<2x100x2x128xf32, #tpu.memory_space<vmem>>, vector<16xf32>,
      %get3A_931 = arith.constant 99 : i32
      %get3A_932 = arith.constant 1 : i32
      %get3A_933 = arith.index_cast %select_n3A_426 : i32 to index
      %get3A_934 = arith.index_cast %get3A_931 : i32 to index
      %get3A_935 = arith.index_cast %get3A_932 : i32 to index
      %get3A_936 = arith.constant 112 : index
      %get3A_937 = tpu.vector_load %arg4[%get3A_933, %get3A_934, %get3A_935, %get3A_936] {strides = array<i32>} : memref<2x100x2x128xf32, #tpu.memory_space<vmem>>, vector<16xf32>,
      %add3A_938 = arith.addf %get3A_930, %get3A_937 : vector<16xf32>
      %sub3A_939 = arith.subf %get3A_930, %get3A_937 : vector<16xf32>
      %lt3A_940 = arith.constant 0.000000e+00 : f32
      %lt3A_941 = vector.broadcast %lt3A_940 : f32 to vector<16xf32>
      %lt3A_942 = arith.cmpf olt, %sub3A_939, %lt3A_941 : vector<16xf32>
      %select_n3A_943 = arith.select %lt3A_942, %broadcast_in_dim3A_49, %broadcast_in_dim3A_51 : vector<16xi1>, vector<16xf32>
      %mul3A_944 = arith.mulf %select_n3A_943, %add3A_938 : vector<16xf32>
      %add3A_945 = arith.addf %mul3A_944, %sub3A_939 : vector<16xf32>
      %add3A_946 = arith.constant 12672 : i32
      %add3A_947 = arith.addi %mul3A_446, %add3A_946 : i32
      %add3A_948 = arith.constant 112 : i32
      %add3A_949 = arith.addi %add3A_947, %add3A_948 : i32
      %swap3A_950 = arith.index_cast %add3A_949 : i32 to index
      %swap3A_951 = tpu.vector_load %arg5[%swap3A_950] {strides = array<i32>} : memref<25600xf32, #tpu.memory_space<vmem>>, vector<16xf32>,
      tpu.vector_store %arg5[%swap3A_950], %select_n3A_943 {strides = array<i32>} : memref<25600xf32, #tpu.memory_space<vmem>>, vector<16xf32>,
      %add3A_952 = arith.constant 12672 : i32
      %add3A_953 = arith.addi %mul3A_446, %add3A_952 : i32
      %add3A_954 = arith.constant 112 : i32
      %add3A_955 = arith.addi %add3A_953, %add3A_954 : i32
      %swap3A_956 = arith.index_cast %add3A_955 : i32 to index
      %swap3A_957 = tpu.vector_load %arg6[%swap3A_956] {strides = array<i32>} : memref<25600xf32, #tpu.memory_space<vmem>>, vector<16xf32>,
      tpu.vector_store %arg6[%swap3A_956], %add3A_945 {strides = array<i32>} : memref<25600xf32, #tpu.memory_space<vmem>>, vector<16xf32>,
      %add3A_958 = arith.constant 112 : i32
      %add3A_959 = arith.addi %mul3A_464, %add3A_958 : i32
      %get3A_960 = arith.index_cast %add3A_959 : i32 to index
      %get3A_961 = tpu.vector_load %arg5[%get3A_960] {strides = array<i32>} : memref<25600xf32, #tpu.memory_space<vmem>>, vector<16xf32>,
      %add3A_962 = arith.constant 112 : i32
      %add3A_963 = arith.addi %mul3A_464, %add3A_962 : i32
      %get3A_964 = arith.index_cast %add3A_963 : i32 to index
      %get3A_965 = tpu.vector_load %arg6[%get3A_964] {strides = array<i32>} : memref<25600xf32, #tpu.memory_space<vmem>>, vector<16xf32>,
      %add3A_966 = arith.addf %get3A_961, %select_n3A_943 : vector<16xf32>
      %add3A_967 = arith.addf %get3A_965, %add3A_945 : vector<16xf32>
      %mul3A_968 = arith.mulf %add3A_938, %broadcast_in_dim3A_408 : vector<16xf32>
      %add3A_969 = arith.addf %parallel_loop3A_923#0, %mul3A_968 : vector<16xf32>
      %mul3A_970 = arith.mulf %parallel_loop3A_923#3, %add3A_966 : vector<16xf32>
      %add3A_971 = arith.addf %parallel_loop3A_923#1, %mul3A_970 : vector<16xf32>
      %mul3A_972 = arith.mulf %parallel_loop3A_923#4, %add3A_966 : vector<16xf32>
      %add3A_973 = arith.addf %parallel_loop3A_923#2, %mul3A_972 : vector<16xf32>
      %mul3A_974 = arith.mulf %parallel_loop3A_923#3, %add3A_967 : vector<16xf32>
      %add3A_975 = arith.addf %add3A_973, %mul3A_974 : vector<16xf32>
      scf.yield %add3A_521, %add3A_585, %add3A_649, %add3A_713, %add3A_777, %add3A_841, %add3A_905, %add3A_969, %add3A_523, %add3A_587, %add3A_651, %add3A_715, %add3A_779, %add3A_843, %add3A_907, %add3A_971, %add3A_527, %add3A_591, %add3A_655, %add3A_719, %add3A_783, %add3A_847, %add3A_911, %add3A_975 : vector<16xf32>, vector<16xf32>, vector<16xf32>, vector<16xf32>, vector<16xf32>, vector<16xf32>, vector<16xf32>, vector<16xf32>, vector<16xf32>, vector<16xf32>, vector<16xf32>, vector<16xf32>, vector<16xf32>, vector<16xf32>, vector<16xf32>, vector<16xf32>, vector<16xf32>, vector<16xf32>, vector<16xf32>, vector<16xf32>, vector<16xf32>, vector<16xf32>, vector<16xf32>, vector<16xf32>
    }
    %swap3A = arith.constant 0 : i32
    %swap3A_241 = arith.index_cast %swap3A : i32 to index
    %swap3A_242 = arith.constant 0 : index
    %swap3A_243 = tpu.vector_load %arg7[%swap3A_241, %swap3A_242] {strides = array<i32>} : memref<3x128xf32, #tpu.memory_space<vmem>>, vector<16xf32>,
    tpu.vector_store %arg7[%swap3A_241, %swap3A_242], %while3A_240#0 {strides = array<i32>} : memref<3x128xf32, #tpu.memory_space<vmem>>, vector<16xf32>,
    %swap3A_244 = arith.constant 1 : i32
    %swap3A_245 = arith.index_cast %swap3A_244 : i32 to index
    %swap3A_246 = arith.constant 0 : index
    %swap3A_247 = tpu.vector_load %arg7[%swap3A_245, %swap3A_246] {strides = array<i32>} : memref<3x128xf32, #tpu.memory_space<vmem>>, vector<16xf32>,
    tpu.vector_store %arg7[%swap3A_245, %swap3A_246], %while3A_240#8 {strides = array<i32>} : memref<3x128xf32, #tpu.memory_space<vmem>>, vector<16xf32>,
    %swap3A_248 = arith.constant 2 : i32
    %swap3A_249 = arith.index_cast %swap3A_248 : i32 to index
    %swap3A_250 = arith.constant 0 : index
    %swap3A_251 = tpu.vector_load %arg7[%swap3A_249, %swap3A_250] {strides = array<i32>} : memref<3x128xf32, #tpu.memory_space<vmem>>, vector<16xf32>,
    tpu.vector_store %arg7[%swap3A_249, %swap3A_250], %while3A_240#16 {strides = array<i32>} : memref<3x128xf32, #tpu.memory_space<vmem>>, vector<16xf32>,
    %swap3A_252 = arith.constant 0 : i32
    %swap3A_253 = arith.index_cast %swap3A_252 : i32 to index
    %swap3A_254 = arith.constant 16 : index
    %swap3A_255 = tpu.vector_load %arg7[%swap3A_253, %swap3A_254] {strides = array<i32>} : memref<3x128xf32, #tpu.memory_space<vmem>>, vector<16xf32>,
    tpu.vector_store %arg7[%swap3A_253, %swap3A_254], %while3A_240#1 {strides = array<i32>} : memref<3x128xf32, #tpu.memory_space<vmem>>, vector<16xf32>,
    %swap3A_256 = arith.constant 1 : i32
    %swap3A_257 = arith.index_cast %swap3A_256 : i32 to index
    %swap3A_258 = arith.constant 16 : index
    %swap3A_259 = tpu.vector_load %arg7[%swap3A_257, %swap3A_258] {strides = array<i32>} : memref<3x128xf32, #tpu.memory_space<vmem>>, vector<16xf32>,
    tpu.vector_store %arg7[%swap3A_257, %swap3A_258], %while3A_240#9 {strides = array<i32>} : memref<3x128xf32, #tpu.memory_space<vmem>>, vector<16xf32>,
    %swap3A_260 = arith.constant 2 : i32
    %swap3A_261 = arith.index_cast %swap3A_260 : i32 to index
    %swap3A_262 = arith.constant 16 : index
    %swap3A_263 = tpu.vector_load %arg7[%swap3A_261, %swap3A_262] {strides = array<i32>} : memref<3x128xf32, #tpu.memory_space<vmem>>, vector<16xf32>,
    tpu.vector_store %arg7[%swap3A_261, %swap3A_262], %while3A_240#17 {strides = array<i32>} : memref<3x128xf32, #tpu.memory_space<vmem>>, vector<16xf32>,
    %swap3A_264 = arith.constant 0 : i32
    %swap3A_265 = arith.index_cast %swap3A_264 : i32 to index
    %swap3A_266 = arith.constant 32 : index
    %swap3A_267 = tpu.vector_load %arg7[%swap3A_265, %swap3A_266] {strides = array<i32>} : memref<3x128xf32, #tpu.memory_space<vmem>>, vector<16xf32>,
    tpu.vector_store %arg7[%swap3A_265, %swap3A_266], %while3A_240#2 {strides = array<i32>} : memref<3x128xf32, #tpu.memory_space<vmem>>, vector<16xf32>,
    %swap3A_268 = arith.constant 1 : i32
    %swap3A_269 = arith.index_cast %swap3A_268 : i32 to index
    %swap3A_270 = arith.constant 32 : index
    %swap3A_271 = tpu.vector_load %arg7[%swap3A_269, %swap3A_270] {strides = array<i32>} : memref<3x128xf32, #tpu.memory_space<vmem>>, vector<16xf32>,
    tpu.vector_store %arg7[%swap3A_269, %swap3A_270], %while3A_240#10 {strides = array<i32>} : memref<3x128xf32, #tpu.memory_space<vmem>>, vector<16xf32>,
    %swap3A_272 = arith.constant 2 : i32
    %swap3A_273 = arith.index_cast %swap3A_272 : i32 to index
    %swap3A_274 = arith.constant 32 : index
    %swap3A_275 = tpu.vector_load %arg7[%swap3A_273, %swap3A_274] {strides = array<i32>} : memref<3x128xf32, #tpu.memory_space<vmem>>, vector<16xf32>,
    tpu.vector_store %arg7[%swap3A_273, %swap3A_274], %while3A_240#18 {strides = array<i32>} : memref<3x128xf32, #tpu.memory_space<vmem>>, vector<16xf32>,
    %swap3A_276 = arith.constant 0 : i32
    %swap3A_277 = arith.index_cast %swap3A_276 : i32 to index
    %swap3A_278 = arith.constant 48 : index
    %swap3A_279 = tpu.vector_load %arg7[%swap3A_277, %swap3A_278] {strides = array<i32>} : memref<3x128xf32, #tpu.memory_space<vmem>>, vector<16xf32>,
    tpu.vector_store %arg7[%swap3A_277, %swap3A_278], %while3A_240#3 {strides = array<i32>} : memref<3x128xf32, #tpu.memory_space<vmem>>, vector<16xf32>,
    %swap3A_280 = arith.constant 1 : i32
    %swap3A_281 = arith.index_cast %swap3A_280 : i32 to index
    %swap3A_282 = arith.constant 48 : index
    %swap3A_283 = tpu.vector_load %arg7[%swap3A_281, %swap3A_282] {strides = array<i32>} : memref<3x128xf32, #tpu.memory_space<vmem>>, vector<16xf32>,
    tpu.vector_store %arg7[%swap3A_281, %swap3A_282], %while3A_240#11 {strides = array<i32>} : memref<3x128xf32, #tpu.memory_space<vmem>>, vector<16xf32>,
    %swap3A_284 = arith.constant 2 : i32
    %swap3A_285 = arith.index_cast %swap3A_284 : i32 to index
    %swap3A_286 = arith.constant 48 : index
    %swap3A_287 = tpu.vector_load %arg7[%swap3A_285, %swap3A_286] {strides = array<i32>} : memref<3x128xf32, #tpu.memory_space<vmem>>, vector<16xf32>,
    tpu.vector_store %arg7[%swap3A_285, %swap3A_286], %while3A_240#19 {strides = array<i32>} : memref<3x128xf32, #tpu.memory_space<vmem>>, vector<16xf32>,
    %swap3A_288 = arith.constant 0 : i32
    %swap3A_289 = arith.index_cast %swap3A_288 : i32 to index
    %swap3A_290 = arith.constant 64 : index
    %swap3A_291 = tpu.vector_load %arg7[%swap3A_289, %swap3A_290] {strides = array<i32>} : memref<3x128xf32, #tpu.memory_space<vmem>>, vector<16xf32>,
    tpu.vector_store %arg7[%swap3A_289, %swap3A_290], %while3A_240#4 {strides = array<i32>} : memref<3x128xf32, #tpu.memory_space<vmem>>, vector<16xf32>,
    %swap3A_292 = arith.constant 1 : i32
    %swap3A_293 = arith.index_cast %swap3A_292 : i32 to index
    %swap3A_294 = arith.constant 64 : index
    %swap3A_295 = tpu.vector_load %arg7[%swap3A_293, %swap3A_294] {strides = array<i32>} : memref<3x128xf32, #tpu.memory_space<vmem>>, vector<16xf32>,
    tpu.vector_store %arg7[%swap3A_293, %swap3A_294], %while3A_240#12 {strides = array<i32>} : memref<3x128xf32, #tpu.memory_space<vmem>>, vector<16xf32>,
    %swap3A_296 = arith.constant 2 : i32
    %swap3A_297 = arith.index_cast %swap3A_296 : i32 to index
    %swap3A_298 = arith.constant 64 : index
    %swap3A_299 = tpu.vector_load %arg7[%swap3A_297, %swap3A_298] {strides = array<i32>} : memref<3x128xf32, #tpu.memory_space<vmem>>, vector<16xf32>,
    tpu.vector_store %arg7[%swap3A_297, %swap3A_298], %while3A_240#20 {strides = array<i32>} : memref<3x128xf32, #tpu.memory_space<vmem>>, vector<16xf32>,
    %swap3A_300 = arith.constant 0 : i32
    %swap3A_301 = arith.index_cast %swap3A_300 : i32 to index
    %swap3A_302 = arith.constant 80 : index
    %swap3A_303 = tpu.vector_load %arg7[%swap3A_301, %swap3A_302] {strides = array<i32>} : memref<3x128xf32, #tpu.memory_space<vmem>>, vector<16xf32>,
    tpu.vector_store %arg7[%swap3A_301, %swap3A_302], %while3A_240#5 {strides = array<i32>} : memref<3x128xf32, #tpu.memory_space<vmem>>, vector<16xf32>,
    %swap3A_304 = arith.constant 1 : i32
    %swap3A_305 = arith.index_cast %swap3A_304 : i32 to index
    %swap3A_306 = arith.constant 80 : index
    %swap3A_307 = tpu.vector_load %arg7[%swap3A_305, %swap3A_306] {strides = array<i32>} : memref<3x128xf32, #tpu.memory_space<vmem>>, vector<16xf32>,
    tpu.vector_store %arg7[%swap3A_305, %swap3A_306], %while3A_240#13 {strides = array<i32>} : memref<3x128xf32, #tpu.memory_space<vmem>>, vector<16xf32>,
    %swap3A_308 = arith.constant 2 : i32
    %swap3A_309 = arith.index_cast %swap3A_308 : i32 to index
    %swap3A_310 = arith.constant 80 : index
    %swap3A_311 = tpu.vector_load %arg7[%swap3A_309, %swap3A_310] {strides = array<i32>} : memref<3x128xf32, #tpu.memory_space<vmem>>, vector<16xf32>,
    tpu.vector_store %arg7[%swap3A_309, %swap3A_310], %while3A_240#21 {strides = array<i32>} : memref<3x128xf32, #tpu.memory_space<vmem>>, vector<16xf32>,
    %swap3A_312 = arith.constant 0 : i32
    %swap3A_313 = arith.index_cast %swap3A_312 : i32 to index
    %swap3A_314 = arith.constant 96 : index
    %swap3A_315 = tpu.vector_load %arg7[%swap3A_313, %swap3A_314] {strides = array<i32>} : memref<3x128xf32, #tpu.memory_space<vmem>>, vector<16xf32>,
    tpu.vector_store %arg7[%swap3A_313, %swap3A_314], %while3A_240#6 {strides = array<i32>} : memref<3x128xf32, #tpu.memory_space<vmem>>, vector<16xf32>,
    %swap3A_316 = arith.constant 1 : i32
    %swap3A_317 = arith.index_cast %swap3A_316 : i32 to index
    %swap3A_318 = arith.constant 96 : index
    %swap3A_319 = tpu.vector_load %arg7[%swap3A_317, %swap3A_318] {strides = array<i32>} : memref<3x128xf32, #tpu.memory_space<vmem>>, vector<16xf32>,
    tpu.vector_store %arg7[%swap3A_317, %swap3A_318], %while3A_240#14 {strides = array<i32>} : memref<3x128xf32, #tpu.memory_space<vmem>>, vector<16xf32>,
    %swap3A_320 = arith.constant 2 : i32
    %swap3A_321 = arith.index_cast %swap3A_320 : i32 to index
    %swap3A_322 = arith.constant 96 : index
    %swap3A_323 = tpu.vector_load %arg7[%swap3A_321, %swap3A_322] {strides = array<i32>} : memref<3x128xf32, #tpu.memory_space<vmem>>, vector<16xf32>,
    tpu.vector_store %arg7[%swap3A_321, %swap3A_322], %while3A_240#22 {strides = array<i32>} : memref<3x128xf32, #tpu.memory_space<vmem>>, vector<16xf32>,
    %swap3A_324 = arith.constant 0 : i32
    %swap3A_325 = arith.index_cast %swap3A_324 : i32 to index
    %swap3A_326 = arith.constant 112 : index
    %swap3A_327 = tpu.vector_load %arg7[%swap3A_325, %swap3A_326] {strides = array<i32>} : memref<3x128xf32, #tpu.memory_space<vmem>>, vector<16xf32>,
    tpu.vector_store %arg7[%swap3A_325, %swap3A_326], %while3A_240#7 {strides = array<i32>} : memref<3x128xf32, #tpu.memory_space<vmem>>, vector<16xf32>,
    %swap3A_328 = arith.constant 1 : i32
    %swap3A_329 = arith.index_cast %swap3A_328 : i32 to index
    %swap3A_330 = arith.constant 112 : index
    %swap3A_331 = tpu.vector_load %arg7[%swap3A_329, %swap3A_330] {strides = array<i32>} : memref<3x128xf32, #tpu.memory_space<vmem>>, vector<16xf32>,
    tpu.vector_store %arg7[%swap3A_329, %swap3A_330], %while3A_240#15 {strides = array<i32>} : memref<3x128xf32, #tpu.memory_space<vmem>>, vector<16xf32>,
    %swap3A_332 = arith.constant 2 : i32
    %swap3A_333 = arith.index_cast %swap3A_332 : i32 to index
    %swap3A_334 = arith.constant 112 : index
    %swap3A_335 = tpu.vector_load %arg7[%swap3A_333, %swap3A_334] {strides = array<i32>} : memref<3x128xf32, #tpu.memory_space<vmem>>, vector<16xf32>,
    tpu.vector_store %arg7[%swap3A_333, %swap3A_334], %while3A_240#23 {strides = array<i32>} : memref<3x128xf32, #tpu.memory_space<vmem>>, vector<16xf32>,
    "tpu.region"() ({
      %run_scoped3A = tpu.sem_alloc : memref<!tpu.dma_semaphore, #tpu.memory_space<semaphore_mem>>
      %dma_start3A_336 = arith.constant 0 : i32
      %dma_start3A_337 = arith.constant 0 : i32
      %dma_start3A_338 = tpu.memref_slice %arg3[%add3A, %dma_start3A_336, %dma_start3A_337] : memref<32x3x128xf32, #tpu.memory_space<hbm>> -> memref<1x3x128xf32, #tpu.memory_space<hbm>>
      %dma_start3A_339 = tpu.memref_squeeze %dma_start3A_338 : memref<1x3x128xf32, #tpu.memory_space<hbm>> -> memref<3x128xf32, #tpu.memory_space<hbm>>
      %dma_start3A_340 = arith.constant 0 : i32
      %dma_start3A_341 = arith.constant 0 : i32
      %dma_start3A_342 = tpu.memref_slice %arg3[%add3A, %dma_start3A_340, %dma_start3A_341] : memref<32x3x128xf32, #tpu.memory_space<hbm>> -> memref<1x3x128xf32, #tpu.memory_space<hbm>>
      %dma_start3A_343 = tpu.memref_squeeze %dma_start3A_342 : memref<1x3x128xf32, #tpu.memory_space<hbm>> -> memref<3x128xf32, #tpu.memory_space<hbm>>
      tpu.enqueue_dma source(%arg7 : memref<3x128xf32, #tpu.memory_space<vmem>>) target(%dma_start3A_343 : memref<3x128xf32, #tpu.memory_space<hbm>>) target_semaphore(%run_scoped3A : memref<!tpu.dma_semaphore, #tpu.memory_space<semaphore_mem>>)
      %dma_wait3A_344 = arith.constant 0 : i32
      %dma_wait3A_345 = arith.constant 0 : i32
      %dma_wait3A_346 = tpu.memref_slice %arg3[%add3A, %dma_wait3A_344, %dma_wait3A_345] : memref<32x3x128xf32, #tpu.memory_space<hbm>> -> memref<1x3x128xf32, #tpu.memory_space<hbm>>
      %dma_wait3A_347 = tpu.memref_squeeze %dma_wait3A_346 : memref<1x3x128xf32, #tpu.memory_space<hbm>> -> memref<3x128xf32, #tpu.memory_space<hbm>>
      %dma_wait3A_348 = arith.constant 0 : i32
      %dma_wait3A_349 = arith.constant 0 : i32
      %dma_wait3A_350 = tpu.memref_slice %arg3[%add3A, %dma_wait3A_348, %dma_wait3A_349] : memref<32x3x128xf32, #tpu.memory_space<hbm>> -> memref<1x3x128xf32, #tpu.memory_space<hbm>>
      %dma_wait3A_351 = tpu.memref_squeeze %dma_wait3A_350 : memref<1x3x128xf32, #tpu.memory_space<hbm>> -> memref<3x128xf32, #tpu.memory_space<hbm>>
      tpu.wait_dma2 semaphore(%run_scoped3A : memref<!tpu.dma_semaphore, #tpu.memory_space<semaphore_mem>>) src(%arg7 : memref<3x128xf32, #tpu.memory_space<vmem>>) dst(%dma_wait3A_351 : memref<3x128xf32, #tpu.memory_space<hbm>>)
      tpu.yield
    }) : () -> ()
    return
  }
}

</mosaic_0001>

<sc_bundles>
// kernel: kernel.3.cloned.1.call-start
scs
__scs_entry_jumppad:
0x0: {  	(pc) =	sbr.rel $0x88, $3  }
0x1: {  	(tag) =	ssettag $0x0;
	lr =	simm.s32 $0x1  }
0x2: {  	[smem:$0x3FA0] =	sst lr;
	_ =	strace $0xD0000000  }
0x3: {  	_ = 	snop  }
0x4: {  	_ = 	snop  }
0x5: {  	_ = 	snop  }
0x6: {  	_ = 	snop  }
0x7: {  	_ = 	snop  }
__scs_overlays_trampoline_lowered:
0x8: {  	[smem:$0x3FAF] =	sst s0  }
0x9: {  	[smem:$0x3FB0] =	sst s1  }
0xa: {  	[smem:$0x3FB1] =	sst s2  }
0xb: {  	[smem:$0x3FB2] =	sst s3  }
0xc: {  	[smem:$0x3FB3] =	sst s4  }
0xd: {  	[smem:$0x3FB4] =	sst s5  }
0xe: {  	[smem:$0x3FB5] =	sst s6  }
0xf: {  	[smem:$0x3FB6] =	sst s7  }
0x10: {  	[smem:$0x3FB7] =	sst s8  }
0x11: {  	[smem:$0x3FB8] =	sst s9;
	s0 =	simm.s32 @!p0 $0x0  }
0x12: {  	s1 =	sld [smem:$0x3F9E];
	s0 =	simm.s32 @p0 $0x1  }
0x13: {  	[smem:$0x3FB9] =	sst s0;
	s0 =	simm.s32 @!p1 $0x0  }
0x14: {  	s2 =	sld [smem:$0x3F9D];
	s0 =	simm.s32 @p1 $0x1  }
0x15: {  	[smem:$0x3FBA] =	sst s0;
	s0 =	simm.s32 @!p2 $0x0  }
0x16: {  	s3 =	sld [smem:$0x3FDB];
	s0 =	simm.s32 @p2 $0x1  }
0x17: {  	s4 =	simm.s32 $0x1BF5;
	[smem:$0x3FBC] =	sst s0  }
0x18: {  	s0 =	sld [smem:$0x3F9F];
	_ =	swait.ge [sflag:s4], $0x0  }
0x19: {  	s7 =	sld [smem:$0x3FA0]  }
0x1a: {  	s8 =	sadd.s32 $0xFFFFE003, lr  }
0x1b: {  	s9 =	sadd.s32 $0xFFFFFEF7, lr;
	s5 =	simm.s32 $0xFFFFFFFF;
	p2 =	slt.u32 s8, $0xFFFFF086  }
0x1c: {  	p1 =	slt.u32 s9, $0xF7A;
	s5 =	simm.s32 @!p2 $0x0  }
0x1d: {  	s5 =	simm.s32 @p1 $0x1;
	p0 =	seq.s32 s7, s2  }
0x1e: {  	s7 =	smul.u32 @!p0 $0xF7A, s2;
	p2 =	seq.s32 @!p0 s5, $0x0  }
0x1f: {  	s9 =	smul.u32 $0xF7A, s1;
	s8 =	simm.s32 @!p0 $0x1BF5;
	p2 =	por !p2, p0  }
0x20: {  	[sflag:s8] =	ssyncset.s32 @!p0 $0xFFFFF086;
	s6 =	sadd.s32 @!p0 s3, s7;
	s7 =	simm.s32 @!p0 $0x108  }
0x21: {  	s3 =	sadd.s32 s3, s9;
	s6 =	sadd.s32 @!p0 $0x88, s6;
	s7 =	simm.s32 @p2 $0x1082  }
0x22: {  	[simem:s7], [sflag:s8] =	dma.local @!p0 [hbm:s6], $0xF7A  }
0x23: {  	s9 =	sor.u32 $0xD0000000, s2;
	s6 =	simm.s32 $0x108;
	_ =	swait.ge @!p0 [sflag:s8], $0x0  }
0x24: {  	s3 =	sadd.s32 $0x88, s3;
	s6 =	simm.s32 @!p1 $0x1082;
	[sflag:s4] =	ssyncset.s32 $0xFFFFF086  }
0x25: {  	[simem:s6], [sflag:s4] =	dma.local [hbm:s3], $0xF7A  }
0x26: {  	[smem:$0x3FA0] =	sst s1;
	(tag) =	ssettag s2;
	_ =	strace s9  }
0x27: {  	s1 =	sld [smem:$0x3FB0]  }
0x28: {  	s2 =	sld [smem:$0x3FB1]  }
0x29: {  	s4 =	sld [smem:$0x3FB3]  }
0x2a: {  	p0 =	seq.s32 s5, $0x0;
	s5 =	sld [smem:$0x3FB4]  }
0x2b: {  	s6 =	sld [smem:$0x3FB5]  }
0x2c: {  	s7 =	sld [smem:$0x3FB6]  }
0x2d: {  	s3 =	simm.s32 $0x108;
	s8 =	sld [smem:$0x3FB7]  }
0x2e: {  	s3 =	simm.s32 @!p0 $0x1082;
	s9 =	sld [smem:$0x3FB8]  }
0x2f: {  	lr =	sadd.s32 s0, s3;
	s0 =	sld [smem:$0x3FAF]  }
0x30: {  	s3 =	sld [smem:$0x3FB2]  }
0x31: {  	[smem:$0x3FBB] =	sst s10  }
0x32: {  	s10 =	sld [smem:$0x3FB9];
	_ =	sdelay $0x3  }
0x33: {  	p0 =	seq.s32 s10, $0x1;
	s10 =	sld [smem:$0x3FBB];
	_ =	sdelay $0x3  }
0x34: {  	[smem:$0x3FBB] =	sst s10  }
0x35: {  	s10 =	sld [smem:$0x3FBA];
	_ =	sdelay $0x3  }
0x36: {  	p1 =	seq.s32 s10, $0x1;
	s10 =	sld [smem:$0x3FBB];
	_ =	sdelay $0x3  }
0x37: {  	[smem:$0x3FBB] =	sst s10  }
0x38: {  	s10 =	sld [smem:$0x3FBC]  }
0x39: {  	_ = 	snop;
	(pc) =	sbr.ind lr, $3  }
0x3a: {  	_ = 	snop  }
0x3b: {  	_ = 	snop  }
0x3c: {  	p2 =	seq.s32 s10, $0x1;
	s10 =	sld [smem:$0x3FBB]  }
0x3d: {  	_ =	shalt  }
0x3e: {  	_ =	shalt  }
0x3f: {  	_ =	shalt  }
0x40: {  	_ =	shalt  }
0x41: {  	_ =	shalt  }
0x42: {  	_ =	shalt  }
0x43: {  	_ =	shalt  }
0x44: {  	_ =	shalt  }
0x45: {  	_ =	shalt  }
0x46: {  	_ =	shalt  }
0x47: {  	_ =	shalt  }
0x48: {  	_ =	shalt  }
0x49: {  	_ =	shalt  }
0x4a: {  	_ =	shalt  }
0x4b: {  	_ =	shalt  }
0x4c: {  	_ =	shalt  }
0x4d: {  	_ =	shalt  }
0x4e: {  	_ =	shalt  }
0x4f: {  	_ =	shalt  }
0x50: {  	_ =	shalt  }
0x51: {  	_ =	shalt  }
0x52: {  	_ =	shalt  }
0x53: {  	_ =	shalt  }
0x54: {  	_ =	shalt  }
0x55: {  	_ =	shalt  }
0x56: {  	_ =	shalt  }
0x57: {  	_ =	shalt  }
0x58: {  	_ =	shalt  }
0x59: {  	_ =	shalt  }
0x5a: {  	_ =	shalt  }
0x5b: {  	_ =	shalt  }
0x5c: {  	_ =	shalt  }
0x5d: {  	_ =	shalt  }
0x5e: {  	_ =	shalt  }
0x5f: {  	_ =	shalt  }
0x60: {  	_ =	shalt  }
0x61: {  	_ =	shalt  }
0x62: {  	_ =	shalt  }
0x63: {  	_ =	shalt  }
0x64: {  	_ =	shalt  }
0x65: {  	_ =	shalt  }
0x66: {  	_ =	shalt  }
0x67: {  	_ =	shalt  }
0x68: {  	_ =	shalt  }
0x69: {  	_ =	shalt  }
0x6a: {  	_ =	shalt  }
0x6b: {  	_ =	shalt  }
0x6c: {  	_ =	shalt  }
0x6d: {  	_ =	shalt  }
0x6e: {  	_ =	shalt  }
0x6f: {  	_ =	shalt  }
0x70: {  	_ =	shalt  }
0x71: {  	_ =	shalt  }
0x72: {  	_ =	shalt  }
0x73: {  	_ =	shalt  }
0x74: {  	_ =	shalt  }
0x75: {  	_ =	shalt  }
0x76: {  	_ =	shalt  }
0x77: {  	_ =	shalt  }
0x78: {  	_ =	shalt  }
0x79: {  	_ =	shalt  }
0x7a: {  	_ =	shalt  }
0x7b: {  	_ =	shalt  }
0x7c: {  	_ =	shalt  }
0x7d: {  	_ =	shalt  }
0x7e: {  	_ =	shalt  }
0x7f: {  	_ =	shalt  }
0x80: {  	_ =	shalt  }
0x81: {  	_ =	shalt  }
0x82: {  	_ =	shalt  }
0x83: {  	_ =	shalt  }
0x84: {  	_ =	shalt  }
0x85: {  	_ =	shalt  }
0x86: {  	_ =	shalt  }
0x87: {  	_ =	shalt  }
.Lfunc_end0:
.L_simem_size_0:
called_computation_lowered:
.L_overlay_start_0:
0x88: {  	s2 =	sld [smem:$0x3FD9]  }
0x89: {  	s3 =	sld [smem:$0x3FFE];
	_ =	sdelay $0x1  }
0x8a: {  	s1 =	srdreg.scid  }
0x8b: {  	s0 =	sand.u32 $0x1, s1  }
0x8c: {  	s17 =	sshll.u32 s0, $0xA;
	s2 =	sadd.s32 s3, s2  }
0x8d: {  	s2 =	sadd.s32 s2, s17  }
0x8e: {  	[smem:$0x3FC7] =	sst s2  }
0x8f: {  	_ = 	snop  }
0x90: {  	s2 =	sld [smem:$0x3FC9];
	(tm) =	ssettm $0x1  }
0x91: {  	s18 =	sld [smem:$0x3FFB];
	_ =	sdelay $0x3  }
0x92: {  	_ =	strace s18  }
0x93: {  	s3 =	sld [smem:$0x3FFC];
	_ =	sdelay $0x3  }
0x94: {  	_ =	strace s3  }
0x95: {  	s3 =	sld [smem:$0x3FFD];
	_ =	sdelay $0x3  }
0x96: {  	_ =	strace s3  }
0x97: {  	_ =	strace $0x8FFFFFFF  }
0x98: {  	s19 =	sld [smem:$0x3FDB];
	_ =	sdelay $0x1  }
0x99: {  	s4 =	simm.s32 $_scs_section_size  }
0x9a: {  	s5 =	simm.s32 $_size__tile_overlayer_lowered;
	s6 =	simm.s32 $_tile_overlayer_lowered  }
0x9b: {  	s22 =	simm.s32 $0x1BFF;
	s21 =	sshll.u32 s6, $0x1;
	s3 =	sadd.s32 s4, s19  }
0x9c: {  	s7 =	simm.s32 $0x0;
	s20 =	sshll.u32 s5, $0x1;
	s5 =	sadd.s32 s21, s3  }
0x9d: {  	[timem:s7], [sflag:s22] =	dma.local [hbm:s5], s20  }
0x9e: {  	_ =	swait.ge [sflag:s22], s20  }
0x9f: {  	s4 =	ssub.s32 $0x0, s20;
	[sflag:s22] =	ssyncset.done $0x0  }
0xa0: {  	[sflag:s22] =	ssyncadd.s32 s4;
	_ =	sdelay $0x1  }
0xa1: {  	s23 =	simm.s32 $0x1B8B  }
0xa2: {  	_ =	swait.ge [sflag:s23], $0x1  }
0xa3: {  	[sflag:s23] =	ssyncset.done $0x0  }
0xa4: {  	s25 =	simm.s32 $0x1B8E;
	s24 =	sld [smem:$0x3FFE];
	[sflag:s23] =	ssyncadd.s32 $0xFFFFFFFF  }
0xa5: {  	s26 =	simm.s32 $execute0_lowered;
	[smem:$0x3FD2] =	sst s25  }
0xa6: {  	s5 =	sshll.u32 s26, $0x1;
	_ =	strace $0x80000046;
	[dreg:$0x1] =	wrdreg $0xFFFFFFFF  }
0xa7: {  	s28 =	simm.s32 $_size_execute0_lowered;
	s3 =	sadd.s32 s3, s5;
	[dreg:$0x0] =	wrdreg $0x0  }
0xa8: {  	s5 =	sshll.u32 s28, $0x1;
	[dreg:$0x2] =	wrdreg s3  }
0xa9: {  	[dreg:$0x3] =	wrdreg s5  }
0xaa: {  	[dreg:$0x4] =	wrdreg $0xC0  }
0xab: {  	_ =	task [dreg:s7], $0x5FFFF  }
0xac: {  	[dreg:$0x1] =	wrdreg $0xFFFFFFFF  }
0xad: {  	[dreg:$0x0] =	wrdreg $0x60  }
0xae: {  	[dreg:$0x2] =	wrdreg s2  }
0xaf: {  	[dreg:$0x3] =	wrdreg s24  }
0xb0: {  	[dreg:$0x4] =	wrdreg $0x9  }
0xb1: {  	_ =	task.clear_ibuf [dreg:s7], $0x5FFFF;
	_ =	strace $0x90000046  }
0xb2: {  	s29 =	simm.s32 $0x9;
	_ =	strace $0x80000048  }
0xb3: {  	_ =	swait.ge [sflag:s29], $0x1  }
0xb4: {  	[sflag:s29] =	ssyncadd.s32 $0xFFFFFFFF  }
0xb5: {  	_ =	strace $0x90000048  }
0xb6: {  	_ =	sfence  }
0xb7: {  	s30 =	sld [smem:$0x0];
	_ =	sdelay $0x2  }
0xb8: {  	s31 =	sshll.u32 s1, $0xD;
	s1 =	sshrl.u32 s1, $0x2  }
0xb9: {  	s3 =	sand.u32 $0x4000, s31;
	s1 =	sadd.s32 s1, s30  }
0xba: {  	s0 =	sor.u32 s3, s0;
	s1 =	sshll.u32 s1, $0x11  }
0xbb: {  	s0 =	sor.u32 s1, s0  }
0xbc: {  	s0 =	sadd.s32 $0x8F2B, s0  }
0xbd: {  	[sflag:s0] =	ssyncadd.remote.s32 $0x1  }
0xbe: {  	_ =	sfence.sel $0xFFFF  }
0xbf: {  	[dreg:$0x0] =	wrdreg $0xFFFFFFFF;
	(pc) =	sbr.abs _section_cstart, $3  }
0xc0: {  	[dreg:$0x1] =	wrdreg $0xFFFFFFFF  }
0xc1: {  	_ =	task.clear_ibuf [dreg:s7], $0x2FFFF;
	_ =	strace $0x9FFFFFFF  }
0xc2: {  	(tm) =	ssettm $0x7FFFFFFF  }
0xc3: {  	_ =	shalt  }
tec
execute0_lowered:
.L_overlay_start_1:
0x0: {  	(tag) =	ssettag $0x1  }
0x1: {  	s9 =	rddreg [dreg:$0x0];
	s0 =	srdreg.scid  }
0x2: {  	s6 =	stileid.u32;
	s1 =	rddreg [dreg:$0x1]  }
0x3: {  	s10 =	simm.s32 $0x0;
	s0 =	sand.u32 $0x1, s0;
	s2 =	sshll.u32 s6, $0x1  }
0x4: {  	[smem:$0x7FF] =	sst s10;
	s6 =	smul.u32 $0xC8, s6;
	s2 =	sor.u32 s0, s2  }
0x5: {  	s3 =	ssub.s32 $0x2, s0;
	_ =	strace $0x80000047;
	s0 =	smul.u32 $0x64, s0  }
0x6: {  	s4 =	smul.u32 $0x64, s2;
	s5 =	sshrl.u32 s3, $0x1;
	s2 =	sshll.u32 s2, $0x6  }
0x7: {  	s3 =	ssub.s32 s3, s5;
	s0 =	sadd.s32 s0, s6;
	s1 =	sadd.s32 s1, s2  }
0x8: {  	s11 =	sshrl.u32 s4, $0x5;
	s4 =	sadd.s32 $0x64, s4;
	s0 =	sshrl.u32 s0, $0x5  }
0x9: {  	[dreg:$0x9] =	wrdreg s1;
	s2 =	smax.u32 s3, $0x1;
	s5 =	sshrl.u32 s4, $0x5  }
0xa: {  	s26 =	sand.u32 $0x1, s11;
	s8 =	sxor.u32 $0xFFFFFFFF, s11;
	[dreg:$0xa] =	wrdreg s2  }
0xb: {  	s0 =	sand.u32 $0x1, s0;
	[dreg:$0x3] =	wrdreg s11;
	s7 =	smul.u32 $0x19000, s26  }
0xc: {  	s8 =	sand.u32 $0x1, s8;
	s4 =	sadd.s32 $0x1, s26;
	s30 =	smul.u32 $0x19000, s0  }
0xd: {  	[dreg:$0x4] =	wrdreg s4;
	s29 =	smul.u32 $0x19000, s8;
	s8 =	sadd.s32 $0x1, s8  }
0xe: {  	s7 =	sshrl.u32 s7, $0x2;
	[dreg:$0x8] =	wrdreg s8  }
0xf: {  	s3 =	sshrl.u32 s30, $0x2;
	[dreg:$0x5] =	wrdreg s7;
	s4 =	sshrl.u32 s29, $0x2  }
0x10: {  	s12 =	sor.u32 $0x200, s3;
	[dreg:$0x7] =	wrdreg s4  }
0x11: {  	s15 =	sor.u32 $0x210, s3;
	[dreg:$0xb] =	wrdreg s12  }
0x12: {  	s18 =	sor.u32 $0x220, s3;
	[dreg:$0xe] =	wrdreg s15  }
0x13: {  	s28 =	smul.u32 $0xC80, s11;
	s19 =	sor.u32 $0x230, s3;
	[dreg:$0x11] =	wrdreg s18  }
0x14: {  	s31 =	smul.u32 $0xC800, s0;
	s20 =	sor.u32 $0x240, s3;
	[dreg:$0x12] =	wrdreg s19  }
0x15: {  	s7 =	sadd.s32 s9, s28;
	[dreg:$0x13] =	wrdreg s20  }
0x16: {  	s4 =	sshrl.u32 s31, $0x2;
	[dreg:$0x6] =	wrdreg s7;
	s31 =	sadd.s32 $0xC80, s7  }
0x17: {  	s13 =	sadd.s32 $0x12D00, s4;
	[smem:$0x7FD] =	sst s31  }
0x18: {  	s14 =	sadd.s32 $0xC900, s4;
	[dreg:$0xc] =	wrdreg s13  }
0x19: {  	s16 =	sadd.s32 $0x12D10, s4;
	[dreg:$0xd] =	wrdreg s14  }
0x1a: {  	s17 =	sadd.s32 $0xC910, s4;
	[dreg:$0xf] =	wrdreg s16  }
0x1b: {  	s21 =	sadd.s32 $0xC920, s4;
	[dreg:$0x10] =	wrdreg s17  }
0x1c: {  	s25 =	sadd.s32 $0xC930, s4;
	[dreg:$0x15] =	wrdreg s21  }
0x1d: {  	s26 =	sadd.s32 $0xC940, s4;
	[dreg:$0x17] =	wrdreg s25  }
0x1e: {  	s28 =	sadd.s32 $0xC950, s4;
	[dreg:$0x19] =	wrdreg s26  }
0x1f: {  	s29 =	sadd.s32 $0xC960, s4;
	[dreg:$0x1b] =	wrdreg s28  }
0x20: {  	s30 =	sadd.s32 $0xC970, s4;
	[dreg:$0x1d] =	wrdreg s29  }
0x21: {  	p0 =	seq.s32 s0, $0x1;
	s8 =	sadd.s32 $0x12D30, s4;
	[dreg:$0x1f] =	wrdreg s30  }
0x22: {  	p1 =	slt.u32 s11, s5;
	s9 =	sadd.s32 $0x12D40, s4;
	[dreg:$0x16] =	wrdreg s8  }
.Ltmp0:
0x23: {  	s12 =	sadd.s32 $0x12D50, s4;
	[dreg:$0x18] =	wrdreg s9;
	(pc) =	sbr.rel .LBB2_1-.Ltmp0, $4  }
0x24: {  	p0 =	por !p0, !p0;
	s6 =	sadd.s32 $0x12D20, s4;
	[dreg:$0x1a] =	wrdreg s12  }
0x25: {  	s22 =	sor.u32 $0x250, s3;
	s13 =	sadd.s32 $0x12D60, s4;
	[dreg:$0x14] =	wrdreg s6  }
0x26: {  	s23 =	sor.u32 $0x260, s3;
	s14 =	sadd.s32 $0x12D70, s4;
	[dreg:$0x1c] =	wrdreg s13  }
0x27: {  	v0 =	vimm.f32 $-1.000000000e+00;
	s24 =	sor.u32 $0x270, s3;
	s7 =	simm.s32 $0x0;
	[dreg:$0x1e] =	wrdreg s14  }
.LBB2_53:
0x28: {  	[tilespmem:$0x19000] =	vst v5  }
0x29: {  	[tilespmem:$0x19080] =	vst v6  }
0x2a: {  	[tilespmem:$0x19100] =	vst v7  }
0x2b: {  	[tilespmem:$0x19010] =	vst v19  }
0x2c: {  	[tilespmem:$0x19090] =	vst v20  }
0x2d: {  	[tilespmem:$0x19110] =	vst v21  }
0x2e: {  	[tilespmem:$0x19020] =	vst v33  }
0x2f: {  	[tilespmem:$0x190A0] =	vst v34  }
0x30: {  	[tilespmem:$0x19120] =	vst v35  }
0x31: {  	[tilespmem:$0x19030] =	vst v32  }
0x32: {  	[tilespmem:$0x190B0] =	vst v46  }
0x33: {  	[tilespmem:$0x19130] =	vst v45  }
0x34: {  	[tilespmem:$0x19040] =	vst v24  }
0x35: {  	[tilespmem:$0x190C0] =	vst v40  }
0x36: {  	[tilespmem:$0x19140] =	vst v44  }
0x37: {  	[tilespmem:$0x19050] =	vst v18  }
0x38: {  	[tilespmem:$0x190D0] =	vst v27  }
0x39: {  	[tilespmem:$0x19150] =	vst v31  }
0x3a: {  	[tilespmem:$0x19060] =	vst v13  }
0x3b: {  	[tilespmem:$0x190E0] =	vst v11  }
0x3c: {  	[tilespmem:$0x19160] =	vst v17  }
0x3d: {  	[tilespmem:$0x19070] =	vst v4  }
0x3e: {  	[tilespmem:$0x190F0] =	vst v2;
	s10 =	simm.s32 $0x0  }
0x3f: {  	[tilespmem:$0x19170] =	vst v1;
	s0 =	rddreg [dreg:$0x9];
	s1 =	simm.s32 $0x19000;
	s30 =	simm.s32 $0x3  }
0x40: {  	[hbm4b:s0+s10] =	stream.linear.scatter [tilespmem:s1], [sflag:$0x3], $0x180, $0x38;
	[tilespmem:$0x19200] =	vst v63  }
0x41: {  	_ =	swait.ge [sflag:s30], $0x180  }
0x42: {  	s7 =	sld [smem:$0x7FC];
	_ =	sdelay $0x2  }
0x43: {  	s31 =	rddreg [dreg:$0xa];
	s7 =	sadd.s32 $0x1, s7  }
0x44: {  	s6 =	rddreg [dreg:$0x14];
	p2 =	sne.s32 s7, s31  }
.Ltmp1:
0x45: {  	s8 =	rddreg [dreg:$0x16];
	(pc) =	sbr.rel @!p2 .LBB2_54-.Ltmp1, $4  }
0x46: {  	s9 =	rddreg [dreg:$0x18]  }
0x47: {  	s12 =	rddreg [dreg:$0x1a]  }
0x48: {  	[sflag:s30] =	ssyncset.done $0x0;
	s13 =	rddreg [dreg:$0x1c]  }
0x49: {  	s14 =	rddreg [dreg:$0x1e];
	[sflag:s30] =	ssyncadd.s32 $0xFFFFFE80  }
.LBB2_1:
0x4a: {  	s0 =	rddreg [dreg:$0x4]  }
0x4b: {  	s1 =	rddreg [dreg:$0x5]  }
0x4c: {  	s2 =	rddreg [dreg:$0x6]  }
0x4d: {  	s29 =	rddreg [dreg:$0x7]  }
0x4e: {  	s3 =	sld [smem:$0x7FD]  }
0x4f: {  	[tilespmem:s1], [sflag:s0] =	stream.linear.gather [hbm4b:s2+s10], $0x6400, $0x38;
	[tilespmem:$0x19200] =	vst v63  }
0x50: {  	s30 =	rddreg [dreg:$0x8]  }
0x51: {  	[tilespmem:s29], [sflag:s30] =	stream.linear.gather [hbm4b:s3+s10], $0x6400, $0x38;
	[tilespmem:$0x19200] =	vst v63  }
0x52: {  	_ =	swait.ge [sflag:s0], $0x6400  }
0x53: {  	[sflag:s0] =	ssyncset.done $0x0  }
0x54: {  	s31 =	rddreg [dreg:$0xb];
	[sflag:s0] =	ssyncadd.s32 $0xFFFF9C00  }
0x55: {  	v2 =	vld [tilespmem:s31+$0xFFFFFE00]  }
0x56: {  	v3 =	vld [tilespmem:s31+$0xFFFFFE80]  }
0x57: {  	v4 =	vld [tilespmem:s31+$0xFFFFFF00]  }
0x58: {  	v5 =	vld [tilespmem:s31+$0xFFFFFF80]  }
0x59: {  	v6 =	vld [tilespmem:s31+$0x0]  }
0x5a: {  	v7 =	vld [tilespmem:s31+$0x80];
	_ =	sdelay $0x1  }
0x5b: {  	v9 =	vld [tilespmem:s31+$0x100]  }
0x5c: {  	v8 =	vadd.f32 v3, v2;
	v2 =	vsub.f32 v2, v3;
	v3 =	vld [tilespmem:s31+$0x180]  }
0x5d: {  	v1 =	vimm.f32 $0.0e+00;
	s0 =	sadd.s32 $0x400, s31;
	v11 =	vadd.f32 v5, v4;
	v4 =	vsub.f32 v4, v5  }
0x5e: {  	v12 =	vld [tilespmem:s0+$0xFFFFFE00];
	v13 =	vadd.f32 v7, v6;
	v6 =	vsub.f32 v6, v7;
	vm0 =	vlt.f32 v2, $0.0e+00  }
0x5f: {  	v14 =	vld [tilespmem:s0+$0xFFFFFE80];
	v10 =	vadd.f32 v8, v1;
	vm12 =	vlt.f32 v4, $0.0e+00;
	v5 =	vsel vm0, $0x3F800000, v0  }
0x60: {  	s4 =	rddreg [dreg:$0xd];
	vm13 =	vlt.f32 v6, $0.0e+00;
	v7 =	vsel vm12, $0x3F800000, v0;
	v8 =	vmul.f32 v5, v8  }
0x61: {  	v15 =	vld [tilespmem:s0+$0xFFFFFF00];
	v10 =	vadd.f32 v11, v10;
	[tilespmem:s4+$0xFFFFFF00] =	vst v5;
	v5 =	vmul.f32 v7, v11;
	v16 =	vadd.f32 v3, v9  }
0x62: {  	v17 =	vld [tilespmem:s0+$0xFFFFFF80];
	[tilespmem:s4+$0xFFFFFF80] =	vst v7;
	v11 =	vsub.f32 v9, v3;
	v3 =	vadd.f32 v8, v2;
	v2 =	vsel vm13, $0x3F800000, v0  }
0x63: {  	v7 =	vld [tilespmem:s0+$0x80];
	v10 =	vadd.f32 v13, v10;
	v5 =	vadd.f32 v5, v4;
	[tilespmem:s4+$0x0] =	vst v2  }
0x64: {  	v4 =	vld [tilespmem:s0+$0x0];
	v9 =	vmul.f32 v2, v13;
	vm14 =	vlt.f32 v11, $0.0e+00;
	v2 =	vsub.f32 v12, v14;
	s1 =	rddreg [dreg:$0xc]  }
0x65: {  	v8 =	vadd.f32 v16, v10;
	v10 =	vadd.f32 v14, v12;
	v12 =	vsel vm14, $0x3F800000, v0;
	[tilespmem:s1+$0xFFFFFF80] =	vst v5;
	v5 =	vld [tilespmem:s0+$0x100]  }
0x66: {  	[tilespmem:s1+$0xFFFFFF00] =	vst v3;
	v13 =	vadd.f32 v9, v6;
	v14 =	vmul.f32 v12, v16;
	v9 =	vld [tilespmem:s0+$0x180]  }
0x67: {  	vm15 =	vlt.f32 v2, $0.0e+00;
	v3 =	vadd.f32 v17, v15;
	[tilespmem:s4+$0x80] =	vst v12;
	v6 =	vadd.f32 v10, v8  }
0x68: {  	s2 =	simm.s32 $0x4;
	s3 =	sadd.s32 $0x400, s0;
	s0 =	sadd.s32 $0x200, s4;
	v12 =	vsel vm15, $0x3F800000, v0;
	v8 =	vsub.f32 v15, v17;
	[tilespmem:s1+$0x0] =	vst v13;
	v11 =	vadd.f32 v14, v11  }
.LBB2_2:
0x69: {  	v13 =	vld [tilespmem:s3+$0xFFFFFE00];
	v10 =	vmul.f32 v12, v10;
	[tilespmem:s0+$0xFFFFFF00] =	vst v12;
	v6 =	vadd.f32 v3, v6;
	v12 =	vadd.f32 v7, v4  }
0x6a: {  	s2 =	sadd.s32 $0x4, s2;
	v15 =	vsub.f32 v4, v7;
	v14 =	vld [tilespmem:s3+$0xFFFFFE80];
	vm0 =	vlt.f32 v8, $0.0e+00;
	[tilespmem:s1+$0x80] =	vst v11  }
0x6b: {  	p2 =	slt.u32 s2, $0x60;
	v11 =	vld [tilespmem:s3+$0xFFFFFF00];
	v4 =	vsel vm0, $0x3F800000, v0;
	v6 =	vadd.f32 v12, v6;
	v16 =	vadd.f32 v9, v5  }
0x6c: {  	vm0 =	vlt.f32 v15, $0.0e+00;
	v18 =	vsub.f32 v5, v9;
	v17 =	vld [tilespmem:s3+$0xFFFFFF80];
	v3 =	vmul.f32 v4, v3;
	[tilespmem:s0+$0xFFFFFF80] =	vst v4  }
0x6d: {  	v9 =	vadd.f32 v10, v2;
	v2 =	vsel vm0, $0x3F800000, v0;
	v4 =	vld [tilespmem:s3+$0x0];
	v6 =	vadd.f32 v16, v6  }
.Ltmp2:
0x6e: {  	s1 =	sadd.s32 $0x200, s1;
	vm0 =	vlt.f32 v18, $0.0e+00;
	v7 =	vld [tilespmem:s3+$0x80];
	v3 =	vadd.f32 v3, v8;
	v8 =	vmul.f32 v2, v12;
	[tilespmem:s0+$0x0] =	vst v2;
	(pc) =	sbr.rel @p2 .LBB2_2-.Ltmp2, $4  }
0x6f: {  	v12 =	vsel vm0, $0x3F800000, v0;
	v10 =	vadd.f32 v14, v13;
	v2 =	vsub.f32 v13, v14;
	v5 =	vld [tilespmem:s3+$0x100];
	[tilespmem:s1+$0xFFFFFF00] =	vst v9  }
0x70: {  	v14 =	vmul.f32 v12, v16;
	v9 =	vld [tilespmem:s3+$0x180];
	[tilespmem:s1+$0xFFFFFF80] =	vst v3;
	v13 =	vadd.f32 v8, v15  }
0x71: {  	vm0 =	vlt.f32 v2, $0.0e+00;
	v6 =	vadd.f32 v10, v6;
	v3 =	vadd.f32 v17, v11;
	[tilespmem:s0+$0x80] =	vst v12  }
0x72: {  	s3 =	sadd.s32 $0x400, s3;
	v8 =	vsub.f32 v11, v17;
	v11 =	vadd.f32 v14, v18;
	s0 =	sadd.s32 $0x200, s0;
	v12 =	vsel vm0, $0x3F800000, v0;
	[tilespmem:s1+$0x0] =	vst v13  }
0x73: {  	_ = 	snop  }
0x74: {  	v10 =	vmul.f32 v12, v10;
	v13 =	vsub.f32 v4, v7;
	vm0 =	vlt.f32 v8, $0.0e+00  }
0x75: {  	[tilespmem:s0+$0xFFFFFF00] =	vst v12;
	v4 =	vadd.f32 v7, v4;
	v7 =	vsel vm0, $0x3F800000, v0;
	v12 =	vsub.f32 v5, v9  }
0x76: {  	[tilespmem:s1+$0x80] =	vst v11;
	v5 =	vadd.f32 v9, v5;
	vm9 =	vlt.f32 v13, $0.0e+00;
	v9 =	vmul.f32 v7, v3  }
0x77: {  	v2 =	vadd.f32 v10, v2;
	[tilespmem:s0+$0xFFFFFF80] =	vst v7;
	v7 =	vsel vm9, $0x3F800000, v0;
	vm10 =	vlt.f32 v12, $0.0e+00  }
0x78: {  	s31 =	sadd.s32 $0x200, s1;
	[tilespmem:s0+$0x0] =	vst v7;
	v8 =	vadd.f32 v9, v8;
	v9 =	vmul.f32 v7, v4;
	v7 =	vsel vm10, $0x3F800000, v0  }
0x79: {  	[tilespmem:s31+$0xFFFFFF00] =	vst v2;
	v2 =	vmul.f32 v7, v5  }
0x7a: {  	[tilespmem:s31+$0xFFFFFF80] =	vst v8;
	v8 =	vadd.f32 v9, v13  }
0x7b: {  	[tilespmem:s0+$0x80] =	vst v7;
	v2 =	vadd.f32 v2, v12  }
0x7c: {  	[tilespmem:s31+$0x0] =	vst v8  }
0x7d: {  	[tilespmem:s31+$0x80] =	vst v2  }
0x7e: {  	s0 =	rddreg [dreg:$0xe]  }
0x7f: {  	v2 =	vld [tilespmem:s0+$0xFFFFFE00]  }
0x80: {  	v7 =	vld [tilespmem:s0+$0xFFFFFE80]  }
0x81: {  	v8 =	vld [tilespmem:s0+$0xFFFFFF00]  }
0x82: {  	v9 =	vld [tilespmem:s0+$0xFFFFFF80]  }
0x83: {  	v10 =	vld [tilespmem:s0+$0x0]  }
0x84: {  	v11 =	vld [tilespmem:s0+$0x80]  }
0x85: {  	v13 =	vld [tilespmem:s0+$0x100]  }
0x86: {  	v3 =	vadd.f32 v3, v6;
	v6 =	vld [tilespmem:s0+$0x180];
	_ =	sdelay $0x1  }
0x87: {  	v3 =	vadd.f32 v4, v3;
	v12 =	vadd.f32 v7, v2  }
0x88: {  	v2 =	vsub.f32 v2, v7;
	v7 =	vadd.f32 v9, v8  }
0x89: {  	s0 =	sadd.s32 $0x400, s0;
	v4 =	vsub.f32 v8, v9;
	v14 =	vadd.f32 v11, v10  }
0x8a: {  	v15 =	vld [tilespmem:s0+$0xFFFFFE80];
	v11 =	vsub.f32 v10, v11;
	v17 =	vadd.f32 v6, v13;
	vm11 =	vlt.f32 v2, $0.0e+00  }
0x8b: {  	v9 =	vld [tilespmem:s0+$0xFFFFFE00];
	v1 =	vadd.f32 v12, v1;
	vm12 =	vlt.f32 v4, $0.0e+00;
	v8 =	vsel vm11, $0x3F800000, v0  }
0x8c: {  	s4 =	rddreg [dreg:$0x10];
	v13 =	vsub.f32 v13, v6;
	v10 =	vsel vm12, $0x3F800000, v0;
	v12 =	vmul.f32 v8, v12  }
0x8d: {  	v16 =	vld [tilespmem:s0+$0xFFFFFF00];
	vm13 =	vlt.f32 v11, $0.0e+00;
	v1 =	vadd.f32 v7, v1;
	[tilespmem:s4+$0xFFFFFF00] =	vst v8;
	v6 =	vmul.f32 v10, v7  }
0x8e: {  	v18 =	vld [tilespmem:s0+$0xFFFFFF80];
	[tilespmem:s4+$0xFFFFFF80] =	vst v10;
	v7 =	vadd.f32 v12, v2;
	v2 =	vsel vm13, $0x3F800000, v0  }
0x8f: {  	v1 =	vadd.f32 v14, v1;
	v4 =	vadd.f32 v6, v4;
	v6 =	vld [tilespmem:s0+$0x80];
	[tilespmem:s4+$0x0] =	vst v2  }
0x90: {  	vm14 =	vlt.f32 v13, $0.0e+00;
	v10 =	vadd.f32 v15, v9;
	v12 =	vmul.f32 v2, v14;
	v2 =	vld [tilespmem:s0+$0x0];
	s1 =	rddreg [dreg:$0xf]  }
0x91: {  	v8 =	vadd.f32 v17, v1;
	v1 =	vsub.f32 v9, v15;
	v9 =	vld [tilespmem:s0+$0x180];
	[tilespmem:s1+$0xFFFFFF00] =	vst v7;
	v7 =	vsel vm14, $0x3F800000, v0  }
0x92: {  	v5 =	vadd.f32 v5, v3;
	[tilespmem:s1+$0xFFFFFF80] =	vst v4;
	v11 =	vadd.f32 v12, v11;
	v4 =	vld [tilespmem:s0+$0x100];
	v14 =	vmul.f32 v7, v17  }
0x93: {  	v3 =	vadd.f32 v18, v16;
	vm15 =	vlt.f32 v1, $0.0e+00;
	v8 =	vadd.f32 v10, v8;
	[tilespmem:s4+$0x80] =	vst v7  }
0x94: {  	s2 =	simm.s32 $0x4;
	s3 =	sadd.s32 $0x400, s0;
	s0 =	sadd.s32 $0x200, s4;
	v7 =	vsub.f32 v16, v18;
	v12 =	vsel vm15, $0x3F800000, v0;
	[tilespmem:s1+$0x0] =	vst v11;
	v11 =	vadd.f32 v14, v13  }
.LBB2_4:
0x95: {  	v13 =	vld [tilespmem:s3+$0xFFFFFE00];
	v10 =	vmul.f32 v12, v10;
	[tilespmem:s0+$0xFFFFFF00] =	vst v12;
	v8 =	vadd.f32 v3, v8;
	v12 =	vadd.f32 v6, v2  }
0x96: {  	s2 =	sadd.s32 $0x4, s2;
	v15 =	vsub.f32 v2, v6;
	v14 =	vld [tilespmem:s3+$0xFFFFFE80];
	vm0 =	vlt.f32 v7, $0.0e+00;
	[tilespmem:s1+$0x80] =	vst v11  }
0x97: {  	p2 =	slt.u32 s2, $0x60;
	v11 =	vld [tilespmem:s3+$0xFFFFFF00];
	v2 =	vsel vm0, $0x3F800000, v0;
	v6 =	vadd.f32 v12, v8;
	v8 =	vadd.f32 v9, v4  }
0x98: {  	vm0 =	vlt.f32 v15, $0.0e+00;
	v17 =	vsub.f32 v4, v9;
	v16 =	vld [tilespmem:s3+$0xFFFFFF80];
	v3 =	vmul.f32 v2, v3;
	[tilespmem:s0+$0xFFFFFF80] =	vst v2  }
0x99: {  	v9 =	vadd.f32 v10, v1;
	v1 =	vsel vm0, $0x3F800000, v0;
	v2 =	vld [tilespmem:s3+$0x0];
	v18 =	vadd.f32 v8, v6  }
.Ltmp3:
0x9a: {  	s1 =	sadd.s32 $0x200, s1;
	vm0 =	vlt.f32 v17, $0.0e+00;
	v6 =	vld [tilespmem:s3+$0x80];
	v3 =	vadd.f32 v3, v7;
	v7 =	vmul.f32 v1, v12;
	[tilespmem:s0+$0x0] =	vst v1;
	(pc) =	sbr.rel @p2 .LBB2_4-.Ltmp3, $4  }
0x9b: {  	v12 =	vsel vm0, $0x3F800000, v0;
	v10 =	vadd.f32 v14, v13;
	v1 =	vsub.f32 v13, v14;
	v4 =	vld [tilespmem:s3+$0x100];
	[tilespmem:s1+$0xFFFFFF00] =	vst v9  }
0x9c: {  	v14 =	vmul.f32 v12, v8;
	v9 =	vld [tilespmem:s3+$0x180];
	[tilespmem:s1+$0xFFFFFF80] =	vst v3;
	v13 =	vadd.f32 v7, v15  }
0x9d: {  	vm0 =	vlt.f32 v1, $0.0e+00;
	v8 =	vadd.f32 v10, v18;
	v3 =	vadd.f32 v16, v11;
	[tilespmem:s0+$0x80] =	vst v12  }
0x9e: {  	s3 =	sadd.s32 $0x400, s3;
	v7 =	vsub.f32 v11, v16;
	v11 =	vadd.f32 v14, v17;
	s0 =	sadd.s32 $0x200, s0;
	v12 =	vsel vm0, $0x3F800000, v0;
	[tilespmem:s1+$0x0] =	vst v13  }
0x9f: {  	_ = 	snop  }
0xa0: {  	v10 =	vmul.f32 v12, v10;
	v13 =	vsub.f32 v2, v6;
	vm0 =	vlt.f32 v7, $0.0e+00  }
0xa1: {  	[tilespmem:s0+$0xFFFFFF00] =	vst v12;
	v2 =	vadd.f32 v6, v2;
	v6 =	vsel vm0, $0x3F800000, v0;
	v12 =	vsub.f32 v4, v9  }
0xa2: {  	[tilespmem:s1+$0x80] =	vst v11;
	v4 =	vadd.f32 v9, v4;
	vm13 =	vlt.f32 v13, $0.0e+00;
	v9 =	vmul.f32 v6, v3  }
0xa3: {  	v1 =	vadd.f32 v10, v1;
	[tilespmem:s0+$0xFFFFFF80] =	vst v6;
	v6 =	vsel vm13, $0x3F800000, v0;
	vm14 =	vlt.f32 v12, $0.0e+00  }
0xa4: {  	s31 =	sadd.s32 $0x200, s1;
	[tilespmem:s0+$0x0] =	vst v6;
	v7 =	vadd.f32 v9, v7;
	v9 =	vmul.f32 v6, v2;
	v6 =	vsel vm14, $0x3F800000, v0  }
0xa5: {  	[tilespmem:s31+$0xFFFFFF00] =	vst v1;
	v1 =	vmul.f32 v6, v4  }
0xa6: {  	[tilespmem:s31+$0xFFFFFF80] =	vst v7;
	v7 =	vadd.f32 v9, v13  }
0xa7: {  	[tilespmem:s0+$0x80] =	vst v6;
	v1 =	vadd.f32 v1, v12  }
0xa8: {  	[tilespmem:s31+$0x0] =	vst v7  }
0xa9: {  	[tilespmem:s31+$0x80] =	vst v1  }
0xaa: {  	s0 =	rddreg [dreg:$0x11]  }
0xab: {  	v1 =	vld [tilespmem:s0+$0xFFFFFE00]  }
0xac: {  	v6 =	vld [tilespmem:s0+$0xFFFFFE80]  }
0xad: {  	v7 =	vld [tilespmem:s0+$0xFFFFFF00]  }
0xae: {  	v3 =	vadd.f32 v3, v8;
	v13 =	vld [tilespmem:s0+$0xFFFFFF80]  }
0xaf: {  	p3 =	por $0x1, $0x1  }
.Ltmp4:
0xb0: {  	v9 =	vadd.f32 v2, v3;
	(pc) =	sbr.rel @!p3 .LBB2_6-.Ltmp4, $4  }
0xb1: {  	v3 =	vld [tilespmem:s0+$0x0];
	v2 =	vsub.f32 v1, v6  }
0xb2: {  	v19 =	vadd.f32 v4, v9;
	v8 =	vld [tilespmem:s0+$0x80];
	v10 =	vadd.f32 v6, v1  }
0xb3: {  	v9 =	vld [tilespmem:s0+$0x180];
	v1 =	vimm.f32 $0.0e+00;
	v4 =	vadd.f32 v13, v7;
	vm15 =	vlt.f32 v2, $0.0e+00  }
0xb4: {  	p2 =	por $0x0, $0x0;
	v6 =	vld [tilespmem:s0+$0x100];
	v7 =	vsub.f32 v7, v13;
	s0 =	sadd.s32 $0x400, s0;
	v11 =	vadd.f32 v10, v1;
	v12 =	vsel vm15, $0x3F800000, v0  }
0xb5: {  	v13 =	vld [tilespmem:s0+$0xFFFFFE00]  }
0xb6: {  	v15 =	vld [tilespmem:s0+$0xFFFFFE80]  }
0xb7: {  	v11 =	vadd.f32 v4, v11;
	vm0 =	vlt.f32 v7, $0.0e+00;
	v14 =	vadd.f32 v8, v3  }
0xb8: {  	v10 =	vmul.f32 v12, v10;
	v16 =	vsub.f32 v3, v8;
	v3 =	vsel vm0, $0x3F800000, v0  }
0xb9: {  	v17 =	vld [tilespmem:s0+$0xFFFFFF00];
	s1 =	rddreg [dreg:$0x15];
	v4 =	vmul.f32 v3, v4;
	v8 =	vadd.f32 v14, v11;
	v11 =	vadd.f32 v9, v6  }
0xba: {  	v18 =	vld [tilespmem:s0+$0xFFFFFF80];
	[tilespmem:s1+$0xFFFFFF00] =	vst v12;
	v20 =	vsub.f32 v6, v9;
	vm13 =	vlt.f32 v16, $0.0e+00;
	v6 =	vadd.f32 v10, v2  }
0xbb: {  	p5 =	por $0x1, $0x1;
	[tilespmem:s1+$0xFFFFFF80] =	vst v3;
	v3 =	vld [tilespmem:s0+$0x0];
	v2 =	vsel vm13, $0x3F800000, v0;
	v4 =	vadd.f32 v4, v7;
	v10 =	vadd.f32 v15, v13  }
.Ltmp5:
0xbc: {  	v9 =	vadd.f32 v11, v8;
	v7 =	vmul.f32 v2, v14;
	[tilespmem:s1+$0x0] =	vst v2;
	vm14 =	vlt.f32 v20, $0.0e+00;
	v8 =	vld [tilespmem:s0+$0x80];
	(pc) =	sbr.rel @!p5 .LBB2_8-.Ltmp5, $4  }
0xbd: {  	v2 =	vsub.f32 v13, v15;
	[tilespmem:s6+$0xFFFFFF00] =	vst v6;
	v6 =	vld [tilespmem:s0+$0x100];
	v12 =	vsel vm14, $0x3F800000, v0  }
0xbe: {  	[tilespmem:s6+$0xFFFFFF80] =	vst v4;
	v13 =	vadd.f32 v7, v16;
	v14 =	vmul.f32 v12, v11;
	v11 =	vadd.f32 v10, v9;
	v9 =	vld [tilespmem:s0+$0x180]  }
0xbf: {  	s2 =	simm.s32 $0x4;
	s3 =	sadd.s32 $0x400, s0;
	v4 =	vadd.f32 v18, v17;
	vm15 =	vlt.f32 v2, $0.0e+00;
	[tilespmem:s1+$0x80] =	vst v12  }
0xc0: {  	p4 =	por $0x1, $0x1;
	v7 =	vsub.f32 v17, v18;
	s0 =	sadd.s32 $0x200, s1;
	s1 =	smov.u32 s6;
	v12 =	vsel vm15, $0x3F800000, v0;
	[tilespmem:s6+$0x0] =	vst v13;
	v13 =	vadd.f32 v14, v20  }
.LBB2_9:
0xc1: {  	v14 =	vld [tilespmem:s3+$0xFFFFFE00];
	v10 =	vmul.f32 v12, v10;
	[tilespmem:s0+$0xFFFFFF00] =	vst v12;
	v11 =	vadd.f32 v4, v11;
	v12 =	vadd.f32 v8, v3  }
0xc2: {  	s2 =	sadd.s32 $0x4, s2;
	v16 =	vsub.f32 v3, v8;
	v15 =	vld [tilespmem:s3+$0xFFFFFE80];
	vm0 =	vlt.f32 v7, $0.0e+00;
	[tilespmem:s1+$0x80] =	vst v13  }
0xc3: {  	p5 =	slt.u32 s2, $0x60;
	v13 =	vld [tilespmem:s3+$0xFFFFFF00];
	v3 =	vsel vm0, $0x3F800000, v0;
	v8 =	vadd.f32 v12, v11;
	v11 =	vadd.f32 v9, v6  }
0xc4: {  	vm0 =	vlt.f32 v16, $0.0e+00;
	v18 =	vsub.f32 v6, v9;
	v17 =	vld [tilespmem:s3+$0xFFFFFF80];
	v4 =	vmul.f32 v3, v4;
	[tilespmem:s0+$0xFFFFFF80] =	vst v3  }
0xc5: {  	v9 =	vadd.f32 v10, v2;
	v2 =	vsel vm0, $0x3F800000, v0;
	v3 =	vld [tilespmem:s3+$0x0];
	v20 =	vadd.f32 v11, v8  }
.Ltmp6:
0xc6: {  	s1 =	sadd.s32 $0x200, s1;
	vm0 =	vlt.f32 v18, $0.0e+00;
	v8 =	vld [tilespmem:s3+$0x80];
	v4 =	vadd.f32 v4, v7;
	v7 =	vmul.f32 v2, v12;
	[tilespmem:s0+$0x0] =	vst v2;
	(pc) =	sbr.rel @p5 .LBB2_9-.Ltmp6, $4  }
0xc7: {  	v12 =	vsel vm0, $0x3F800000, v0;
	v10 =	vadd.f32 v15, v14;
	v2 =	vsub.f32 v14, v15;
	v6 =	vld [tilespmem:s3+$0x100];
	[tilespmem:s1+$0xFFFFFF00] =	vst v9  }
0xc8: {  	v15 =	vmul.f32 v12, v11;
	v9 =	vld [tilespmem:s3+$0x180];
	[tilespmem:s1+$0xFFFFFF80] =	vst v4;
	v14 =	vadd.f32 v7, v16  }
0xc9: {  	vm0 =	vlt.f32 v2, $0.0e+00;
	v11 =	vadd.f32 v10, v20;
	v4 =	vadd.f32 v17, v13;
	[tilespmem:s0+$0x80] =	vst v12  }
0xca: {  	s3 =	sadd.s32 $0x400, s3;
	v7 =	vsub.f32 v13, v17;
	v13 =	vadd.f32 v15, v18;
	s0 =	sadd.s32 $0x200, s0;
	v12 =	vsel vm0, $0x3F800000, v0;
	[tilespmem:s1+$0x0] =	vst v14  }
.LBB2_10:
0xcb: {  	_ = 	snop  }
0xcc: {  	v10 =	vmul.f32 v12, v10;
	v14 =	vsub.f32 v3, v8;
	vm0 =	vlt.f32 v7, $0.0e+00  }
0xcd: {  	[tilespmem:s0+$0xFFFFFF00] =	vst v12;
	v3 =	vadd.f32 v8, v3;
	v8 =	vsel vm0, $0x3F800000, v0;
	v62 =	vsub.f32 v6, v9  }
0xce: {  	[tilespmem:s1+$0x80] =	vst @p4 v13;
	v6 =	vadd.f32 v9, v6;
	vm13 =	vlt.f32 v14, $0.0e+00;
	v9 =	vmul.f32 v8, v4  }
0xcf: {  	s2 =	smov.u32 s6;
	s1 =	sadd.s32 @p4 $0x200, s1;
	v2 =	vadd.f32 v10, v2;
	[tilespmem:s0+$0xFFFFFF80] =	vst v8;
	v8 =	vsel vm13, $0x3F800000, v0;
	vm14 =	vlt.f32 v62, $0.0e+00  }
0xd0: {  	s2 =	smov.u32 @p4 s1;
	[tilespmem:s0+$0x0] =	vst v8;
	v7 =	vadd.f32 v9, v7;
	v9 =	vmul.f32 v8, v3;
	v8 =	vsel vm14, $0x3F800000, v0  }
0xd1: {  	[tilespmem:s2+$0xFFFFFF00] =	vst v2;
	v2 =	vmul.f32 v8, v6  }
0xd2: {  	[tilespmem:s2+$0xFFFFFF80] =	vst v7;
	v7 =	vadd.f32 v9, v14  }
0xd3: {  	[tilespmem:s0+$0x80] =	vst v8;
	v2 =	vadd.f32 v2, v62  }
0xd4: {  	[tilespmem:s2+$0x0] =	vst v7  }
0xd5: {  	[tilespmem:s2+$0x80] =	vst v2  }
0xd6: {  	s0 =	rddreg [dreg:$0x12]  }
0xd7: {  	v2 =	vld [tilespmem:s0+$0xFFFFFE00]  }
0xd8: {  	v7 =	vld [tilespmem:s0+$0xFFFFFE80]  }
0xd9: {  	v63 =	vld [tilespmem:s0+$0xFFFFFF00]  }
0xda: {  	v4 =	vadd.f32 v4, v11;
	v13 =	vld [tilespmem:s0+$0xFFFFFF80];
	_ =	sdelay $0x1  }
.Ltmp7:
0xdb: {  	v4 =	vadd.f32 v3, v4;
	(pc) =	sbr.rel @!p3 .LBB2_11-.Ltmp7, $4  }
0xdc: {  	v3 =	vld [tilespmem:s0+$0x0];
	v10 =	vadd.f32 v7, v2;
	v2 =	vsub.f32 v2, v7  }
0xdd: {  	v33 =	vadd.f32 v6, v4;
	v4 =	vld [tilespmem:s0+$0x100]  }
0xde: {  	v8 =	vld [tilespmem:s0+$0x180];
	v6 =	vsub.f32 v63, v13;
	vm15 =	vlt.f32 v2, $0.0e+00  }
0xdf: {  	v7 =	vld [tilespmem:s0+$0x80];
	s0 =	sadd.s32 $0x400, s0;
	v9 =	vadd.f32 v10, v1;
	v1 =	vadd.f32 v13, v63;
	v11 =	vsel vm15, $0x3F800000, v0  }
0xe0: {  	_ = 	snop  }
0xe1: {  	v12 =	vld [tilespmem:s0+$0xFFFFFE00]  }
0xe2: {  	v14 =	vld [tilespmem:s0+$0xFFFFFE80]  }
0xe3: {  	vm0 =	vlt.f32 v6, $0.0e+00;
	v9 =	vadd.f32 v1, v9;
	v18 =	vsub.f32 v4, v8  }
0xe4: {  	v13 =	vadd.f32 v7, v3;
	v15 =	vsub.f32 v3, v7;
	v3 =	vsel vm0, $0x3F800000, v0  }
0xe5: {  	v10 =	vmul.f32 v11, v10;
	v16 =	vld [tilespmem:s0+$0xFFFFFF00];
	s1 =	rddreg [dreg:$0x17];
	v1 =	vmul.f32 v3, v1;
	vm14 =	vlt.f32 v18, $0.0e+00  }
0xe6: {  	v17 =	vld [tilespmem:s0+$0xFFFFFF80];
	[tilespmem:s1+$0xFFFFFF00] =	vst v11;
	v7 =	vadd.f32 v13, v9;
	v9 =	vadd.f32 v8, v4;
	vm13 =	vlt.f32 v15, $0.0e+00  }
0xe7: {  	p3 =	por $0x1, $0x1;
	[tilespmem:s1+$0xFFFFFF80] =	vst v3;
	v3 =	vld [tilespmem:s0+$0x0];
	v4 =	vadd.f32 v10, v2;
	v10 =	vadd.f32 v14, v12;
	v2 =	vsel vm13, $0x3F800000, v0  }
.Ltmp8:
0xe8: {  	v1 =	vadd.f32 v1, v6;
	v8 =	vadd.f32 v9, v7;
	v6 =	vmul.f32 v2, v13;
	[tilespmem:s1+$0x0] =	vst v2;
	v7 =	vld [tilespmem:s0+$0x80];
	(pc) =	sbr.rel @!p3 .LBB2_13-.Ltmp8, $4  }
0xe9: {  	v11 =	vsel vm14, $0x3F800000, v0;
	v2 =	vsub.f32 v12, v14;
	[tilespmem:s8+$0xFFFFFF00] =	vst v4;
	v4 =	vld [tilespmem:s0+$0x100]  }
0xea: {  	[tilespmem:s1+$0x80] =	vst v11;
	v13 =	vmul.f32 v11, v9;
	v12 =	vadd.f32 v6, v15;
	v9 =	vadd.f32 v10, v8;
	v8 =	vld [tilespmem:s0+$0x180]  }
0xeb: {  	s2 =	simm.s32 $0x4;
	s3 =	sadd.s32 $0x400, s0;
	[tilespmem:s8+$0xFFFFFF80] =	vst v1;
	v1 =	vadd.f32 v17, v16;
	vm15 =	vlt.f32 v2, $0.0e+00  }
0xec: {  	p2 =	por $0x1, $0x1;
	v6 =	vsub.f32 v16, v17;
	s0 =	sadd.s32 $0x200, s1;
	s1 =	smov.u32 s8;
	v11 =	vsel vm15, $0x3F800000, v0;
	[tilespmem:s8+$0x0] =	vst v12;
	v12 =	vadd.f32 v13, v18  }
.LBB2_14:
0xed: {  	v13 =	vld [tilespmem:s3+$0xFFFFFE00];
	v10 =	vmul.f32 v11, v10;
	[tilespmem:s0+$0xFFFFFF00] =	vst v11;
	v9 =	vadd.f32 v1, v9;
	v11 =	vadd.f32 v7, v3  }
0xee: {  	s2 =	sadd.s32 $0x4, s2;
	v15 =	vsub.f32 v3, v7;
	v14 =	vld [tilespmem:s3+$0xFFFFFE80];
	vm0 =	vlt.f32 v6, $0.0e+00;
	[tilespmem:s1+$0x80] =	vst v12  }
0xef: {  	p3 =	slt.u32 s2, $0x60;
	v12 =	vld [tilespmem:s3+$0xFFFFFF00];
	v3 =	vsel vm0, $0x3F800000, v0;
	v7 =	vadd.f32 v11, v9;
	v9 =	vadd.f32 v8, v4  }
0xf0: {  	vm0 =	vlt.f32 v15, $0.0e+00;
	v17 =	vsub.f32 v4, v8;
	v16 =	vld [tilespmem:s3+$0xFFFFFF80];
	v1 =	vmul.f32 v3, v1;
	[tilespmem:s0+$0xFFFFFF80] =	vst v3  }
0xf1: {  	v8 =	vadd.f32 v10, v2;
	v2 =	vsel vm0, $0x3F800000, v0;
	v3 =	vld [tilespmem:s3+$0x0];
	v18 =	vadd.f32 v9, v7  }
.Ltmp9:
0xf2: {  	s1 =	sadd.s32 $0x200, s1;
	vm0 =	vlt.f32 v17, $0.0e+00;
	v7 =	vld [tilespmem:s3+$0x80];
	v1 =	vadd.f32 v1, v6;
	v6 =	vmul.f32 v2, v11;
	[tilespmem:s0+$0x0] =	vst v2;
	(pc) =	sbr.rel @p3 .LBB2_14-.Ltmp9, $4  }
0xf3: {  	v11 =	vsel vm0, $0x3F800000, v0;
	v10 =	vadd.f32 v14, v13;
	v2 =	vsub.f32 v13, v14;
	v4 =	vld [tilespmem:s3+$0x100];
	[tilespmem:s1+$0xFFFFFF00] =	vst v8  }
0xf4: {  	v14 =	vmul.f32 v11, v9;
	v8 =	vld [tilespmem:s3+$0x180];
	[tilespmem:s1+$0xFFFFFF80] =	vst v1;
	v13 =	vadd.f32 v6, v15  }
0xf5: {  	vm0 =	vlt.f32 v2, $0.0e+00;
	v9 =	vadd.f32 v10, v18;
	v1 =	vadd.f32 v16, v12;
	[tilespmem:s0+$0x80] =	vst v11  }
0xf6: {  	s3 =	sadd.s32 $0x400, s3;
	v6 =	vsub.f32 v12, v16;
	v12 =	vadd.f32 v14, v17;
	s0 =	sadd.s32 $0x200, s0;
	v11 =	vsel vm0, $0x3F800000, v0;
	[tilespmem:s1+$0x0] =	vst v13  }
.LBB2_15:
0xf7: {  	_ = 	snop  }
0xf8: {  	v10 =	vmul.f32 v11, v10;
	v13 =	vsub.f32 v3, v7;
	vm0 =	vlt.f32 v6, $0.0e+00  }
0xf9: {  	[tilespmem:s0+$0xFFFFFF00] =	vst v11;
	v3 =	vadd.f32 v7, v3;
	v7 =	vsel vm0, $0x3F800000, v0;
	v11 =	vsub.f32 v4, v8  }
0xfa: {  	[tilespmem:s1+$0x80] =	vst @p2 v12;
	v4 =	vadd.f32 v8, v4;
	vm13 =	vlt.f32 v13, $0.0e+00;
	v8 =	vmul.f32 v7, v1  }
0xfb: {  	s2 =	smov.u32 s8;
	s1 =	sadd.s32 @p2 $0x200, s1;
	v2 =	vadd.f32 v10, v2;
	[tilespmem:s0+$0xFFFFFF80] =	vst v7;
	v7 =	vsel vm13, $0x3F800000, v0;
	vm14 =	vlt.f32 v11, $0.0e+00  }
0xfc: {  	s2 =	smov.u32 @p2 s1;
	[tilespmem:s0+$0x0] =	vst v7;
	v6 =	vadd.f32 v8, v6;
	v8 =	vmul.f32 v7, v3;
	v7 =	vsel vm14, $0x3F800000, v0  }
0xfd: {  	[tilespmem:s2+$0xFFFFFF00] =	vst v2;
	v2 =	vmul.f32 v7, v4  }
0xfe: {  	[tilespmem:s2+$0xFFFFFF80] =	vst v6;
	v6 =	vadd.f32 v8, v13  }
0xff: {  	[tilespmem:s0+$0x80] =	vst v7;
	v2 =	vadd.f32 v2, v11  }
0x100: {  	[tilespmem:s2+$0x0] =	vst v6  }
0x101: {  	[tilespmem:s2+$0x80] =	vst v2  }
0x102: {  	s0 =	rddreg [dreg:$0x13]  }
0x103: {  	v2 =	vld [tilespmem:s0+$0xFFFFFE00]  }
0x104: {  	v6 =	vld [tilespmem:s0+$0xFFFFFE80]  }
0x105: {  	v7 =	vld [tilespmem:s0+$0xFFFFFF00]  }
0x106: {  	v1 =	vadd.f32 v1, v9;
	v13 =	vld [tilespmem:s0+$0xFFFFFF80]  }
0x107: {  	p3 =	por $0x1, $0x1  }
.Ltmp10:
0x108: {  	v9 =	vadd.f32 v3, v1;
	(pc) =	sbr.rel @!p3 .LBB2_16-.Ltmp10, $4  }
0x109: {  	v3 =	vld [tilespmem:s0+$0x0];
	v10 =	vadd.f32 v6, v2;
	v2 =	vsub.f32 v2, v6  }
0x10a: {  	v1 =	vimm.f32 $0.0e+00;
	v8 =	vld [tilespmem:s0+$0x80]  }
0x10b: {  	v32 =	vadd.f32 v4, v9;
	v9 =	vld [tilespmem:s0+$0x180];
	v4 =	vadd.f32 v13, v7;
	vm15 =	vlt.f32 v2, $0.0e+00  }
0x10c: {  	p2 =	por $0x0, $0x0;
	v6 =	vld [tilespmem:s0+$0x100];
	v7 =	vsub.f32 v7, v13;
	s0 =	sadd.s32 $0x400, s0;
	v11 =	vadd.f32 v10, v1;
	v12 =	vsel vm15, $0x3F800000, v0  }
0x10d: {  	v13 =	vld [tilespmem:s0+$0xFFFFFE00]  }
0x10e: {  	v15 =	vld [tilespmem:s0+$0xFFFFFE80]  }
0x10f: {  	v11 =	vadd.f32 v4, v11;
	vm0 =	vlt.f32 v7, $0.0e+00;
	v14 =	vadd.f32 v8, v3  }
0x110: {  	v10 =	vmul.f32 v12, v10;
	v16 =	vsub.f32 v3, v8;
	v3 =	vsel vm0, $0x3F800000, v0  }
0x111: {  	v17 =	vld [tilespmem:s0+$0xFFFFFF00];
	s1 =	rddreg [dreg:$0x19];
	v4 =	vmul.f32 v3, v4;
	v8 =	vadd.f32 v14, v11;
	v11 =	vadd.f32 v9, v6  }
0x112: {  	v18 =	vld [tilespmem:s0+$0xFFFFFF80];
	[tilespmem:s1+$0xFFFFFF00] =	vst v12;
	v20 =	vsub.f32 v6, v9;
	vm13 =	vlt.f32 v16, $0.0e+00;
	v6 =	vadd.f32 v10, v2  }
0x113: {  	p5 =	por $0x1, $0x1;
	[tilespmem:s1+$0xFFFFFF80] =	vst v3;
	v3 =	vld [tilespmem:s0+$0x0];
	v2 =	vsel vm13, $0x3F800000, v0;
	v4 =	vadd.f32 v4, v7;
	v10 =	vadd.f32 v15, v13  }
.Ltmp11:
0x114: {  	v9 =	vadd.f32 v11, v8;
	v7 =	vmul.f32 v2, v14;
	[tilespmem:s1+$0x0] =	vst v2;
	vm14 =	vlt.f32 v20, $0.0e+00;
	v8 =	vld [tilespmem:s0+$0x80];
	(pc) =	sbr.rel @!p5 .LBB2_18-.Ltmp11, $4  }
0x115: {  	v2 =	vsub.f32 v13, v15;
	[tilespmem:s9+$0xFFFFFF00] =	vst v6;
	v6 =	vld [tilespmem:s0+$0x100];
	v12 =	vsel vm14, $0x3F800000, v0  }
0x116: {  	[tilespmem:s9+$0xFFFFFF80] =	vst v4;
	v13 =	vadd.f32 v7, v16;
	v14 =	vmul.f32 v12, v11;
	v11 =	vadd.f32 v10, v9;
	v9 =	vld [tilespmem:s0+$0x180]  }
0x117: {  	s2 =	simm.s32 $0x4;
	s3 =	sadd.s32 $0x400, s0;
	v4 =	vadd.f32 v18, v17;
	vm15 =	vlt.f32 v2, $0.0e+00;
	[tilespmem:s1+$0x80] =	vst v12  }
0x118: {  	p4 =	por $0x1, $0x1;
	v7 =	vsub.f32 v17, v18;
	s0 =	sadd.s32 $0x200, s1;
	s1 =	smov.u32 s9;
	v12 =	vsel vm15, $0x3F800000, v0;
	[tilespmem:s9+$0x0] =	vst v13;
	v13 =	vadd.f32 v14, v20  }
.LBB2_19:
0x119: {  	v14 =	vld [tilespmem:s3+$0xFFFFFE00];
	v10 =	vmul.f32 v12, v10;
	[tilespmem:s0+$0xFFFFFF00] =	vst v12;
	v11 =	vadd.f32 v4, v11;
	v12 =	vadd.f32 v8, v3  }
0x11a: {  	s2 =	sadd.s32 $0x4, s2;
	v16 =	vsub.f32 v3, v8;
	v15 =	vld [tilespmem:s3+$0xFFFFFE80];
	vm0 =	vlt.f32 v7, $0.0e+00;
	[tilespmem:s1+$0x80] =	vst v13  }
0x11b: {  	p5 =	slt.u32 s2, $0x60;
	v13 =	vld [tilespmem:s3+$0xFFFFFF00];
	v3 =	vsel vm0, $0x3F800000, v0;
	v8 =	vadd.f32 v12, v11;
	v11 =	vadd.f32 v9, v6  }
0x11c: {  	vm0 =	vlt.f32 v16, $0.0e+00;
	v18 =	vsub.f32 v6, v9;
	v17 =	vld [tilespmem:s3+$0xFFFFFF80];
	v4 =	vmul.f32 v3, v4;
	[tilespmem:s0+$0xFFFFFF80] =	vst v3  }
0x11d: {  	v9 =	vadd.f32 v10, v2;
	v2 =	vsel vm0, $0x3F800000, v0;
	v3 =	vld [tilespmem:s3+$0x0];
	v20 =	vadd.f32 v11, v8  }
.Ltmp12:
0x11e: {  	s1 =	sadd.s32 $0x200, s1;
	vm0 =	vlt.f32 v18, $0.0e+00;
	v8 =	vld [tilespmem:s3+$0x80];
	v4 =	vadd.f32 v4, v7;
	v7 =	vmul.f32 v2, v12;
	[tilespmem:s0+$0x0] =	vst v2;
	(pc) =	sbr.rel @p5 .LBB2_19-.Ltmp12, $4  }
0x11f: {  	v12 =	vsel vm0, $0x3F800000, v0;
	v10 =	vadd.f32 v15, v14;
	v2 =	vsub.f32 v14, v15;
	v6 =	vld [tilespmem:s3+$0x100];
	[tilespmem:s1+$0xFFFFFF00] =	vst v9  }
0x120: {  	v15 =	vmul.f32 v12, v11;
	v9 =	vld [tilespmem:s3+$0x180];
	[tilespmem:s1+$0xFFFFFF80] =	vst v4;
	v14 =	vadd.f32 v7, v16  }
0x121: {  	vm0 =	vlt.f32 v2, $0.0e+00;
	v11 =	vadd.f32 v10, v20;
	v4 =	vadd.f32 v17, v13;
	[tilespmem:s0+$0x80] =	vst v12  }
0x122: {  	s3 =	sadd.s32 $0x400, s3;
	v7 =	vsub.f32 v13, v17;
	v13 =	vadd.f32 v15, v18;
	s0 =	sadd.s32 $0x200, s0;
	v12 =	vsel vm0, $0x3F800000, v0;
	[tilespmem:s1+$0x0] =	vst v14  }
.LBB2_20:
0x123: {  	_ = 	snop  }
0x124: {  	v10 =	vmul.f32 v12, v10;
	v14 =	vsub.f32 v3, v8;
	vm0 =	vlt.f32 v7, $0.0e+00  }
0x125: {  	[tilespmem:s0+$0xFFFFFF00] =	vst v12;
	v3 =	vadd.f32 v8, v3;
	v8 =	vsel vm0, $0x3F800000, v0;
	v62 =	vsub.f32 v6, v9  }
0x126: {  	[tilespmem:s1+$0x80] =	vst @p4 v13;
	v6 =	vadd.f32 v9, v6;
	vm13 =	vlt.f32 v14, $0.0e+00;
	v9 =	vmul.f32 v8, v4  }
0x127: {  	s2 =	smov.u32 s9;
	s1 =	sadd.s32 @p4 $0x200, s1;
	v2 =	vadd.f32 v10, v2;
	[tilespmem:s0+$0xFFFFFF80] =	vst v8;
	v8 =	vsel vm13, $0x3F800000, v0;
	vm14 =	vlt.f32 v62, $0.0e+00  }
0x128: {  	s2 =	smov.u32 @p4 s1;
	[tilespmem:s0+$0x0] =	vst v8;
	v7 =	vadd.f32 v9, v7;
	v9 =	vmul.f32 v8, v3;
	v8 =	vsel vm14, $0x3F800000, v0  }
0x129: {  	[tilespmem:s2+$0xFFFFFF00] =	vst v2;
	v2 =	vmul.f32 v8, v6  }
0x12a: {  	[tilespmem:s2+$0xFFFFFF80] =	vst v7;
	v7 =	vadd.f32 v9, v14  }
0x12b: {  	[tilespmem:s0+$0x80] =	vst v8;
	v2 =	vadd.f32 v2, v62  }
0x12c: {  	[tilespmem:s2+$0x0] =	vst v7  }
0x12d: {  	[tilespmem:s2+$0x80] =	vst v2  }
0x12e: {  	v2 =	vld [tilespmem:s22+$0xFFFFFE00]  }
0x12f: {  	v7 =	vld [tilespmem:s22+$0xFFFFFE80]  }
0x130: {  	v63 =	vld [tilespmem:s22+$0xFFFFFF00]  }
0x131: {  	v4 =	vadd.f32 v4, v11;
	v13 =	vld [tilespmem:s22+$0xFFFFFF80];
	_ =	sdelay $0x1  }
.Ltmp13:
0x132: {  	v4 =	vadd.f32 v3, v4;
	(pc) =	sbr.rel @!p3 .LBB2_21-.Ltmp13, $4  }
0x133: {  	v3 =	vld [tilespmem:s22+$0x0];
	v10 =	vadd.f32 v7, v2;
	v2 =	vsub.f32 v2, v7  }
0x134: {  	v24 =	vadd.f32 v6, v4;
	v4 =	vld [tilespmem:s22+$0x100]  }
0x135: {  	v8 =	vld [tilespmem:s22+$0x180];
	v6 =	vsub.f32 v63, v13;
	vm15 =	vlt.f32 v2, $0.0e+00  }
0x136: {  	s0 =	sadd.s32 $0x400, s22;
	v7 =	vld [tilespmem:s22+$0x80];
	v9 =	vadd.f32 v10, v1;
	v1 =	vadd.f32 v13, v63;
	v11 =	vsel vm15, $0x3F800000, v0  }
0x137: {  	_ = 	snop  }
0x138: {  	v12 =	vld [tilespmem:s0+$0xFFFFFE00]  }
0x139: {  	v14 =	vld [tilespmem:s0+$0xFFFFFE80]  }
0x13a: {  	vm0 =	vlt.f32 v6, $0.0e+00;
	v9 =	vadd.f32 v1, v9;
	v18 =	vsub.f32 v4, v8  }
0x13b: {  	v13 =	vadd.f32 v7, v3;
	v15 =	vsub.f32 v3, v7;
	v3 =	vsel vm0, $0x3F800000, v0  }
0x13c: {  	v10 =	vmul.f32 v11, v10;
	v16 =	vld [tilespmem:s0+$0xFFFFFF00];
	s1 =	rddreg [dreg:$0x1b];
	v1 =	vmul.f32 v3, v1;
	vm14 =	vlt.f32 v18, $0.0e+00  }
0x13d: {  	v17 =	vld [tilespmem:s0+$0xFFFFFF80];
	[tilespmem:s1+$0xFFFFFF00] =	vst v11;
	v7 =	vadd.f32 v13, v9;
	v9 =	vadd.f32 v8, v4;
	vm13 =	vlt.f32 v15, $0.0e+00  }
0x13e: {  	p3 =	por $0x1, $0x1;
	[tilespmem:s1+$0xFFFFFF80] =	vst v3;
	v3 =	vld [tilespmem:s0+$0x0];
	v4 =	vadd.f32 v10, v2;
	v10 =	vadd.f32 v14, v12;
	v2 =	vsel vm13, $0x3F800000, v0  }
.Ltmp14:
0x13f: {  	v1 =	vadd.f32 v1, v6;
	v8 =	vadd.f32 v9, v7;
	v6 =	vmul.f32 v2, v13;
	[tilespmem:s1+$0x0] =	vst v2;
	v7 =	vld [tilespmem:s0+$0x80];
	(pc) =	sbr.rel @!p3 .LBB2_23-.Ltmp14, $4  }
0x140: {  	v11 =	vsel vm14, $0x3F800000, v0;
	v2 =	vsub.f32 v12, v14;
	[tilespmem:s12+$0xFFFFFF00] =	vst v4;
	v4 =	vld [tilespmem:s0+$0x100]  }
0x141: {  	[tilespmem:s1+$0x80] =	vst v11;
	v13 =	vmul.f32 v11, v9;
	v12 =	vadd.f32 v6, v15;
	v9 =	vadd.f32 v10, v8;
	v8 =	vld [tilespmem:s0+$0x180]  }
0x142: {  	s2 =	simm.s32 $0x4;
	s3 =	sadd.s32 $0x400, s0;
	[tilespmem:s12+$0xFFFFFF80] =	vst v1;
	v1 =	vadd.f32 v17, v16;
	vm15 =	vlt.f32 v2, $0.0e+00  }
0x143: {  	p2 =	por $0x1, $0x1;
	v6 =	vsub.f32 v16, v17;
	s0 =	sadd.s32 $0x200, s1;
	s1 =	smov.u32 s12;
	v11 =	vsel vm15, $0x3F800000, v0;
	[tilespmem:s12+$0x0] =	vst v12;
	v12 =	vadd.f32 v13, v18  }
.LBB2_24:
0x144: {  	v13 =	vld [tilespmem:s3+$0xFFFFFE00];
	v10 =	vmul.f32 v11, v10;
	[tilespmem:s0+$0xFFFFFF00] =	vst v11;
	v9 =	vadd.f32 v1, v9;
	v11 =	vadd.f32 v7, v3  }
0x145: {  	s2 =	sadd.s32 $0x4, s2;
	v15 =	vsub.f32 v3, v7;
	v14 =	vld [tilespmem:s3+$0xFFFFFE80];
	vm0 =	vlt.f32 v6, $0.0e+00;
	[tilespmem:s1+$0x80] =	vst v12  }
0x146: {  	p3 =	slt.u32 s2, $0x60;
	v12 =	vld [tilespmem:s3+$0xFFFFFF00];
	v3 =	vsel vm0, $0x3F800000, v0;
	v7 =	vadd.f32 v11, v9;
	v9 =	vadd.f32 v8, v4  }
0x147: {  	vm0 =	vlt.f32 v15, $0.0e+00;
	v17 =	vsub.f32 v4, v8;
	v16 =	vld [tilespmem:s3+$0xFFFFFF80];
	v1 =	vmul.f32 v3, v1;
	[tilespmem:s0+$0xFFFFFF80] =	vst v3  }
0x148: {  	v8 =	vadd.f32 v10, v2;
	v2 =	vsel vm0, $0x3F800000, v0;
	v3 =	vld [tilespmem:s3+$0x0];
	v18 =	vadd.f32 v9, v7  }
.Ltmp15:
0x149: {  	s1 =	sadd.s32 $0x200, s1;
	vm0 =	vlt.f32 v17, $0.0e+00;
	v7 =	vld [tilespmem:s3+$0x80];
	v1 =	vadd.f32 v1, v6;
	v6 =	vmul.f32 v2, v11;
	[tilespmem:s0+$0x0] =	vst v2;
	(pc) =	sbr.rel @p3 .LBB2_24-.Ltmp15, $4  }
0x14a: {  	v11 =	vsel vm0, $0x3F800000, v0;
	v10 =	vadd.f32 v14, v13;
	v2 =	vsub.f32 v13, v14;
	v4 =	vld [tilespmem:s3+$0x100];
	[tilespmem:s1+$0xFFFFFF00] =	vst v8  }
0x14b: {  	v14 =	vmul.f32 v11, v9;
	v8 =	vld [tilespmem:s3+$0x180];
	[tilespmem:s1+$0xFFFFFF80] =	vst v1;
	v13 =	vadd.f32 v6, v15  }
0x14c: {  	vm0 =	vlt.f32 v2, $0.0e+00;
	v9 =	vadd.f32 v10, v18;
	v1 =	vadd.f32 v16, v12;
	[tilespmem:s0+$0x80] =	vst v11  }
0x14d: {  	s3 =	sadd.s32 $0x400, s3;
	v6 =	vsub.f32 v12, v16;
	v12 =	vadd.f32 v14, v17;
	s0 =	sadd.s32 $0x200, s0;
	v11 =	vsel vm0, $0x3F800000, v0;
	[tilespmem:s1+$0x0] =	vst v13  }
.LBB2_25:
0x14e: {  	_ = 	snop  }
0x14f: {  	v10 =	vmul.f32 v11, v10;
	v13 =	vsub.f32 v3, v7;
	vm0 =	vlt.f32 v6, $0.0e+00  }
0x150: {  	[tilespmem:s0+$0xFFFFFF00] =	vst v11;
	v3 =	vadd.f32 v7, v3;
	v7 =	vsel vm0, $0x3F800000, v0;
	v11 =	vsub.f32 v4, v8  }
0x151: {  	[tilespmem:s1+$0x80] =	vst @p2 v12;
	v4 =	vadd.f32 v8, v4;
	vm13 =	vlt.f32 v13, $0.0e+00;
	v8 =	vmul.f32 v7, v1  }
0x152: {  	s2 =	smov.u32 s12;
	s1 =	sadd.s32 @p2 $0x200, s1;
	v2 =	vadd.f32 v10, v2;
	[tilespmem:s0+$0xFFFFFF80] =	vst v7;
	v7 =	vsel vm13, $0x3F800000, v0;
	vm14 =	vlt.f32 v11, $0.0e+00  }
0x153: {  	s2 =	smov.u32 @p2 s1;
	[tilespmem:s0+$0x0] =	vst v7;
	v6 =	vadd.f32 v8, v6;
	v8 =	vmul.f32 v7, v3;
	v7 =	vsel vm14, $0x3F800000, v0  }
0x154: {  	[tilespmem:s2+$0xFFFFFF00] =	vst v2;
	v2 =	vmul.f32 v7, v4  }
0x155: {  	[tilespmem:s2+$0xFFFFFF80] =	vst v6;
	v6 =	vadd.f32 v8, v13  }
0x156: {  	[tilespmem:s0+$0x80] =	vst v7;
	v2 =	vadd.f32 v2, v11  }
0x157: {  	[tilespmem:s2+$0x0] =	vst v6  }
0x158: {  	[tilespmem:s2+$0x80] =	vst v2  }
0x159: {  	v2 =	vld [tilespmem:s23+$0xFFFFFE00]  }
0x15a: {  	v6 =	vld [tilespmem:s23+$0xFFFFFE80]  }
0x15b: {  	v13 =	vld [tilespmem:s23+$0xFFFFFF00]  }
0x15c: {  	v1 =	vadd.f32 v1, v9;
	v14 =	vld [tilespmem:s23+$0xFFFFFF80]  }
0x15d: {  	p2 =	por $0x1, $0x1  }
.Ltmp16:
0x15e: {  	v8 =	vadd.f32 v3, v1;
	(pc) =	sbr.rel @!p2 .LBB2_26-.Ltmp16, $4  }
0x15f: {  	v3 =	vld [tilespmem:s23+$0x0];
	v10 =	vadd.f32 v6, v2;
	v2 =	vsub.f32 v2, v6  }
0x160: {  	v1 =	vimm.f32 $0.0e+00;
	v7 =	vld [tilespmem:s23+$0x80]  }
0x161: {  	v18 =	vadd.f32 v4, v8;
	v4 =	vld [tilespmem:s23+$0x100];
	v8 =	vadd.f32 v14, v13;
	vm15 =	vlt.f32 v2, $0.0e+00  }
0x162: {  	p3 =	por $0x0, $0x0;
	s0 =	sadd.s32 $0x400, s23;
	v9 =	vld [tilespmem:s23+$0x180];
	v6 =	vsub.f32 v13, v14;
	v11 =	vadd.f32 v10, v1;
	v12 =	vsel vm15, $0x3F800000, v0  }
0x163: {  	v13 =	vld [tilespmem:s0+$0xFFFFFE00]  }
0x164: {  	v15 =	vld [tilespmem:s0+$0xFFFFFE80]  }
0x165: {  	v11 =	vadd.f32 v8, v11;
	vm0 =	vlt.f32 v6, $0.0e+00;
	v14 =	vadd.f32 v7, v3  }
0x166: {  	v10 =	vmul.f32 v12, v10;
	v16 =	vsub.f32 v3, v7;
	v3 =	vsel vm0, $0x3F800000, v0  }
0x167: {  	v17 =	vld [tilespmem:s0+$0xFFFFFF00];
	s1 =	rddreg [dreg:$0x1d];
	v8 =	vmul.f32 v3, v8;
	v7 =	vadd.f32 v14, v11;
	v11 =	vadd.f32 v9, v4  }
0x168: {  	v20 =	vld [tilespmem:s0+$0xFFFFFF80];
	[tilespmem:s1+$0xFFFFFF00] =	vst v12;
	v21 =	vsub.f32 v4, v9;
	vm13 =	vlt.f32 v16, $0.0e+00;
	v4 =	vadd.f32 v10, v2  }
0x169: {  	p4 =	por $0x1, $0x1;
	[tilespmem:s1+$0xFFFFFF80] =	vst v3;
	v3 =	vld [tilespmem:s0+$0x0];
	v2 =	vsel vm13, $0x3F800000, v0;
	v6 =	vadd.f32 v8, v6;
	v10 =	vadd.f32 v15, v13  }
.Ltmp17:
0x16a: {  	v9 =	vadd.f32 v11, v7;
	v8 =	vmul.f32 v2, v14;
	[tilespmem:s1+$0x0] =	vst v2;
	vm14 =	vlt.f32 v21, $0.0e+00;
	v7 =	vld [tilespmem:s0+$0x80];
	(pc) =	sbr.rel @!p4 .LBB2_28-.Ltmp17, $4  }
0x16b: {  	v2 =	vsub.f32 v13, v15;
	[tilespmem:s13+$0xFFFFFF00] =	vst v4;
	v4 =	vld [tilespmem:s0+$0x100];
	v12 =	vsel vm14, $0x3F800000, v0  }
0x16c: {  	[tilespmem:s13+$0xFFFFFF80] =	vst v6;
	v13 =	vadd.f32 v8, v16;
	v14 =	vmul.f32 v12, v11;
	v11 =	vadd.f32 v10, v9;
	v9 =	vld [tilespmem:s0+$0x180]  }
0x16d: {  	s2 =	simm.s32 $0x4;
	s3 =	sadd.s32 $0x400, s0;
	vm15 =	vlt.f32 v2, $0.0e+00;
	v8 =	vadd.f32 v20, v17;
	[tilespmem:s1+$0x80] =	vst v12  }
0x16e: {  	p3 =	por $0x1, $0x1;
	v6 =	vsub.f32 v17, v20;
	s0 =	sadd.s32 $0x200, s1;
	s1 =	smov.u32 s13;
	v12 =	vsel vm15, $0x3F800000, v0;
	[tilespmem:s13+$0x0] =	vst v13;
	v13 =	vadd.f32 v14, v21  }
.LBB2_29:
0x16f: {  	v14 =	vld [tilespmem:s3+$0xFFFFFE00];
	v10 =	vmul.f32 v12, v10;
	[tilespmem:s0+$0xFFFFFF00] =	vst v12;
	v11 =	vadd.f32 v8, v11;
	v12 =	vadd.f32 v7, v3  }
0x170: {  	s2 =	sadd.s32 $0x4, s2;
	v16 =	vsub.f32 v3, v7;
	v15 =	vld [tilespmem:s3+$0xFFFFFE80];
	vm0 =	vlt.f32 v6, $0.0e+00;
	[tilespmem:s1+$0x80] =	vst v13  }
0x171: {  	p4 =	slt.u32 s2, $0x60;
	v13 =	vld [tilespmem:s3+$0xFFFFFF00];
	v3 =	vsel vm0, $0x3F800000, v0;
	v7 =	vadd.f32 v12, v11;
	v11 =	vadd.f32 v9, v4  }
0x172: {  	vm0 =	vlt.f32 v16, $0.0e+00;
	v20 =	vsub.f32 v4, v9;
	v17 =	vld [tilespmem:s3+$0xFFFFFF80];
	v8 =	vmul.f32 v3, v8;
	[tilespmem:s0+$0xFFFFFF80] =	vst v3  }
0x173: {  	v9 =	vadd.f32 v10, v2;
	v2 =	vsel vm0, $0x3F800000, v0;
	v3 =	vld [tilespmem:s3+$0x0];
	v21 =	vadd.f32 v11, v7  }
.Ltmp18:
0x174: {  	s1 =	sadd.s32 $0x200, s1;
	vm0 =	vlt.f32 v20, $0.0e+00;
	v7 =	vld [tilespmem:s3+$0x80];
	v6 =	vadd.f32 v8, v6;
	v8 =	vmul.f32 v2, v12;
	[tilespmem:s0+$0x0] =	vst v2;
	(pc) =	sbr.rel @p4 .LBB2_29-.Ltmp18, $4  }
0x175: {  	v12 =	vsel vm0, $0x3F800000, v0;
	v10 =	vadd.f32 v15, v14;
	v2 =	vsub.f32 v14, v15;
	v4 =	vld [tilespmem:s3+$0x100];
	[tilespmem:s1+$0xFFFFFF00] =	vst v9  }
0x176: {  	v15 =	vmul.f32 v12, v11;
	v9 =	vld [tilespmem:s3+$0x180];
	[tilespmem:s1+$0xFFFFFF80] =	vst v6;
	v14 =	vadd.f32 v8, v16  }
0x177: {  	vm0 =	vlt.f32 v2, $0.0e+00;
	v11 =	vadd.f32 v10, v21;
	v8 =	vadd.f32 v17, v13;
	[tilespmem:s0+$0x80] =	vst v12  }
0x178: {  	s3 =	sadd.s32 $0x400, s3;
	v6 =	vsub.f32 v13, v17;
	v13 =	vadd.f32 v15, v20;
	s0 =	sadd.s32 $0x200, s0;
	v12 =	vsel vm0, $0x3F800000, v0;
	[tilespmem:s1+$0x0] =	vst v14  }
.LBB2_30:
0x179: {  	_ = 	snop  }
0x17a: {  	v10 =	vmul.f32 v12, v10;
	v14 =	vsub.f32 v3, v7;
	vm0 =	vlt.f32 v6, $0.0e+00  }
0x17b: {  	[tilespmem:s0+$0xFFFFFF00] =	vst v12;
	v3 =	vadd.f32 v7, v3;
	v7 =	vsel vm0, $0x3F800000, v0;
	v12 =	vsub.f32 v4, v9  }
0x17c: {  	[tilespmem:s1+$0x80] =	vst @p3 v13;
	v4 =	vadd.f32 v9, v4;
	vm13 =	vlt.f32 v14, $0.0e+00;
	v9 =	vmul.f32 v7, v8  }
0x17d: {  	s2 =	smov.u32 s13;
	s1 =	sadd.s32 @p3 $0x200, s1;
	v2 =	vadd.f32 v10, v2;
	[tilespmem:s0+$0xFFFFFF80] =	vst v7;
	v7 =	vsel vm13, $0x3F800000, v0;
	vm14 =	vlt.f32 v12, $0.0e+00  }
0x17e: {  	s2 =	smov.u32 @p3 s1;
	[tilespmem:s0+$0x0] =	vst v7;
	v6 =	vadd.f32 v9, v6;
	v9 =	vmul.f32 v7, v3;
	v7 =	vsel vm14, $0x3F800000, v0  }
0x17f: {  	[tilespmem:s2+$0xFFFFFF00] =	vst v2;
	v2 =	vmul.f32 v7, v4  }
0x180: {  	[tilespmem:s2+$0xFFFFFF80] =	vst v6;
	v6 =	vadd.f32 v9, v14  }
0x181: {  	v8 =	vadd.f32 v8, v11;
	[tilespmem:s0+$0x80] =	vst v7;
	v2 =	vadd.f32 v2, v12  }
0x182: {  	[tilespmem:s2+$0x0] =	vst v6  }
0x183: {  	v3 =	vadd.f32 v3, v8;
	[tilespmem:s2+$0x80] =	vst v2  }
0x184: {  	v2 =	vld [tilespmem:s24+$0xFFFFFE00]  }
0x185: {  	v13 =	vadd.f32 v4, v3;
	v4 =	vld [tilespmem:s24+$0xFFFFFE80]  }
0x186: {  	v12 =	vld [tilespmem:s24+$0xFFFFFF00]  }
0x187: {  	v14 =	vld [tilespmem:s24+$0xFFFFFF80];
	_ =	sdelay $0x1  }
.Ltmp19:
0x188: {  	_ = 	snop;
	(pc) =	sbr.rel @!p2 .LBB2_31-.Ltmp19, $4  }
0x189: {  	v3 =	vld [tilespmem:s24+$0x0];
	v9 =	vadd.f32 v4, v2;
	v2 =	vsub.f32 v2, v4  }
0x18a: {  	v7 =	vld [tilespmem:s24+$0x80]  }
0x18b: {  	v8 =	vld [tilespmem:s24+$0x180];
	v6 =	vadd.f32 v14, v12;
	vm15 =	vlt.f32 v2, $0.0e+00  }
0x18c: {  	p3 =	por $0x0, $0x0;
	s0 =	sadd.s32 $0x400, s24;
	v4 =	vld [tilespmem:s24+$0x100];
	[smem:$0x7FC] =	sst s7;
	v10 =	vadd.f32 v9, v1;
	v1 =	vsub.f32 v12, v14;
	v11 =	vsel vm15, $0x3F800000, v0  }
0x18d: {  	v12 =	vld [tilespmem:s0+$0xFFFFFE00]  }
0x18e: {  	v15 =	vld [tilespmem:s0+$0xFFFFFE80]  }
0x18f: {  	v10 =	vadd.f32 v6, v10;
	vm0 =	vlt.f32 v1, $0.0e+00;
	v14 =	vadd.f32 v7, v3  }
0x190: {  	v9 =	vmul.f32 v11, v9;
	v16 =	vsub.f32 v3, v7;
	v3 =	vsel vm0, $0x3F800000, v0  }
0x191: {  	v17 =	vld [tilespmem:s0+$0xFFFFFF00];
	s1 =	rddreg [dreg:$0x1f];
	v6 =	vmul.f32 v3, v6;
	v7 =	vadd.f32 v14, v10;
	v10 =	vadd.f32 v8, v4  }
0x192: {  	v20 =	vld [tilespmem:s0+$0xFFFFFF80];
	[tilespmem:s1+$0xFFFFFF00] =	vst v11;
	v21 =	vsub.f32 v4, v8;
	vm13 =	vlt.f32 v16, $0.0e+00;
	v4 =	vadd.f32 v9, v2  }
0x193: {  	p2 =	por $0x1, $0x1;
	[tilespmem:s1+$0xFFFFFF80] =	vst v3;
	v3 =	vld [tilespmem:s0+$0x0];
	v2 =	vsel vm13, $0x3F800000, v0;
	v1 =	vadd.f32 v6, v1;
	v9 =	vadd.f32 v15, v12  }
.Ltmp20:
0x194: {  	v8 =	vadd.f32 v10, v7;
	v6 =	vmul.f32 v2, v14;
	[tilespmem:s1+$0x0] =	vst v2;
	vm14 =	vlt.f32 v21, $0.0e+00;
	v7 =	vld [tilespmem:s0+$0x80];
	(pc) =	sbr.rel @!p2 .LBB2_33-.Ltmp20, $4  }
0x195: {  	v2 =	vsub.f32 v12, v15;
	[tilespmem:s14+$0xFFFFFF00] =	vst v4;
	v4 =	vld [tilespmem:s0+$0x100];
	v11 =	vsel vm14, $0x3F800000, v0  }
0x196: {  	[tilespmem:s14+$0xFFFFFF80] =	vst v1;
	v12 =	vadd.f32 v6, v16;
	v14 =	vmul.f32 v11, v10;
	v10 =	vadd.f32 v9, v8;
	v8 =	vld [tilespmem:s0+$0x180]  }
0x197: {  	s2 =	simm.s32 $0x4;
	s3 =	sadd.s32 $0x400, s0;
	vm15 =	vlt.f32 v2, $0.0e+00;
	v6 =	vadd.f32 v20, v17;
	[tilespmem:s1+$0x80] =	vst v11  }
0x198: {  	p3 =	por $0x1, $0x1;
	v1 =	vsub.f32 v17, v20;
	s0 =	sadd.s32 $0x200, s1;
	s1 =	smov.u32 s14;
	v11 =	vsel vm15, $0x3F800000, v0;
	[tilespmem:s14+$0x0] =	vst v12;
	v12 =	vadd.f32 v14, v21  }
.LBB2_34:
0x199: {  	v14 =	vld [tilespmem:s3+$0xFFFFFE00];
	v9 =	vmul.f32 v11, v9;
	[tilespmem:s0+$0xFFFFFF00] =	vst v11;
	v10 =	vadd.f32 v6, v10;
	v11 =	vadd.f32 v7, v3  }
0x19a: {  	s2 =	sadd.s32 $0x4, s2;
	v16 =	vsub.f32 v3, v7;
	v15 =	vld [tilespmem:s3+$0xFFFFFE80];
	vm0 =	vlt.f32 v1, $0.0e+00;
	[tilespmem:s1+$0x80] =	vst v12  }
0x19b: {  	p2 =	slt.u32 s2, $0x60;
	v12 =	vld [tilespmem:s3+$0xFFFFFF00];
	v3 =	vsel vm0, $0x3F800000, v0;
	v7 =	vadd.f32 v11, v10;
	v10 =	vadd.f32 v8, v4  }
0x19c: {  	vm0 =	vlt.f32 v16, $0.0e+00;
	v20 =	vsub.f32 v4, v8;
	v17 =	vld [tilespmem:s3+$0xFFFFFF80];
	v6 =	vmul.f32 v3, v6;
	[tilespmem:s0+$0xFFFFFF80] =	vst v3  }
0x19d: {  	v8 =	vadd.f32 v9, v2;
	v2 =	vsel vm0, $0x3F800000, v0;
	v3 =	vld [tilespmem:s3+$0x0];
	v21 =	vadd.f32 v10, v7  }
.Ltmp21:
0x19e: {  	s1 =	sadd.s32 $0x200, s1;
	vm0 =	vlt.f32 v20, $0.0e+00;
	v7 =	vld [tilespmem:s3+$0x80];
	v1 =	vadd.f32 v6, v1;
	v6 =	vmul.f32 v2, v11;
	[tilespmem:s0+$0x0] =	vst v2;
	(pc) =	sbr.rel @p2 .LBB2_34-.Ltmp21, $4  }
0x19f: {  	v11 =	vsel vm0, $0x3F800000, v0;
	v9 =	vadd.f32 v15, v14;
	v2 =	vsub.f32 v14, v15;
	v4 =	vld [tilespmem:s3+$0x100];
	[tilespmem:s1+$0xFFFFFF00] =	vst v8  }
0x1a0: {  	v15 =	vmul.f32 v11, v10;
	v8 =	vld [tilespmem:s3+$0x180];
	[tilespmem:s1+$0xFFFFFF80] =	vst v1;
	v14 =	vadd.f32 v6, v16  }
0x1a1: {  	vm0 =	vlt.f32 v2, $0.0e+00;
	v10 =	vadd.f32 v9, v21;
	v6 =	vadd.f32 v17, v12;
	[tilespmem:s0+$0x80] =	vst v11  }
0x1a2: {  	s3 =	sadd.s32 $0x400, s3;
	v1 =	vsub.f32 v12, v17;
	v12 =	vadd.f32 v15, v20;
	s0 =	sadd.s32 $0x200, s0;
	v11 =	vsel vm0, $0x3F800000, v0;
	[tilespmem:s1+$0x0] =	vst v14  }
.LBB2_35:
0x1a3: {  	v9 =	vmul.f32 v11, v9  }
0x1a4: {  	v14 =	vsub.f32 v3, v7;
	v3 =	vadd.f32 v7, v3;
	v17 =	vimm.f32 $0.0e+00  }
0x1a5: {  	v31 =	vimm.f32 $0.0e+00;
	v44 =	vimm.f32 $0.0e+00;
	vm0 =	vlt.f32 v1, $0.0e+00  }
0x1a6: {  	[tilespmem:s0+$0xFFFFFF00] =	vst v11;
	v45 =	vimm.f32 $0.0e+00;
	v7 =	vsel vm0, $0x3F800000, v0;
	v11 =	vsub.f32 v4, v8  }
0x1a7: {  	[tilespmem:s1+$0x80] =	vst @p3 v12;
	v4 =	vadd.f32 v8, v4;
	vm14 =	vlt.f32 v14, $0.0e+00;
	v8 =	vmul.f32 v7, v6  }
0x1a8: {  	s2 =	smov.u32 s14;
	s1 =	sadd.s32 @p3 $0x200, s1;
	v2 =	vadd.f32 v9, v2;
	[tilespmem:s0+$0xFFFFFF80] =	vst v7;
	v7 =	vsel vm14, $0x3F800000, v0;
	vm15 =	vlt.f32 v11, $0.0e+00  }
0x1a9: {  	s2 =	smov.u32 @p3 s1;
	[tilespmem:s0+$0x0] =	vst v7;
	v1 =	vadd.f32 v8, v1;
	v8 =	vmul.f32 v7, v3;
	v7 =	vsel vm15, $0x3F800000, v0  }
0x1aa: {  	v35 =	vimm.f32 $0.0e+00;
	v6 =	vadd.f32 v6, v10;
	[tilespmem:s2+$0xFFFFFF00] =	vst v2;
	v2 =	vmul.f32 v7, v4  }
.Ltmp22:
0x1ab: {  	v21 =	vimm.f32 $0.0e+00;
	v27 =	vimm.f32 $0.0e+00;
	[tilespmem:s2+$0xFFFFFF80] =	vst v1;
	v1 =	vadd.f32 v8, v14;
	(pc) =	sbr.rel @!p1 .LBB2_53-.Ltmp22, $4  }
0x1ac: {  	v40 =	vimm.f32 $0.0e+00;
	v3 =	vadd.f32 v3, v6;
	[tilespmem:s0+$0x80] =	vst v7;
	v2 =	vadd.f32 v2, v11  }
0x1ad: {  	v46 =	vimm.f32 $0.0e+00;
	v34 =	vimm.f32 $0.0e+00;
	v20 =	vimm.f32 $0.0e+00;
	[tilespmem:s2+$0x0] =	vst v1  }
0x1ae: {  	v6 =	vimm.f32 $0.0e+00;
	v7 =	vimm.f32 $0.0e+00;
	v4 =	vadd.f32 v4, v3;
	[tilespmem:s2+$0x80] =	vst v2  }
0x1af: {  	p2 =	por p0, p0;
	v11 =	vimm.f32 $0.0e+00;
	v1 =	vimm.f32 $0.0e+00;
	v2 =	vimm.f32 $0.0e+00;
	s4 =	rddreg [dreg:$0x3]  }
.LBB2_36:
0x1b0: {  	s1 =	sadd.s32 $0x2, s4;
	s2 =	simm.s32 $0x1  }
0x1b1: {  	s0 =	smov.u32 s4;
	p3 =	sgt.u32 s1, s5;
	s2 =	simm.s32 @!p2 $0x0  }
0x1b2: {  	p4 =	sgt.u32 @!p3 s4, $0x61;
	s4 =	sadd.s32 $0x1, s4;
	s6 =	sadd.s32 @!p3 $0xFFFFFF9E, s0  }
0x1b3: {  	s7 =	smul.u32 $0x19000, s2;
	p4 =	por !p4, p3;
	s3 =	sand.u32 $0x1, s4  }
0x1b4: {  	[tilespmem:$0x1FFF0] =	vst v1;
	s8 =	sand.u32 @!p3 $0x1, s0;
	s6 =	smov.u32 @p4 s1;
	s19 =	sadd.s32 $0x1, s3  }
0x1b5: {  	s11 =	sshrl.u32 s7, $0x2;
	s7 =	smul.u32 @!p3 $0x19000, s8;
	_ =	swait.ge [sflag:s19], $0x6400  }
0x1b6: {  	s6 =	smul.u32 @!p3 $0x6400, s6;
	[sflag:s19] =	ssyncset.done $0x0  }
0x1b7: {  	s1 =	sshrl.u32 @!p3 s7, $0x2;
	[sflag:s19] =	ssyncadd.s32 $0xFFFF9C00  }
0x1b8: {  	s7 =	sadd.s32 @!p3 $0x1, s8;
	s6 =	sshrl.u32 @!p3 s6, $0x3;
	s8 =	rddreg [dreg:$0x0]  }
0x1b9: {  	s9 =	sor.u32 $0x180, s11;
	s6 =	sadd.s32 @!p3 s8, s6;
	s8 =	simm.s32 @!p3 $0x0  }
0x1ba: {  	[tilespmem:s1], [sflag:s7] =	stream.linear.gather @!p3 [hbm4b:s6+s8], $0x6400, $0x38;
	[tilespmem:$0x19200] =	vst v63  }
0x1bb: {  	v1 =	vld [tilespmem:s9+$0xFFFFFE80]  }
0x1bc: {  	v8 =	vld [tilespmem:s9+$0x0]  }
0x1bd: {  	v9 =	vld [tilespmem:s9+$0xFFFFFF00]  }
0x1be: {  	v10 =	vld [tilespmem:s9+$0xFFFFFF80]  }
0x1bf: {  	v15 =	vld [tilespmem:s9+$0x100]  }
0x1c0: {  	s20 =	sadd.s32 $0x300, s9;
	v23 =	vld [tilespmem:s9+$0x80]  }
0x1c1: {  	v25 =	vld [tilespmem:s20+$0x0]  }
0x1c2: {  	v28 =	vld [tilespmem:s20+$0x100]  }
0x1c3: {  	v30 =	vld [tilespmem:s20+$0xFFFFFF80]  }
0x1c4: {  	v36 =	vld [tilespmem:s20+$0x80];
	v12 =	vsub.f32 v1, v9;
	v16 =	vsub.f32 v10, v8  }
0x1c5: {  	s0 =	sand.u32 $0x1, s0;
	s19 =	sadd.s32 $0x300, s20;
	v38 =	vld [tilespmem:s20+$0xFFFFFE80];
	v9 =	vadd.f32 v9, v1  }
0x1c6: {  	p3 =	seq.s32 s0, $0x1;
	s6 =	simm.s32 $0x3200;
	v52 =	vld [tilespmem:s19+$0xFFFFFE80];
	v8 =	vadd.f32 v8, v10;
	vm0 =	vlt.f32 v12, $0.0e+00;
	vm1 =	vlt.f32 v16, $0.0e+00  }
0x1c7: {  	s2 =	smul.u32 $0xC800, s2;
	s6 =	simm.s32 @!p3 $0x0;
	v53 =	vld [tilespmem:s19+$0x0];
	v10 =	vsel vm0, $0x3F800000, v0;
	v26 =	vsel vm1, $0x3F800000, v0  }
0x1c8: {  	v22 =	vld [tilespmem:s6+$0xC800];
	v1 =	vmul.f32 v10, v9;
	v29 =	vmul.f32 v26, v8  }
0x1c9: {  	s21 =	sshra.s32 s2, $0x2;
	s1 =	simm.f32 $1.000000000e+00;
	p3 =	slt.u32 s4, s5;
	v14 =	vld [tilespmem:s6+$0x12C00];
	v37 =	vsub.f32 v23, v15;
	v42 =	vsub.f32 v30, v25  }
0x1ca: {  	s1 =	simm.s32 @!p3 $0x0;
	s14 =	sshll.u32 s6, $0x2;
	[tilespmem:s21+$0xC880] =	vst v26;
	v12 =	vadd.f32 v1, v12;
	v29 =	vadd.f32 v29, v16;
	v16 =	vld [tilespmem:s20+$0xFFFFFF00]  }
0x1cb: {  	v55 =	vld [tilespmem:s19+$0xFFFFFF80];
	s25 =	sor.u32 $0x600, s14;
	v15 =	vadd.f32 v15, v23;
	vm0 =	vlt.f32 v37, $0.0e+00;
	[tilespmem:s21+$0xC800] =	vst v10;
	v1 =	vmov s1  }
0x1cc: {  	v61 =	vld [tilespmem:s19+$0xFFFFFF00];
	s26 =	sshra.s32 s25, $0x2;
	v50 =	vsel vm0, $0x3F800000, v0;
	vm0 =	vlt.f32 v42, $0.0e+00;
	v9 =	vmul.f32 v9, v1;
	[tilespmem:s21+$0x12C00] =	vst v12  }
0x1cd: {  	v47 =	vadd.f32 v28, v36;
	v25 =	vadd.f32 v25, v30;
	v56 =	vsel vm0, $0x3F800000, v0;
	[tilespmem:s21+$0x12C80] =	vst v29;
	v23 =	vld [tilespmem:s26+$0x12B00]  }
0x1ce: {  	v39 =	vmul.f32 v8, v1;
	v43 =	vmul.f32 v15, v1;
	v41 =	vadd.f32 v9, v5;
	v8 =	vld [tilespmem:s26+$0xC780]  }
0x1cf: {  	v15 =	vmul.f32 v50, v15;
	v5 =	vld [tilespmem:s26+$0x12B80];
	v9 =	vsub.f32 v36, v28;
	v48 =	vsub.f32 v38, v16  }
0x1d0: {  	v59 =	vmul.f32 v56, v25;
	v30 =	vld [tilespmem:s26+$0xC700];
	v58 =	vadd.f32 v39, v41;
	v28 =	vadd.f32 v16, v38  }
0x1d1: {  	v51 =	vmul.f32 v25, v1;
	v54 =	vadd.f32 v15, v37;
	vm1 =	vlt.f32 v48, $0.0e+00  }
0x1d2: {  	s12 =	sadd.s32 $0x600, s2;
	v49 =	vmul.f32 v28, v1;
	v25 =	vadd.f32 v43, v58;
	v43 =	vadd.f32 v53, v55  }
0x1d3: {  	s8 =	sshra.s32 s12, $0x2;
	v60 =	vld [tilespmem:s19+$0x80];
	[tilespmem:s21+$0xC900] =	vst v50;
	v39 =	vadd.f32 v12, v23;
	v12 =	vadd.f32 v26, v8;
	v16 =	vsel vm1, $0x3F800000, v0  }
0x1d4: {  	[tilespmem:s8+$0xC880] =	vst v56;
	v41 =	vld [tilespmem:s19+$0x100];
	v15 =	vadd.f32 v29, v5;
	v26 =	vadd.f32 v59, v42;
	v29 =	vmul.f32 v16, v28  }
0x1d5: {  	vm0 =	vlt.f32 v9, $0.0e+00;
	[tilespmem:s21+$0x12D00] =	vst v54;
	v62 =	vadd.f32 v10, v30;
	v42 =	vadd.f32 v61, v52  }
0x1d6: {  	s21 =	sadd.s32 $0x600, s25;
	v28 =	vld [tilespmem:s26+$0x12C00];
	[tilespmem:s8+$0xC800] =	vst v16;
	v63 =	vadd.f32 v49, v25;
	v25 =	vmul.f32 v47, v1;
	v57 =	vadd.f32 v29, v48  }
0x1d7: {  	s17 =	sor.u32 $0x3C0, s2;
	s10 =	sshra.s32 s21, $0x2;
	v49 =	vsub.f32 v55, v53;
	v36 =	vmul.f32 v15, v30;
	v58 =	vmul.f32 v62, v14;
	v14 =	vld [tilespmem:s26+$0xC800];
	[tilespmem:s8+$0x12C80] =	vst v26  }
0x1d8: {  	s18 =	sor.u32 $0x380, s2;
	s28 =	sor.u32 $0x300, s2;
	s16 =	smul.u32 $0x19000, s3;
	v53 =	vsub.f32 v52, v61;
	v15 =	vmul.f32 v12, v30;
	v59 =	vmul.f32 v39, v22;
	v10 =	vld [tilespmem:s10+$0xC780];
	[tilespmem:s8+$0x12C00] =	vst v57  }
0x1d9: {  	s30 =	sor.u32 $0x2C0, s2;
	s3 =	smul.u32 $0x3200, s3;
	s15 =	sor.u32 $0x1F0, s11;
	v29 =	vmul.f32 v12, v23;
	v12 =	vadd.f32 v41, v60;
	v41 =	vsub.f32 v60, v41;
	v30 =	vld [tilespmem:s10+$0x12B00]  }
0x1da: {  	s29 =	sor.u32 $0x1D0, s11;
	s31 =	sor.u32 $0x1C0, s11;
	s13 =	sadd.s32 $0x600, s12;
	v23 =	vsel vm0, $0x3F800000, v0;
	v37 =	vadd.f32 v51, v63;
	v48 =	vmul.f32 v62, v22;
	v38 =	vld [tilespmem:s10+$0x12B80]  }
0x1db: {  	s0 =	sor.u32 $0x1B0, s11;
	s7 =	sor.u32 $0x240, s2;
	s12 =	sshrl.u32 s16, $0x2;
	vm0 =	vlt.f32 v49, $0.0e+00;
	vm1 =	vlt.f32 v53, $0.0e+00;
	v7 =	vadd.f32 v58, v7  }
0x1dc: {  	s16 =	simm.s32 $0x6;
	s9 =	sor.u32 $0x1A0, s11;
	s1 =	sor.u32 $0x280, s2;
	v51 =	vmul.f32 v23, v47;
	v22 =	vsel vm0, $0x3F800000, v0;
	v39 =	vadd.f32 v54, v28  }
0x1dd: {  	s20 =	sshra.s32 s13, $0x2;
	s25 =	sor.u32 $0x340, s2;
	s19 =	sadd.s32 $0x300, s19;
	[tilespmem:s8+$0xC900] =	vst v23;
	v55 =	vmul.f32 v22, v43;
	v54 =	vadd.f32 v59, v7;
	v7 =	vld [tilespmem:s10+$0xC700];
	v52 =	vadd.f32 v50, v14  }
0x1de: {  	s2 =	sadd.s32 $0x600, s21;
	s26 =	sor.u32 $0x1E0, s11;
	s11 =	sor.u32 $0x190, s11;
	[tilespmem:s20+$0xC880] =	vst v22;
	vm0 =	vlt.f32 v41, $0.0e+00;
	v50 =	vadd.f32 v56, v10;
	v47 =	vadd.f32 v57, v30  }
.LBB2_37:
0x1df: {  	v56 =	vld [tilespmem:s19+$0xFFFFFE80];
	s16 =	sadd.s32 $0x3, s16;
	v57 =	vsel vm1, $0x3F800000, v0;
	v58 =	vadd.f32 v26, v38;
	v59 =	vmul.f32 v52, v8  }
0x1e0: {  	v6 =	vadd.f32 v48, v6;
	v60 =	vld [tilespmem:s19+$0x0];
	p4 =	slt.u32 s16, $0x60;
	v61 =	vmul.f32 v57, v42;
	[tilespmem:s20+$0xC800] =	vst v57;
	v42 =	vmul.f32 v42, v1  }
0x1e1: {  	v43 =	vmul.f32 v43, v1;
	v62 =	vadd.f32 v51, v9;
	v51 =	vmul.f32 v52, v5;
	v9 =	vmovc v41;
	v48 =	vld [tilespmem:s19+$0x100]  }
0x1e2: {  	v26 =	vadd.f32 v55, v49;
	v52 =	vadd.f32 v29, v54;
	v5 =	vmovc v38;
	v41 =	vld [tilespmem:s19+$0x80];
	v49 =	vmul.f32 v58, v7  }
0x1e3: {  	v29 =	vmul.f32 v50, v30;
	v6 =	vadd.f32 v15, v6;
	v58 =	vadd.f32 v61, v53;
	v54 =	vld [tilespmem:s19+$0xFFFFFF80];
	[tilespmem:s8+$0x12D00] =	vst v62;
	s8 =	smov.u32 s20  }
0x1e4: {  	v25 =	vadd.f32 v25, v37;
	v3 =	vadd.f32 v36, v52;
	v15 =	vmul.f32 v50, v7;
	[tilespmem:s8+$0x12C80] =	vst v26;
	v50 =	vld [tilespmem:s10+$0x12C00]  }
0x1e5: {  	v63 =	vmul.f32 v39, v8;
	v7 =	vadd.f32 v16, v7;
	s20 =	sshra.s32 s2, $0x2;
	v6 =	vadd.f32 v59, v6;
	v52 =	vld [tilespmem:s19+$0xFFFFFF00];
	[tilespmem:s8+$0x12C00] =	vst v58  }
0x1e6: {  	v37 =	vadd.f32 v42, v25;
	v25 =	vmul.f32 v12, v1;
	v16 =	vmovc v57;
	v39 =	vadd.f32 v51, v3;
	v30 =	vld [tilespmem:s20+$0x12B00]  }
0x1e7: {  	v57 =	vmul.f32 v47, v14;
	v55 =	vmul.f32 v7, v28;
	v36 =	vmovc v49;
	v53 =	vadd.f32 v48, v41;
	v47 =	vld [tilespmem:s10+$0xC800];
	s10 =	smov.u32 s20  }
0x1e8: {  	v8 =	vmovc v10;
	v59 =	vsel vm0, $0x3F800000, v0;
	v61 =	vadd.f32 v63, v39;
	v41 =	vsub.f32 v41, v48;
	v38 =	vld [tilespmem:s10+$0x12B80]  }
0x1e9: {  	s13 =	sadd.s32 $0x600, s13;
	v37 =	vadd.f32 v43, v37;
	v51 =	vmul.f32 v59, v12;
	v49 =	vsub.f32 v54, v60;
	v10 =	vld [tilespmem:s10+$0xC780];
	[tilespmem:s8+$0xC900] =	vst v59  }
.Ltmp23:
0x1ea: {  	v48 =	vmul.f32 v7, v14;
	v39 =	vadd.f32 v62, v50;
	v28 =	vmovc v50;
	v42 =	vadd.f32 v52, v56;
	(pc) =	sbr.rel @p4 .LBB2_37-.Ltmp23, $4  }
0x1eb: {  	s2 =	sadd.s32 $0x600, s2;
	s20 =	sshra.s32 s13, $0x2;
	v43 =	vadd.f32 v60, v54;
	v50 =	vadd.f32 v55, v61;
	v12 =	vmovc v53;
	vm0 =	vlt.f32 v49, $0.0e+00  }
0x1ec: {  	v53 =	vsub.f32 v56, v52;
	v56 =	vsel vm0, $0x3F800000, v0;
	v52 =	vadd.f32 v23, v47;
	v14 =	vmovc v47;
	v23 =	vmovc v59  }
0x1ed: {  	v54 =	vadd.f32 v57, v50;
	v55 =	vmul.f32 v56, v43;
	v47 =	vadd.f32 v58, v30;
	[tilespmem:s20+$0xC880] =	vst v56;
	v7 =	vld [tilespmem:s10+$0xC700]  }
0x1ee: {  	s19 =	sadd.s32 $0x300, s19;
	vm0 =	vlt.f32 v41, $0.0e+00;
	vm1 =	vlt.f32 v53, $0.0e+00;
	v50 =	vadd.f32 v22, v10;
	v22 =	vmovc v56  }
0x1ef: {  	v56 =	vsel vm1, $0x3F800000, v0  }
0x1f0: {  	v9 =	vadd.f32 v51, v9;
	v51 =	vsel vm0, $0x3F800000, v0;
	v57 =	vmul.f32 v56, v42;
	[tilespmem:s20+$0xC800] =	vst v56  }
0x1f1: {  	v49 =	vadd.f32 v55, v49;
	v60 =	vmul.f32 v51, v12;
	[tilespmem:s20+$0xC900] =	vst v51  }
0x1f2: {  	[tilespmem:s8+$0x12D00] =	vst v9;
	v53 =	vadd.f32 v57, v53  }
0x1f3: {  	[tilespmem:s20+$0x12C80] =	vst v49;
	v41 =	vadd.f32 v60, v41  }
0x1f4: {  	[tilespmem:s20+$0x12C00] =	vst v53  }
0x1f5: {  	v29 =	vadd.f32 v29, v54;
	[tilespmem:s20+$0x12D00] =	vst v41  }
0x1f6: {  	v61 =	vld [tilespmem:s12+$0x6300]  }
0x1f7: {  	v5 =	vmul.f32 v52, v5;
	v29 =	vadd.f32 v36, v29;
	v62 =	vld [tilespmem:s12+$0x6380];
	_ =	sdelay $0x1  }
0x1f8: {  	v63 =	vmul.f32 v39, v8;
	v16 =	vadd.f32 v16, v7;
	v5 =	vadd.f32 v5, v29;
	_ =	sdelay $0x1  }
0x1f9: {  	v26 =	vadd.f32 v26, v38;
	s2 =	sshra.s32 s2, $0x2;
	v39 =	vld [tilespmem:s10+$0xC800];
	v28 =	vmul.f32 v16, v28;
	v5 =	vadd.f32 v63, v5  }
0x1fa: {  	v8 =	vmul.f32 v52, v8;
	v6 =	vadd.f32 v48, v6;
	v59 =	vld [tilespmem:s2+$0x12B80];
	v57 =	vsub.f32 v61, v62  }
0x1fb: {  	v47 =	vmul.f32 v47, v14;
	v25 =	vadd.f32 v25, v37;
	v29 =	vld [tilespmem:s10+$0x12C00];
	v5 =	vadd.f32 v28, v5  }
0x1fc: {  	v6 =	vadd.f32 v15, v6;
	v60 =	vld [tilespmem:s2+$0xC780];
	v3 =	vadd.f32 v62, v61;
	vm0 =	vlt.f32 v57, $0.0e+00  }
0x1fd: {  	v30 =	vmul.f32 v50, v30;
	v58 =	vld [tilespmem:s2+$0x12B00];
	v5 =	vadd.f32 v47, v5;
	v61 =	vsel vm0, $0x3F800000, v0  }
0x1fe: {  	v26 =	vmul.f32 v26, v7;
	v6 =	vadd.f32 v8, v6;
	v15 =	vld [tilespmem:s2+$0xC700];
	[tilespmem:$0x1FF50] =	vst v3;
	v62 =	vmul.f32 v61, v3  }
0x1ff: {  	v28 =	vmul.f32 v42, v1;
	v23 =	vadd.f32 v23, v39;
	v5 =	vadd.f32 v30, v5;
	v63 =	vld [tilespmem:s2+$0x12C00]  }
0x200: {  	v9 =	vadd.f32 v9, v29;
	v3 =	vld [tilespmem:s2+$0xC800];
	[tilespmem:$0x1FF60] =	vst v61;
	v30 =	vadd.f32 v62, v57  }
0x201: {  	v8 =	vadd.f32 v28, v25;
	v25 =	vmul.f32 v23, v38;
	v5 =	vadd.f32 v26, v5;
	[tilespmem:s3+$0xF980] =	vst v61  }
0x202: {  	v14 =	vmul.f32 v16, v14;
	[tilespmem:$0x1FF70] =	vst v30  }
0x203: {  	v28 =	vadd.f32 v56, v15;
	v9 =	vmul.f32 v9, v10;
	v5 =	vadd.f32 v25, v5;
	[tilespmem:s3+$0x15D80] =	vst v30  }
0x204: {  	v7 =	vmul.f32 v50, v7;
	v6 =	vadd.f32 v14, v6;
	v26 =	vld [tilespmem:s11+$0xFFFFFE80]  }
0x205: {  	v29 =	vmul.f32 v28, v29;
	v5 =	vadd.f32 v9, v5;
	v25 =	vld [tilespmem:s11+$0x0]  }
0x206: {  	v6 =	vadd.f32 v7, v6;
	v10 =	vmul.f32 v23, v10;
	v7 =	vld [tilespmem:s6+$0xC800]  }
0x207: {  	v43 =	vmul.f32 v43, v1;
	v5 =	vadd.f32 v29, v5;
	v29 =	vld [tilespmem:s6+$0x12C00]  }
0x208: {  	v16 =	vadd.f32 v53, v58;
	v6 =	vadd.f32 v10, v6;
	v10 =	vmul.f32 v28, v39;
	v14 =	vld [tilespmem:s11+$0xFFFFFF00]  }
0x209: {  	v12 =	vmul.f32 v12, v1;
	v22 =	vadd.f32 v22, v60;
	v8 =	vadd.f32 v43, v8;
	v9 =	vld [tilespmem:s11+$0xFFFFFF80]  }
0x20a: {  	v16 =	vmul.f32 v16, v39;
	v6 =	vadd.f32 v10, v6;
	v30 =	vadd.f32 v49, v59;
	[tilespmem:$0x1FFA0] =	vst v3  }
0x20b: {  	v57 =	vadd.f32 v41, v63;
	v28 =	vadd.f32 v51, v3;
	v37 =	vld [tilespmem:s6+$0xC810];
	[tilespmem:$0x1FF80] =	vst v7  }
0x20c: {  	v3 =	vadd.f32 v12, v8;
	v23 =	vmul.f32 v30, v15;
	v5 =	vadd.f32 v16, v5;
	v16 =	vld [tilespmem:s6+$0x12C10];
	[tilespmem:$0x1FF90] =	vst v29  }
0x20d: {  	s10 =	sadd.s32 $0x300, s11;
	v15 =	vmul.f32 v22, v15;
	v7 =	vmul.f32 v22, v58;
	v22 =	vsub.f32 v26, v14;
	v29 =	vld [tilespmem:s11+$0x100]  }
0x20e: {  	v10 =	vmul.f32 v28, v59;
	v30 =	vsub.f32 v9, v25;
	v14 =	vadd.f32 v14, v26;
	v26 =	vld [tilespmem:s10+$0x0]  }
0x20f: {  	v28 =	vmul.f32 v28, v60;
	v56 =	vld [tilespmem:s10+$0x100];
	v5 =	vadd.f32 v7, v5;
	vm0 =	vlt.f32 v22, $0.0e+00  }
0x210: {  	v9 =	vadd.f32 v25, v9;
	v7 =	vld [tilespmem:s11+$0x80];
	vm1 =	vlt.f32 v30, $0.0e+00;
	[tilespmem:$0x1FFB0] =	vst v63;
	s11 =	sshra.s32 s7, $0x2;
	v25 =	vsel vm0, $0x3F800000, v0  }
0x211: {  	v6 =	vadd.f32 v15, v6;
	v58 =	vld [tilespmem:s10+$0xFFFFFF80];
	v5 =	vadd.f32 v23, v5;
	v23 =	vsel vm1, $0x3F800000, v0;
	[tilespmem:s11+$0xC780] =	vst v25  }
0x212: {  	v61 =	vld [tilespmem:s10+$0xFFFFFE80];
	v54 =	vmul.f32 v25, v14;
	[tilespmem:s11+$0xC800] =	vst v23  }
0x213: {  	v59 =	vmul.f32 v57, v60;
	v5 =	vadd.f32 v10, v5;
	v10 =	vld [tilespmem:s10+$0x80];
	[tilespmem:$0x1FFC0] =	vst v3;
	v3 =	vadd.f32 v28, v6  }
0x214: {  	v22 =	vadd.f32 v54, v22  }
0x215: {  	[tilespmem:$0x1FFD0] =	vst v3;
	v3 =	vadd.f32 v59, v5  }
0x216: {  	s19 =	sadd.s32 $0x640, s14;
	[tilespmem:s11+$0x12B80] =	vst v22  }
0x217: {  	s13 =	sshra.s32 s19, $0x2;
	v15 =	vmul.f32 v23, v9;
	v6 =	vmul.f32 v14, v1;
	v8 =	vld [tilespmem:s10+$0xFFFFFF00];
	[tilespmem:$0x1FFE0] =	vst v3  }
0x218: {  	s16 =	sadd.s32 $0x300, s10;
	v60 =	vsub.f32 v7, v29;
	v5 =	vadd.f32 v29, v7;
	v7 =	vld [tilespmem:s13+$0x12B00]  }
0x219: {  	v9 =	vmul.f32 v9, v1;
	v15 =	vadd.f32 v15, v30;
	v6 =	vadd.f32 v6, v19;
	v51 =	vld [tilespmem:s16+$0x0]  }
0x21a: {  	v28 =	vsub.f32 v58, v26;
	vm0 =	vlt.f32 v60, $0.0e+00;
	v29 =	vmul.f32 v5, v1;
	v42 =	vld [tilespmem:s16+$0x100]  }
0x21b: {  	v48 =	vsel vm0, $0x3F800000, v0;
	v6 =	vadd.f32 v9, v6;
	[tilespmem:s11+$0x12C00] =	vst v15;
	v47 =	vadd.f32 v56, v10;
	v43 =	vld [tilespmem:s16+$0x80]  }
0x21c: {  	vm0 =	vlt.f32 v28, $0.0e+00;
	v19 =	vsub.f32 v10, v56;
	v10 =	vadd.f32 v26, v58;
	v14 =	vld [tilespmem:s13+$0xC780]  }
0x21d: {  	v5 =	vmul.f32 v48, v5;
	v53 =	vsel vm0, $0x3F800000, v0;
	v12 =	vld [tilespmem:s13+$0x12B80]  }
0x21e: {  	v54 =	vld [tilespmem:s16+$0xFFFFFF80];
	v6 =	vadd.f32 v29, v6;
	v9 =	vmul.f32 v53, v10;
	v62 =	vsub.f32 v61, v8  }
0x21f: {  	v36 =	vld [tilespmem:s13+$0xC700];
	v52 =	vadd.f32 v5, v60;
	vm0 =	vlt.f32 v19, $0.0e+00;
	v49 =	vmul.f32 v10, v1  }
0x220: {  	s20 =	sadd.s32 $0x600, s7;
	v50 =	vld [tilespmem:s16+$0xFFFFFE80];
	v8 =	vadd.f32 v8, v61;
	v9 =	vadd.f32 v9, v28;
	vm1 =	vlt.f32 v62, $0.0e+00  }
0x221: {  	s10 =	sshra.s32 s20, $0x2;
	[tilespmem:s11+$0xC880] =	vst v48;
	v61 =	vld [tilespmem:s16+$0xFFFFFF00];
	v63 =	vadd.f32 v22, v7;
	v5 =	vadd.f32 v23, v14;
	v23 =	vsel vm1, $0x3F800000, v0  }
0x222: {  	[tilespmem:s10+$0xC800] =	vst v53;
	v41 =	vsub.f32 v43, v42;
	v15 =	vadd.f32 v15, v12;
	v22 =	vmul.f32 v23, v8  }
0x223: {  	s21 =	sadd.s32 $0x600, s19;
	[tilespmem:s11+$0x12C80] =	vst v52;
	v38 =	vadd.f32 v51, v54;
	v8 =	vmul.f32 v8, v1;
	v63 =	vmul.f32 v63, v37  }
0x224: {  	s8 =	sshra.s32 s21, $0x2;
	v26 =	vld [tilespmem:s13+$0x12C00];
	[tilespmem:s10+$0x12C00] =	vst v9;
	v30 =	vmul.f32 v15, v36;
	v15 =	vadd.f32 v42, v43;
	v60 =	vadd.f32 v22, v62  }
0x225: {  	[tilespmem:s10+$0xC780] =	vst v23;
	v10 =	vld [tilespmem:s8+$0xC780];
	v29 =	vmul.f32 v5, v7;
	v43 =	vsub.f32 v54, v51;
	v62 =	vadd.f32 v25, v36  }
0x226: {  	v39 =	vadd.f32 v61, v50;
	v50 =	vsub.f32 v50, v61;
	v22 =	vmul.f32 v5, v36;
	v25 =	vld [tilespmem:s13+$0xC800];
	[tilespmem:s10+$0x12B80] =	vst v60  }
0x227: {  	v6 =	vadd.f32 v8, v6;
	v8 =	vmul.f32 v47, v1;
	v7 =	vmul.f32 v62, v16;
	v28 =	vld [tilespmem:s8+$0x12B00]  }
0x228: {  	v5 =	vsel vm0, $0x3F800000, v0;
	vm0 =	vlt.f32 v43, $0.0e+00;
	v42 =	vmul.f32 v62, v37;
	v37 =	vld [tilespmem:s8+$0x12B80]  }
0x229: {  	vm1 =	vlt.f32 v50, $0.0e+00;
	v36 =	vadd.f32 v49, v6;
	v7 =	vadd.f32 v7, v21  }
0x22a: {  	s11 =	sadd.s32 $0x600, s20;
	v49 =	vmul.f32 v5, v47;
	v6 =	vadd.f32 v52, v26;
	v16 =	vsel vm0, $0x3F800000, v0  }
0x22b: {  	s2 =	sadd.s32 $0x600, s21;
	s19 =	sshra.s32 s11, $0x2;
	[tilespmem:s10+$0xC880] =	vst v5;
	vm0 =	vlt.f32 v41, $0.0e+00;
	v48 =	vadd.f32 v48, v25;
	v51 =	vadd.f32 v63, v7;
	v7 =	vld [tilespmem:s8+$0xC700]  }
0x22c: {  	s7 =	sor.u32 $0x10, s6;
	s16 =	sadd.s32 $0x300, s16;
	s13 =	simm.s32 $0x6;
	v52 =	vmul.f32 v16, v38;
	[tilespmem:s19+$0xC800] =	vst v16;
	v47 =	vadd.f32 v53, v10;
	v21 =	vadd.f32 v60, v28  }
.LBB2_39:
0x22d: {  	v53 =	vld [tilespmem:s16+$0xFFFFFE80];
	s13 =	sadd.s32 $0x3, s13;
	v54 =	vsel vm1, $0x3F800000, v0;
	v55 =	vadd.f32 v9, v37;
	v56 =	vmul.f32 v48, v14  }
0x22e: {  	v20 =	vadd.f32 v42, v20;
	v57 =	vld [tilespmem:s16+$0x0];
	p4 =	slt.u32 s13, $0x60;
	v58 =	vmul.f32 v54, v39;
	[tilespmem:s19+$0xC780] =	vst v54;
	v39 =	vmul.f32 v39, v1  }
0x22f: {  	v38 =	vmul.f32 v38, v1;
	v59 =	vadd.f32 v49, v19;
	v48 =	vmul.f32 v48, v12;
	v19 =	vmovc v41;
	v42 =	vld [tilespmem:s16+$0x100]  }
0x230: {  	v9 =	vadd.f32 v52, v43;
	v49 =	vadd.f32 v29, v51;
	v12 =	vmovc v37;
	v41 =	vld [tilespmem:s16+$0x80];
	v43 =	vmul.f32 v55, v7  }
0x231: {  	v29 =	vmul.f32 v47, v28;
	v20 =	vadd.f32 v22, v20;
	v55 =	vadd.f32 v58, v50;
	v51 =	vld [tilespmem:s16+$0xFFFFFF80];
	[tilespmem:s10+$0x12C80] =	vst v59;
	s10 =	smov.u32 s19  }
0x232: {  	v8 =	vadd.f32 v8, v36;
	v3 =	vadd.f32 v30, v49;
	v22 =	vmul.f32 v47, v7;
	[tilespmem:s10+$0x12C00] =	vst v9;
	v47 =	vld [tilespmem:s8+$0x12C00]  }
0x233: {  	v6 =	vmul.f32 v6, v14;
	v7 =	vadd.f32 v23, v7;
	s19 =	sshra.s32 s2, $0x2;
	v20 =	vadd.f32 v56, v20;
	v50 =	vld [tilespmem:s16+$0xFFFFFF00];
	[tilespmem:s10+$0x12B80] =	vst v55  }
0x234: {  	v36 =	vadd.f32 v39, v8;
	v8 =	vmul.f32 v15, v1;
	v23 =	vmovc v54;
	v3 =	vadd.f32 v48, v3;
	v28 =	vld [tilespmem:s19+$0x12B00]  }
0x235: {  	v54 =	vmul.f32 v21, v25;
	v52 =	vmul.f32 v7, v26;
	v30 =	vmovc v43;
	v48 =	vadd.f32 v42, v41;
	v21 =	vld [tilespmem:s8+$0xC800];
	s8 =	smov.u32 s19  }
0x236: {  	v14 =	vmovc v10;
	v56 =	vsel vm0, $0x3F800000, v0;
	v58 =	vadd.f32 v6, v3;
	v41 =	vsub.f32 v41, v42;
	v37 =	vld [tilespmem:s8+$0x12B80]  }
0x237: {  	s11 =	sadd.s32 $0x600, s11;
	v36 =	vadd.f32 v38, v36;
	v49 =	vmul.f32 v56, v15;
	v43 =	vsub.f32 v51, v57;
	v10 =	vld [tilespmem:s8+$0xC780];
	[tilespmem:s10+$0xC880] =	vst v56  }
.Ltmp24:
0x238: {  	v42 =	vmul.f32 v7, v25;
	v6 =	vadd.f32 v59, v47;
	v26 =	vmovc v47;
	v39 =	vadd.f32 v50, v53;
	(pc) =	sbr.rel @p4 .LBB2_39-.Ltmp24, $4  }
0x239: {  	s2 =	sadd.s32 $0x600, s2;
	s19 =	sshra.s32 s11, $0x2;
	v38 =	vadd.f32 v57, v51;
	v47 =	vadd.f32 v52, v58;
	v15 =	vmovc v48;
	vm0 =	vlt.f32 v43, $0.0e+00  }
0x23a: {  	v50 =	vsub.f32 v53, v50;
	v53 =	vsel vm0, $0x3F800000, v0;
	v48 =	vadd.f32 v5, v21;
	v25 =	vmovc v21;
	v5 =	vmovc v56  }
0x23b: {  	v51 =	vadd.f32 v54, v47;
	v52 =	vmul.f32 v53, v38;
	v21 =	vadd.f32 v55, v28;
	[tilespmem:s19+$0xC800] =	vst v53;
	v7 =	vld [tilespmem:s8+$0xC700]  }
0x23c: {  	s16 =	sadd.s32 $0x300, s16;
	vm0 =	vlt.f32 v41, $0.0e+00;
	vm1 =	vlt.f32 v50, $0.0e+00;
	v47 =	vadd.f32 v16, v10;
	v16 =	vmovc v53  }
0x23d: {  	v53 =	vsel vm1, $0x3F800000, v0  }
0x23e: {  	v19 =	vadd.f32 v49, v19;
	v60 =	vsel vm0, $0x3F800000, v0;
	v54 =	vmul.f32 v53, v39;
	[tilespmem:s19+$0xC780] =	vst v53  }
0x23f: {  	v43 =	vadd.f32 v52, v43;
	v61 =	vmul.f32 v60, v15;
	[tilespmem:s19+$0xC880] =	vst v60  }
0x240: {  	[tilespmem:s10+$0x12C80] =	vst v19;
	v50 =	vadd.f32 v54, v50  }
0x241: {  	v29 =	vadd.f32 v29, v51;
	[tilespmem:s19+$0x12C00] =	vst v43;
	v41 =	vadd.f32 v61, v41  }
0x242: {  	[tilespmem:s19+$0x12B80] =	vst v50  }
0x243: {  	v12 =	vmul.f32 v48, v12;
	v29 =	vadd.f32 v30, v29;
	[tilespmem:s19+$0x12C80] =	vst v41  }
0x244: {  	v62 =	vld [tilespmem:s12+$0x6310]  }
0x245: {  	v6 =	vmul.f32 v6, v14;
	v23 =	vadd.f32 v23, v7;
	v12 =	vadd.f32 v12, v29;
	v63 =	vld [tilespmem:s12+$0x6390];
	_ =	sdelay $0x1  }
0x246: {  	v26 =	vmul.f32 v23, v26;
	v6 =	vadd.f32 v6, v12;
	_ =	sdelay $0x1  }
0x247: {  	s2 =	sshra.s32 s2, $0x2;
	v21 =	vmul.f32 v21, v25;
	v30 =	vld [tilespmem:s8+$0xC800];
	v6 =	vadd.f32 v26, v6  }
0x248: {  	v56 =	vld [tilespmem:s2+$0x12B80];
	v12 =	vsub.f32 v62, v63  }
0x249: {  	v9 =	vadd.f32 v9, v37;
	v28 =	vmul.f32 v47, v28;
	v57 =	vld [tilespmem:s2+$0xC780];
	v6 =	vadd.f32 v21, v6  }
0x24a: {  	v20 =	vadd.f32 v42, v20;
	v29 =	vld [tilespmem:s8+$0x12C00];
	v3 =	vadd.f32 v63, v62;
	vm0 =	vlt.f32 v12, $0.0e+00  }
0x24b: {  	v9 =	vmul.f32 v9, v7;
	v55 =	vld [tilespmem:s2+$0x12B00];
	v6 =	vadd.f32 v28, v6;
	v58 =	vsel vm0, $0x3F800000, v0  }
0x24c: {  	v20 =	vadd.f32 v22, v20;
	v22 =	vld [tilespmem:s2+$0xC700];
	[tilespmem:$0x1FEB0] =	vst v3;
	v21 =	vmul.f32 v58, v3  }
0x24d: {  	v14 =	vmul.f32 v48, v14;
	v5 =	vadd.f32 v5, v30;
	v59 =	vld [tilespmem:s2+$0x12C00];
	v6 =	vadd.f32 v9, v6  }
0x24e: {  	v9 =	vmul.f32 v23, v25;
	v25 =	vadd.f32 v43, v56;
	v3 =	vld [tilespmem:s2+$0xC800];
	[tilespmem:$0x1FEC0] =	vst v58;
	v21 =	vadd.f32 v21, v12  }
0x24f: {  	[tilespmem:s3+$0xF990] =	vst v58;
	v12 =	vadd.f32 v14, v20;
	v14 =	vadd.f32 v19, v29  }
0x250: {  	v19 =	vmul.f32 v5, v37;
	v5 =	vmul.f32 v5, v10;
	[tilespmem:$0x1FED0] =	vst v21  }
0x251: {  	[tilespmem:s3+$0x15D90] =	vst v21;
	v14 =	vmul.f32 v14, v10;
	v10 =	vmul.f32 v25, v22;
	v25 =	vld [tilespmem:s7+$0x12C00]  }
0x252: {  	v8 =	vadd.f32 v8, v36;
	v26 =	vmul.f32 v39, v1;
	v23 =	vadd.f32 v53, v22;
	v21 =	vld [tilespmem:s9+$0xFFFFFE80]  }
0x253: {  	v7 =	vmul.f32 v47, v7;
	v6 =	vadd.f32 v19, v6;
	v9 =	vadd.f32 v9, v12;
	v19 =	vld [tilespmem:s9+$0x0]  }
0x254: {  	v38 =	vmul.f32 v38, v1;
	v8 =	vadd.f32 v26, v8;
	v20 =	vadd.f32 v50, v55;
	v12 =	vld [tilespmem:s9+$0xFFFFFF00]  }
0x255: {  	v26 =	vmul.f32 v23, v29;
	v6 =	vadd.f32 v14, v6;
	v7 =	vadd.f32 v7, v9;
	v9 =	vld [tilespmem:s7+$0xC800]  }
0x256: {  	v15 =	vmul.f32 v15, v1;
	v16 =	vadd.f32 v16, v57;
	v14 =	vld [tilespmem:s9+$0xFFFFFF80]  }
0x257: {  	v8 =	vadd.f32 v38, v8;
	v20 =	vmul.f32 v20, v30;
	v6 =	vadd.f32 v26, v6  }
0x258: {  	[tilespmem:$0x1FF00] =	vst v3;
	v5 =	vadd.f32 v5, v7;
	v7 =	vmul.f32 v23, v30;
	v23 =	vadd.f32 v60, v3  }
0x259: {  	v37 =	vld [tilespmem:s6+$0xC820];
	v30 =	vadd.f32 v41, v59;
	v3 =	vadd.f32 v15, v8;
	[tilespmem:$0x1FEF0] =	vst v25  }
0x25a: {  	v6 =	vadd.f32 v20, v6;
	v20 =	vld [tilespmem:s6+$0x12C20];
	v5 =	vadd.f32 v7, v5;
	[tilespmem:$0x1FEE0] =	vst v9;
	v9 =	vmul.f32 v16, v55  }
0x25b: {  	s11 =	sadd.s32 $0x300, s9;
	v16 =	vmul.f32 v16, v22;
	v22 =	vsub.f32 v21, v12;
	v26 =	vsub.f32 v14, v19;
	v25 =	vld [tilespmem:s9+$0x100]  }
0x25c: {  	v7 =	vmul.f32 v23, v56;
	v12 =	vadd.f32 v12, v21;
	v21 =	vld [tilespmem:s11+$0x0];
	v6 =	vadd.f32 v9, v6  }
0x25d: {  	v23 =	vmul.f32 v23, v57;
	v14 =	vadd.f32 v19, v14;
	v29 =	vld [tilespmem:s11+$0x100];
	vm0 =	vlt.f32 v22, $0.0e+00  }
0x25e: {  	s13 =	sshra.s32 s1, $0x2;
	v9 =	vld [tilespmem:s9+$0x80];
	vm1 =	vlt.f32 v26, $0.0e+00;
	[tilespmem:$0x1FF10] =	vst v59;
	v19 =	vsel vm0, $0x3F800000, v0;
	v6 =	vadd.f32 v10, v6  }
0x25f: {  	v5 =	vadd.f32 v16, v5;
	v60 =	vld [tilespmem:s11+$0xFFFFFF80];
	v10 =	vsel vm1, $0x3F800000, v0;
	v28 =	vmul.f32 v19, v12;
	[tilespmem:s13+$0xC780] =	vst v19  }
0x260: {  	v61 =	vld [tilespmem:s11+$0xFFFFFE80];
	[tilespmem:s13+$0xC800] =	vst v10;
	v6 =	vadd.f32 v7, v6  }
0x261: {  	v7 =	vld [tilespmem:s11+$0x80];
	v22 =	vadd.f32 v28, v22;
	v28 =	vmul.f32 v30, v57;
	[tilespmem:$0x1FF20] =	vst v3;
	v3 =	vadd.f32 v23, v5;
	_ =	sdelay $0x1  }
0x262: {  	[tilespmem:$0x1FF30] =	vst v3;
	v3 =	vadd.f32 v28, v6  }
0x263: {  	s16 =	sadd.s32 $0x680, s14;
	[tilespmem:s13+$0x12B80] =	vst v22  }
0x264: {  	s19 =	sshra.s32 s16, $0x2;
	v16 =	vmul.f32 v10, v14;
	v8 =	vld [tilespmem:s11+$0xFFFFFF00];
	[tilespmem:$0x1FF40] =	vst v3  }
0x265: {  	v5 =	vmul.f32 v12, v1;
	v15 =	vld [tilespmem:s19+$0x12B00]  }
0x266: {  	v30 =	vsub.f32 v9, v25;
	v16 =	vadd.f32 v16, v26;
	s11 =	sadd.s32 $0x300, s11;
	v28 =	vld [tilespmem:s19+$0xC700]  }
0x267: {  	v6 =	vadd.f32 v25, v9;
	v9 =	vmul.f32 v14, v1;
	v5 =	vadd.f32 v5, v33;
	v63 =	vld [tilespmem:s11+$0x0]  }
0x268: {  	v23 =	vsub.f32 v60, v21;
	v21 =	vadd.f32 v21, v60;
	vm0 =	vlt.f32 v30, $0.0e+00;
	v56 =	vld [tilespmem:s11+$0x100]  }
0x269: {  	v26 =	vmul.f32 v6, v1;
	v5 =	vadd.f32 v9, v5;
	v41 =	vadd.f32 v29, v7;
	v57 =	vld [tilespmem:s11+$0x80]  }
0x26a: {  	[tilespmem:s13+$0x12C00] =	vst v16;
	v25 =	vsub.f32 v7, v29;
	v7 =	vsel vm0, $0x3F800000, v0;
	vm0 =	vlt.f32 v23, $0.0e+00;
	v59 =	vld [tilespmem:s11+$0xFFFFFF80]  }
0x26b: {  	v12 =	vld [tilespmem:s19+$0x12B80];
	v6 =	vmul.f32 v7, v6;
	v43 =	vsel vm0, $0x3F800000, v0  }
0x26c: {  	v14 =	vld [tilespmem:s19+$0xC780];
	v5 =	vadd.f32 v26, v5;
	v9 =	vmul.f32 v43, v21;
	v62 =	vsub.f32 v61, v8  }
0x26d: {  	vm0 =	vlt.f32 v25, $0.0e+00;
	v21 =	vmul.f32 v21, v1;
	v8 =	vadd.f32 v8, v61  }
0x26e: {  	v6 =	vadd.f32 v6, v30;
	v9 =	vadd.f32 v9, v23;
	vm1 =	vlt.f32 v62, $0.0e+00  }
0x26f: {  	s20 =	sadd.s32 $0x600, s1;
	[tilespmem:s13+$0xC880] =	vst v7;
	v22 =	vadd.f32 v22, v15;
	v23 =	vadd.f32 v19, v28;
	v29 =	vsel vm1, $0x3F800000, v0  }
0x270: {  	s8 =	sshra.s32 s20, $0x2;
	v47 =	vld [tilespmem:s11+$0xFFFFFE80];
	[tilespmem:s13+$0x12C80] =	vst v6;
	v39 =	vsub.f32 v57, v56;
	v16 =	vadd.f32 v16, v12;
	v58 =	vmul.f32 v29, v8  }
0x271: {  	[tilespmem:s8+$0xC800] =	vst v43;
	v42 =	vsub.f32 v59, v63;
	v10 =	vadd.f32 v10, v14;
	v30 =	vld [tilespmem:s19+$0x12C00];
	v8 =	vmul.f32 v8, v1  }
0x272: {  	s21 =	sadd.s32 $0x600, s16;
	v26 =	vld [tilespmem:s19+$0xC800];
	[tilespmem:s8+$0x12C00] =	vst v9;
	v20 =	vmul.f32 v23, v20;
	v33 =	vmul.f32 v16, v28;
	v60 =	vadd.f32 v58, v62  }
0x273: {  	s7 =	sshra.s32 s21, $0x2;
	[tilespmem:s8+$0xC780] =	vst v29;
	v16 =	vld [tilespmem:s11+$0xFFFFFF00];
	v19 =	vmul.f32 v10, v15;
	v28 =	vmul.f32 v10, v28;
	v61 =	vadd.f32 v8, v5  }
0x274: {  	v15 =	vadd.f32 v56, v57;
	v10 =	vld [tilespmem:s7+$0xC780];
	v8 =	vmul.f32 v41, v1;
	v5 =	vsel vm0, $0x3F800000, v0;
	[tilespmem:s8+$0x12B80] =	vst v60  }
0x275: {  	v62 =	vmul.f32 v22, v37;
	v22 =	vadd.f32 v21, v61;
	v21 =	vmul.f32 v5, v41;
	v36 =	vld [tilespmem:s7+$0x12B00]  }
0x276: {  	v41 =	vmul.f32 v23, v37;
	v6 =	vadd.f32 v6, v30;
	v37 =	vadd.f32 v63, v59;
	v23 =	vld [tilespmem:s7+$0x12B80]  }
0x277: {  	vm0 =	vlt.f32 v42, $0.0e+00;
	v63 =	vadd.f32 v20, v35;
	v20 =	vadd.f32 v7, v26  }
0x278: {  	s9 =	sadd.s32 $0x600, s20;
	v38 =	vadd.f32 v16, v47;
	v47 =	vsub.f32 v47, v16;
	v16 =	vsel vm0, $0x3F800000, v0  }
0x279: {  	s1 =	sor.u32 $0x20, s6;
	s13 =	sshra.s32 s9, $0x2;
	[tilespmem:s8+$0xC880] =	vst v5;
	v7 =	vld [tilespmem:s7+$0xC700];
	v48 =	vadd.f32 v62, v63;
	vm0 =	vlt.f32 v39, $0.0e+00;
	v43 =	vadd.f32 v43, v10  }
0x27a: {  	s10 =	simm.s32 $0x6;
	s2 =	sadd.s32 $0x600, s21;
	s11 =	sadd.s32 $0x300, s11;
	v49 =	vmul.f32 v16, v37;
	[tilespmem:s13+$0xC800] =	vst v16;
	vm1 =	vlt.f32 v47, $0.0e+00;
	v35 =	vadd.f32 v60, v36  }
.LBB2_41:
0x27b: {  	v50 =	vld [tilespmem:s11+$0xFFFFFE80];
	s10 =	sadd.s32 $0x3, s10;
	v51 =	vsel vm1, $0x3F800000, v0;
	v52 =	vadd.f32 v9, v23;
	v53 =	vmul.f32 v20, v14  }
0x27c: {  	v34 =	vadd.f32 v41, v34;
	v54 =	vld [tilespmem:s11+$0x0];
	p4 =	slt.u32 s10, $0x60;
	v55 =	vmul.f32 v51, v38;
	[tilespmem:s13+$0xC780] =	vst v51;
	v38 =	vmul.f32 v38, v1  }
0x27d: {  	v37 =	vmul.f32 v37, v1;
	v56 =	vadd.f32 v21, v25;
	v20 =	vmul.f32 v20, v12;
	v25 =	vmovc v39;
	v41 =	vld [tilespmem:s11+$0x100]  }
0x27e: {  	v9 =	vadd.f32 v49, v42;
	v42 =	vadd.f32 v19, v48;
	v12 =	vmovc v23;
	v21 =	vld [tilespmem:s11+$0x80];
	v39 =	vmul.f32 v52, v7  }
0x27f: {  	v19 =	vmul.f32 v43, v36;
	v23 =	vadd.f32 v28, v34;
	v52 =	vadd.f32 v55, v47;
	v48 =	vld [tilespmem:s11+$0xFFFFFF80];
	[tilespmem:s8+$0x12C80] =	vst v56;
	s8 =	smov.u32 s13  }
0x280: {  	v8 =	vadd.f32 v8, v22;
	v22 =	vadd.f32 v33, v42;
	v28 =	vmul.f32 v43, v7;
	[tilespmem:s8+$0x12C00] =	vst v9;
	v43 =	vld [tilespmem:s7+$0x12C00]  }
0x281: {  	v6 =	vmul.f32 v6, v14;
	v7 =	vadd.f32 v29, v7;
	s13 =	sshra.s32 s2, $0x2;
	v34 =	vadd.f32 v53, v23;
	v47 =	vld [tilespmem:s11+$0xFFFFFF00];
	[tilespmem:s8+$0x12B80] =	vst v52  }
0x282: {  	v38 =	vadd.f32 v38, v8;
	v8 =	vmul.f32 v15, v1;
	v29 =	vmovc v51;
	v3 =	vadd.f32 v20, v22;
	v36 =	vld [tilespmem:s13+$0x12B00]  }
0x283: {  	v51 =	vmul.f32 v35, v26;
	v49 =	vmul.f32 v7, v30;
	v33 =	vmovc v39;
	v20 =	vadd.f32 v41, v21;
	v35 =	vld [tilespmem:s7+$0xC800];
	s7 =	smov.u32 s13  }
0x284: {  	v14 =	vmovc v10;
	v53 =	vsel vm0, $0x3F800000, v0;
	v55 =	vadd.f32 v6, v3;
	v39 =	vsub.f32 v21, v41;
	v23 =	vld [tilespmem:s7+$0x12B80]  }
0x285: {  	s9 =	sadd.s32 $0x600, s9;
	v22 =	vadd.f32 v37, v38;
	v21 =	vmul.f32 v53, v15;
	v42 =	vsub.f32 v48, v54;
	v10 =	vld [tilespmem:s7+$0xC780];
	[tilespmem:s8+$0xC880] =	vst v53  }
.Ltmp25:
0x286: {  	v41 =	vmul.f32 v7, v26;
	v6 =	vadd.f32 v56, v43;
	v30 =	vmovc v43;
	v38 =	vadd.f32 v47, v50;
	(pc) =	sbr.rel @p4 .LBB2_41-.Ltmp25, $4  }
0x287: {  	s2 =	sadd.s32 $0x600, s2;
	s13 =	sshra.s32 s9, $0x2;
	v37 =	vadd.f32 v54, v48;
	v43 =	vadd.f32 v49, v55;
	v15 =	vmovc v20;
	vm0 =	vlt.f32 v42, $0.0e+00  }
0x288: {  	v47 =	vsub.f32 v50, v47;
	v50 =	vsel vm0, $0x3F800000, v0;
	v20 =	vadd.f32 v5, v35;
	v26 =	vmovc v35;
	v5 =	vmovc v53  }
0x289: {  	v48 =	vadd.f32 v51, v43;
	v49 =	vmul.f32 v50, v37;
	v35 =	vadd.f32 v52, v36;
	[tilespmem:s13+$0xC800] =	vst v50;
	v7 =	vld [tilespmem:s7+$0xC700]  }
0x28a: {  	s11 =	sadd.s32 $0x300, s11;
	vm0 =	vlt.f32 v39, $0.0e+00;
	vm1 =	vlt.f32 v47, $0.0e+00;
	v43 =	vadd.f32 v16, v10;
	v16 =	vmovc v50  }
0x28b: {  	v50 =	vsel vm1, $0x3F800000, v0;
	v21 =	vadd.f32 v21, v25  }
0x28c: {  	v25 =	vadd.f32 v49, v42;
	v42 =	vsel vm0, $0x3F800000, v0;
	v51 =	vmul.f32 v50, v38;
	[tilespmem:s13+$0xC780] =	vst v50  }
0x28d: {  	v58 =	vmul.f32 v42, v15;
	[tilespmem:s13+$0xC880] =	vst v42  }
0x28e: {  	[tilespmem:s8+$0x12C80] =	vst v21;
	v47 =	vadd.f32 v51, v47  }
0x28f: {  	[tilespmem:s13+$0x12C00] =	vst v25;
	v39 =	vadd.f32 v58, v39  }
0x290: {  	[tilespmem:s13+$0x12B80] =	vst v47  }
0x291: {  	v19 =	vadd.f32 v19, v48;
	[tilespmem:s13+$0x12C80] =	vst v39  }
0x292: {  	v59 =	vld [tilespmem:s12+$0x6320]  }
0x293: {  	v12 =	vmul.f32 v20, v12;
	v19 =	vadd.f32 v33, v19;
	v60 =	vld [tilespmem:s12+$0x63A0];
	_ =	sdelay $0x1  }
0x294: {  	v6 =	vmul.f32 v6, v14;
	v29 =	vadd.f32 v29, v7;
	v12 =	vadd.f32 v12, v19;
	_ =	sdelay $0x1  }
0x295: {  	s2 =	sshra.s32 s2, $0x2;
	v61 =	vld [tilespmem:s7+$0xC800];
	v30 =	vmul.f32 v29, v30;
	v6 =	vadd.f32 v6, v12  }
0x296: {  	v9 =	vadd.f32 v9, v23;
	v54 =	vld [tilespmem:s2+$0x12B80];
	v12 =	vsub.f32 v59, v60  }
0x297: {  	v14 =	vmul.f32 v20, v14;
	v63 =	vmul.f32 v35, v26;
	v55 =	vld [tilespmem:s2+$0xC780];
	v6 =	vadd.f32 v30, v6  }
0x298: {  	v20 =	vadd.f32 v41, v34;
	v19 =	vld [tilespmem:s7+$0x12C00];
	v3 =	vadd.f32 v60, v59;
	vm0 =	vlt.f32 v12, $0.0e+00  }
0x299: {  	v36 =	vmul.f32 v43, v36;
	v62 =	vld [tilespmem:s2+$0x12B00];
	v6 =	vadd.f32 v63, v6;
	v56 =	vsel vm0, $0x3F800000, v0  }
0x29a: {  	v20 =	vadd.f32 v28, v20;
	v28 =	vld [tilespmem:s2+$0xC700];
	[tilespmem:$0x1FE10] =	vst v3;
	v48 =	vmul.f32 v56, v3  }
0x29b: {  	v8 =	vadd.f32 v8, v22;
	v9 =	vmul.f32 v9, v7;
	v6 =	vadd.f32 v36, v6;
	v57 =	vld [tilespmem:s2+$0x12C00]  }
0x29c: {  	v5 =	vadd.f32 v5, v61;
	v3 =	vld [tilespmem:s2+$0xC800];
	[tilespmem:$0x1FE20] =	vst v56;
	v22 =	vadd.f32 v48, v12  }
0x29d: {  	v6 =	vadd.f32 v9, v6;
	[tilespmem:s3+$0xF9A0] =	vst v56  }
0x29e: {  	v12 =	vadd.f32 v14, v20;
	v14 =	vadd.f32 v21, v19;
	v20 =	vmul.f32 v5, v23;
	[tilespmem:$0x1FE30] =	vst v22  }
0x29f: {  	v9 =	vmul.f32 v29, v26;
	[tilespmem:s3+$0x15DA0] =	vst v22  }
0x2a0: {  	v23 =	vadd.f32 v50, v28;
	v14 =	vmul.f32 v14, v10;
	v6 =	vadd.f32 v20, v6;
	v22 =	vld [tilespmem:s0+$0xFFFFFE80]  }
0x2a1: {  	v7 =	vmul.f32 v43, v7;
	v30 =	vmul.f32 v38, v1;
	v9 =	vadd.f32 v9, v12;
	v20 =	vld [tilespmem:s0+$0x0]  }
0x2a2: {  	v19 =	vmul.f32 v23, v19;
	v12 =	vld [tilespmem:s0+$0xFFFFFF00];
	v6 =	vadd.f32 v14, v6  }
0x2a3: {  	v8 =	vadd.f32 v30, v8;
	v7 =	vadd.f32 v7, v9;
	v9 =	vld [tilespmem:s1+$0xC800]  }
0x2a4: {  	v37 =	vmul.f32 v37, v1;
	v21 =	vadd.f32 v47, v62;
	v6 =	vadd.f32 v19, v6;
	v19 =	vld [tilespmem:s1+$0x12C00]  }
0x2a5: {  	v15 =	vmul.f32 v15, v1;
	v25 =	vadd.f32 v25, v54;
	v5 =	vmul.f32 v5, v10;
	v14 =	vld [tilespmem:s0+$0xFFFFFF80]  }
0x2a6: {  	v16 =	vadd.f32 v16, v55;
	v8 =	vadd.f32 v37, v8;
	v21 =	vmul.f32 v21, v61  }
0x2a7: {  	v58 =	vadd.f32 v39, v57;
	[tilespmem:$0x1FE60] =	vst v3;
	v5 =	vadd.f32 v5, v7;
	v7 =	vmul.f32 v23, v61  }
0x2a8: {  	v10 =	vmul.f32 v25, v28;
	v23 =	vld [tilespmem:s6+$0xC830];
	v6 =	vadd.f32 v21, v6;
	v25 =	vsub.f32 v22, v12;
	[tilespmem:$0x1FE40] =	vst v9  }
0x2a9: {  	v21 =	vld [tilespmem:s6+$0x12C30];
	v5 =	vadd.f32 v7, v5;
	v12 =	vadd.f32 v12, v22;
	v9 =	vmul.f32 v16, v62;
	[tilespmem:$0x1FE50] =	vst v19  }
0x2aa: {  	v16 =	vmul.f32 v16, v28;
	v28 =	vsub.f32 v14, v20;
	v14 =	vadd.f32 v20, v14;
	v26 =	vld [tilespmem:s0+$0x100]  }
0x2ab: {  	s16 =	sadd.s32 $0x300, s0;
	vm0 =	vlt.f32 v25, $0.0e+00;
	v19 =	vadd.f32 v42, v3;
	v6 =	vadd.f32 v9, v6;
	v9 =	vld [tilespmem:s0+$0x80]  }
0x2ac: {  	vm1 =	vlt.f32 v28, $0.0e+00;
	v20 =	vsel vm0, $0x3F800000, v0;
	v5 =	vadd.f32 v16, v5;
	v22 =	vld [tilespmem:s16+$0x0]  }
0x2ad: {  	s19 =	sshra.s32 s30, $0x2;
	v3 =	vadd.f32 v15, v8;
	v29 =	vmul.f32 v20, v12;
	v30 =	vld [tilespmem:s16+$0x100];
	[tilespmem:$0x1FE70] =	vst v57;
	v7 =	vmul.f32 v19, v54  }
0x2ae: {  	v6 =	vadd.f32 v10, v6;
	v10 =	vsel vm1, $0x3F800000, v0;
	v59 =	vld [tilespmem:s16+$0xFFFFFF80];
	v19 =	vmul.f32 v19, v55;
	[tilespmem:s19+$0xC780] =	vst v20  }
0x2af: {  	v61 =	vld [tilespmem:s16+$0xFFFFFE80];
	[tilespmem:s19+$0xC800] =	vst v10;
	v29 =	vadd.f32 v29, v25  }
0x2b0: {  	v25 =	vmul.f32 v58, v55;
	v6 =	vadd.f32 v7, v6;
	v7 =	vld [tilespmem:s16+$0x80];
	[tilespmem:$0x1FE80] =	vst v3;
	v3 =	vadd.f32 v19, v5;
	_ =	sdelay $0x1  }
0x2b1: {  	v16 =	vmul.f32 v10, v14;
	[tilespmem:$0x1FE90] =	vst v3;
	v3 =	vadd.f32 v25, v6  }
0x2b2: {  	s20 =	sadd.s32 $0x6C0, s14;
	v5 =	vmul.f32 v12, v1;
	[tilespmem:s19+$0x12B80] =	vst v29  }
0x2b3: {  	s21 =	sshra.s32 s20, $0x2;
	v16 =	vadd.f32 v16, v28;
	v60 =	vsub.f32 v9, v26;
	v8 =	vld [tilespmem:s16+$0xFFFFFF00];
	[tilespmem:$0x1FEA0] =	vst v3  }
0x2b4: {  	v6 =	vadd.f32 v26, v9;
	v9 =	vmul.f32 v14, v1;
	v5 =	vadd.f32 v5, v32;
	v15 =	vld [tilespmem:s21+$0x12B00]  }
0x2b5: {  	s10 =	sadd.s32 $0x300, s16;
	v19 =	vsub.f32 v59, v22;
	v22 =	vadd.f32 v22, v59;
	vm0 =	vlt.f32 v60, $0.0e+00;
	v28 =	vld [tilespmem:s21+$0xC700]  }
0x2b6: {  	v26 =	vmul.f32 v6, v1;
	v5 =	vadd.f32 v9, v5;
	[tilespmem:s19+$0x12C00] =	vst v16;
	v41 =	vadd.f32 v30, v7;
	v57 =	vld [tilespmem:s10+$0x100]  }
0x2b7: {  	v25 =	vsub.f32 v7, v30;
	v7 =	vsel vm0, $0x3F800000, v0;
	vm0 =	vlt.f32 v19, $0.0e+00;
	v12 =	vld [tilespmem:s21+$0x12B80]  }
0x2b8: {  	v14 =	vld [tilespmem:s21+$0xC780];
	v6 =	vmul.f32 v7, v6;
	v43 =	vsel vm0, $0x3F800000, v0  }
0x2b9: {  	v58 =	vld [tilespmem:s10+$0x80];
	v5 =	vadd.f32 v26, v5;
	v9 =	vmul.f32 v43, v22;
	v62 =	vsub.f32 v61, v8  }
0x2ba: {  	v63 =	vld [tilespmem:s10+$0x0];
	vm0 =	vlt.f32 v25, $0.0e+00;
	v22 =	vmul.f32 v22, v1;
	v8 =	vadd.f32 v8, v61  }
0x2bb: {  	v6 =	vadd.f32 v6, v60;
	v60 =	vld [tilespmem:s10+$0xFFFFFF80];
	v9 =	vadd.f32 v9, v19;
	vm1 =	vlt.f32 v62, $0.0e+00  }
0x2bc: {  	s30 =	sadd.s32 $0x600, s30;
	[tilespmem:s19+$0xC880] =	vst v7;
	v56 =	vadd.f32 v29, v15;
	v20 =	vadd.f32 v20, v28;
	v29 =	vsel vm1, $0x3F800000, v0  }
0x2bd: {  	s7 =	sshra.s32 s30, $0x2;
	v47 =	vld [tilespmem:s10+$0xFFFFFE80];
	[tilespmem:s19+$0x12C80] =	vst v6;
	v10 =	vadd.f32 v10, v14;
	v16 =	vadd.f32 v16, v12;
	v59 =	vmul.f32 v29, v8  }
0x2be: {  	[tilespmem:s7+$0xC800] =	vst v43;
	v39 =	vsub.f32 v58, v57;
	v30 =	vld [tilespmem:s21+$0x12C00];
	v8 =	vmul.f32 v8, v1;
	v52 =	vmul.f32 v56, v23  }
0x2bf: {  	s2 =	sadd.s32 $0x600, s20;
	v26 =	vld [tilespmem:s21+$0xC800];
	[tilespmem:s7+$0x12C00] =	vst v9;
	v32 =	vmul.f32 v16, v28;
	v19 =	vmul.f32 v10, v15;
	v36 =	vadd.f32 v59, v62  }
0x2c0: {  	s1 =	sshra.s32 s2, $0x2;
	[tilespmem:s7+$0xC780] =	vst v29;
	v16 =	vld [tilespmem:s10+$0xFFFFFF00];
	v28 =	vmul.f32 v10, v28;
	v15 =	vadd.f32 v57, v58;
	v42 =	vsub.f32 v60, v63  }
0x2c1: {  	v10 =	vld [tilespmem:s1+$0xC780];
	v61 =	vadd.f32 v8, v5;
	v8 =	vmul.f32 v41, v1;
	v5 =	vsel vm0, $0x3F800000, v0;
	[tilespmem:s7+$0x12B80] =	vst v36  }
0x2c2: {  	v33 =	vadd.f32 v63, v60;
	v62 =	vmul.f32 v20, v21;
	v21 =	vmul.f32 v5, v41;
	v38 =	vld [tilespmem:s1+$0x12B00]  }
0x2c3: {  	v41 =	vmul.f32 v20, v23;
	v23 =	vld [tilespmem:s1+$0x12B80];
	v22 =	vadd.f32 v22, v61;
	v6 =	vadd.f32 v6, v30  }
0x2c4: {  	vm0 =	vlt.f32 v42, $0.0e+00;
	v63 =	vadd.f32 v62, v45;
	v20 =	vadd.f32 v7, v26  }
0x2c5: {  	s8 =	sadd.s32 $0x600, s30;
	v37 =	vadd.f32 v16, v47;
	v45 =	vsub.f32 v47, v16;
	v16 =	vsel vm0, $0x3F800000, v0  }
0x2c6: {  	s9 =	simm.s32 $0x6;
	s11 =	sshra.s32 s8, $0x2;
	[tilespmem:s7+$0xC880] =	vst v5;
	v7 =	vld [tilespmem:s1+$0xC700];
	v47 =	vadd.f32 v52, v63;
	vm0 =	vlt.f32 v39, $0.0e+00;
	v43 =	vadd.f32 v43, v10  }
0x2c7: {  	s2 =	sadd.s32 $0x600, s2;
	s0 =	sor.u32 $0x30, s6;
	s10 =	sadd.s32 $0x300, s10;
	v48 =	vmul.f32 v16, v33;
	[tilespmem:s11+$0xC800] =	vst v16;
	vm1 =	vlt.f32 v45, $0.0e+00;
	v36 =	vadd.f32 v36, v38  }
.LBB2_43:
0x2c8: {  	v49 =	vld [tilespmem:s10+$0xFFFFFE80];
	s9 =	sadd.s32 $0x3, s9;
	v50 =	vsel vm1, $0x3F800000, v0;
	v51 =	vadd.f32 v9, v23;
	v52 =	vmul.f32 v20, v14  }
0x2c9: {  	v41 =	vadd.f32 v41, v46;
	v53 =	vld [tilespmem:s10+$0x0];
	p4 =	slt.u32 s9, $0x60;
	v54 =	vmul.f32 v50, v37;
	[tilespmem:s11+$0xC780] =	vst v50;
	v37 =	vmul.f32 v37, v1  }
0x2ca: {  	v33 =	vmul.f32 v33, v1;
	v56 =	vadd.f32 v21, v25;
	v20 =	vmul.f32 v20, v12;
	v25 =	vmovc v39;
	v55 =	vld [tilespmem:s10+$0x100]  }
0x2cb: {  	v9 =	vadd.f32 v48, v42;
	v42 =	vadd.f32 v19, v47;
	v12 =	vmovc v23;
	v21 =	vld [tilespmem:s10+$0x80];
	v39 =	vmul.f32 v51, v7  }
0x2cc: {  	v19 =	vmul.f32 v43, v38;
	v23 =	vadd.f32 v28, v41;
	v51 =	vadd.f32 v54, v45;
	v47 =	vld [tilespmem:s10+$0xFFFFFF80];
	[tilespmem:s7+$0x12C80] =	vst v56;
	s7 =	smov.u32 s11  }
0x2cd: {  	v8 =	vadd.f32 v8, v22;
	v22 =	vadd.f32 v32, v42;
	v28 =	vmul.f32 v43, v7;
	[tilespmem:s7+$0x12C00] =	vst v9;
	v43 =	vld [tilespmem:s1+$0x12C00]  }
0x2ce: {  	v6 =	vmul.f32 v6, v14;
	v7 =	vadd.f32 v29, v7;
	s11 =	sshra.s32 s2, $0x2;
	v46 =	vadd.f32 v52, v23;
	v45 =	vld [tilespmem:s10+$0xFFFFFF00];
	[tilespmem:s7+$0x12B80] =	vst v51  }
0x2cf: {  	v37 =	vadd.f32 v37, v8;
	v8 =	vmul.f32 v15, v1;
	v29 =	vmovc v50;
	v3 =	vadd.f32 v20, v22;
	v38 =	vld [tilespmem:s11+$0x12B00]  }
0x2d0: {  	v50 =	vmul.f32 v36, v26;
	v48 =	vmul.f32 v7, v30;
	v32 =	vmovc v39;
	v20 =	vadd.f32 v55, v21;
	v36 =	vld [tilespmem:s1+$0xC800];
	s1 =	smov.u32 s11  }
0x2d1: {  	v14 =	vmovc v10;
	v52 =	vsel vm0, $0x3F800000, v0;
	v54 =	vadd.f32 v6, v3;
	v39 =	vsub.f32 v21, v55;
	v23 =	vld [tilespmem:s1+$0x12B80]  }
0x2d2: {  	s8 =	sadd.s32 $0x600, s8;
	v22 =	vadd.f32 v33, v37;
	v21 =	vmul.f32 v52, v15;
	v42 =	vsub.f32 v47, v53;
	v10 =	vld [tilespmem:s1+$0xC780];
	[tilespmem:s7+$0xC880] =	vst v52  }
.Ltmp26:
0x2d3: {  	v41 =	vmul.f32 v7, v26;
	v6 =	vadd.f32 v56, v43;
	v30 =	vmovc v43;
	v37 =	vadd.f32 v45, v49;
	(pc) =	sbr.rel @p4 .LBB2_43-.Ltmp26, $4  }
0x2d4: {  	s2 =	sadd.s32 $0x600, s2;
	s11 =	sshra.s32 s8, $0x2;
	v33 =	vadd.f32 v53, v47;
	v43 =	vadd.f32 v48, v54;
	v15 =	vmovc v20;
	vm0 =	vlt.f32 v42, $0.0e+00  }
0x2d5: {  	v45 =	vsub.f32 v49, v45;
	v49 =	vsel vm0, $0x3F800000, v0;
	v20 =	vadd.f32 v5, v36;
	v26 =	vmovc v36;
	v5 =	vmovc v52  }
0x2d6: {  	v47 =	vadd.f32 v50, v43;
	v48 =	vmul.f32 v49, v33;
	v36 =	vadd.f32 v51, v38;
	[tilespmem:s11+$0xC800] =	vst v49;
	v7 =	vld [tilespmem:s1+$0xC700]  }
0x2d7: {  	s10 =	sadd.s32 $0x300, s10;
	vm0 =	vlt.f32 v39, $0.0e+00;
	vm1 =	vlt.f32 v45, $0.0e+00;
	v43 =	vadd.f32 v16, v10;
	v16 =	vmovc v49  }
0x2d8: {  	v49 =	vsel vm1, $0x3F800000, v0  }
0x2d9: {  	v21 =	vadd.f32 v21, v25;
	v53 =	vsel vm0, $0x3F800000, v0;
	v50 =	vmul.f32 v49, v37;
	[tilespmem:s11+$0xC780] =	vst v49  }
0x2da: {  	v25 =	vadd.f32 v48, v42;
	v55 =	vmul.f32 v53, v15;
	[tilespmem:s11+$0xC880] =	vst v53  }
0x2db: {  	[tilespmem:s7+$0x12C80] =	vst v21;
	v54 =	vadd.f32 v50, v45  }
0x2dc: {  	[tilespmem:s11+$0x12C00] =	vst v25;
	v39 =	vadd.f32 v55, v39  }
0x2dd: {  	[tilespmem:s11+$0x12B80] =	vst v54  }
0x2de: {  	v19 =	vadd.f32 v19, v47;
	[tilespmem:s11+$0x12C80] =	vst v39  }
0x2df: {  	v56 =	vld [tilespmem:s12+$0x6330]  }
0x2e0: {  	v12 =	vmul.f32 v20, v12;
	v19 =	vadd.f32 v32, v19;
	v57 =	vld [tilespmem:s12+$0x63B0];
	_ =	sdelay $0x1  }
0x2e1: {  	v6 =	vmul.f32 v6, v14;
	v29 =	vadd.f32 v29, v7;
	v12 =	vadd.f32 v12, v19;
	_ =	sdelay $0x1  }
0x2e2: {  	v30 =	vmul.f32 v29, v30;
	v6 =	vadd.f32 v6, v12  }
0x2e3: {  	v9 =	vadd.f32 v9, v23;
	s2 =	sshra.s32 s2, $0x2;
	v58 =	vld [tilespmem:s1+$0xC800];
	v12 =	vsub.f32 v56, v57  }
0x2e4: {  	v14 =	vmul.f32 v20, v14;
	v36 =	vmul.f32 v36, v26;
	v60 =	vld [tilespmem:s2+$0x12B80];
	v6 =	vadd.f32 v30, v6  }
0x2e5: {  	v20 =	vadd.f32 v41, v46;
	v62 =	vld [tilespmem:s2+$0xC780];
	v3 =	vadd.f32 v57, v56;
	vm0 =	vlt.f32 v12, $0.0e+00  }
0x2e6: {  	v61 =	vmul.f32 v43, v38;
	v19 =	vld [tilespmem:s1+$0x12C00];
	v6 =	vadd.f32 v36, v6;
	v46 =	vsel vm0, $0x3F800000, v0  }
0x2e7: {  	v8 =	vadd.f32 v8, v22;
	v59 =	vld [tilespmem:s2+$0x12B00];
	v63 =	vmul.f32 v46, v3  }
0x2e8: {  	v20 =	vadd.f32 v28, v20;
	v9 =	vmul.f32 v9, v7;
	v28 =	vld [tilespmem:s2+$0xC700];
	v6 =	vadd.f32 v61, v6;
	[tilespmem:$0x1FD90] =	vst v3  }
0x2e9: {  	v5 =	vadd.f32 v5, v58;
	v45 =	vld [tilespmem:s2+$0xC800];
	v22 =	vadd.f32 v63, v12  }
0x2ea: {  	v6 =	vadd.f32 v9, v6;
	v3 =	vld [tilespmem:s2+$0x12C00];
	[tilespmem:s3+$0xF9B0] =	vst v46  }
0x2eb: {  	v12 =	vadd.f32 v14, v20;
	v14 =	vadd.f32 v21, v19;
	v20 =	vmul.f32 v5, v23;
	[tilespmem:$0x1FDA0] =	vst v22  }
0x2ec: {  	v9 =	vmul.f32 v29, v26;
	[tilespmem:s3+$0x15DB0] =	vst v22  }
0x2ed: {  	v23 =	vadd.f32 v49, v28;
	v14 =	vmul.f32 v14, v10;
	v6 =	vadd.f32 v20, v6;
	v22 =	vld [tilespmem:s31+$0xFFFFFE80]  }
0x2ee: {  	v7 =	vmul.f32 v43, v7;
	v30 =	vmul.f32 v37, v1;
	v9 =	vadd.f32 v9, v12;
	v20 =	vld [tilespmem:s31+$0x0]  }
0x2ef: {  	v19 =	vmul.f32 v23, v19;
	v12 =	vld [tilespmem:s31+$0xFFFFFF00];
	v6 =	vadd.f32 v14, v6  }
0x2f0: {  	v8 =	vadd.f32 v30, v8;
	v7 =	vadd.f32 v7, v9;
	v9 =	vld [tilespmem:s0+$0xC800]  }
0x2f1: {  	v33 =	vmul.f32 v33, v1;
	v21 =	vadd.f32 v54, v59;
	v6 =	vadd.f32 v19, v6;
	v19 =	vld [tilespmem:s0+$0x12C00]  }
0x2f2: {  	v15 =	vmul.f32 v15, v1;
	v25 =	vadd.f32 v25, v60;
	v5 =	vmul.f32 v5, v10;
	v14 =	vld [tilespmem:s31+$0xFFFFFF80]  }
0x2f3: {  	v16 =	vadd.f32 v16, v62;
	v8 =	vadd.f32 v33, v8;
	v21 =	vmul.f32 v21, v58  }
0x2f4: {  	v49 =	vadd.f32 v39, v3;
	v5 =	vadd.f32 v5, v7;
	v7 =	vmul.f32 v23, v58  }
0x2f5: {  	v10 =	vmul.f32 v25, v28;
	v23 =	vld [tilespmem:s6+$0xC840];
	v6 =	vadd.f32 v21, v6;
	v25 =	vsub.f32 v22, v12;
	[tilespmem:$0x1FDB0] =	vst v9  }
0x2f6: {  	v21 =	vld [tilespmem:s6+$0x12C40];
	v5 =	vadd.f32 v7, v5;
	v12 =	vadd.f32 v12, v22;
	v9 =	vmul.f32 v16, v59;
	[tilespmem:$0x1FDC0] =	vst v19  }
0x2f7: {  	v16 =	vmul.f32 v16, v28;
	v28 =	vsub.f32 v14, v20;
	v14 =	vadd.f32 v20, v14;
	v26 =	vld [tilespmem:s31+$0x100]  }
0x2f8: {  	s20 =	sadd.s32 $0x300, s31;
	vm0 =	vlt.f32 v25, $0.0e+00;
	v19 =	vadd.f32 v53, v45;
	v6 =	vadd.f32 v9, v6;
	v9 =	vld [tilespmem:s31+$0x80]  }
0x2f9: {  	vm1 =	vlt.f32 v28, $0.0e+00;
	v20 =	vsel vm0, $0x3F800000, v0;
	v5 =	vadd.f32 v16, v5;
	v22 =	vld [tilespmem:s20+$0x0]  }
0x2fa: {  	s21 =	sshra.s32 s28, $0x2;
	v29 =	vmul.f32 v20, v12;
	v30 =	vld [tilespmem:s20+$0x100];
	[tilespmem:$0x1FDD0] =	vst v3;
	v3 =	vadd.f32 v15, v8;
	v7 =	vmul.f32 v19, v60  }
0x2fb: {  	v6 =	vadd.f32 v10, v6;
	v10 =	vsel vm1, $0x3F800000, v0;
	v50 =	vld [tilespmem:s20+$0xFFFFFF80];
	v19 =	vmul.f32 v19, v62;
	[tilespmem:s21+$0xC780] =	vst v20  }
0x2fc: {  	v52 =	vld [tilespmem:s20+$0xFFFFFE80];
	[tilespmem:s21+$0xC800] =	vst v10;
	v25 =	vadd.f32 v29, v25  }
0x2fd: {  	v29 =	vmul.f32 v49, v62;
	v6 =	vadd.f32 v7, v6;
	v7 =	vld [tilespmem:s20+$0x80];
	[tilespmem:$0x1FDE0] =	vst v3;
	v3 =	vadd.f32 v19, v5;
	_ =	sdelay $0x1  }
0x2fe: {  	[tilespmem:$0x1FDF0] =	vst v3;
	v3 =	vadd.f32 v29, v6  }
0x2ff: {  	s30 =	sadd.s32 $0x700, s14;
	v5 =	vmul.f32 v12, v1;
	[tilespmem:s21+$0x12B80] =	vst v25  }
0x300: {  	s8 =	sshra.s32 s30, $0x2;
	v8 =	vld [tilespmem:s20+$0xFFFFFF00];
	[tilespmem:$0x1FE00] =	vst v3  }
0x301: {  	v5 =	vadd.f32 v5, v24;
	v15 =	vld [tilespmem:s8+$0x12B00]  }
0x302: {  	s10 =	sadd.s32 $0x300, s20;
	v16 =	vmul.f32 v10, v14;
	v37 =	vadd.f32 v30, v7;
	v24 =	vsub.f32 v7, v30;
	v30 =	vld [tilespmem:s8+$0xC700]  }
0x303: {  	v51 =	vsub.f32 v9, v26;
	v6 =	vadd.f32 v26, v9;
	v56 =	vld [tilespmem:s10+$0x0]  }
0x304: {  	v16 =	vadd.f32 v16, v28;
	v9 =	vmul.f32 v14, v1;
	v19 =	vsub.f32 v50, v22;
	v58 =	vld [tilespmem:s10+$0x100]  }
0x305: {  	v22 =	vadd.f32 v22, v50;
	vm0 =	vlt.f32 v51, $0.0e+00;
	v26 =	vmul.f32 v6, v1;
	v59 =	vld [tilespmem:s10+$0x80]  }
0x306: {  	v5 =	vadd.f32 v9, v5;
	[tilespmem:s21+$0x12C00] =	vst v16;
	v7 =	vsel vm0, $0x3F800000, v0;
	vm0 =	vlt.f32 v19, $0.0e+00;
	v60 =	vld [tilespmem:s10+$0xFFFFFF80]  }
0x307: {  	v12 =	vld [tilespmem:s8+$0x12B80];
	v6 =	vmul.f32 v7, v6;
	v54 =	vsel vm0, $0x3F800000, v0  }
0x308: {  	v14 =	vld [tilespmem:s8+$0xC780];
	v5 =	vadd.f32 v26, v5;
	v9 =	vmul.f32 v54, v22;
	v53 =	vsub.f32 v52, v8  }
0x309: {  	vm0 =	vlt.f32 v24, $0.0e+00;
	v22 =	vmul.f32 v22, v1;
	v8 =	vadd.f32 v8, v52  }
0x30a: {  	v6 =	vadd.f32 v6, v51;
	v9 =	vadd.f32 v9, v19;
	vm1 =	vlt.f32 v53, $0.0e+00  }
0x30b: {  	s31 =	sadd.s32 $0x600, s28;
	[tilespmem:s21+$0xC880] =	vst v7;
	v57 =	vadd.f32 v25, v15;
	v20 =	vadd.f32 v20, v30;
	v28 =	vsel vm1, $0x3F800000, v0  }
0x30c: {  	s7 =	sshra.s32 s31, $0x2;
	v55 =	vld [tilespmem:s10+$0xFFFFFE80];
	[tilespmem:s21+$0x12C80] =	vst v6;
	v39 =	vsub.f32 v59, v58;
	v16 =	vadd.f32 v16, v12;
	v25 =	vmul.f32 v28, v8  }
0x30d: {  	s2 =	sadd.s32 $0x600, s30;
	[tilespmem:s7+$0xC800] =	vst v54;
	v42 =	vsub.f32 v60, v56;
	v10 =	vadd.f32 v10, v14;
	v29 =	vld [tilespmem:s8+$0x12C00];
	v8 =	vmul.f32 v8, v1  }
0x30e: {  	s1 =	sshra.s32 s2, $0x2;
	[tilespmem:s7+$0x12C00] =	vst v9;
	v63 =	vmul.f32 v20, v21;
	v38 =	vmul.f32 v16, v30;
	v16 =	vld [tilespmem:s10+$0xFFFFFF00];
	v61 =	vadd.f32 v25, v53  }
0x30f: {  	v33 =	vadd.f32 v56, v60;
	[tilespmem:s7+$0xC780] =	vst v28;
	v19 =	vmul.f32 v10, v15;
	v26 =	vmul.f32 v10, v30;
	v10 =	vld [tilespmem:s1+$0xC780]  }
0x310: {  	v51 =	vmul.f32 v57, v23;
	v41 =	vmul.f32 v20, v23;
	v62 =	vadd.f32 v8, v5;
	v25 =	vld [tilespmem:s8+$0xC800];
	[tilespmem:s7+$0x12B80] =	vst v61  }
0x311: {  	v15 =	vadd.f32 v58, v59;
	v8 =	vmul.f32 v37, v1;
	v44 =	vadd.f32 v63, v44;
	v30 =	vld [tilespmem:s1+$0x12B00]  }
0x312: {  	v23 =	vld [tilespmem:s1+$0x12B80];
	v5 =	vsel vm0, $0x3F800000, v0;
	vm0 =	vlt.f32 v42, $0.0e+00;
	v22 =	vadd.f32 v22, v62  }
0x313: {  	v21 =	vmul.f32 v5, v37;
	v6 =	vadd.f32 v6, v29;
	v44 =	vadd.f32 v51, v44  }
0x314: {  	s8 =	sadd.s32 $0x600, s31;
	v37 =	vadd.f32 v16, v55;
	v32 =	vsub.f32 v55, v16;
	v16 =	vsel vm0, $0x3F800000, v0  }
0x315: {  	s9 =	simm.s32 $0x6;
	[tilespmem:s7+$0xC880] =	vst v5;
	s11 =	sshra.s32 s8, $0x2;
	vm0 =	vlt.f32 v39, $0.0e+00;
	v43 =	vadd.f32 v54, v10;
	v20 =	vadd.f32 v7, v25;
	v7 =	vld [tilespmem:s1+$0xC700]  }
0x316: {  	s2 =	sadd.s32 $0x600, s2;
	s0 =	sor.u32 $0x40, s6;
	s10 =	sadd.s32 $0x300, s10;
	v47 =	vmul.f32 v16, v33;
	[tilespmem:s11+$0xC800] =	vst v16;
	vm1 =	vlt.f32 v32, $0.0e+00;
	v36 =	vadd.f32 v61, v30  }
.LBB2_45:
0x317: {  	v48 =	vld [tilespmem:s10+$0xFFFFFE80];
	s9 =	sadd.s32 $0x3, s9;
	v49 =	vsel vm1, $0x3F800000, v0;
	v50 =	vadd.f32 v9, v23;
	v51 =	vmul.f32 v20, v14  }
0x318: {  	v40 =	vadd.f32 v41, v40;
	v52 =	vld [tilespmem:s10+$0x0];
	p4 =	slt.u32 s9, $0x60;
	v53 =	vmul.f32 v49, v37;
	[tilespmem:s11+$0xC780] =	vst v49;
	v37 =	vmul.f32 v37, v1  }
0x319: {  	v33 =	vmul.f32 v33, v1;
	v54 =	vadd.f32 v21, v24;
	v20 =	vmul.f32 v20, v12;
	v24 =	vmovc v39;
	v41 =	vld [tilespmem:s10+$0x100]  }
0x31a: {  	v9 =	vadd.f32 v47, v42;
	v42 =	vadd.f32 v19, v44;
	v12 =	vmovc v23;
	v21 =	vld [tilespmem:s10+$0x80];
	v39 =	vmul.f32 v50, v7  }
0x31b: {  	v19 =	vmul.f32 v43, v30;
	v23 =	vadd.f32 v26, v40;
	v50 =	vadd.f32 v53, v32;
	v44 =	vld [tilespmem:s10+$0xFFFFFF80];
	[tilespmem:s7+$0x12C80] =	vst v54;
	s7 =	smov.u32 s11  }
0x31c: {  	v8 =	vadd.f32 v8, v22;
	v22 =	vadd.f32 v38, v42;
	v26 =	vmul.f32 v43, v7;
	[tilespmem:s7+$0x12C00] =	vst v9;
	v32 =	vld [tilespmem:s1+$0x12C00]  }
0x31d: {  	v6 =	vmul.f32 v6, v14;
	v7 =	vadd.f32 v28, v7;
	s11 =	sshra.s32 s2, $0x2;
	v40 =	vadd.f32 v51, v23;
	v43 =	vld [tilespmem:s10+$0xFFFFFF00];
	[tilespmem:s7+$0x12B80] =	vst v50  }
0x31e: {  	v37 =	vadd.f32 v37, v8;
	v8 =	vmul.f32 v15, v1;
	v28 =	vmovc v49;
	v3 =	vadd.f32 v20, v22;
	v30 =	vld [tilespmem:s11+$0x12B00]  }
0x31f: {  	v49 =	vmul.f32 v36, v25;
	v47 =	vmul.f32 v7, v29;
	v38 =	vmovc v39;
	v20 =	vadd.f32 v41, v21;
	v36 =	vld [tilespmem:s1+$0xC800];
	s1 =	smov.u32 s11  }
0x320: {  	v14 =	vmovc v10;
	v51 =	vsel vm0, $0x3F800000, v0;
	v53 =	vadd.f32 v6, v3;
	v39 =	vsub.f32 v21, v41;
	v23 =	vld [tilespmem:s1+$0x12B80]  }
0x321: {  	s8 =	sadd.s32 $0x600, s8;
	v22 =	vadd.f32 v33, v37;
	v21 =	vmul.f32 v51, v15;
	v42 =	vsub.f32 v44, v52;
	v10 =	vld [tilespmem:s1+$0xC780];
	[tilespmem:s7+$0xC880] =	vst v51  }
.Ltmp27:
0x322: {  	v41 =	vmul.f32 v7, v25;
	v6 =	vadd.f32 v54, v32;
	v29 =	vmovc v32;
	v37 =	vadd.f32 v43, v48;
	(pc) =	sbr.rel @p4 .LBB2_45-.Ltmp27, $4  }
0x323: {  	s2 =	sadd.s32 $0x600, s2;
	s11 =	sshra.s32 s8, $0x2;
	v33 =	vadd.f32 v52, v44;
	v44 =	vadd.f32 v47, v53;
	v15 =	vmovc v20;
	vm0 =	vlt.f32 v42, $0.0e+00  }
0x324: {  	v32 =	vsub.f32 v48, v43;
	v48 =	vsel vm0, $0x3F800000, v0;
	v20 =	vadd.f32 v5, v36;
	v25 =	vmovc v36;
	v5 =	vmovc v51  }
0x325: {  	v44 =	vadd.f32 v49, v44;
	v47 =	vmul.f32 v48, v33;
	v36 =	vadd.f32 v50, v30;
	[tilespmem:s11+$0xC800] =	vst v48;
	v7 =	vld [tilespmem:s1+$0xC700]  }
0x326: {  	s10 =	sadd.s32 $0x300, s10;
	vm0 =	vlt.f32 v39, $0.0e+00;
	vm1 =	vlt.f32 v32, $0.0e+00;
	v43 =	vadd.f32 v16, v10;
	v16 =	vmovc v48  }
0x327: {  	v48 =	vsel vm1, $0x3F800000, v0  }
0x328: {  	v21 =	vadd.f32 v21, v24;
	v52 =	vsel vm0, $0x3F800000, v0;
	v49 =	vmul.f32 v48, v37;
	[tilespmem:s11+$0xC780] =	vst v48  }
0x329: {  	v42 =	vadd.f32 v47, v42;
	v24 =	vmul.f32 v52, v15;
	[tilespmem:s11+$0xC880] =	vst v52  }
0x32a: {  	[tilespmem:s7+$0x12C80] =	vst v21;
	v32 =	vadd.f32 v49, v32  }
0x32b: {  	[tilespmem:s11+$0x12C00] =	vst v42;
	v39 =	vadd.f32 v24, v39  }
0x32c: {  	[tilespmem:s11+$0x12B80] =	vst v32  }
0x32d: {  	v19 =	vadd.f32 v19, v44;
	[tilespmem:s11+$0x12C80] =	vst v39  }
0x32e: {  	v24 =	vld [tilespmem:s12+$0x6340]  }
0x32f: {  	v12 =	vmul.f32 v20, v12;
	v19 =	vadd.f32 v38, v19;
	v53 =	vld [tilespmem:s12+$0x63C0];
	_ =	sdelay $0x1  }
0x330: {  	v6 =	vmul.f32 v6, v14;
	v28 =	vadd.f32 v28, v7;
	v12 =	vadd.f32 v12, v19;
	_ =	sdelay $0x1  }
0x331: {  	v29 =	vmul.f32 v28, v29;
	v6 =	vadd.f32 v6, v12  }
0x332: {  	v9 =	vadd.f32 v9, v23;
	s2 =	sshra.s32 s2, $0x2;
	v54 =	vld [tilespmem:s1+$0xC800];
	v12 =	vsub.f32 v24, v53  }
0x333: {  	v14 =	vmul.f32 v20, v14;
	v36 =	vmul.f32 v36, v25;
	v56 =	vld [tilespmem:s2+$0x12B80];
	v6 =	vadd.f32 v29, v6  }
0x334: {  	v20 =	vadd.f32 v41, v40;
	v57 =	vld [tilespmem:s2+$0xC780];
	v3 =	vadd.f32 v53, v24;
	vm0 =	vlt.f32 v12, $0.0e+00  }
0x335: {  	v30 =	vmul.f32 v43, v30;
	v19 =	vld [tilespmem:s1+$0x12C00];
	v6 =	vadd.f32 v36, v6;
	v44 =	vsel vm0, $0x3F800000, v0  }
0x336: {  	v8 =	vadd.f32 v8, v22;
	v55 =	vld [tilespmem:s2+$0x12B00];
	v58 =	vmul.f32 v44, v3  }
0x337: {  	v20 =	vadd.f32 v26, v20;
	v9 =	vmul.f32 v9, v7;
	v26 =	vld [tilespmem:s2+$0xC700];
	v6 =	vadd.f32 v30, v6;
	[tilespmem:$0x1FD10] =	vst v3  }
0x338: {  	v5 =	vadd.f32 v5, v54;
	v40 =	vld [tilespmem:s2+$0xC800];
	v22 =	vadd.f32 v58, v12  }
0x339: {  	v6 =	vadd.f32 v9, v6;
	v3 =	vld [tilespmem:s2+$0x12C00];
	[tilespmem:s3+$0xF9C0] =	vst v44  }
0x33a: {  	v12 =	vadd.f32 v14, v20;
	v14 =	vadd.f32 v21, v19;
	v20 =	vmul.f32 v5, v23;
	[tilespmem:$0x1FD20] =	vst v22  }
0x33b: {  	v9 =	vmul.f32 v28, v25;
	[tilespmem:s3+$0x15DC0] =	vst v22  }
0x33c: {  	v23 =	vadd.f32 v48, v26;
	v14 =	vmul.f32 v14, v10;
	v6 =	vadd.f32 v20, v6;
	v22 =	vld [tilespmem:s29+$0xFFFFFE80]  }
0x33d: {  	v7 =	vmul.f32 v43, v7;
	v29 =	vmul.f32 v37, v1;
	v9 =	vadd.f32 v9, v12;
	v20 =	vld [tilespmem:s29+$0x0]  }
0x33e: {  	v19 =	vmul.f32 v23, v19;
	v12 =	vld [tilespmem:s29+$0xFFFFFF00];
	v6 =	vadd.f32 v14, v6  }
0x33f: {  	v8 =	vadd.f32 v29, v8;
	v7 =	vadd.f32 v7, v9;
	v9 =	vld [tilespmem:s0+$0xC800]  }
0x340: {  	v33 =	vmul.f32 v33, v1;
	v21 =	vadd.f32 v32, v55;
	v6 =	vadd.f32 v19, v6;
	v19 =	vld [tilespmem:s0+$0x12C00]  }
0x341: {  	v15 =	vmul.f32 v15, v1;
	v16 =	vadd.f32 v16, v57;
	v5 =	vmul.f32 v5, v10;
	v14 =	vld [tilespmem:s29+$0xFFFFFF80]  }
0x342: {  	v8 =	vadd.f32 v33, v8;
	v25 =	vadd.f32 v42, v56;
	v21 =	vmul.f32 v21, v54  }
0x343: {  	v59 =	vadd.f32 v39, v3;
	v5 =	vadd.f32 v5, v7;
	v7 =	vmul.f32 v23, v54  }
0x344: {  	v10 =	vmul.f32 v25, v26;
	v23 =	vld [tilespmem:s6+$0xC850];
	v6 =	vadd.f32 v21, v6;
	v25 =	vsub.f32 v22, v12;
	[tilespmem:$0x1FD30] =	vst v9  }
0x345: {  	v21 =	vld [tilespmem:s6+$0x12C50];
	v5 =	vadd.f32 v7, v5;
	v12 =	vadd.f32 v12, v22;
	v9 =	vmul.f32 v16, v55;
	[tilespmem:$0x1FD40] =	vst v19  }
0x346: {  	v16 =	vmul.f32 v16, v26;
	v28 =	vsub.f32 v14, v20;
	v14 =	vadd.f32 v20, v14;
	v26 =	vld [tilespmem:s29+$0x100]  }
0x347: {  	s28 =	sadd.s32 $0x300, s29;
	vm0 =	vlt.f32 v25, $0.0e+00;
	v19 =	vadd.f32 v52, v40;
	v6 =	vadd.f32 v9, v6;
	v9 =	vld [tilespmem:s29+$0x80]  }
0x348: {  	vm1 =	vlt.f32 v28, $0.0e+00;
	v20 =	vsel vm0, $0x3F800000, v0;
	v5 =	vadd.f32 v16, v5;
	v22 =	vld [tilespmem:s28+$0x0]  }
0x349: {  	v29 =	vmul.f32 v20, v12;
	v30 =	vld [tilespmem:s28+$0x100];
	[tilespmem:$0x1FD50] =	vst v3;
	s29 =	sshra.s32 s25, $0x2;
	v3 =	vadd.f32 v15, v8;
	v7 =	vmul.f32 v19, v56  }
0x34a: {  	v6 =	vadd.f32 v10, v6;
	v10 =	vsel vm1, $0x3F800000, v0;
	v60 =	vld [tilespmem:s28+$0xFFFFFF80];
	v19 =	vmul.f32 v19, v57;
	[tilespmem:s29+$0xC780] =	vst v20  }
0x34b: {  	v62 =	vld [tilespmem:s28+$0xFFFFFE80];
	[tilespmem:s29+$0xC800] =	vst v10;
	v25 =	vadd.f32 v29, v25  }
0x34c: {  	v29 =	vmul.f32 v59, v57;
	v6 =	vadd.f32 v7, v6;
	v7 =	vld [tilespmem:s28+$0x80];
	[tilespmem:$0x1FD60] =	vst v3;
	v3 =	vadd.f32 v19, v5;
	_ =	sdelay $0x1  }
0x34d: {  	[tilespmem:$0x1FD70] =	vst v3;
	v3 =	vadd.f32 v29, v6  }
0x34e: {  	s30 =	sadd.s32 $0x740, s14;
	v5 =	vmul.f32 v12, v1;
	[tilespmem:s29+$0x12B80] =	vst v25  }
0x34f: {  	s8 =	sshra.s32 s30, $0x2;
	v8 =	vld [tilespmem:s28+$0xFFFFFF00];
	[tilespmem:$0x1FD80] =	vst v3  }
0x350: {  	v5 =	vadd.f32 v5, v18;
	v15 =	vld [tilespmem:s8+$0x12B00]  }
0x351: {  	s10 =	sadd.s32 $0x300, s28;
	v16 =	vmul.f32 v10, v14;
	v63 =	vadd.f32 v30, v7;
	v18 =	vsub.f32 v7, v30;
	v30 =	vld [tilespmem:s8+$0xC700]  }
0x352: {  	v61 =	vsub.f32 v9, v26;
	v6 =	vadd.f32 v26, v9;
	v56 =	vld [tilespmem:s10+$0x0]  }
0x353: {  	v16 =	vadd.f32 v16, v28;
	v9 =	vmul.f32 v14, v1;
	v19 =	vsub.f32 v60, v22;
	v58 =	vld [tilespmem:s10+$0x100]  }
0x354: {  	v22 =	vadd.f32 v22, v60;
	vm0 =	vlt.f32 v61, $0.0e+00;
	v26 =	vmul.f32 v6, v1;
	v59 =	vld [tilespmem:s10+$0x80]  }
0x355: {  	v5 =	vadd.f32 v9, v5;
	[tilespmem:s29+$0x12C00] =	vst v16;
	v7 =	vsel vm0, $0x3F800000, v0;
	vm0 =	vlt.f32 v19, $0.0e+00;
	v60 =	vld [tilespmem:s10+$0xFFFFFF80]  }
0x356: {  	v12 =	vld [tilespmem:s8+$0x12B80];
	v6 =	vmul.f32 v7, v6;
	v54 =	vsel vm0, $0x3F800000, v0  }
0x357: {  	v14 =	vld [tilespmem:s8+$0xC780];
	v5 =	vadd.f32 v26, v5;
	v9 =	vmul.f32 v54, v22;
	v53 =	vsub.f32 v62, v8  }
0x358: {  	vm0 =	vlt.f32 v18, $0.0e+00;
	v22 =	vmul.f32 v22, v1;
	v8 =	vadd.f32 v8, v62  }
0x359: {  	v6 =	vadd.f32 v6, v61;
	v9 =	vadd.f32 v9, v19;
	vm1 =	vlt.f32 v53, $0.0e+00  }
0x35a: {  	s31 =	sadd.s32 $0x600, s25;
	[tilespmem:s29+$0xC880] =	vst v7;
	v57 =	vadd.f32 v25, v15;
	v20 =	vadd.f32 v20, v30;
	v28 =	vsel vm1, $0x3F800000, v0  }
0x35b: {  	s7 =	sshra.s32 s31, $0x2;
	v55 =	vld [tilespmem:s10+$0xFFFFFE80];
	[tilespmem:s29+$0x12C80] =	vst v6;
	v37 =	vsub.f32 v59, v58;
	v16 =	vadd.f32 v16, v12;
	v25 =	vmul.f32 v28, v8  }
0x35c: {  	s2 =	sadd.s32 $0x600, s30;
	[tilespmem:s7+$0xC800] =	vst v54;
	v41 =	vsub.f32 v60, v56;
	v10 =	vadd.f32 v10, v14;
	v29 =	vld [tilespmem:s8+$0x12C00];
	v8 =	vmul.f32 v8, v1  }
0x35d: {  	s1 =	sshra.s32 s2, $0x2;
	[tilespmem:s7+$0x12C00] =	vst v9;
	v50 =	vmul.f32 v20, v21;
	v38 =	vmul.f32 v16, v30;
	v16 =	vld [tilespmem:s10+$0xFFFFFF00];
	v61 =	vadd.f32 v25, v53  }
0x35e: {  	v33 =	vadd.f32 v56, v60;
	[tilespmem:s7+$0xC780] =	vst v28;
	v19 =	vmul.f32 v10, v15;
	v26 =	vmul.f32 v10, v30;
	v10 =	vld [tilespmem:s1+$0xC780]  }
0x35f: {  	v51 =	vmul.f32 v57, v23;
	v62 =	vadd.f32 v8, v5;
	v25 =	vld [tilespmem:s8+$0xC800];
	v5 =	vsel vm0, $0x3F800000, v0;
	[tilespmem:s7+$0x12B80] =	vst v61  }
0x360: {  	v8 =	vmul.f32 v63, v1;
	v21 =	vmul.f32 v5, v63;
	v63 =	vadd.f32 v50, v31;
	v30 =	vld [tilespmem:s1+$0x12B00]  }
0x361: {  	v39 =	vmul.f32 v20, v23;
	v23 =	vld [tilespmem:s1+$0x12B80];
	v15 =	vadd.f32 v58, v59;
	v22 =	vadd.f32 v22, v62  }
0x362: {  	vm0 =	vlt.f32 v41, $0.0e+00;
	v6 =	vadd.f32 v6, v29;
	v43 =	vadd.f32 v51, v63  }
0x363: {  	s8 =	sadd.s32 $0x600, s31;
	v36 =	vadd.f32 v16, v55;
	v32 =	vsub.f32 v55, v16;
	v16 =	vsel vm0, $0x3F800000, v0  }
0x364: {  	s9 =	simm.s32 $0x6;
	[tilespmem:s7+$0xC880] =	vst v5;
	s11 =	sshra.s32 s8, $0x2;
	vm0 =	vlt.f32 v37, $0.0e+00;
	v42 =	vadd.f32 v54, v10;
	v20 =	vadd.f32 v7, v25;
	v7 =	vld [tilespmem:s1+$0xC700]  }
0x365: {  	s2 =	sadd.s32 $0x600, s2;
	s0 =	sor.u32 $0x50, s6;
	s10 =	sadd.s32 $0x300, s10;
	v47 =	vmul.f32 v16, v33;
	[tilespmem:s11+$0xC800] =	vst v16;
	vm1 =	vlt.f32 v32, $0.0e+00;
	v31 =	vadd.f32 v61, v30  }
.LBB2_47:
0x366: {  	v48 =	vld [tilespmem:s10+$0xFFFFFE80];
	s9 =	sadd.s32 $0x3, s9;
	v49 =	vsel vm1, $0x3F800000, v0;
	v50 =	vadd.f32 v9, v23;
	v51 =	vmul.f32 v20, v14  }
0x367: {  	v27 =	vadd.f32 v39, v27;
	v52 =	vld [tilespmem:s10+$0x0];
	p4 =	slt.u32 s9, $0x60;
	v53 =	vmul.f32 v49, v36;
	[tilespmem:s11+$0xC780] =	vst v49;
	v36 =	vmul.f32 v36, v1  }
0x368: {  	v33 =	vmul.f32 v33, v1;
	v56 =	vadd.f32 v21, v18;
	v20 =	vmul.f32 v20, v12;
	v18 =	vmovc v37;
	v39 =	vld [tilespmem:s10+$0x100]  }
0x369: {  	v9 =	vadd.f32 v47, v41;
	v41 =	vadd.f32 v19, v43;
	v12 =	vmovc v23;
	v21 =	vld [tilespmem:s10+$0x80];
	v37 =	vmul.f32 v50, v7  }
0x36a: {  	v19 =	vmul.f32 v42, v30;
	v23 =	vadd.f32 v26, v27;
	v50 =	vadd.f32 v53, v32;
	v43 =	vld [tilespmem:s10+$0xFFFFFF80];
	[tilespmem:s7+$0x12C80] =	vst v56;
	s7 =	smov.u32 s11  }
0x36b: {  	v8 =	vadd.f32 v8, v22;
	v22 =	vadd.f32 v38, v41;
	v26 =	vmul.f32 v42, v7;
	[tilespmem:s7+$0x12C00] =	vst v9;
	v32 =	vld [tilespmem:s1+$0x12C00]  }
0x36c: {  	v6 =	vmul.f32 v6, v14;
	v7 =	vadd.f32 v28, v7;
	s11 =	sshra.s32 s2, $0x2;
	v27 =	vadd.f32 v51, v23;
	v42 =	vld [tilespmem:s10+$0xFFFFFF00];
	[tilespmem:s7+$0x12B80] =	vst v50  }
0x36d: {  	v36 =	vadd.f32 v36, v8;
	v8 =	vmul.f32 v15, v1;
	v28 =	vmovc v49;
	v3 =	vadd.f32 v20, v22;
	v30 =	vld [tilespmem:s11+$0x12B00]  }
0x36e: {  	v49 =	vmul.f32 v31, v25;
	v47 =	vmul.f32 v7, v29;
	v38 =	vmovc v37;
	v20 =	vadd.f32 v39, v21;
	v31 =	vld [tilespmem:s1+$0xC800];
	s1 =	smov.u32 s11  }
0x36f: {  	v14 =	vmovc v10;
	v51 =	vsel vm0, $0x3F800000, v0;
	v53 =	vadd.f32 v6, v3;
	v37 =	vsub.f32 v21, v39;
	v23 =	vld [tilespmem:s1+$0x12B80]  }
0x370: {  	s8 =	sadd.s32 $0x600, s8;
	v22 =	vadd.f32 v33, v36;
	v21 =	vmul.f32 v51, v15;
	v41 =	vsub.f32 v43, v52;
	v10 =	vld [tilespmem:s1+$0xC780];
	[tilespmem:s7+$0xC880] =	vst v51  }
.Ltmp28:
0x371: {  	v39 =	vmul.f32 v7, v25;
	v6 =	vadd.f32 v56, v32;
	v29 =	vmovc v32;
	v36 =	vadd.f32 v42, v48;
	(pc) =	sbr.rel @p4 .LBB2_47-.Ltmp28, $4  }
0x372: {  	s2 =	sadd.s32 $0x600, s2;
	s11 =	sshra.s32 s8, $0x2;
	v33 =	vadd.f32 v52, v43;
	v43 =	vadd.f32 v47, v53;
	v15 =	vmovc v20;
	vm0 =	vlt.f32 v41, $0.0e+00  }
0x373: {  	v32 =	vsub.f32 v48, v42;
	v48 =	vsel vm0, $0x3F800000, v0;
	v20 =	vadd.f32 v5, v31;
	v25 =	vmovc v31;
	v5 =	vmovc v51  }
0x374: {  	v43 =	vadd.f32 v49, v43;
	v47 =	vmul.f32 v48, v33;
	v31 =	vadd.f32 v50, v30;
	[tilespmem:s11+$0xC800] =	vst v48;
	v7 =	vld [tilespmem:s1+$0xC700]  }
0x375: {  	s10 =	sadd.s32 $0x300, s10;
	vm0 =	vlt.f32 v37, $0.0e+00;
	vm1 =	vlt.f32 v32, $0.0e+00;
	v42 =	vadd.f32 v16, v10;
	v16 =	vmovc v48  }
0x376: {  	v48 =	vsel vm1, $0x3F800000, v0  }
0x377: {  	v21 =	vadd.f32 v21, v18;
	v56 =	vsel vm0, $0x3F800000, v0;
	v49 =	vmul.f32 v48, v36;
	[tilespmem:s11+$0xC780] =	vst v48  }
0x378: {  	v41 =	vadd.f32 v47, v41;
	v18 =	vmul.f32 v56, v15;
	[tilespmem:s11+$0xC880] =	vst v56  }
0x379: {  	[tilespmem:s7+$0x12C80] =	vst v21;
	v32 =	vadd.f32 v49, v32  }
0x37a: {  	[tilespmem:s11+$0x12C00] =	vst v41;
	v37 =	vadd.f32 v18, v37  }
0x37b: {  	[tilespmem:s11+$0x12B80] =	vst v32  }
0x37c: {  	[tilespmem:s11+$0x12C80] =	vst v37  }
0x37d: {  	v18 =	vadd.f32 v19, v43;
	v19 =	vld [tilespmem:s12+$0x6350]  }
0x37e: {  	v57 =	vld [tilespmem:s12+$0x63D0]  }
0x37f: {  	v12 =	vmul.f32 v20, v12;
	v18 =	vadd.f32 v38, v18;
	_ =	sdelay $0x1  }
0x380: {  	v6 =	vmul.f32 v6, v14;
	v28 =	vadd.f32 v28, v7;
	v12 =	vadd.f32 v12, v18;
	_ =	sdelay $0x1  }
0x381: {  	v18 =	vmul.f32 v28, v29;
	v6 =	vadd.f32 v6, v12;
	v12 =	vsub.f32 v19, v57  }
0x382: {  	v14 =	vmul.f32 v20, v14;
	v58 =	vld [tilespmem:s1+$0x12C00]  }
0x383: {  	s2 =	sshra.s32 s2, $0x2;
	v29 =	vld [tilespmem:s1+$0xC800];
	v6 =	vadd.f32 v18, v6;
	v18 =	vadd.f32 v57, v19;
	vm0 =	vlt.f32 v12, $0.0e+00  }
0x384: {  	v20 =	vadd.f32 v39, v27;
	v27 =	vmul.f32 v31, v25;
	v52 =	vld [tilespmem:s2+$0x12B80];
	v61 =	vsel vm0, $0x3F800000, v0  }
0x385: {  	v9 =	vadd.f32 v9, v23;
	v53 =	vld [tilespmem:s2+$0xC780];
	v43 =	vmul.f32 v61, v18  }
0x386: {  	v8 =	vadd.f32 v8, v22;
	v30 =	vmul.f32 v42, v30;
	v59 =	vld [tilespmem:s2+$0x12B00];
	v6 =	vadd.f32 v27, v6  }
0x387: {  	v20 =	vadd.f32 v26, v20;
	v26 =	vld [tilespmem:s2+$0xC700];
	v19 =	vmul.f32 v36, v1;
	v62 =	vadd.f32 v43, v12  }
0x388: {  	v9 =	vmul.f32 v9, v7;
	v31 =	vld [tilespmem:s2+$0x12C00];
	v5 =	vadd.f32 v5, v29;
	v6 =	vadd.f32 v30, v6  }
0x389: {  	v27 =	vld [tilespmem:s2+$0xC800];
	v8 =	vadd.f32 v19, v8;
	v12 =	vadd.f32 v14, v20;
	[tilespmem:s3+$0x15DD0] =	vst v62  }
0x38a: {  	v19 =	vmul.f32 v5, v23;
	[tilespmem:s3+$0xF9D0] =	vst v61;
	v14 =	vadd.f32 v21, v58;
	v6 =	vadd.f32 v9, v6;
	v3 =	vld [tilespmem:s0+$0xC800]  }
0x38b: {  	v9 =	vmul.f32 v28, v25;
	v21 =	vld [tilespmem:s26+$0xFFFFFE80]  }
0x38c: {  	v14 =	vmul.f32 v14, v10;
	v6 =	vadd.f32 v19, v6;
	v19 =	vld [tilespmem:s26+$0x0]  }
0x38d: {  	v9 =	vadd.f32 v9, v12;
	v12 =	vld [tilespmem:s26+$0xFFFFFF00]  }
0x38e: {  	v22 =	vadd.f32 v48, v26;
	v6 =	vadd.f32 v14, v6;
	v14 =	vld [tilespmem:s26+$0xFFFFFF80]  }
0x38f: {  	v7 =	vmul.f32 v42, v7;
	[tilespmem:$0x1FCF0] =	vst v3;
	v3 =	vld [tilespmem:s0+$0x12C00]  }
0x390: {  	v33 =	vmul.f32 v33, v1;
	v20 =	vadd.f32 v32, v59;
	v25 =	vmul.f32 v22, v58  }
0x391: {  	v16 =	vadd.f32 v16, v53;
	v5 =	vmul.f32 v5, v10;
	v7 =	vadd.f32 v7, v9  }
0x392: {  	v23 =	vadd.f32 v41, v52;
	v20 =	vmul.f32 v20, v29;
	v6 =	vadd.f32 v25, v6  }
0x393: {  	v8 =	vadd.f32 v33, v8;
	v5 =	vadd.f32 v5, v7;
	v7 =	vmul.f32 v22, v29;
	v29 =	vld [tilespmem:s6+$0xC860]  }
0x394: {  	v23 =	vmul.f32 v23, v26;
	v9 =	vmul.f32 v16, v59;
	v6 =	vadd.f32 v20, v6;
	v20 =	vld [tilespmem:s6+$0x12C60];
	[tilespmem:$0x1FD00] =	vst v3  }
0x395: {  	v16 =	vmul.f32 v16, v26;
	v22 =	vadd.f32 v56, v27;
	v25 =	vsub.f32 v21, v12;
	v26 =	vld [tilespmem:s26+$0x100]  }
0x396: {  	s28 =	sadd.s32 $0x300, s26;
	v15 =	vmul.f32 v15, v1;
	v5 =	vadd.f32 v7, v5;
	v6 =	vadd.f32 v9, v6;
	v9 =	vld [tilespmem:s26+$0x80]  }
0x397: {  	v7 =	vmul.f32 v22, v52;
	v21 =	vadd.f32 v12, v21;
	v28 =	vsub.f32 v14, v19;
	v54 =	vld [tilespmem:s28+$0x0]  }
0x398: {  	v19 =	vadd.f32 v19, v14;
	vm0 =	vlt.f32 v25, $0.0e+00;
	v6 =	vadd.f32 v23, v6;
	v55 =	vld [tilespmem:s28+$0x100]  }
0x399: {  	v14 =	vadd.f32 v37, v31;
	vm1 =	vlt.f32 v28, $0.0e+00;
	v30 =	vsel vm0, $0x3F800000, v0;
	v56 =	vld [tilespmem:s28+$0xFFFFFF80]  }
0x39a: {  	v23 =	vsel vm1, $0x3F800000, v0;
	v12 =	vmul.f32 v30, v21;
	v6 =	vadd.f32 v7, v6;
	v7 =	vld [tilespmem:s28+$0x80]  }
0x39b: {  	v22 =	vmul.f32 v22, v53;
	v5 =	vadd.f32 v16, v5;
	v16 =	vmul.f32 v23, v19;
	v59 =	vld [tilespmem:s28+$0xFFFFFE80]  }
0x39c: {  	s10 =	sadd.s32 $0x300, s28;
	v57 =	vadd.f32 v12, v25;
	v25 =	vmul.f32 v14, v53;
	v14 =	vadd.f32 v15, v8;
	v8 =	vld [tilespmem:s28+$0xFFFFFF00]  }
0x39d: {  	s29 =	sshra.s32 s18, $0x2;
	v12 =	vadd.f32 v22, v5;
	v5 =	vmul.f32 v21, v1;
	v52 =	vld [tilespmem:s10+$0x0]  }
0x39e: {  	[tilespmem:s29+$0xC800] =	vst v23;
	v53 =	vld [tilespmem:s10+$0xFFFFFF80];
	v28 =	vadd.f32 v16, v28;
	v15 =	vadd.f32 v25, v6  }
0x39f: {  	s30 =	sadd.s32 $0x780, s14;
	[tilespmem:s29+$0xC780] =	vst v30;
	v5 =	vadd.f32 v5, v13;
	v58 =	vsub.f32 v9, v26  }
0x3a0: {  	s8 =	sshra.s32 s30, $0x2;
	[tilespmem:s29+$0x12B80] =	vst v57;
	v6 =	vadd.f32 v26, v9;
	v9 =	vmul.f32 v19, v1;
	v19 =	vsub.f32 v56, v54  }
0x3a1: {  	[tilespmem:s29+$0x12C00] =	vst v28;
	v21 =	vld [tilespmem:s8+$0x12B00];
	v47 =	vadd.f32 v55, v7;
	v25 =	vsub.f32 v7, v55  }
0x3a2: {  	v16 =	vld [tilespmem:s8+$0xC780];
	v26 =	vadd.f32 v54, v56;
	v60 =	vsub.f32 v59, v8  }
0x3a3: {  	v13 =	vld [tilespmem:s8+$0x12B80];
	v8 =	vadd.f32 v8, v59;
	v33 =	vadd.f32 v52, v53;
	vm0 =	vlt.f32 v58, $0.0e+00  }
0x3a4: {  	v49 =	vld [tilespmem:s10+$0x100];
	v22 =	vmul.f32 v6, v1;
	v5 =	vadd.f32 v9, v5;
	vm1 =	vlt.f32 v60, $0.0e+00  }
0x3a5: {  	v63 =	vld [tilespmem:s10+$0x80];
	v56 =	vmul.f32 v26, v1;
	v7 =	vsel vm0, $0x3F800000, v0;
	vm0 =	vlt.f32 v19, $0.0e+00  }
0x3a6: {  	v32 =	vld [tilespmem:s8+$0xC700];
	v37 =	vadd.f32 v57, v21;
	v39 =	vsel vm1, $0x3F800000, v0;
	v6 =	vmul.f32 v7, v6  }
0x3a7: {  	s31 =	sadd.s32 $0x600, s18;
	v48 =	vsel vm0, $0x3F800000, v0;
	vm0 =	vlt.f32 v25, $0.0e+00;
	v23 =	vadd.f32 v23, v16  }
0x3a8: {  	s7 =	sshra.s32 s31, $0x2;
	[tilespmem:s29+$0xC880] =	vst v7;
	v28 =	vadd.f32 v28, v13;
	v50 =	vmul.f32 v39, v8;
	v6 =	vadd.f32 v6, v58  }
0x3a9: {  	v51 =	vld [tilespmem:s10+$0xFFFFFE80];
	v8 =	vmul.f32 v8, v1;
	v5 =	vadd.f32 v22, v5;
	[tilespmem:s7+$0xC780] =	vst v39;
	v9 =	vmul.f32 v48, v26  }
0x3aa: {  	v59 =	vmul.f32 v37, v29;
	v37 =	vsub.f32 v63, v49;
	v57 =	vadd.f32 v50, v60;
	v58 =	vld [tilespmem:s10+$0xFFFFFF00];
	[tilespmem:s29+$0x12C80] =	vst v6  }
0x3ab: {  	s2 =	sadd.s32 $0x600, s30;
	[tilespmem:s7+$0xC800] =	vst v48;
	v43 =	vmul.f32 v28, v32;
	v60 =	vadd.f32 v30, v32;
	v9 =	vadd.f32 v9, v19;
	v41 =	vld [tilespmem:s8+$0x12C00]  }
0x3ac: {  	s1 =	sshra.s32 s2, $0x2;
	v38 =	vmul.f32 v23, v32;
	v28 =	vadd.f32 v49, v63;
	v50 =	vsub.f32 v53, v52;
	[tilespmem:s7+$0x12B80] =	vst v57;
	v30 =	vld [tilespmem:s8+$0xC800]  }
0x3ad: {  	v19 =	vmul.f32 v23, v21;
	v21 =	vadd.f32 v8, v5;
	v20 =	vmul.f32 v60, v20;
	[tilespmem:s7+$0x12C00] =	vst v9;
	v42 =	vld [tilespmem:s1+$0x12B00]  }
0x3ae: {  	v8 =	vmul.f32 v47, v1;
	v5 =	vsel vm0, $0x3F800000, v0;
	v49 =	vmul.f32 v60, v29;
	v26 =	vld [tilespmem:s1+$0xC780]  }
0x3af: {  	vm0 =	vlt.f32 v50, $0.0e+00;
	v22 =	vadd.f32 v56, v21;
	v63 =	vadd.f32 v20, v17;
	v23 =	vld [tilespmem:s1+$0x12B80]  }
0x3b0: {  	v21 =	vmul.f32 v5, v47;
	v29 =	vsel vm0, $0x3F800000, v0;
	v36 =	vadd.f32 v58, v51  }
0x3b1: {  	s8 =	sadd.s32 $0x600, s31;
	vm0 =	vlt.f32 v37, $0.0e+00;
	v32 =	vsub.f32 v51, v58;
	v47 =	vadd.f32 v59, v63  }
0x3b2: {  	s9 =	simm.s32 $0x6;
	[tilespmem:s7+$0xC880] =	vst v5;
	s11 =	sshra.s32 s8, $0x2;
	v52 =	vmul.f32 v29, v33;
	v6 =	vadd.f32 v6, v41;
	v20 =	vadd.f32 v7, v30;
	v7 =	vld [tilespmem:s1+$0xC700]  }
0x3b3: {  	s2 =	sadd.s32 $0x600, s2;
	s0 =	sor.u32 $0x60, s6;
	s10 =	sadd.s32 $0x300, s10;
	[tilespmem:s11+$0xC800] =	vst v29;
	vm1 =	vlt.f32 v32, $0.0e+00;
	v17 =	vadd.f32 v57, v42;
	v51 =	vadd.f32 v48, v26  }
.LBB2_49:
0x3b4: {  	v48 =	vld [tilespmem:s10+$0xFFFFFE80];
	s9 =	sadd.s32 $0x3, s9;
	v53 =	vsel vm1, $0x3F800000, v0;
	v56 =	vadd.f32 v9, v23;
	v57 =	vmul.f32 v20, v16  }
0x3b5: {  	v11 =	vadd.f32 v49, v11;
	v58 =	vld [tilespmem:s10+$0x0];
	p4 =	slt.u32 s9, $0x60;
	v59 =	vmul.f32 v53, v36;
	[tilespmem:s11+$0xC780] =	vst v53;
	v36 =	vmul.f32 v36, v1  }
0x3b6: {  	v33 =	vmul.f32 v33, v1;
	v60 =	vadd.f32 v21, v25;
	v20 =	vmul.f32 v20, v13;
	v25 =	vmovc v37;
	v49 =	vld [tilespmem:s10+$0x100]  }
0x3b7: {  	v9 =	vadd.f32 v52, v50;
	v47 =	vadd.f32 v19, v47;
	v13 =	vmovc v23;
	v21 =	vld [tilespmem:s10+$0x80];
	v37 =	vmul.f32 v56, v7  }
0x3b8: {  	v19 =	vmul.f32 v51, v42;
	v11 =	vadd.f32 v38, v11;
	v56 =	vadd.f32 v59, v32;
	v52 =	vld [tilespmem:s10+$0xFFFFFF80];
	[tilespmem:s7+$0x12C80] =	vst v60;
	s7 =	smov.u32 s11  }
0x3b9: {  	v8 =	vadd.f32 v8, v22;
	v22 =	vadd.f32 v43, v47;
	v38 =	vmul.f32 v51, v7;
	[tilespmem:s7+$0x12C00] =	vst v9;
	v32 =	vld [tilespmem:s1+$0x12C00]  }
0x3ba: {  	v6 =	vmul.f32 v6, v16;
	v7 =	vadd.f32 v39, v7;
	s11 =	sshra.s32 s2, $0x2;
	v11 =	vadd.f32 v57, v11;
	v47 =	vld [tilespmem:s10+$0xFFFFFF00];
	[tilespmem:s7+$0x12B80] =	vst v56  }
0x3bb: {  	v36 =	vadd.f32 v36, v8;
	v8 =	vmul.f32 v28, v1;
	v39 =	vmovc v53;
	v3 =	vadd.f32 v20, v22;
	v42 =	vld [tilespmem:s11+$0x12B00]  }
0x3bc: {  	v53 =	vmul.f32 v17, v30;
	v51 =	vmul.f32 v7, v41;
	v43 =	vmovc v37;
	v20 =	vadd.f32 v49, v21;
	v17 =	vld [tilespmem:s1+$0xC800];
	s1 =	smov.u32 s11  }
0x3bd: {  	v16 =	vmovc v26;
	v57 =	vsel vm0, $0x3F800000, v0;
	v59 =	vadd.f32 v6, v3;
	v37 =	vsub.f32 v21, v49;
	v23 =	vld [tilespmem:s1+$0x12B80]  }
0x3be: {  	s8 =	sadd.s32 $0x600, s8;
	v22 =	vadd.f32 v33, v36;
	v21 =	vmul.f32 v57, v28;
	v50 =	vsub.f32 v52, v58;
	v26 =	vld [tilespmem:s1+$0xC780];
	[tilespmem:s7+$0xC880] =	vst v57  }
.Ltmp29:
0x3bf: {  	v49 =	vmul.f32 v7, v30;
	v6 =	vadd.f32 v60, v32;
	v41 =	vmovc v32;
	v36 =	vadd.f32 v47, v48;
	(pc) =	sbr.rel @p4 .LBB2_49-.Ltmp29, $4  }
0x3c0: {  	s2 =	sadd.s32 $0x600, s2;
	s11 =	sshra.s32 s8, $0x2;
	v51 =	vadd.f32 v51, v59;
	v33 =	vadd.f32 v58, v52;
	v28 =	vmovc v20;
	vm0 =	vlt.f32 v50, $0.0e+00  }
0x3c1: {  	v32 =	vsub.f32 v48, v47;
	v48 =	vsel vm0, $0x3F800000, v0;
	v20 =	vadd.f32 v5, v17;
	v30 =	vmovc v17;
	v5 =	vmovc v57  }
0x3c2: {  	v47 =	vadd.f32 v53, v51;
	v52 =	vmul.f32 v48, v33;
	v17 =	vadd.f32 v56, v42;
	[tilespmem:s11+$0xC800] =	vst v48;
	v7 =	vld [tilespmem:s1+$0xC700]  }
0x3c3: {  	s10 =	sadd.s32 $0x300, s10;
	vm0 =	vlt.f32 v37, $0.0e+00;
	vm1 =	vlt.f32 v32, $0.0e+00;
	v51 =	vadd.f32 v29, v26;
	v29 =	vmovc v48  }
0x3c4: {  	v48 =	vsel vm1, $0x3F800000, v0;
	v21 =	vadd.f32 v21, v25  }
0x3c5: {  	v50 =	vadd.f32 v52, v50;
	v52 =	vsel vm0, $0x3F800000, v0;
	v53 =	vmul.f32 v48, v36;
	[tilespmem:s11+$0xC780] =	vst v48  }
0x3c6: {  	v25 =	vmul.f32 v52, v28;
	[tilespmem:s11+$0xC880] =	vst v52  }
0x3c7: {  	[tilespmem:s7+$0x12C80] =	vst v21;
	v32 =	vadd.f32 v53, v32  }
0x3c8: {  	v19 =	vadd.f32 v19, v47;
	[tilespmem:s11+$0x12C00] =	vst v50;
	v37 =	vadd.f32 v25, v37  }
0x3c9: {  	[tilespmem:s11+$0x12B80] =	vst v32  }
0x3ca: {  	v13 =	vmul.f32 v20, v13;
	v19 =	vadd.f32 v43, v19;
	[tilespmem:s11+$0x12C80] =	vst v37  }
0x3cb: {  	v25 =	vld [tilespmem:s12+$0x6360]  }
0x3cc: {  	v6 =	vmul.f32 v6, v16;
	v39 =	vadd.f32 v39, v7;
	v13 =	vadd.f32 v13, v19;
	v35 =	vld [tilespmem:s12+$0x63E0];
	_ =	sdelay $0x1  }
0x3cd: {  	v41 =	vmul.f32 v39, v41;
	v6 =	vadd.f32 v6, v13;
	_ =	sdelay $0x1  }
0x3ce: {  	v17 =	vmul.f32 v17, v30;
	v43 =	vld [tilespmem:s1+$0xC800];
	v6 =	vadd.f32 v41, v6  }
0x3cf: {  	v9 =	vadd.f32 v9, v23;
	v20 =	vmul.f32 v20, v16;
	v19 =	vld [tilespmem:s1+$0x12C00];
	v60 =	vsub.f32 v25, v35  }
0x3d0: {  	s2 =	sshra.s32 s2, $0x2;
	v16 =	vadd.f32 v49, v11;
	v63 =	vmul.f32 v36, v1;
	v6 =	vadd.f32 v17, v6  }
0x3d1: {  	v56 =	vld [tilespmem:s2+$0x12B80];
	v11 =	vadd.f32 v35, v25;
	v25 =	vmul.f32 v51, v42;
	vm0 =	vlt.f32 v60, $0.0e+00  }
0x3d2: {  	v8 =	vadd.f32 v8, v22;
	v9 =	vmul.f32 v9, v7;
	v58 =	vld [tilespmem:s2+$0xC700];
	v13 =	vsel vm0, $0x3F800000, v0  }
0x3d3: {  	v54 =	vld [tilespmem:s2+$0xC780];
	v5 =	vadd.f32 v5, v43;
	v6 =	vadd.f32 v25, v6;
	v47 =	vmul.f32 v13, v11  }
0x3d4: {  	v33 =	vmul.f32 v33, v1;
	v38 =	vadd.f32 v38, v16;
	v49 =	vld [tilespmem:s2+$0x12B00];
	v21 =	vadd.f32 v21, v19  }
0x3d5: {  	v16 =	vld [tilespmem:s2+$0x12C00];
	v22 =	vmul.f32 v5, v23;
	v6 =	vadd.f32 v9, v6;
	v25 =	vadd.f32 v47, v60  }
0x3d6: {  	v8 =	vadd.f32 v63, v8;
	v20 =	vadd.f32 v20, v38;
	v17 =	vld [tilespmem:s2+$0xC800];
	[tilespmem:s3+$0xF9E0] =	vst v13;
	v9 =	vmul.f32 v39, v30  }
0x3d7: {  	v59 =	vadd.f32 v48, v58;
	v21 =	vmul.f32 v21, v26;
	v6 =	vadd.f32 v22, v6;
	[tilespmem:s3+$0x15DE0] =	vst v25  }
0x3d8: {  	v7 =	vmul.f32 v51, v7;
	v8 =	vadd.f32 v33, v8;
	v9 =	vadd.f32 v9, v20;
	v30 =	vld [tilespmem:s15+$0xFFFFFE80]  }
0x3d9: {  	v23 =	vadd.f32 v32, v49;
	v19 =	vmul.f32 v59, v19;
	v6 =	vadd.f32 v21, v6;
	v22 =	vld [tilespmem:s15+$0x0]  }
0x3da: {  	v29 =	vadd.f32 v29, v54;
	v5 =	vmul.f32 v5, v26;
	v7 =	vadd.f32 v7, v9;
	v20 =	vld [tilespmem:s15+$0xFFFFFF00]  }
0x3db: {  	v23 =	vmul.f32 v23, v43;
	v60 =	vmul.f32 v28, v1;
	v21 =	vld [tilespmem:s15+$0xFFFFFF80];
	v6 =	vadd.f32 v19, v6  }
0x3dc: {  	v28 =	vadd.f32 v50, v56;
	v5 =	vadd.f32 v5, v7;
	v7 =	vmul.f32 v59, v43  }
0x3dd: {  	v37 =	vadd.f32 v37, v16;
	v26 =	vld [tilespmem:s0+$0x12C00];
	v9 =	vmul.f32 v29, v49;
	v6 =	vadd.f32 v23, v6  }
0x3de: {  	v63 =	vmul.f32 v28, v58;
	v42 =	vld [tilespmem:s15+$0x100];
	v19 =	vadd.f32 v52, v17;
	v5 =	vadd.f32 v7, v5  }
0x3df: {  	s28 =	sadd.s32 $0x300, s15;
	v29 =	vmul.f32 v29, v58;
	v23 =	vsub.f32 v30, v20;
	v6 =	vadd.f32 v9, v6;
	v9 =	vld [tilespmem:s15+$0x80]  }
0x3e0: {  	v57 =	vld [tilespmem:s28+$0x100];
	v7 =	vmul.f32 v19, v56;
	v19 =	vmul.f32 v19, v54;
	v55 =	vsub.f32 v21, v22  }
0x3e1: {  	v58 =	vld [tilespmem:s28+$0xFFFFFF80];
	v20 =	vadd.f32 v20, v30;
	v21 =	vadd.f32 v22, v21;
	vm0 =	vlt.f32 v23, $0.0e+00  }
0x3e2: {  	v59 =	vld [tilespmem:s28+$0xFFFFFE80];
	vm1 =	vlt.f32 v55, $0.0e+00;
	v6 =	vadd.f32 v63, v6;
	v22 =	vsel vm0, $0x3F800000, v0  }
0x3e3: {  	v56 =	vld [tilespmem:s28+$0x0];
	v5 =	vadd.f32 v29, v5;
	v36 =	vsel vm1, $0x3F800000, v0;
	v30 =	vmul.f32 v22, v20  }
0x3e4: {  	v29 =	vmul.f32 v36, v21;
	v6 =	vadd.f32 v7, v6;
	v7 =	vld [tilespmem:s28+$0x80];
	v50 =	vsub.f32 v9, v42  }
0x3e5: {  	v37 =	vmul.f32 v37, v54;
	v23 =	vadd.f32 v30, v23;
	v30 =	vadd.f32 v60, v8;
	v8 =	vld [tilespmem:s28+$0xFFFFFF00]  }
0x3e6: {  	v28 =	vld [tilespmem:s0+$0xC800];
	v63 =	vadd.f32 v29, v55;
	v29 =	vadd.f32 v19, v5;
	v5 =	vmul.f32 v20, v1  }
0x3e7: {  	s29 =	sshra.s32 s17, $0x2;
	v32 =	vld [tilespmem:s6+$0xC870];
	v38 =	vadd.f32 v37, v6;
	v6 =	vadd.f32 v42, v9;
	v19 =	vmul.f32 v21, v1  }
0x3e8: {  	s30 =	sadd.s32 $0x7C0, s14;
	s10 =	sadd.s32 $0x300, s28;
	v43 =	vld [tilespmem:s6+$0x12C70];
	[tilespmem:s29+$0xC800] =	vst v36;
	v20 =	vsub.f32 v58, v56;
	vm0 =	vlt.f32 v50, $0.0e+00;
	v5 =	vadd.f32 v5, v4  }
0x3e9: {  	s8 =	sshra.s32 s30, $0x2;
	v3 =	vld [tilespmem:s10+$0xFFFFFF80];
	[tilespmem:s29+$0x12C00] =	vst v63;
	v21 =	vmul.f32 v6, v1;
	v48 =	vsel vm0, $0x3F800000, v0;
	v33 =	vadd.f32 v57, v7  }
0x3ea: {  	[tilespmem:s29+$0xC780] =	vst v22;
	vm0 =	vlt.f32 v20, $0.0e+00;
	v42 =	vld [tilespmem:s8+$0x12B80];
	v41 =	vsub.f32 v7, v57;
	v60 =	vsub.f32 v59, v8  }
0x3eb: {  	[tilespmem:s29+$0x12B80] =	vst v23;
	v4 =	vld [tilespmem:s8+$0xC780];
	v7 =	vadd.f32 v56, v58;
	v6 =	vmul.f32 v48, v6;
	v34 =	vsel vm0, $0x3F800000, v0  }
0x3ec: {  	s31 =	sadd.s32 $0x600, s17;
	v37 =	vld [tilespmem:s8+$0xC700];
	v5 =	vadd.f32 v19, v5;
	v8 =	vadd.f32 v8, v59;
	vm1 =	vlt.f32 v60, $0.0e+00  }
0x3ed: {  	s1 =	sshra.s32 s31, $0x2;
	v56 =	vld [tilespmem:s10+$0x0];
	[tilespmem:s29+$0xC880] =	vst v48;
	v19 =	vmul.f32 v34, v7;
	v59 =	vadd.f32 v6, v50;
	v49 =	vsel vm1, $0x3F800000, v0  }
0x3ee: {  	v47 =	vld [tilespmem:s10+$0xFFFFFE80];
	[tilespmem:s1+$0xC800] =	vst v34;
	v5 =	vadd.f32 v21, v5;
	v51 =	vmul.f32 v49, v8  }
0x3ef: {  	v9 =	vld [tilespmem:s8+$0x12B00];
	[tilespmem:s29+$0x12C80] =	vst v59;
	v19 =	vadd.f32 v19, v20;
	v6 =	vadd.f32 v63, v42;
	v63 =	vmul.f32 v8, v1  }
0x3f0: {  	v58 =	vld [tilespmem:s10+$0x100];
	v36 =	vadd.f32 v36, v4;
	[tilespmem:s1+$0xC780] =	vst v49;
	v20 =	vadd.f32 v51, v60  }
0x3f1: {  	v50 =	vld [tilespmem:s10+$0x80];
	v7 =	vmul.f32 v7, v1;
	v35 =	vadd.f32 v22, v37;
	[tilespmem:s1+$0x12C00] =	vst v19;
	v22 =	vadd.f32 v63, v5  }
0x3f2: {  	v21 =	vld [tilespmem:s10+$0xFFFFFF00];
	v6 =	vmul.f32 v6, v37;
	v8 =	vmul.f32 v36, v37;
	v37 =	vsub.f32 v3, v56;
	[tilespmem:s1+$0x12B80] =	vst v20  }
0x3f3: {  	v22 =	vadd.f32 v7, v22;
	v7 =	vadd.f32 v56, v3;
	v3 =	vld [tilespmem:$0x1FFF0]  }
0x3f4: {  	s2 =	sadd.s32 $0x600, s30;
	v57 =	vadd.f32 v23, v9;
	v23 =	vld [tilespmem:s8+$0x12C00]  }
0x3f5: {  	s7 =	sshra.s32 s2, $0x2;
	vm0 =	vlt.f32 v41, $0.0e+00;
	v51 =	vmul.f32 v36, v9;
	v9 =	vld [tilespmem:s8+$0xC800]  }
0x3f6: {  	v5 =	vmul.f32 v33, v1;
	v39 =	vadd.f32 v58, v50;
	v36 =	vmul.f32 v35, v43;
	v53 =	vld [tilespmem:s7+$0x12B00]  }
0x3f7: {  	v63 =	vmul.f32 v57, v32;
	v52 =	vsub.f32 v50, v58;
	v50 =	vsel vm0, $0x3F800000, v0;
	v43 =	vld [tilespmem:s7+$0xC780]  }
0x3f8: {  	v58 =	vmul.f32 v35, v32;
	v32 =	vsub.f32 v47, v21;
	v55 =	vadd.f32 v36, v3;
	v36 =	vld [tilespmem:s7+$0x12B80]  }
0x3f9: {  	v60 =	vmul.f32 v50, v33;
	v33 =	vadd.f32 v21, v47;
	vm0 =	vlt.f32 v37, $0.0e+00  }
0x3fa: {  	s8 =	sadd.s32 $0x600, s31;
	v57 =	vadd.f32 v59, v23;
	vm1 =	vlt.f32 v32, $0.0e+00;
	v21 =	vadd.f32 v48, v9  }
0x3fb: {  	s0 =	sor.u32 $0x70, s6;
	s6 =	sshra.s32 s8, $0x2;
	[tilespmem:s1+$0xC880] =	vst v50;
	v56 =	vld [tilespmem:s7+$0xC700];
	v3 =	vsel vm0, $0x3F800000, v0;
	v59 =	vadd.f32 v20, v53;
	vm0 =	vlt.f32 v52, $0.0e+00  }
0x3fc: {  	s9 =	simm.s32 $0x6;
	s2 =	sadd.s32 $0x600, s2;
	s10 =	sadd.s32 $0x300, s10;
	v20 =	vadd.f32 v34, v43;
	v47 =	vmul.f32 v3, v7;
	[tilespmem:s6+$0xC800] =	vst v3;
	v48 =	vadd.f32 v63, v55  }
.LBB2_51:
0x3fd: {  	v34 =	vld [tilespmem:s10+$0xFFFFFE80];
	s9 =	sadd.s32 $0x3, s9;
	v35 =	vsel vm1, $0x3F800000, v0;
	v63 =	vadd.f32 v19, v36;
	v24 =	vmul.f32 v21, v4  }
0x3fe: {  	v2 =	vadd.f32 v58, v2;
	v10 =	vld [tilespmem:s10+$0x0];
	p4 =	slt.u32 s9, $0x60;
	v54 =	vmul.f32 v35, v33;
	[tilespmem:s6+$0xC780] =	vst v35;
	v33 =	vmul.f32 v33, v1  }
0x3ff: {  	v7 =	vmul.f32 v7, v1;
	v55 =	vadd.f32 v60, v41;
	v21 =	vmul.f32 v21, v42;
	v41 =	vmovc v52;
	v58 =	vld [tilespmem:s10+$0x100]  }
0x400: {  	v19 =	vadd.f32 v47, v37;
	v47 =	vadd.f32 v51, v48;
	v42 =	vmovc v36;
	v52 =	vld [tilespmem:s10+$0x80];
	v37 =	vmul.f32 v63, v56  }
0x401: {  	v51 =	vmul.f32 v20, v53;
	v2 =	vadd.f32 v8, v2;
	v54 =	vadd.f32 v54, v32;
	v48 =	vld [tilespmem:s10+$0xFFFFFF80];
	[tilespmem:s1+$0x12C80] =	vst v55;
	s1 =	smov.u32 s6  }
0x402: {  	v5 =	vadd.f32 v5, v22;
	v36 =	vadd.f32 v6, v47;
	v8 =	vmul.f32 v20, v56;
	[tilespmem:s1+$0x12C00] =	vst v19;
	v20 =	vld [tilespmem:s7+$0x12C00]  }
0x403: {  	v57 =	vmul.f32 v57, v4;
	v47 =	vadd.f32 v49, v56;
	s6 =	sshra.s32 s2, $0x2;
	v2 =	vadd.f32 v24, v2;
	v32 =	vld [tilespmem:s10+$0xFFFFFF00];
	[tilespmem:s1+$0x12B80] =	vst v54  }
0x404: {  	v22 =	vadd.f32 v33, v5;
	v5 =	vmul.f32 v39, v1;
	v49 =	vmovc v35;
	v21 =	vadd.f32 v21, v36;
	v53 =	vld [tilespmem:s6+$0x12B00]  }
0x405: {  	v63 =	vmul.f32 v59, v9;
	v35 =	vmul.f32 v47, v23;
	v6 =	vmovc v37;
	v24 =	vadd.f32 v58, v52;
	v56 =	vld [tilespmem:s7+$0xC800];
	s7 =	smov.u32 s6  }
0x406: {  	v4 =	vmovc v43;
	v59 =	vsel vm0, $0x3F800000, v0;
	v21 =	vadd.f32 v57, v21;
	v52 =	vsub.f32 v52, v58;
	v36 =	vld [tilespmem:s7+$0x12B80]  }
0x407: {  	s8 =	sadd.s32 $0x600, s8;
	v60 =	vmul.f32 v59, v39;
	v22 =	vadd.f32 v7, v22;
	v37 =	vsub.f32 v48, v10;
	v43 =	vld [tilespmem:s7+$0xC780];
	[tilespmem:s1+$0xC880] =	vst v59  }
.Ltmp30:
0x408: {  	v58 =	vmul.f32 v47, v9;
	v57 =	vadd.f32 v55, v20;
	v23 =	vmovc v20;
	v33 =	vadd.f32 v32, v34;
	(pc) =	sbr.rel @p4 .LBB2_51-.Ltmp30, $4  }
0x409: {  	s2 =	sadd.s32 $0x600, s2;
	s6 =	sshra.s32 s8, $0x2;
	v7 =	vadd.f32 v10, v48;
	v10 =	vadd.f32 v35, v21;
	v39 =	vmovc v24;
	vm0 =	vlt.f32 v37, $0.0e+00  }
0x40a: {  	v32 =	vsub.f32 v34, v32;
	v24 =	vsel vm0, $0x3F800000, v0;
	v21 =	vadd.f32 v50, v56;
	v9 =	vmovc v56;
	v50 =	vmovc v59  }
0x40b: {  	v48 =	vadd.f32 v63, v10;
	v47 =	vmul.f32 v24, v7;
	v59 =	vadd.f32 v54, v53;
	[tilespmem:s6+$0xC800] =	vst v24;
	v56 =	vld [tilespmem:s7+$0xC700]  }
0x40c: {  	s10 =	sadd.s32 $0x300, s10;
	vm0 =	vlt.f32 v52, $0.0e+00;
	vm1 =	vlt.f32 v32, $0.0e+00;
	v20 =	vadd.f32 v3, v43;
	v3 =	vmovc v24  }
0x40d: {  	v10 =	vadd.f32 v51, v48;
	_ =	sdelay $0x1  }
0x40e: {  	v6 =	vadd.f32 v6, v10;
	v10 =	vmul.f32 v21, v42;
	_ =	sdelay $0x1  }
0x40f: {  	v24 =	vmul.f32 v57, v4;
	v6 =	vadd.f32 v10, v6;
	v10 =	vadd.f32 v49, v56  }
0x410: {  	v34 =	vadd.f32 v60, v41  }
0x411: {  	v6 =	vadd.f32 v24, v6;
	v23 =	vmul.f32 v10, v23;
	v24 =	vsel vm1, $0x3F800000, v0  }
0x412: {  	[tilespmem:s1+$0x12C80] =	vst v34;
	v35 =	vmul.f32 v24, v33  }
0x413: {  	v55 =	vld [tilespmem:s7+$0xC800];
	v6 =	vadd.f32 v23, v6;
	v23 =	vmul.f32 v59, v9  }
0x414: {  	v32 =	vadd.f32 v35, v32  }
0x415: {  	v19 =	vadd.f32 v19, v36;
	v57 =	vld [tilespmem:s7+$0x12C00];
	[tilespmem:s6+$0xC780] =	vst v24;
	v6 =	vadd.f32 v23, v6;
	v23 =	vmul.f32 v20, v53  }
0x416: {  	s31 =	sshra.s32 s2, $0x2;
	[tilespmem:s6+$0x12B80] =	vst v32  }
0x417: {  	v2 =	vadd.f32 v58, v2;
	v19 =	vmul.f32 v19, v56;
	v6 =	vadd.f32 v23, v6;
	v23 =	vld [tilespmem:s31+$0xC700]  }
0x418: {  	v37 =	vadd.f32 v47, v37;
	v59 =	vadd.f32 v50, v55  }
0x419: {  	v4 =	vmul.f32 v21, v4;
	v2 =	vadd.f32 v8, v2;
	v6 =	vadd.f32 v19, v6;
	v19 =	vld [tilespmem:s31+$0x12B00]  }
0x41a: {  	v63 =	vsel vm0, $0x3F800000, v0;
	[tilespmem:s6+$0x12C00] =	vst v37;
	v34 =	vadd.f32 v34, v57;
	v60 =	vmul.f32 v59, v36  }
0x41b: {  	v21 =	vmul.f32 v63, v39;
	v8 =	vld [tilespmem:s31+$0xC780];
	v2 =	vadd.f32 v4, v2;
	v4 =	vmul.f32 v10, v9  }
0x41c: {  	v34 =	vmul.f32 v34, v43;
	v6 =	vadd.f32 v60, v6;
	v24 =	vadd.f32 v24, v23  }
0x41d: {  	v10 =	vld [tilespmem:s31+$0x12B80];
	v9 =	vadd.f32 v21, v52;
	v2 =	vadd.f32 v4, v2;
	v20 =	vmul.f32 v20, v56  }
0x41e: {  	[tilespmem:s6+$0xC880] =	vst v63;
	v6 =	vadd.f32 v34, v6;
	v21 =	vadd.f32 v32, v19;
	v36 =	vmul.f32 v24, v57  }
0x41f: {  	v5 =	vadd.f32 v5, v22;
	[tilespmem:s6+$0x12C80] =	vst v9;
	v2 =	vadd.f32 v20, v2;
	v20 =	vmul.f32 v33, v1  }
0x420: {  	v3 =	vadd.f32 v3, v8;
	v22 =	vld [tilespmem:s31+$0xC800];
	v4 =	vadd.f32 v36, v6;
	v6 =	vmul.f32 v21, v55  }
0x421: {  	v7 =	vmul.f32 v7, v1;
	v5 =	vadd.f32 v20, v5;
	v21 =	vmul.f32 v59, v43  }
0x422: {  	v19 =	vmul.f32 v3, v19;
	v4 =	vadd.f32 v6, v4;
	v6 =	vadd.f32 v37, v10  }
0x423: {  	v20 =	vmul.f32 v24, v55;
	v2 =	vadd.f32 v21, v2  }
0x424: {  	v5 =	vadd.f32 v7, v5;
	v4 =	vadd.f32 v19, v4;
	v6 =	vmul.f32 v6, v23  }
0x425: {  	v7 =	vadd.f32 v63, v22;
	v3 =	vmul.f32 v3, v23;
	v2 =	vadd.f32 v20, v2  }
0x426: {  	v4 =	vadd.f32 v6, v4;
	v6 =	vmul.f32 v39, v1  }
0x427: {  	v36 =	vld [tilespmem:s31+$0x12C00];
	v10 =	vmul.f32 v7, v10;
	v7 =	vmul.f32 v7, v8;
	v2 =	vadd.f32 v3, v2  }
0x428: {  	v23 =	vadd.f32 v6, v5;
	v6 =	vld [tilespmem:$0x1FF70]  }
0x429: {  	v2 =	vadd.f32 v7, v2;
	v7 =	vld [tilespmem:$0x1FF90];
	_ =	sdelay $0x1  }
0x42a: {  	v19 =	vld [tilespmem:$0x1FF80]  }
0x42b: {  	v3 =	vld [tilespmem:$0x1FF60]  }
0x42c: {  	v9 =	vadd.f32 v9, v36  }
0x42d: {  	v6 =	vadd.f32 v6, v7;
	v7 =	vld [tilespmem:$0x1FFB0]  }
0x42e: {  	v5 =	vmul.f32 v9, v8;
	v8 =	vld [tilespmem:$0x1FFA0]  }
0x42f: {  	v9 =	vld [tilespmem:$0x1FFE0]  }
0x430: {  	v3 =	vadd.f32 v3, v19;
	_ =	sdelay $0x1  }
0x431: {  	v7 =	vmul.f32 v3, v7  }
0x432: {  	v3 =	vmul.f32 v3, v8;
	v8 =	vmul.f32 v6, v8;
	v6 =	vld [tilespmem:$0x1FEC0]  }
0x433: {  	v7 =	vadd.f32 v7, v9;
	v9 =	vld [tilespmem:$0x1FEE0]  }
0x434: {  	v4 =	vadd.f32 v10, v4;
	_ =	sdelay $0x1  }
0x435: {  	v4 =	vadd.f32 v5, v4;
	v5 =	vld [tilespmem:$0x1FF50];
	_ =	sdelay $0x1  }
0x436: {  	v9 =	vadd.f32 v6, v9;
	v6 =	vld [tilespmem:$0x1FFC0];
	_ =	sdelay $0x2  }
0x437: {  	v5 =	vmul.f32 v5, v1;
	_ =	sdelay $0x1  }
0x438: {  	v5 =	vadd.f32 v5, v6;
	v6 =	vld [tilespmem:$0x1FFD0];
	_ =	sdelay $0x4  }
0x439: {  	v6 =	vadd.f32 v3, v6;
	v3 =	vld [tilespmem:$0x1FEB0];
	_ =	sdelay $0x1  }
0x43a: {  	v19 =	vld [tilespmem:$0x1FF20];
	_ =	sdelay $0x1  }
0x43b: {  	v10 =	vld [tilespmem:$0x1FEF0]  }
0x43c: {  	v7 =	vadd.f32 v8, v7;
	v8 =	vld [tilespmem:$0x1FED0];
	v3 =	vmul.f32 v3, v1  }
0x43d: {  	v20 =	vld [tilespmem:$0x1FE40]  }
0x43e: {  	v19 =	vadd.f32 v3, v19;
	v3 =	vld [tilespmem:$0x1FE20];
	_ =	sdelay $0x2  }
0x43f: {  	v8 =	vadd.f32 v8, v10;
	v10 =	vld [tilespmem:$0x1FF10];
	_ =	sdelay $0x1  }
0x440: {  	v3 =	vadd.f32 v3, v20;
	v20 =	vld [tilespmem:$0x1FF40];
	_ =	sdelay $0x2  }
0x441: {  	v10 =	vmul.f32 v9, v10;
	_ =	sdelay $0x1  }
0x442: {  	v10 =	vadd.f32 v10, v20;
	v20 =	vld [tilespmem:$0x1FF00];
	_ =	sdelay $0x3  }
0x443: {  	v21 =	vld [tilespmem:$0x1FE50]  }
0x444: {  	v9 =	vmul.f32 v9, v20;
	v8 =	vmul.f32 v8, v20;
	v20 =	vld [tilespmem:$0x1FE30];
	_ =	sdelay $0x4  }
0x445: {  	v42 =	vadd.f32 v20, v21;
	v20 =	vld [tilespmem:$0x1FE10];
	_ =	sdelay $0x4  }
0x446: {  	v43 =	vmul.f32 v20, v1;
	v20 =	vld [tilespmem:$0x1FE70];
	_ =	sdelay $0x3  }
0x447: {  	v21 =	vadd.f32 v8, v10;
	v8 =	vld [tilespmem:$0x1FE80]  }
0x448: {  	v47 =	vmul.f32 v3, v20;
	v20 =	vld [tilespmem:$0x1FF30];
	_ =	sdelay $0x3  }
0x449: {  	v33 =	vadd.f32 v43, v8;
	v8 =	vld [tilespmem:$0x1FEA0]  }
0x44a: {  	v20 =	vadd.f32 v9, v20;
	v9 =	vld [tilespmem:$0x1FE60];
	_ =	sdelay $0x4  }
0x44b: {  	v41 =	vld [tilespmem:s12+$0x63F0];
	v8 =	vadd.f32 v47, v8;
	v3 =	vmul.f32 v3, v9;
	v9 =	vmul.f32 v42, v9  }
0x44c: {  	v10 =	vld [tilespmem:$0x1FE90]  }
0x44d: {  	v35 =	vadd.f32 v9, v8;
	v9 =	vld [tilespmem:$0x1FD90]  }
0x44e: {  	v24 =	vld [tilespmem:s12+$0x6370]  }
0x44f: {  	v51 =	vld [tilespmem:$0x1FDE0];
	_ =	sdelay $0x1  }
0x450: {  	v48 =	vld [tilespmem:$0x1FDC0]  }
0x451: {  	v34 =	vadd.f32 v3, v10;
	v8 =	vld [tilespmem:$0x1FDB0];
	v9 =	vmul.f32 v9, v1  }
0x452: {  	v3 =	vsub.f32 v24, v41;
	v10 =	vadd.f32 v41, v24;
	v24 =	vld [tilespmem:$0x1FDA0]  }
0x453: {  	v32 =	vadd.f32 v9, v51;
	v9 =	vld [tilespmem:$0x1FDD0];
	_ =	sdelay $0x1  }
0x454: {  	v54 =	vld [tilespmem:$0x1FE00]  }
0x455: {  	v53 =	vld [tilespmem:$0x1FD30];
	vm15 =	vlt.f32 v3, $0.0e+00;
	v8 =	vadd.f32 v46, v8  }
0x456: {  	v56 =	vld [tilespmem:$0x1FD10];
	v50 =	vsel vm15, $0x3F800000, v0  }
0x457: {  	v58 =	vld [tilespmem:$0x1FD80];
	v24 =	vadd.f32 v24, v48;
	v49 =	vmul.f32 v8, v45;
	v8 =	vmul.f32 v8, v9  }
0x458: {  	v57 =	vld [tilespmem:$0x1FD50];
	v9 =	vmul.f32 v50, v10  }
0x459: {  	v55 =	vld [tilespmem:$0x1FD40];
	v24 =	vmul.f32 v24, v45;
	v8 =	vadd.f32 v8, v54  }
0x45a: {  	v3 =	vadd.f32 v9, v3;
	v9 =	vld [tilespmem:$0x1FD20]  }
0x45b: {  	v45 =	vadd.f32 v24, v8;
	v8 =	vld [tilespmem:$0x1FCF0]  }
0x45c: {  	v24 =	vld [tilespmem:$0x1FD60]  }
0x45d: {  	v37 =	vadd.f32 v44, v53  }
0x45e: {  	v60 =	vld [tilespmem:$0x1FD70];
	[tilespmem:s3+$0xF9F0] =	vst v50  }
0x45f: {  	v42 =	vmul.f32 v37, v57;
	v41 =	vmul.f32 v56, v1;
	v63 =	vld [tilespmem:s0+$0x12C00];
	[tilespmem:s3+$0x15DF0] =	vst v3;
	v9 =	vadd.f32 v9, v55  }
0x460: {  	v59 =	vld [tilespmem:s0+$0xC800];
	v8 =	vadd.f32 v61, v8  }
0x461: {  	v24 =	vadd.f32 v41, v24;
	v41 =	vadd.f32 v42, v58;
	v9 =	vmul.f32 v9, v40;
	v61 =	vld [tilespmem:$0x1FD00];
	_ =	sdelay $0x1  }
0x462: {  	v44 =	vadd.f32 v9, v41;
	v9 =	vmul.f32 v18, v1  }
0x463: {  	v28 =	vadd.f32 v13, v28;
	v52 =	vld [tilespmem:$0x1FDF0];
	v37 =	vmul.f32 v37, v40;
	v3 =	vadd.f32 v3, v63  }
0x464: {  	v31 =	vmul.f32 v8, v31;
	v18 =	vadd.f32 v9, v14;
	v9 =	vadd.f32 v50, v59  }
0x465: {  	v40 =	vadd.f32 v37, v60;
	v8 =	vmul.f32 v8, v27;
	v37 =	vadd.f32 v62, v61  }
0x466: {  	v3 =	vmul.f32 v3, v22;
	v15 =	vadd.f32 v31, v15;
	v14 =	vmul.f32 v9, v36  }
0x467: {  	v31 =	vmul.f32 v37, v27;
	v27 =	vadd.f32 v8, v12;
	v8 =	vmul.f32 v11, v1  }
0x468: {  	v46 =	vadd.f32 v49, v52;
	v9 =	vmul.f32 v9, v22;
	v11 =	vmul.f32 v28, v17  }
.Ltmp31:
0x469: {  	v12 =	vadd.f32 v25, v26;
	v13 =	vadd.f32 v8, v30;
	v8 =	vmul.f32 v28, v16;
	(pc) =	sbr.rel @p3 .LBB2_36-.Ltmp31, $4  }
.Ltmp32:
0x46a: {  	v1 =	vmul.f32 v10, v1;
	v10 =	vadd.f32 v14, v4;
	v2 =	vadd.f32 v9, v2;
	(pc) =	sbr.rel @!p3 .LBB2_53-.Ltmp32, $4  }
0x46b: {  	v31 =	vadd.f32 v31, v15;
	v12 =	vmul.f32 v12, v17;
	v8 =	vadd.f32 v8, v38  }
0x46c: {  	v11 =	vadd.f32 v11, v29;
	v4 =	vadd.f32 v1, v23  }
0x46d: {  	p2 =	por !p2, !p2;
	v1 =	vadd.f32 v3, v10;
	v17 =	vadd.f32 v12, v8  }
0x46e: {  	_ = 	snop  }
.LBB2_6:
.Ltmp33:
0x46f: {  	(pc) =	sbr.rel .LBB2_10-.Ltmp33, $2  }
0x470: {  	_ =	sdelay $0x2  }
0x471: {  	s0 =	rddreg [dreg:$0x15];
	s1 =	smov.u32 s6;
	p4 =	por $0x0, $0x0  }
.LBB2_11:
.Ltmp34:
0x472: {  	(pc) =	sbr.rel .LBB2_15-.Ltmp34, $2  }
0x473: {  	_ =	sdelay $0x2  }
0x474: {  	s0 =	rddreg [dreg:$0x17];
	s1 =	smov.u32 s8  }
.LBB2_16:
.Ltmp35:
0x475: {  	(pc) =	sbr.rel .LBB2_20-.Ltmp35, $2  }
0x476: {  	_ =	sdelay $0x2  }
0x477: {  	s0 =	rddreg [dreg:$0x19];
	s1 =	smov.u32 s9;
	p4 =	por $0x0, $0x0  }
.LBB2_21:
.Ltmp36:
0x478: {  	(pc) =	sbr.rel .LBB2_25-.Ltmp36, $2  }
0x479: {  	_ =	sdelay $0x2  }
0x47a: {  	s0 =	rddreg [dreg:$0x1b];
	s1 =	smov.u32 s12  }
.LBB2_26:
.Ltmp37:
0x47b: {  	(pc) =	sbr.rel .LBB2_30-.Ltmp37, $2  }
0x47c: {  	_ =	sdelay $0x2  }
0x47d: {  	s0 =	rddreg [dreg:$0x1d];
	s1 =	smov.u32 s13  }
.LBB2_31:
.Ltmp38:
0x47e: {  	(pc) =	sbr.rel .LBB2_35-.Ltmp38, $2  }
0x47f: {  	_ =	sdelay $0x2  }
0x480: {  	s0 =	rddreg [dreg:$0x1f];
	s1 =	smov.u32 s14  }
.LBB2_8:
.Ltmp39:
0x481: {  	(pc) =	sbr.rel .LBB2_10-.Ltmp39, $2  }
0x482: {  	_ =	sdelay $0x2  }
0x483: {  	s1 =	smov.u32 s6  }
.LBB2_13:
.Ltmp40:
0x484: {  	(pc) =	sbr.rel .LBB2_15-.Ltmp40, $2  }
0x485: {  	_ =	sdelay $0x2  }
0x486: {  	s1 =	smov.u32 s8  }
.LBB2_18:
.Ltmp41:
0x487: {  	(pc) =	sbr.rel .LBB2_20-.Ltmp41, $2  }
0x488: {  	_ =	sdelay $0x2  }
0x489: {  	s1 =	smov.u32 s9  }
.LBB2_23:
.Ltmp42:
0x48a: {  	(pc) =	sbr.rel .LBB2_25-.Ltmp42, $2  }
0x48b: {  	_ =	sdelay $0x2  }
0x48c: {  	s1 =	smov.u32 s12  }
.LBB2_28:
.Ltmp43:
0x48d: {  	(pc) =	sbr.rel .LBB2_30-.Ltmp43, $2  }
0x48e: {  	_ =	sdelay $0x2  }
0x48f: {  	s1 =	smov.u32 s13  }
.LBB2_33:
.Ltmp44:
0x490: {  	(pc) =	sbr.rel .LBB2_35-.Ltmp44, $2  }
0x491: {  	_ =	sdelay $0x2  }
0x492: {  	s1 =	smov.u32 s14  }
.LBB2_54:
0x493: {  	_ =	sfence.sel $0x180000  }
0x494: {  	[bflag:$0x0] =	sbarrier.arrive $0xFFFF  }
0x495: {  	_ =	strace $0x90000047  }
0x496: {  	s0 =	stileid.u32;
	[bflag:$0x2] =	sbarrier.arrive $0xFFFF  }
0x497: {  	p0 =	sne.s32 s0, $0x0;
	s0 =	rddreg [dreg:$0x2]  }
0x498: {  	s0 =	sadd.s32 @!p0 $0x100000, s0  }
0x499: {  	[sflag:s0] =	ssyncadd.tile.s32 @!p0 $0x1;
	_ =	shalt  }
.Lfunc_end2:
_tile_overlayer_lowered:
.L_overlay_start_2:
0x49a: {  	(tag) =	ssettag $0x2  }
0x49b: {  	s0 =	rddreg [dreg:$0x0];
	s2 =	stileid.u32  }
0x49c: {  	s1 =	rddreg [dreg:$0x1];
	p0 =	sne.s32 s2, $0x0  }
0x49d: {  	s3 =	rddreg [dreg:$0x2];
	[bflag:$0x3] =	sbarrier.arrive $0xFFFF;
	s2 =	simm.s32 @!p0 $0x1C03  }
0x49e: {  	[timem:s3], [sflag:s2] =	dma.local @!p0 [hbm:s0], s1  }
0x49f: {  	s0 =	simm.s32 @!p0 $0x3  }
0x4a0: {  	_ =	swait.ge @!p0 [sflag:s0], s1  }
0x4a1: {  	s1 =	ssub.s32 @!p0 $0x0, s1;
	[sflag:s0] =	ssyncset.done @!p0 $0x0  }
0x4a2: {  	[sflag:s0] =	ssyncadd.s32 @!p0 s1  }
0x4a3: {  	[bflag:$0x3] =	sbarrier.arrive $0xFFFF  }
0x4a4: {  	_ =	shalt  }

</sc_bundles>
